<compile_context>
chip_gen: v7x
topology: tpu7x:2x2x1
jax: 0.10.2.dev20260603
libtpu: 0.0.44.dev20260713+nightly
codegen_flags: <defaults>
</compile_context>

<pallas_src>
import jax
import jax.numpy as jnp
from jax import lax
from jax.experimental import pallas as pl
from jax.experimental.pallas import tpu as pltpu
from jax.experimental.pallas import tpu_sc as plsc

N = 10000
E = 320000
D = 128
HID = 64

NC = 2
NS = 16
NW = NC * NS
EPT = E // NW
B = 80
NB = EPT // B
NBUF = 4
NIDX = 8
UNROLL = 8
RPT = 624
RLAST = N - 15 * RPT
DW = 8


def _sc_body(x_hbm, src_hbm, dst_hbm, zsum_hbm, zdeg_hbm, ones_hbm,
             sum_out, deg_out,
             srcx_v, dstx_v, rv0, rv1, rv2, rv3, ones_v, dtmp_v, d1_v,
             sum_sh, deg_sh,
             g0, g1, g2, g3, s0, s1, s2, s3, d0,
             i0, i1, i2, i3, i4, i5, i6, i7):
    c = lax.axis_index("c")
    s = lax.axis_index("s")
    w = c * NS + s
    rvs = [rv0, rv1, rv2, rv3]
    gs = [g0, g1, g2, g3]
    ss = [s0, s1, s2, s3]
    isem = [i0, i1, i2, i3, i4, i5, i6, i7]

    @pl.when(s < NS - 1)
    def _():
        pltpu.sync_copy(zsum_hbm.at[pl.ds(0, RPT)],
                        sum_sh.at[pl.ds(s * RPT, RPT)])
        pltpu.sync_copy(zdeg_hbm.at[pl.ds(0, RPT)],
                        deg_sh.at[pl.ds(s * RPT, RPT)])

    @pl.when(s == NS - 1)
    def _():
        pltpu.sync_copy(zsum_hbm, sum_sh.at[pl.ds(N - RLAST, RLAST)])
        pltpu.sync_copy(zdeg_hbm, deg_sh.at[pl.ds(N - RLAST, RLAST)])

    pltpu.sync_copy(ones_hbm, ones_v)

    def istart(j, slot):
        pltpu.async_copy(src_hbm.at[w].at[j], srcx_v.at[slot], isem[slot])
        pltpu.async_copy(dst_hbm.at[w].at[j], dstx_v.at[slot], isem[slot])

    def iwait(slot):
        pltpu.make_async_copy(src_hbm.at[w].at[0], srcx_v.at[slot],
                              isem[slot]).wait()
        pltpu.make_async_copy(dst_hbm.at[w].at[0], dstx_v.at[slot],
                              isem[slot]).wait()

    def gstart(slot, b):
        pltpu.async_copy(x_hbm.at[srcx_v.at[slot]], rvs[b], gs[b])

    def gwait(b):
        pltpu.make_async_copy(x_hbm.at[srcx_v.at[0]], rvs[b], gs[b]).wait()

    def sstart(slot, b):
        pltpu.async_copy(rvs[b], sum_sh.at[dstx_v.at[slot]], ss[b], add=True)

    def swait(b):
        pltpu.make_async_copy(rvs[b], sum_sh.at[dstx_v.at[0]], ss[b]).wait()

    def dstart(slot):
        pltpu.async_copy(ones_v, deg_sh.at[dstx_v.at[slot]], d0, add=True)

    def dwait():
        pltpu.make_async_copy(ones_v, deg_sh.at[dstx_v.at[0]], d0).wait()

    for t in range(NIDX - 1):
        istart(t, t)
    for t in range(NBUF - 1):
        iwait(t)
        gstart(t, t)
    plsc.subcore_barrier()

    def group(g, carry):
        for t in range(UNROLL):
            j = g * UNROLL + t
            b = t % NBUF
            gwait(b)
            sstart(t % NIDX, b)
            if t == 0:
                @pl.when(g > 0)
                def _():
                    swait(NBUF - 1)
                    dwait()
            else:
                swait((t - 1) % NBUF)
                dwait()
            dstart(t % NIDX)
            istart(jnp.minimum(j + NIDX - 1, NB - 1), (t + NIDX - 1) % NIDX)
            iwait((t + NBUF - 1) % NIDX)
            gstart((t + NBUF - 1) % NIDX, (b + NBUF - 1) % NBUF)
        return carry

    NG = (NB - (NBUF - 1) - 1) // UNROLL
    lax.fori_loop(0, NG, group, 0)

    for j in range(NG * UNROLL, NB):
        b = j % NBUF
        gwait(b)
        sstart(j % NIDX, b)
        swait((j - 1) % NBUF)
        dwait()
        dstart(j % NIDX)
        if j + NBUF - 1 <= NB - 1:
            iwait((j + NBUF - 1) % NIDX)
            gstart((j + NBUF - 1) % NIDX, (j + NBUF - 1) % NBUF)

    swait((NB - 1) % NBUF)
    dwait()
    for k in range((NIDX - 1) + NG * UNROLL - NB):
        iwait((NB + k) % NIDX)
    plsc.subcore_barrier()

    iota16 = lax.iota(jnp.int32, 16)
    zero16 = jnp.zeros((16,), jnp.int32)

    def decode(row0, cnt):
        done = 0
        while done < cnt:
            chunk = min(160, cnt - done)
            pltpu.sync_copy(deg_sh.at[pl.ds(row0 + done, chunk)],
                            dtmp_v.at[pl.ds(0, chunk)])
            for k in range(chunk // 16):
                v = plsc.load_gather(dtmp_v, [k * 16 + iota16, zero16])
                d1_v[pl.ds(done + k * 16, 16)] = v
            done += chunk
        pltpu.sync_copy(d1_v.at[pl.ds(0, cnt)],
                        deg_out.at[c].at[pl.ds(row0, cnt)])

    @pl.when(s < NS - 1)
    def _():
        pltpu.sync_copy(sum_sh.at[pl.ds(s * RPT, RPT)],
                        sum_out.at[c].at[pl.ds(s * RPT, RPT)])
        decode(s * RPT, RPT)

    @pl.when(s == NS - 1)
    def _():
        pltpu.sync_copy(sum_sh.at[pl.ds(N - RLAST, RLAST)],
                        sum_out.at[c].at[pl.ds(N - RLAST, RLAST)])
        decode(N - RLAST, RLAST)


def _sc_segment_sum(x, src_r, dst_r, zsum, zdeg, ones):
    mesh = plsc.VectorSubcoreMesh(core_axis_name="c", subcore_axis_name="s")
    fn = pl.kernel(
        _sc_body,
        out_type=[
            jax.ShapeDtypeStruct((NC, N, D), jnp.float32),
            jax.ShapeDtypeStruct((NC, N), jnp.float32),
        ],
        mesh=mesh,
        scratch_types=[
            pltpu.VMEM((NIDX, B), jnp.int32),
            pltpu.VMEM((NIDX, B), jnp.int32),
            pltpu.VMEM((B, D), jnp.float32),
            pltpu.VMEM((B, D), jnp.float32),
            pltpu.VMEM((B, D), jnp.float32),
            pltpu.VMEM((B, D), jnp.float32),
            pltpu.VMEM((B, DW), jnp.float32),
            pltpu.VMEM((160, DW), jnp.float32),
            pltpu.VMEM((RLAST,), jnp.float32),
            pltpu.VMEM_SHARED((N, D), jnp.float32),
            pltpu.VMEM_SHARED((N, DW), jnp.float32),
            pltpu.SemaphoreType.DMA,
            pltpu.SemaphoreType.DMA,
            pltpu.SemaphoreType.DMA,
            pltpu.SemaphoreType.DMA,
            pltpu.SemaphoreType.DMA,
            pltpu.SemaphoreType.DMA,
            pltpu.SemaphoreType.DMA,
            pltpu.SemaphoreType.DMA,
            pltpu.SemaphoreType.DMA,
            pltpu.SemaphoreType.DMA,
            pltpu.SemaphoreType.DMA,
            pltpu.SemaphoreType.DMA,
            pltpu.SemaphoreType.DMA,
            pltpu.SemaphoreType.DMA,
            pltpu.SemaphoreType.DMA,
            pltpu.SemaphoreType.DMA,
            pltpu.SemaphoreType.DMA,
        ],
        compiler_params=pltpu.CompilerParams(use_tc_tiling_on_sc=False,
                                             needs_layout_passes=False),
        name="sc_segment_sum",
    )
    return fn(x, src_r, dst_r, zsum, zdeg, ones)


BM = 5000


def _mlp_body(x_ref, sum_ref, deg_ref, w1a_ref, w1b_ref, b1_ref, w2_ref,
              b2_ref, o_ref):
    xb = x_ref[...]
    sb = sum_ref[0] + sum_ref[1]
    dg = jnp.reshape(deg_ref[0, 0], (BM, 1))
    mean = jnp.where(dg > 0.0, sb / jnp.maximum(dg, 1.0), xb)
    h = jnp.dot(xb, w1a_ref[...], preferred_element_type=jnp.float32)
    h += jnp.dot(mean, w1b_ref[...], preferred_element_type=jnp.float32)
    h = jnp.maximum(h + b1_ref[...], 0.0)
    o_ref[...] = (jnp.dot(h, w2_ref[...], preferred_element_type=jnp.float32)
                  + b2_ref[...])


def _mlp(x, sum_p, deg_p, w1a, w1b, b1, w2, b2):
    return pl.pallas_call(
        _mlp_body,
        grid=(N // BM,),
        in_specs=[
            pl.BlockSpec((BM, D), lambda i: (i, 0)),
            pl.BlockSpec((NC, BM, D), lambda i: (0, i, 0)),
            pl.BlockSpec((1, 1, BM), lambda i: (i, 0, 0)),
            pl.BlockSpec((D, HID), lambda i: (0, 0)),
            pl.BlockSpec((D, HID), lambda i: (0, 0)),
            pl.BlockSpec((1, HID), lambda i: (0, 0)),
            pl.BlockSpec((HID, D), lambda i: (0, 0)),
            pl.BlockSpec((1, D), lambda i: (0, 0)),
        ],
        out_specs=pl.BlockSpec((BM, D), lambda i: (i, 0)),
        out_shape=jax.ShapeDtypeStruct((N, D), jnp.float32),
        name="mlp_mixer",
    )(x, sum_p, deg_p, w1a, w1b, b1, w2, b2)


def kernel(x, edge_index, W1, b1, W2, b2):
    src_r = edge_index[0].reshape(NW, NB, B)
    dst_r = edge_index[1].reshape(NW, NB, B)
    zsum = jnp.zeros((RLAST, D), jnp.float32)
    zdeg = jnp.zeros((RLAST, DW), jnp.float32)
    ones = jnp.ones((B, DW), jnp.float32)
    sum_p, deg_p = _sc_segment_sum(x, src_r, dst_r, zsum, zdeg, ones)
    dg = (deg_p[0] + deg_p[1]).reshape(N // BM, 1, BM)
    return _mlp(x, sum_p, dg, W1[:D], W1[D:], b1.reshape(1, HID), W2,
                b2.reshape(1, D))

# --- scband reference (transcript-rebuilt; emitter-appended) ---
"""Pipeline reference for scband-intersection-neighbor-mixer-19610820674005 (READ-ONLY COPY).

The authoritative reference and input builder live on the scoring server;
editing this copy changes nothing except your own understanding.
"""

import jax, jax.numpy as jnp
import numpy as np

N_NODES = 10000
N_EDGES = 320000
D = 128
H = 64


def setup_inputs(seed: int = 0) -> dict:
    key = jax.random.key(seed)
    k1, k2, k3, k4, k5, k6 = jax.random.split(key, 6)
    x = jax.random.normal(k1, (N_NODES, D), dtype=jnp.float32)
    edge_index = jax.random.randint(k2, (2, N_EDGES), 0, N_NODES, dtype=jnp.int32)
    # MLP params: Linear(2D -> H), ReLU, Linear(H -> D)
    W1 = jax.random.normal(k3, (2 * D, H), dtype=jnp.float32) * (1.0 / np.sqrt(2 * D))
    b1 = jnp.zeros((H,), dtype=jnp.float32)
    W2 = jax.random.normal(k4, (H, D), dtype=jnp.float32) * (1.0 / np.sqrt(H))
    b2 = jnp.zeros((D,), dtype=jnp.float32)
    return {"x": x, "edge_index": edge_index, "W1": W1, "b1": b1, "W2": W2, "b2": b2}


def reference(x, edge_index, W1, b1, W2, b2):
    # Tensorized version of the dict-based forward:
    # edge (src -> dst): dst node i averages embeddings of its neighbors src=j.
    src = edge_index[0]
    dst = edge_index[1]
    n = x.shape[0]
    nb_sum = jax.ops.segment_sum(jnp.take(x, src, axis=0), dst, num_segments=n)
    deg = jax.ops.segment_sum(jnp.ones((src.shape[0],), dtype=x.dtype), dst, num_segments=n)
    has_nb = deg > 0
    nb_mean = jnp.where(has_nb[:, None], nb_sum / jnp.maximum(deg, 1.0)[:, None], x)
    concat = jnp.concatenate([x, nb_mean], axis=-1)
    h = jnp.maximum(concat @ W1 + b1, 0.0)
    new_emb = h @ W2 + b2
    return new_emb

if __name__ == "__main__":
    import jax
    _d = setup_inputs()
    print(jax.jit(kernel)(*tuple(_d.values())))

</pallas_src>

<mosaic_0001>
#map = affine_map<(d0, d1) -> (0, 0)>
#map1 = affine_map<(d0, d1) -> (0, 0, 0)>
module attributes {stable_mosaic.version = 14 : i64} {
  func.func @sc_segment_sum(%arg0: i32, %arg1: i32, %arg2: memref<10000x128xf32, #tpu.memory_space<hbm>>, %arg3: memref<32x125x80xi32, #tpu.memory_space<hbm>>, %arg4: memref<32x125x80xi32, #tpu.memory_space<hbm>>, %arg5: memref<640x128xf32, #tpu.memory_space<hbm>>, %arg6: memref<640x8xf32, #tpu.memory_space<hbm>>, %arg7: memref<80x8xf32, #tpu.memory_space<hbm>>, %arg8: memref<2x10000x128xf32, #tpu.memory_space<hbm>>, %arg9: memref<2x10000xf32, #tpu.memory_space<hbm>>, %arg10: memref<8x80xi32, #tpu.memory_space<vmem>>, %arg11: memref<8x80xi32, #tpu.memory_space<vmem>>, %arg12: memref<80x128xf32, #tpu.memory_space<vmem>>, %arg13: memref<80x128xf32, #tpu.memory_space<vmem>>, %arg14: memref<80x128xf32, #tpu.memory_space<vmem>>, %arg15: memref<80x128xf32, #tpu.memory_space<vmem>>, %arg16: memref<80x8xf32, #tpu.memory_space<vmem>>, %arg17: memref<160x8xf32, #tpu.memory_space<vmem>>, %arg18: memref<640xf32, #tpu.memory_space<vmem>>, %arg19: memref<10000x128xf32, #tpu.memory_space<vmem_shared>>, %arg20: memref<10000x8xf32, #tpu.memory_space<vmem_shared>>, %arg21: memref<!tpu.dma_semaphore, #tpu.memory_space<semaphore_mem>>, %arg22: memref<!tpu.dma_semaphore, #tpu.memory_space<semaphore_mem>>, %arg23: memref<!tpu.dma_semaphore, #tpu.memory_space<semaphore_mem>>, %arg24: memref<!tpu.dma_semaphore, #tpu.memory_space<semaphore_mem>>, %arg25: memref<!tpu.dma_semaphore, #tpu.memory_space<semaphore_mem>>, %arg26: memref<!tpu.dma_semaphore, #tpu.memory_space<semaphore_mem>>, %arg27: memref<!tpu.dma_semaphore, #tpu.memory_space<semaphore_mem>>, %arg28: memref<!tpu.dma_semaphore, #tpu.memory_space<semaphore_mem>>, %arg29: memref<!tpu.dma_semaphore, #tpu.memory_space<semaphore_mem>>, %arg30: memref<!tpu.dma_semaphore, #tpu.memory_space<semaphore_mem>>, %arg31: memref<!tpu.dma_semaphore, #tpu.memory_space<semaphore_mem>>, %arg32: memref<!tpu.dma_semaphore, #tpu.memory_space<semaphore_mem>>, %arg33: memref<!tpu.dma_semaphore, #tpu.memory_space<semaphore_mem>>, %arg34: memref<!tpu.dma_semaphore, #tpu.memory_space<semaphore_mem>>, %arg35: memref<!tpu.dma_semaphore, #tpu.memory_space<semaphore_mem>>, %arg36: memref<!tpu.dma_semaphore, #tpu.memory_space<semaphore_mem>>, %arg37: memref<!tpu.dma_semaphore, #tpu.memory_space<semaphore_mem>>) attributes {dimension_semantics = [#tpu.dimension_semantics<core_parallel>, #tpu.dimension_semantics<subcore_parallel>], iteration_bounds = array<i64: 2, 16>, scalar_prefetch = 0 : i64, scratch_operands = 28 : i64, tpu.core_type = #tpu.core_type<sc_vector_subcore>, window_params = [{transform_indices = #map}, {transform_indices = #map1}, {transform_indices = #map1}, {transform_indices = #map}, {transform_indices = #map}, {transform_indices = #map}, {transform_indices = #map1}, {transform_indices = #map}]} {
    %mul3A = arith.constant 16 : i32
    %mul3A_0 = arith.muli %arg0, %mul3A : i32
    %add3A = arith.addi %mul3A_0, %arg1 : i32
    %lt3A = arith.constant 15 : i32
    %lt3A_1 = arith.cmpi slt, %arg1, %lt3A : i32
    %convert_element_type3A = arith.extui %lt3A_1 : i1 to i32
    %cond3A = arith.constant 0 : i32
    %cond3A_2 = arith.cmpi ne, %convert_element_type3A, %cond3A : i32
    scf.if %cond3A_2 {
      %mul3A_862 = arith.constant 624 : i32
      %mul3A_863 = arith.muli %arg1, %mul3A_862 : i32
      "tpu.region"() ({
        %run_scoped3A = tpu.sem_alloc : memref<!tpu.dma_semaphore, #tpu.memory_space<semaphore_mem>>
        %dma_start3A_866 = arith.constant 0 : i32
        %dma_start3A_867 = tpu.memref_slice %arg19[%mul3A_863, %dma_start3A_866] : memref<10000x128xf32, #tpu.memory_space<vmem_shared>> -> memref<624x128xf32, #tpu.memory_space<vmem_shared>>
        %dma_start3A_868 = arith.constant 0 : i32
        %dma_start3A_869 = arith.constant 0 : i32
        %dma_start3A_870 = tpu.memref_slice %arg5[%dma_start3A_868, %dma_start3A_869] : memref<640x128xf32, #tpu.memory_space<hbm>> -> memref<624x128xf32, #tpu.memory_space<hbm>>
        tpu.enqueue_dma source(%dma_start3A_870 : memref<624x128xf32, #tpu.memory_space<hbm>>) target(%dma_start3A_867 : memref<624x128xf32, #tpu.memory_space<vmem_shared>>) target_semaphore(%run_scoped3A : memref<!tpu.dma_semaphore, #tpu.memory_space<semaphore_mem>>)
        %dma_wait3A_871 = arith.constant 0 : i32
        %dma_wait3A_872 = tpu.memref_slice %arg19[%mul3A_863, %dma_wait3A_871] : memref<10000x128xf32, #tpu.memory_space<vmem_shared>> -> memref<624x128xf32, #tpu.memory_space<vmem_shared>>
        %dma_wait3A_873 = arith.constant 0 : i32
        %dma_wait3A_874 = arith.constant 0 : i32
        %dma_wait3A_875 = tpu.memref_slice %arg5[%dma_wait3A_873, %dma_wait3A_874] : memref<640x128xf32, #tpu.memory_space<hbm>> -> memref<624x128xf32, #tpu.memory_space<hbm>>
        tpu.wait_dma2 semaphore(%run_scoped3A : memref<!tpu.dma_semaphore, #tpu.memory_space<semaphore_mem>>) src(%dma_wait3A_875 : memref<624x128xf32, #tpu.memory_space<hbm>>) dst(%dma_wait3A_872 : memref<624x128xf32, #tpu.memory_space<vmem_shared>>)
        tpu.yield
      }) : () -> ()
      %mul3A_864 = arith.constant 624 : i32
      %mul3A_865 = arith.muli %arg1, %mul3A_864 : i32
      "tpu.region"() ({
        %run_scoped3A = tpu.sem_alloc : memref<!tpu.dma_semaphore, #tpu.memory_space<semaphore_mem>>
        %dma_start3A_866 = arith.constant 0 : i32
        %dma_start3A_867 = tpu.memref_slice %arg20[%mul3A_865, %dma_start3A_866] : memref<10000x8xf32, #tpu.memory_space<vmem_shared>> -> memref<624x8xf32, #tpu.memory_space<vmem_shared>>
        %dma_start3A_868 = arith.constant 0 : i32
        %dma_start3A_869 = arith.constant 0 : i32
        %dma_start3A_870 = tpu.memref_slice %arg6[%dma_start3A_868, %dma_start3A_869] : memref<640x8xf32, #tpu.memory_space<hbm>> -> memref<624x8xf32, #tpu.memory_space<hbm>>
        tpu.enqueue_dma source(%dma_start3A_870 : memref<624x8xf32, #tpu.memory_space<hbm>>) target(%dma_start3A_867 : memref<624x8xf32, #tpu.memory_space<vmem_shared>>) target_semaphore(%run_scoped3A : memref<!tpu.dma_semaphore, #tpu.memory_space<semaphore_mem>>)
        %dma_wait3A_871 = arith.constant 0 : i32
        %dma_wait3A_872 = tpu.memref_slice %arg20[%mul3A_865, %dma_wait3A_871] : memref<10000x8xf32, #tpu.memory_space<vmem_shared>> -> memref<624x8xf32, #tpu.memory_space<vmem_shared>>
        %dma_wait3A_873 = arith.constant 0 : i32
        %dma_wait3A_874 = arith.constant 0 : i32
        %dma_wait3A_875 = tpu.memref_slice %arg6[%dma_wait3A_873, %dma_wait3A_874] : memref<640x8xf32, #tpu.memory_space<hbm>> -> memref<624x8xf32, #tpu.memory_space<hbm>>
        tpu.wait_dma2 semaphore(%run_scoped3A : memref<!tpu.dma_semaphore, #tpu.memory_space<semaphore_mem>>) src(%dma_wait3A_875 : memref<624x8xf32, #tpu.memory_space<hbm>>) dst(%dma_wait3A_872 : memref<624x8xf32, #tpu.memory_space<vmem_shared>>)
        tpu.yield
      }) : () -> ()
    } else {
    }
    %eq3A = arith.constant 15 : i32
    %eq3A_3 = arith.cmpi eq, %arg1, %eq3A : i32
    %convert_element_type3A_4 = arith.extui %eq3A_3 : i1 to i32
    %cond3A_5 = arith.constant 0 : i32
    %cond3A_6 = arith.cmpi ne, %convert_element_type3A_4, %cond3A_5 : i32
    scf.if %cond3A_6 {
      "tpu.region"() ({
        %run_scoped3A = tpu.sem_alloc : memref<!tpu.dma_semaphore, #tpu.memory_space<semaphore_mem>>
        %dma_start3A_862 = arith.constant 9360 : i32
        %dma_start3A_863 = arith.constant 0 : i32
        %dma_start3A_864 = tpu.memref_slice %arg19[%dma_start3A_862, %dma_start3A_863] : memref<10000x128xf32, #tpu.memory_space<vmem_shared>> -> memref<640x128xf32, #tpu.memory_space<vmem_shared>>
        tpu.enqueue_dma source(%arg5 : memref<640x128xf32, #tpu.memory_space<hbm>>) target(%dma_start3A_864 : memref<640x128xf32, #tpu.memory_space<vmem_shared>>) target_semaphore(%run_scoped3A : memref<!tpu.dma_semaphore, #tpu.memory_space<semaphore_mem>>)
        %dma_wait3A_865 = arith.constant 9360 : i32
        %dma_wait3A_866 = arith.constant 0 : i32
        %dma_wait3A_867 = tpu.memref_slice %arg19[%dma_wait3A_865, %dma_wait3A_866] : memref<10000x128xf32, #tpu.memory_space<vmem_shared>> -> memref<640x128xf32, #tpu.memory_space<vmem_shared>>
        tpu.wait_dma2 semaphore(%run_scoped3A : memref<!tpu.dma_semaphore, #tpu.memory_space<semaphore_mem>>) src(%arg5 : memref<640x128xf32, #tpu.memory_space<hbm>>) dst(%dma_wait3A_867 : memref<640x128xf32, #tpu.memory_space<vmem_shared>>)
        tpu.yield
      }) : () -> ()
      "tpu.region"() ({
        %run_scoped3A = tpu.sem_alloc : memref<!tpu.dma_semaphore, #tpu.memory_space<semaphore_mem>>
        %dma_start3A_862 = arith.constant 9360 : i32
        %dma_start3A_863 = arith.constant 0 : i32
        %dma_start3A_864 = tpu.memref_slice %arg20[%dma_start3A_862, %dma_start3A_863] : memref<10000x8xf32, #tpu.memory_space<vmem_shared>> -> memref<640x8xf32, #tpu.memory_space<vmem_shared>>
        tpu.enqueue_dma source(%arg6 : memref<640x8xf32, #tpu.memory_space<hbm>>) target(%dma_start3A_864 : memref<640x8xf32, #tpu.memory_space<vmem_shared>>) target_semaphore(%run_scoped3A : memref<!tpu.dma_semaphore, #tpu.memory_space<semaphore_mem>>)
        %dma_wait3A_865 = arith.constant 9360 : i32
        %dma_wait3A_866 = arith.constant 0 : i32
        %dma_wait3A_867 = tpu.memref_slice %arg20[%dma_wait3A_865, %dma_wait3A_866] : memref<10000x8xf32, #tpu.memory_space<vmem_shared>> -> memref<640x8xf32, #tpu.memory_space<vmem_shared>>
        tpu.wait_dma2 semaphore(%run_scoped3A : memref<!tpu.dma_semaphore, #tpu.memory_space<semaphore_mem>>) src(%arg6 : memref<640x8xf32, #tpu.memory_space<hbm>>) dst(%dma_wait3A_867 : memref<640x8xf32, #tpu.memory_space<vmem_shared>>)
        tpu.yield
      }) : () -> ()
    } else {
    }
    "tpu.region"() ({
      %run_scoped3A = tpu.sem_alloc : memref<!tpu.dma_semaphore, #tpu.memory_space<semaphore_mem>>
      tpu.enqueue_dma source(%arg7 : memref<80x8xf32, #tpu.memory_space<hbm>>) target(%arg16 : memref<80x8xf32, #tpu.memory_space<vmem>>) target_semaphore(%run_scoped3A : memref<!tpu.dma_semaphore, #tpu.memory_space<semaphore_mem>>)
      tpu.wait_dma2 semaphore(%run_scoped3A : memref<!tpu.dma_semaphore, #tpu.memory_space<semaphore_mem>>) src(%arg7 : memref<80x8xf32, #tpu.memory_space<hbm>>) dst(%arg16 : memref<80x8xf32, #tpu.memory_space<vmem>>)
      tpu.yield
    }) : () -> ()
    %dma_start3A = arith.constant 0 : i32
    %dma_start3A_7 = arith.constant 0 : i32
    %dma_start3A_8 = arith.constant 0 : i32
    %dma_start3A_9 = tpu.memref_slice %arg10[%dma_start3A_7, %dma_start3A_8] : memref<8x80xi32, #tpu.memory_space<vmem>> -> memref<1x80xi32, #tpu.memory_space<vmem>>
    %dma_start3A_10 = tpu.memref_squeeze %dma_start3A_9 : memref<1x80xi32, #tpu.memory_space<vmem>> -> memref<80xi32, #tpu.memory_space<vmem>>
    %dma_start3A_11 = arith.constant 0 : i32
    %dma_start3A_12 = arith.constant 0 : i32
    %dma_start3A_13 = tpu.memref_slice %arg3[%add3A, %dma_start3A_11, %dma_start3A_12] : memref<32x125x80xi32, #tpu.memory_space<hbm>> -> memref<1x125x80xi32, #tpu.memory_space<hbm>>
    %dma_start3A_14 = tpu.memref_squeeze %dma_start3A_13 : memref<1x125x80xi32, #tpu.memory_space<hbm>> -> memref<125x80xi32, #tpu.memory_space<hbm>>
    %dma_start3A_15 = arith.constant 0 : i32
    %dma_start3A_16 = tpu.memref_slice %dma_start3A_14[%dma_start3A, %dma_start3A_15] : memref<125x80xi32, #tpu.memory_space<hbm>> -> memref<1x80xi32, #tpu.memory_space<hbm>>
    %dma_start3A_17 = tpu.memref_squeeze %dma_start3A_16 : memref<1x80xi32, #tpu.memory_space<hbm>> -> memref<80xi32, #tpu.memory_space<hbm>>
    %dma_start3A_18 = arith.constant 0 : i32
    %dma_start3A_19 = tpu.memref_slice %arg10[%dma_start3A_7, %dma_start3A_18] : memref<8x80xi32, #tpu.memory_space<vmem>> -> memref<1x80xi32, #tpu.memory_space<vmem>>
    %dma_start3A_20 = tpu.memref_squeeze %dma_start3A_19 : memref<1x80xi32, #tpu.memory_space<vmem>> -> memref<80xi32, #tpu.memory_space<vmem>>
    %dma_start3A_21 = arith.constant 0 : i32
    %dma_start3A_22 = arith.constant 0 : i32
    %dma_start3A_23 = tpu.memref_slice %arg3[%add3A, %dma_start3A_21, %dma_start3A_22] : memref<32x125x80xi32, #tpu.memory_space<hbm>> -> memref<1x125x80xi32, #tpu.memory_space<hbm>>
    %dma_start3A_24 = tpu.memref_squeeze %dma_start3A_23 : memref<1x125x80xi32, #tpu.memory_space<hbm>> -> memref<125x80xi32, #tpu.memory_space<hbm>>
    %dma_start3A_25 = arith.constant 0 : i32
    %dma_start3A_26 = tpu.memref_slice %dma_start3A_24[%dma_start3A, %dma_start3A_25] : memref<125x80xi32, #tpu.memory_space<hbm>> -> memref<1x80xi32, #tpu.memory_space<hbm>>
    %dma_start3A_27 = tpu.memref_squeeze %dma_start3A_26 : memref<1x80xi32, #tpu.memory_space<hbm>> -> memref<80xi32, #tpu.memory_space<hbm>>
    tpu.enqueue_dma source(%dma_start3A_27 : memref<80xi32, #tpu.memory_space<hbm>>) target(%dma_start3A_20 : memref<80xi32, #tpu.memory_space<vmem>>) target_semaphore(%arg30 : memref<!tpu.dma_semaphore, #tpu.memory_space<semaphore_mem>>)
    %dma_start3A_28 = arith.constant 0 : i32
    %dma_start3A_29 = arith.constant 0 : i32
    %dma_start3A_30 = arith.constant 0 : i32
    %dma_start3A_31 = tpu.memref_slice %arg11[%dma_start3A_29, %dma_start3A_30] : memref<8x80xi32, #tpu.memory_space<vmem>> -> memref<1x80xi32, #tpu.memory_space<vmem>>
    %dma_start3A_32 = tpu.memref_squeeze %dma_start3A_31 : memref<1x80xi32, #tpu.memory_space<vmem>> -> memref<80xi32, #tpu.memory_space<vmem>>
    %dma_start3A_33 = arith.constant 0 : i32
    %dma_start3A_34 = arith.constant 0 : i32
    %dma_start3A_35 = tpu.memref_slice %arg4[%add3A, %dma_start3A_33, %dma_start3A_34] : memref<32x125x80xi32, #tpu.memory_space<hbm>> -> memref<1x125x80xi32, #tpu.memory_space<hbm>>
    %dma_start3A_36 = tpu.memref_squeeze %dma_start3A_35 : memref<1x125x80xi32, #tpu.memory_space<hbm>> -> memref<125x80xi32, #tpu.memory_space<hbm>>
    %dma_start3A_37 = arith.constant 0 : i32
    %dma_start3A_38 = tpu.memref_slice %dma_start3A_36[%dma_start3A_28, %dma_start3A_37] : memref<125x80xi32, #tpu.memory_space<hbm>> -> memref<1x80xi32, #tpu.memory_space<hbm>>
    %dma_start3A_39 = tpu.memref_squeeze %dma_start3A_38 : memref<1x80xi32, #tpu.memory_space<hbm>> -> memref<80xi32, #tpu.memory_space<hbm>>
    %dma_start3A_40 = arith.constant 0 : i32
    %dma_start3A_41 = tpu.memref_slice %arg11[%dma_start3A_29, %dma_start3A_40] : memref<8x80xi32, #tpu.memory_space<vmem>> -> memref<1x80xi32, #tpu.memory_space<vmem>>
    %dma_start3A_42 = tpu.memref_squeeze %dma_start3A_41 : memref<1x80xi32, #tpu.memory_space<vmem>> -> memref<80xi32, #tpu.memory_space<vmem>>
    %dma_start3A_43 = arith.constant 0 : i32
    %dma_start3A_44 = arith.constant 0 : i32
    %dma_start3A_45 = tpu.memref_slice %arg4[%add3A, %dma_start3A_43, %dma_start3A_44] : memref<32x125x80xi32, #tpu.memory_space<hbm>> -> memref<1x125x80xi32, #tpu.memory_space<hbm>>
    %dma_start3A_46 = tpu.memref_squeeze %dma_start3A_45 : memref<1x125x80xi32, #tpu.memory_space<hbm>> -> memref<125x80xi32, #tpu.memory_space<hbm>>
    %dma_start3A_47 = arith.constant 0 : i32
    %dma_start3A_48 = tpu.memref_slice %dma_start3A_46[%dma_start3A_28, %dma_start3A_47] : memref<125x80xi32, #tpu.memory_space<hbm>> -> memref<1x80xi32, #tpu.memory_space<hbm>>
    %dma_start3A_49 = tpu.memref_squeeze %dma_start3A_48 : memref<1x80xi32, #tpu.memory_space<hbm>> -> memref<80xi32, #tpu.memory_space<hbm>>
    tpu.enqueue_dma source(%dma_start3A_49 : memref<80xi32, #tpu.memory_space<hbm>>) target(%dma_start3A_42 : memref<80xi32, #tpu.memory_space<vmem>>) target_semaphore(%arg30 : memref<!tpu.dma_semaphore, #tpu.memory_space<semaphore_mem>>)
    %dma_start3A_50 = arith.constant 1 : i32
    %dma_start3A_51 = arith.constant 1 : i32
    %dma_start3A_52 = arith.constant 0 : i32
    %dma_start3A_53 = tpu.memref_slice %arg10[%dma_start3A_51, %dma_start3A_52] : memref<8x80xi32, #tpu.memory_space<vmem>> -> memref<1x80xi32, #tpu.memory_space<vmem>>
    %dma_start3A_54 = tpu.memref_squeeze %dma_start3A_53 : memref<1x80xi32, #tpu.memory_space<vmem>> -> memref<80xi32, #tpu.memory_space<vmem>>
    %dma_start3A_55 = arith.constant 0 : i32
    %dma_start3A_56 = arith.constant 0 : i32
    %dma_start3A_57 = tpu.memref_slice %arg3[%add3A, %dma_start3A_55, %dma_start3A_56] : memref<32x125x80xi32, #tpu.memory_space<hbm>> -> memref<1x125x80xi32, #tpu.memory_space<hbm>>
    %dma_start3A_58 = tpu.memref_squeeze %dma_start3A_57 : memref<1x125x80xi32, #tpu.memory_space<hbm>> -> memref<125x80xi32, #tpu.memory_space<hbm>>
    %dma_start3A_59 = arith.constant 0 : i32
    %dma_start3A_60 = tpu.memref_slice %dma_start3A_58[%dma_start3A_50, %dma_start3A_59] : memref<125x80xi32, #tpu.memory_space<hbm>> -> memref<1x80xi32, #tpu.memory_space<hbm>>
    %dma_start3A_61 = tpu.memref_squeeze %dma_start3A_60 : memref<1x80xi32, #tpu.memory_space<hbm>> -> memref<80xi32, #tpu.memory_space<hbm>>
    %dma_start3A_62 = arith.constant 0 : i32
    %dma_start3A_63 = tpu.memref_slice %arg10[%dma_start3A_51, %dma_start3A_62] : memref<8x80xi32, #tpu.memory_space<vmem>> -> memref<1x80xi32, #tpu.memory_space<vmem>>
    %dma_start3A_64 = tpu.memref_squeeze %dma_start3A_63 : memref<1x80xi32, #tpu.memory_space<vmem>> -> memref<80xi32, #tpu.memory_space<vmem>>
    %dma_start3A_65 = arith.constant 0 : i32
    %dma_start3A_66 = arith.constant 0 : i32
    %dma_start3A_67 = tpu.memref_slice %arg3[%add3A, %dma_start3A_65, %dma_start3A_66] : memref<32x125x80xi32, #tpu.memory_space<hbm>> -> memref<1x125x80xi32, #tpu.memory_space<hbm>>
    %dma_start3A_68 = tpu.memref_squeeze %dma_start3A_67 : memref<1x125x80xi32, #tpu.memory_space<hbm>> -> memref<125x80xi32, #tpu.memory_space<hbm>>
    %dma_start3A_69 = arith.constant 0 : i32
    %dma_start3A_70 = tpu.memref_slice %dma_start3A_68[%dma_start3A_50, %dma_start3A_69] : memref<125x80xi32, #tpu.memory_space<hbm>> -> memref<1x80xi32, #tpu.memory_space<hbm>>
    %dma_start3A_71 = tpu.memref_squeeze %dma_start3A_70 : memref<1x80xi32, #tpu.memory_space<hbm>> -> memref<80xi32, #tpu.memory_space<hbm>>
    tpu.enqueue_dma source(%dma_start3A_71 : memref<80xi32, #tpu.memory_space<hbm>>) target(%dma_start3A_64 : memref<80xi32, #tpu.memory_space<vmem>>) target_semaphore(%arg31 : memref<!tpu.dma_semaphore, #tpu.memory_space<semaphore_mem>>)
    %dma_start3A_72 = arith.constant 1 : i32
    %dma_start3A_73 = arith.constant 1 : i32
    %dma_start3A_74 = arith.constant 0 : i32
    %dma_start3A_75 = tpu.memref_slice %arg11[%dma_start3A_73, %dma_start3A_74] : memref<8x80xi32, #tpu.memory_space<vmem>> -> memref<1x80xi32, #tpu.memory_space<vmem>>
    %dma_start3A_76 = tpu.memref_squeeze %dma_start3A_75 : memref<1x80xi32, #tpu.memory_space<vmem>> -> memref<80xi32, #tpu.memory_space<vmem>>
    %dma_start3A_77 = arith.constant 0 : i32
    %dma_start3A_78 = arith.constant 0 : i32
    %dma_start3A_79 = tpu.memref_slice %arg4[%add3A, %dma_start3A_77, %dma_start3A_78] : memref<32x125x80xi32, #tpu.memory_space<hbm>> -> memref<1x125x80xi32, #tpu.memory_space<hbm>>
    %dma_start3A_80 = tpu.memref_squeeze %dma_start3A_79 : memref<1x125x80xi32, #tpu.memory_space<hbm>> -> memref<125x80xi32, #tpu.memory_space<hbm>>
    %dma_start3A_81 = arith.constant 0 : i32
    %dma_start3A_82 = tpu.memref_slice %dma_start3A_80[%dma_start3A_72, %dma_start3A_81] : memref<125x80xi32, #tpu.memory_space<hbm>> -> memref<1x80xi32, #tpu.memory_space<hbm>>
    %dma_start3A_83 = tpu.memref_squeeze %dma_start3A_82 : memref<1x80xi32, #tpu.memory_space<hbm>> -> memref<80xi32, #tpu.memory_space<hbm>>
    %dma_start3A_84 = arith.constant 0 : i32
    %dma_start3A_85 = tpu.memref_slice %arg11[%dma_start3A_73, %dma_start3A_84] : memref<8x80xi32, #tpu.memory_space<vmem>> -> memref<1x80xi32, #tpu.memory_space<vmem>>
    %dma_start3A_86 = tpu.memref_squeeze %dma_start3A_85 : memref<1x80xi32, #tpu.memory_space<vmem>> -> memref<80xi32, #tpu.memory_space<vmem>>
    %dma_start3A_87 = arith.constant 0 : i32
    %dma_start3A_88 = arith.constant 0 : i32
    %dma_start3A_89 = tpu.memref_slice %arg4[%add3A, %dma_start3A_87, %dma_start3A_88] : memref<32x125x80xi32, #tpu.memory_space<hbm>> -> memref<1x125x80xi32, #tpu.memory_space<hbm>>
    %dma_start3A_90 = tpu.memref_squeeze %dma_start3A_89 : memref<1x125x80xi32, #tpu.memory_space<hbm>> -> memref<125x80xi32, #tpu.memory_space<hbm>>
    %dma_start3A_91 = arith.constant 0 : i32
    %dma_start3A_92 = tpu.memref_slice %dma_start3A_90[%dma_start3A_72, %dma_start3A_91] : memref<125x80xi32, #tpu.memory_space<hbm>> -> memref<1x80xi32, #tpu.memory_space<hbm>>
    %dma_start3A_93 = tpu.memref_squeeze %dma_start3A_92 : memref<1x80xi32, #tpu.memory_space<hbm>> -> memref<80xi32, #tpu.memory_space<hbm>>
    tpu.enqueue_dma source(%dma_start3A_93 : memref<80xi32, #tpu.memory_space<hbm>>) target(%dma_start3A_86 : memref<80xi32, #tpu.memory_space<vmem>>) target_semaphore(%arg31 : memref<!tpu.dma_semaphore, #tpu.memory_space<semaphore_mem>>)
    %dma_start3A_94 = arith.constant 2 : i32
    %dma_start3A_95 = arith.constant 2 : i32
    %dma_start3A_96 = arith.constant 0 : i32
    %dma_start3A_97 = tpu.memref_slice %arg10[%dma_start3A_95, %dma_start3A_96] : memref<8x80xi32, #tpu.memory_space<vmem>> -> memref<1x80xi32, #tpu.memory_space<vmem>>
    %dma_start3A_98 = tpu.memref_squeeze %dma_start3A_97 : memref<1x80xi32, #tpu.memory_space<vmem>> -> memref<80xi32, #tpu.memory_space<vmem>>
    %dma_start3A_99 = arith.constant 0 : i32
    %dma_start3A_100 = arith.constant 0 : i32
    %dma_start3A_101 = tpu.memref_slice %arg3[%add3A, %dma_start3A_99, %dma_start3A_100] : memref<32x125x80xi32, #tpu.memory_space<hbm>> -> memref<1x125x80xi32, #tpu.memory_space<hbm>>
    %dma_start3A_102 = tpu.memref_squeeze %dma_start3A_101 : memref<1x125x80xi32, #tpu.memory_space<hbm>> -> memref<125x80xi32, #tpu.memory_space<hbm>>
    %dma_start3A_103 = arith.constant 0 : i32
    %dma_start3A_104 = tpu.memref_slice %dma_start3A_102[%dma_start3A_94, %dma_start3A_103] : memref<125x80xi32, #tpu.memory_space<hbm>> -> memref<1x80xi32, #tpu.memory_space<hbm>>
    %dma_start3A_105 = tpu.memref_squeeze %dma_start3A_104 : memref<1x80xi32, #tpu.memory_space<hbm>> -> memref<80xi32, #tpu.memory_space<hbm>>
    %dma_start3A_106 = arith.constant 0 : i32
    %dma_start3A_107 = tpu.memref_slice %arg10[%dma_start3A_95, %dma_start3A_106] : memref<8x80xi32, #tpu.memory_space<vmem>> -> memref<1x80xi32, #tpu.memory_space<vmem>>
    %dma_start3A_108 = tpu.memref_squeeze %dma_start3A_107 : memref<1x80xi32, #tpu.memory_space<vmem>> -> memref<80xi32, #tpu.memory_space<vmem>>
    %dma_start3A_109 = arith.constant 0 : i32
    %dma_start3A_110 = arith.constant 0 : i32
    %dma_start3A_111 = tpu.memref_slice %arg3[%add3A, %dma_start3A_109, %dma_start3A_110] : memref<32x125x80xi32, #tpu.memory_space<hbm>> -> memref<1x125x80xi32, #tpu.memory_space<hbm>>
    %dma_start3A_112 = tpu.memref_squeeze %dma_start3A_111 : memref<1x125x80xi32, #tpu.memory_space<hbm>> -> memref<125x80xi32, #tpu.memory_space<hbm>>
    %dma_start3A_113 = arith.constant 0 : i32
    %dma_start3A_114 = tpu.memref_slice %dma_start3A_112[%dma_start3A_94, %dma_start3A_113] : memref<125x80xi32, #tpu.memory_space<hbm>> -> memref<1x80xi32, #tpu.memory_space<hbm>>
    %dma_start3A_115 = tpu.memref_squeeze %dma_start3A_114 : memref<1x80xi32, #tpu.memory_space<hbm>> -> memref<80xi32, #tpu.memory_space<hbm>>
    tpu.enqueue_dma source(%dma_start3A_115 : memref<80xi32, #tpu.memory_space<hbm>>) target(%dma_start3A_108 : memref<80xi32, #tpu.memory_space<vmem>>) target_semaphore(%arg32 : memref<!tpu.dma_semaphore, #tpu.memory_space<semaphore_mem>>)
    %dma_start3A_116 = arith.constant 2 : i32
    %dma_start3A_117 = arith.constant 2 : i32
    %dma_start3A_118 = arith.constant 0 : i32
    %dma_start3A_119 = tpu.memref_slice %arg11[%dma_start3A_117, %dma_start3A_118] : memref<8x80xi32, #tpu.memory_space<vmem>> -> memref<1x80xi32, #tpu.memory_space<vmem>>
    %dma_start3A_120 = tpu.memref_squeeze %dma_start3A_119 : memref<1x80xi32, #tpu.memory_space<vmem>> -> memref<80xi32, #tpu.memory_space<vmem>>
    %dma_start3A_121 = arith.constant 0 : i32
    %dma_start3A_122 = arith.constant 0 : i32
    %dma_start3A_123 = tpu.memref_slice %arg4[%add3A, %dma_start3A_121, %dma_start3A_122] : memref<32x125x80xi32, #tpu.memory_space<hbm>> -> memref<1x125x80xi32, #tpu.memory_space<hbm>>
    %dma_start3A_124 = tpu.memref_squeeze %dma_start3A_123 : memref<1x125x80xi32, #tpu.memory_space<hbm>> -> memref<125x80xi32, #tpu.memory_space<hbm>>
    %dma_start3A_125 = arith.constant 0 : i32
    %dma_start3A_126 = tpu.memref_slice %dma_start3A_124[%dma_start3A_116, %dma_start3A_125] : memref<125x80xi32, #tpu.memory_space<hbm>> -> memref<1x80xi32, #tpu.memory_space<hbm>>
    %dma_start3A_127 = tpu.memref_squeeze %dma_start3A_126 : memref<1x80xi32, #tpu.memory_space<hbm>> -> memref<80xi32, #tpu.memory_space<hbm>>
    %dma_start3A_128 = arith.constant 0 : i32
    %dma_start3A_129 = tpu.memref_slice %arg11[%dma_start3A_117, %dma_start3A_128] : memref<8x80xi32, #tpu.memory_space<vmem>> -> memref<1x80xi32, #tpu.memory_space<vmem>>
    %dma_start3A_130 = tpu.memref_squeeze %dma_start3A_129 : memref<1x80xi32, #tpu.memory_space<vmem>> -> memref<80xi32, #tpu.memory_space<vmem>>
    %dma_start3A_131 = arith.constant 0 : i32
    %dma_start3A_132 = arith.constant 0 : i32
    %dma_start3A_133 = tpu.memref_slice %arg4[%add3A, %dma_start3A_131, %dma_start3A_132] : memref<32x125x80xi32, #tpu.memory_space<hbm>> -> memref<1x125x80xi32, #tpu.memory_space<hbm>>
    %dma_start3A_134 = tpu.memref_squeeze %dma_start3A_133 : memref<1x125x80xi32, #tpu.memory_space<hbm>> -> memref<125x80xi32, #tpu.memory_space<hbm>>
    %dma_start3A_135 = arith.constant 0 : i32
    %dma_start3A_136 = tpu.memref_slice %dma_start3A_134[%dma_start3A_116, %dma_start3A_135] : memref<125x80xi32, #tpu.memory_space<hbm>> -> memref<1x80xi32, #tpu.memory_space<hbm>>
    %dma_start3A_137 = tpu.memref_squeeze %dma_start3A_136 : memref<1x80xi32, #tpu.memory_space<hbm>> -> memref<80xi32, #tpu.memory_space<hbm>>
    tpu.enqueue_dma source(%dma_start3A_137 : memref<80xi32, #tpu.memory_space<hbm>>) target(%dma_start3A_130 : memref<80xi32, #tpu.memory_space<vmem>>) target_semaphore(%arg32 : memref<!tpu.dma_semaphore, #tpu.memory_space<semaphore_mem>>)
    %dma_start3A_138 = arith.constant 3 : i32
    %dma_start3A_139 = arith.constant 3 : i32
    %dma_start3A_140 = arith.constant 0 : i32
    %dma_start3A_141 = tpu.memref_slice %arg10[%dma_start3A_139, %dma_start3A_140] : memref<8x80xi32, #tpu.memory_space<vmem>> -> memref<1x80xi32, #tpu.memory_space<vmem>>
    %dma_start3A_142 = tpu.memref_squeeze %dma_start3A_141 : memref<1x80xi32, #tpu.memory_space<vmem>> -> memref<80xi32, #tpu.memory_space<vmem>>
    %dma_start3A_143 = arith.constant 0 : i32
    %dma_start3A_144 = arith.constant 0 : i32
    %dma_start3A_145 = tpu.memref_slice %arg3[%add3A, %dma_start3A_143, %dma_start3A_144] : memref<32x125x80xi32, #tpu.memory_space<hbm>> -> memref<1x125x80xi32, #tpu.memory_space<hbm>>
    %dma_start3A_146 = tpu.memref_squeeze %dma_start3A_145 : memref<1x125x80xi32, #tpu.memory_space<hbm>> -> memref<125x80xi32, #tpu.memory_space<hbm>>
    %dma_start3A_147 = arith.constant 0 : i32
    %dma_start3A_148 = tpu.memref_slice %dma_start3A_146[%dma_start3A_138, %dma_start3A_147] : memref<125x80xi32, #tpu.memory_space<hbm>> -> memref<1x80xi32, #tpu.memory_space<hbm>>
    %dma_start3A_149 = tpu.memref_squeeze %dma_start3A_148 : memref<1x80xi32, #tpu.memory_space<hbm>> -> memref<80xi32, #tpu.memory_space<hbm>>
    %dma_start3A_150 = arith.constant 0 : i32
    %dma_start3A_151 = tpu.memref_slice %arg10[%dma_start3A_139, %dma_start3A_150] : memref<8x80xi32, #tpu.memory_space<vmem>> -> memref<1x80xi32, #tpu.memory_space<vmem>>
    %dma_start3A_152 = tpu.memref_squeeze %dma_start3A_151 : memref<1x80xi32, #tpu.memory_space<vmem>> -> memref<80xi32, #tpu.memory_space<vmem>>
    %dma_start3A_153 = arith.constant 0 : i32
    %dma_start3A_154 = arith.constant 0 : i32
    %dma_start3A_155 = tpu.memref_slice %arg3[%add3A, %dma_start3A_153, %dma_start3A_154] : memref<32x125x80xi32, #tpu.memory_space<hbm>> -> memref<1x125x80xi32, #tpu.memory_space<hbm>>
    %dma_start3A_156 = tpu.memref_squeeze %dma_start3A_155 : memref<1x125x80xi32, #tpu.memory_space<hbm>> -> memref<125x80xi32, #tpu.memory_space<hbm>>
    %dma_start3A_157 = arith.constant 0 : i32
    %dma_start3A_158 = tpu.memref_slice %dma_start3A_156[%dma_start3A_138, %dma_start3A_157] : memref<125x80xi32, #tpu.memory_space<hbm>> -> memref<1x80xi32, #tpu.memory_space<hbm>>
    %dma_start3A_159 = tpu.memref_squeeze %dma_start3A_158 : memref<1x80xi32, #tpu.memory_space<hbm>> -> memref<80xi32, #tpu.memory_space<hbm>>
    tpu.enqueue_dma source(%dma_start3A_159 : memref<80xi32, #tpu.memory_space<hbm>>) target(%dma_start3A_152 : memref<80xi32, #tpu.memory_space<vmem>>) target_semaphore(%arg33 : memref<!tpu.dma_semaphore, #tpu.memory_space<semaphore_mem>>)
    %dma_start3A_160 = arith.constant 3 : i32
    %dma_start3A_161 = arith.constant 3 : i32
    %dma_start3A_162 = arith.constant 0 : i32
    %dma_start3A_163 = tpu.memref_slice %arg11[%dma_start3A_161, %dma_start3A_162] : memref<8x80xi32, #tpu.memory_space<vmem>> -> memref<1x80xi32, #tpu.memory_space<vmem>>
    %dma_start3A_164 = tpu.memref_squeeze %dma_start3A_163 : memref<1x80xi32, #tpu.memory_space<vmem>> -> memref<80xi32, #tpu.memory_space<vmem>>
    %dma_start3A_165 = arith.constant 0 : i32
    %dma_start3A_166 = arith.constant 0 : i32
    %dma_start3A_167 = tpu.memref_slice %arg4[%add3A, %dma_start3A_165, %dma_start3A_166] : memref<32x125x80xi32, #tpu.memory_space<hbm>> -> memref<1x125x80xi32, #tpu.memory_space<hbm>>
    %dma_start3A_168 = tpu.memref_squeeze %dma_start3A_167 : memref<1x125x80xi32, #tpu.memory_space<hbm>> -> memref<125x80xi32, #tpu.memory_space<hbm>>
    %dma_start3A_169 = arith.constant 0 : i32
    %dma_start3A_170 = tpu.memref_slice %dma_start3A_168[%dma_start3A_160, %dma_start3A_169] : memref<125x80xi32, #tpu.memory_space<hbm>> -> memref<1x80xi32, #tpu.memory_space<hbm>>
    %dma_start3A_171 = tpu.memref_squeeze %dma_start3A_170 : memref<1x80xi32, #tpu.memory_space<hbm>> -> memref<80xi32, #tpu.memory_space<hbm>>
    %dma_start3A_172 = arith.constant 0 : i32
    %dma_start3A_173 = tpu.memref_slice %arg11[%dma_start3A_161, %dma_start3A_172] : memref<8x80xi32, #tpu.memory_space<vmem>> -> memref<1x80xi32, #tpu.memory_space<vmem>>
    %dma_start3A_174 = tpu.memref_squeeze %dma_start3A_173 : memref<1x80xi32, #tpu.memory_space<vmem>> -> memref<80xi32, #tpu.memory_space<vmem>>
    %dma_start3A_175 = arith.constant 0 : i32
    %dma_start3A_176 = arith.constant 0 : i32
    %dma_start3A_177 = tpu.memref_slice %arg4[%add3A, %dma_start3A_175, %dma_start3A_176] : memref<32x125x80xi32, #tpu.memory_space<hbm>> -> memref<1x125x80xi32, #tpu.memory_space<hbm>>
    %dma_start3A_178 = tpu.memref_squeeze %dma_start3A_177 : memref<1x125x80xi32, #tpu.memory_space<hbm>> -> memref<125x80xi32, #tpu.memory_space<hbm>>
    %dma_start3A_179 = arith.constant 0 : i32
    %dma_start3A_180 = tpu.memref_slice %dma_start3A_178[%dma_start3A_160, %dma_start3A_179] : memref<125x80xi32, #tpu.memory_space<hbm>> -> memref<1x80xi32, #tpu.memory_space<hbm>>
    %dma_start3A_181 = tpu.memref_squeeze %dma_start3A_180 : memref<1x80xi32, #tpu.memory_space<hbm>> -> memref<80xi32, #tpu.memory_space<hbm>>
    tpu.enqueue_dma source(%dma_start3A_181 : memref<80xi32, #tpu.memory_space<hbm>>) target(%dma_start3A_174 : memref<80xi32, #tpu.memory_space<vmem>>) target_semaphore(%arg33 : memref<!tpu.dma_semaphore, #tpu.memory_space<semaphore_mem>>)
    %dma_start3A_182 = arith.constant 4 : i32
    %dma_start3A_183 = arith.constant 4 : i32
    %dma_start3A_184 = arith.constant 0 : i32
    %dma_start3A_185 = tpu.memref_slice %arg10[%dma_start3A_183, %dma_start3A_184] : memref<8x80xi32, #tpu.memory_space<vmem>> -> memref<1x80xi32, #tpu.memory_space<vmem>>
    %dma_start3A_186 = tpu.memref_squeeze %dma_start3A_185 : memref<1x80xi32, #tpu.memory_space<vmem>> -> memref<80xi32, #tpu.memory_space<vmem>>
    %dma_start3A_187 = arith.constant 0 : i32
    %dma_start3A_188 = arith.constant 0 : i32
    %dma_start3A_189 = tpu.memref_slice %arg3[%add3A, %dma_start3A_187, %dma_start3A_188] : memref<32x125x80xi32, #tpu.memory_space<hbm>> -> memref<1x125x80xi32, #tpu.memory_space<hbm>>
    %dma_start3A_190 = tpu.memref_squeeze %dma_start3A_189 : memref<1x125x80xi32, #tpu.memory_space<hbm>> -> memref<125x80xi32, #tpu.memory_space<hbm>>
    %dma_start3A_191 = arith.constant 0 : i32
    %dma_start3A_192 = tpu.memref_slice %dma_start3A_190[%dma_start3A_182, %dma_start3A_191] : memref<125x80xi32, #tpu.memory_space<hbm>> -> memref<1x80xi32, #tpu.memory_space<hbm>>
    %dma_start3A_193 = tpu.memref_squeeze %dma_start3A_192 : memref<1x80xi32, #tpu.memory_space<hbm>> -> memref<80xi32, #tpu.memory_space<hbm>>
    %dma_start3A_194 = arith.constant 0 : i32
    %dma_start3A_195 = tpu.memref_slice %arg10[%dma_start3A_183, %dma_start3A_194] : memref<8x80xi32, #tpu.memory_space<vmem>> -> memref<1x80xi32, #tpu.memory_space<vmem>>
    %dma_start3A_196 = tpu.memref_squeeze %dma_start3A_195 : memref<1x80xi32, #tpu.memory_space<vmem>> -> memref<80xi32, #tpu.memory_space<vmem>>
    %dma_start3A_197 = arith.constant 0 : i32
    %dma_start3A_198 = arith.constant 0 : i32
    %dma_start3A_199 = tpu.memref_slice %arg3[%add3A, %dma_start3A_197, %dma_start3A_198] : memref<32x125x80xi32, #tpu.memory_space<hbm>> -> memref<1x125x80xi32, #tpu.memory_space<hbm>>
    %dma_start3A_200 = tpu.memref_squeeze %dma_start3A_199 : memref<1x125x80xi32, #tpu.memory_space<hbm>> -> memref<125x80xi32, #tpu.memory_space<hbm>>
    %dma_start3A_201 = arith.constant 0 : i32
    %dma_start3A_202 = tpu.memref_slice %dma_start3A_200[%dma_start3A_182, %dma_start3A_201] : memref<125x80xi32, #tpu.memory_space<hbm>> -> memref<1x80xi32, #tpu.memory_space<hbm>>
    %dma_start3A_203 = tpu.memref_squeeze %dma_start3A_202 : memref<1x80xi32, #tpu.memory_space<hbm>> -> memref<80xi32, #tpu.memory_space<hbm>>
    tpu.enqueue_dma source(%dma_start3A_203 : memref<80xi32, #tpu.memory_space<hbm>>) target(%dma_start3A_196 : memref<80xi32, #tpu.memory_space<vmem>>) target_semaphore(%arg34 : memref<!tpu.dma_semaphore, #tpu.memory_space<semaphore_mem>>)
    %dma_start3A_204 = arith.constant 4 : i32
    %dma_start3A_205 = arith.constant 4 : i32
    %dma_start3A_206 = arith.constant 0 : i32
    %dma_start3A_207 = tpu.memref_slice %arg11[%dma_start3A_205, %dma_start3A_206] : memref<8x80xi32, #tpu.memory_space<vmem>> -> memref<1x80xi32, #tpu.memory_space<vmem>>
    %dma_start3A_208 = tpu.memref_squeeze %dma_start3A_207 : memref<1x80xi32, #tpu.memory_space<vmem>> -> memref<80xi32, #tpu.memory_space<vmem>>
    %dma_start3A_209 = arith.constant 0 : i32
    %dma_start3A_210 = arith.constant 0 : i32
    %dma_start3A_211 = tpu.memref_slice %arg4[%add3A, %dma_start3A_209, %dma_start3A_210] : memref<32x125x80xi32, #tpu.memory_space<hbm>> -> memref<1x125x80xi32, #tpu.memory_space<hbm>>
    %dma_start3A_212 = tpu.memref_squeeze %dma_start3A_211 : memref<1x125x80xi32, #tpu.memory_space<hbm>> -> memref<125x80xi32, #tpu.memory_space<hbm>>
    %dma_start3A_213 = arith.constant 0 : i32
    %dma_start3A_214 = tpu.memref_slice %dma_start3A_212[%dma_start3A_204, %dma_start3A_213] : memref<125x80xi32, #tpu.memory_space<hbm>> -> memref<1x80xi32, #tpu.memory_space<hbm>>
    %dma_start3A_215 = tpu.memref_squeeze %dma_start3A_214 : memref<1x80xi32, #tpu.memory_space<hbm>> -> memref<80xi32, #tpu.memory_space<hbm>>
    %dma_start3A_216 = arith.constant 0 : i32
    %dma_start3A_217 = tpu.memref_slice %arg11[%dma_start3A_205, %dma_start3A_216] : memref<8x80xi32, #tpu.memory_space<vmem>> -> memref<1x80xi32, #tpu.memory_space<vmem>>
    %dma_start3A_218 = tpu.memref_squeeze %dma_start3A_217 : memref<1x80xi32, #tpu.memory_space<vmem>> -> memref<80xi32, #tpu.memory_space<vmem>>
    %dma_start3A_219 = arith.constant 0 : i32
    %dma_start3A_220 = arith.constant 0 : i32
    %dma_start3A_221 = tpu.memref_slice %arg4[%add3A, %dma_start3A_219, %dma_start3A_220] : memref<32x125x80xi32, #tpu.memory_space<hbm>> -> memref<1x125x80xi32, #tpu.memory_space<hbm>>
    %dma_start3A_222 = tpu.memref_squeeze %dma_start3A_221 : memref<1x125x80xi32, #tpu.memory_space<hbm>> -> memref<125x80xi32, #tpu.memory_space<hbm>>
    %dma_start3A_223 = arith.constant 0 : i32
    %dma_start3A_224 = tpu.memref_slice %dma_start3A_222[%dma_start3A_204, %dma_start3A_223] : memref<125x80xi32, #tpu.memory_space<hbm>> -> memref<1x80xi32, #tpu.memory_space<hbm>>
    %dma_start3A_225 = tpu.memref_squeeze %dma_start3A_224 : memref<1x80xi32, #tpu.memory_space<hbm>> -> memref<80xi32, #tpu.memory_space<hbm>>
    tpu.enqueue_dma source(%dma_start3A_225 : memref<80xi32, #tpu.memory_space<hbm>>) target(%dma_start3A_218 : memref<80xi32, #tpu.memory_space<vmem>>) target_semaphore(%arg34 : memref<!tpu.dma_semaphore, #tpu.memory_space<semaphore_mem>>)
    %dma_start3A_226 = arith.constant 5 : i32
    %dma_start3A_227 = arith.constant 5 : i32
    %dma_start3A_228 = arith.constant 0 : i32
    %dma_start3A_229 = tpu.memref_slice %arg10[%dma_start3A_227, %dma_start3A_228] : memref<8x80xi32, #tpu.memory_space<vmem>> -> memref<1x80xi32, #tpu.memory_space<vmem>>
    %dma_start3A_230 = tpu.memref_squeeze %dma_start3A_229 : memref<1x80xi32, #tpu.memory_space<vmem>> -> memref<80xi32, #tpu.memory_space<vmem>>
    %dma_start3A_231 = arith.constant 0 : i32
    %dma_start3A_232 = arith.constant 0 : i32
    %dma_start3A_233 = tpu.memref_slice %arg3[%add3A, %dma_start3A_231, %dma_start3A_232] : memref<32x125x80xi32, #tpu.memory_space<hbm>> -> memref<1x125x80xi32, #tpu.memory_space<hbm>>
    %dma_start3A_234 = tpu.memref_squeeze %dma_start3A_233 : memref<1x125x80xi32, #tpu.memory_space<hbm>> -> memref<125x80xi32, #tpu.memory_space<hbm>>
    %dma_start3A_235 = arith.constant 0 : i32
    %dma_start3A_236 = tpu.memref_slice %dma_start3A_234[%dma_start3A_226, %dma_start3A_235] : memref<125x80xi32, #tpu.memory_space<hbm>> -> memref<1x80xi32, #tpu.memory_space<hbm>>
    %dma_start3A_237 = tpu.memref_squeeze %dma_start3A_236 : memref<1x80xi32, #tpu.memory_space<hbm>> -> memref<80xi32, #tpu.memory_space<hbm>>
    %dma_start3A_238 = arith.constant 0 : i32
    %dma_start3A_239 = tpu.memref_slice %arg10[%dma_start3A_227, %dma_start3A_238] : memref<8x80xi32, #tpu.memory_space<vmem>> -> memref<1x80xi32, #tpu.memory_space<vmem>>
    %dma_start3A_240 = tpu.memref_squeeze %dma_start3A_239 : memref<1x80xi32, #tpu.memory_space<vmem>> -> memref<80xi32, #tpu.memory_space<vmem>>
    %dma_start3A_241 = arith.constant 0 : i32
    %dma_start3A_242 = arith.constant 0 : i32
    %dma_start3A_243 = tpu.memref_slice %arg3[%add3A, %dma_start3A_241, %dma_start3A_242] : memref<32x125x80xi32, #tpu.memory_space<hbm>> -> memref<1x125x80xi32, #tpu.memory_space<hbm>>
    %dma_start3A_244 = tpu.memref_squeeze %dma_start3A_243 : memref<1x125x80xi32, #tpu.memory_space<hbm>> -> memref<125x80xi32, #tpu.memory_space<hbm>>
    %dma_start3A_245 = arith.constant 0 : i32
    %dma_start3A_246 = tpu.memref_slice %dma_start3A_244[%dma_start3A_226, %dma_start3A_245] : memref<125x80xi32, #tpu.memory_space<hbm>> -> memref<1x80xi32, #tpu.memory_space<hbm>>
    %dma_start3A_247 = tpu.memref_squeeze %dma_start3A_246 : memref<1x80xi32, #tpu.memory_space<hbm>> -> memref<80xi32, #tpu.memory_space<hbm>>
    tpu.enqueue_dma source(%dma_start3A_247 : memref<80xi32, #tpu.memory_space<hbm>>) target(%dma_start3A_240 : memref<80xi32, #tpu.memory_space<vmem>>) target_semaphore(%arg35 : memref<!tpu.dma_semaphore, #tpu.memory_space<semaphore_mem>>)
    %dma_start3A_248 = arith.constant 5 : i32
    %dma_start3A_249 = arith.constant 5 : i32
    %dma_start3A_250 = arith.constant 0 : i32
    %dma_start3A_251 = tpu.memref_slice %arg11[%dma_start3A_249, %dma_start3A_250] : memref<8x80xi32, #tpu.memory_space<vmem>> -> memref<1x80xi32, #tpu.memory_space<vmem>>
    %dma_start3A_252 = tpu.memref_squeeze %dma_start3A_251 : memref<1x80xi32, #tpu.memory_space<vmem>> -> memref<80xi32, #tpu.memory_space<vmem>>
    %dma_start3A_253 = arith.constant 0 : i32
    %dma_start3A_254 = arith.constant 0 : i32
    %dma_start3A_255 = tpu.memref_slice %arg4[%add3A, %dma_start3A_253, %dma_start3A_254] : memref<32x125x80xi32, #tpu.memory_space<hbm>> -> memref<1x125x80xi32, #tpu.memory_space<hbm>>
    %dma_start3A_256 = tpu.memref_squeeze %dma_start3A_255 : memref<1x125x80xi32, #tpu.memory_space<hbm>> -> memref<125x80xi32, #tpu.memory_space<hbm>>
    %dma_start3A_257 = arith.constant 0 : i32
    %dma_start3A_258 = tpu.memref_slice %dma_start3A_256[%dma_start3A_248, %dma_start3A_257] : memref<125x80xi32, #tpu.memory_space<hbm>> -> memref<1x80xi32, #tpu.memory_space<hbm>>
    %dma_start3A_259 = tpu.memref_squeeze %dma_start3A_258 : memref<1x80xi32, #tpu.memory_space<hbm>> -> memref<80xi32, #tpu.memory_space<hbm>>
    %dma_start3A_260 = arith.constant 0 : i32
    %dma_start3A_261 = tpu.memref_slice %arg11[%dma_start3A_249, %dma_start3A_260] : memref<8x80xi32, #tpu.memory_space<vmem>> -> memref<1x80xi32, #tpu.memory_space<vmem>>
    %dma_start3A_262 = tpu.memref_squeeze %dma_start3A_261 : memref<1x80xi32, #tpu.memory_space<vmem>> -> memref<80xi32, #tpu.memory_space<vmem>>
    %dma_start3A_263 = arith.constant 0 : i32
    %dma_start3A_264 = arith.constant 0 : i32
    %dma_start3A_265 = tpu.memref_slice %arg4[%add3A, %dma_start3A_263, %dma_start3A_264] : memref<32x125x80xi32, #tpu.memory_space<hbm>> -> memref<1x125x80xi32, #tpu.memory_space<hbm>>
    %dma_start3A_266 = tpu.memref_squeeze %dma_start3A_265 : memref<1x125x80xi32, #tpu.memory_space<hbm>> -> memref<125x80xi32, #tpu.memory_space<hbm>>
    %dma_start3A_267 = arith.constant 0 : i32
    %dma_start3A_268 = tpu.memref_slice %dma_start3A_266[%dma_start3A_248, %dma_start3A_267] : memref<125x80xi32, #tpu.memory_space<hbm>> -> memref<1x80xi32, #tpu.memory_space<hbm>>
    %dma_start3A_269 = tpu.memref_squeeze %dma_start3A_268 : memref<1x80xi32, #tpu.memory_space<hbm>> -> memref<80xi32, #tpu.memory_space<hbm>>
    tpu.enqueue_dma source(%dma_start3A_269 : memref<80xi32, #tpu.memory_space<hbm>>) target(%dma_start3A_262 : memref<80xi32, #tpu.memory_space<vmem>>) target_semaphore(%arg35 : memref<!tpu.dma_semaphore, #tpu.memory_space<semaphore_mem>>)
    %dma_start3A_270 = arith.constant 6 : i32
    %dma_start3A_271 = arith.constant 6 : i32
    %dma_start3A_272 = arith.constant 0 : i32
    %dma_start3A_273 = tpu.memref_slice %arg10[%dma_start3A_271, %dma_start3A_272] : memref<8x80xi32, #tpu.memory_space<vmem>> -> memref<1x80xi32, #tpu.memory_space<vmem>>
    %dma_start3A_274 = tpu.memref_squeeze %dma_start3A_273 : memref<1x80xi32, #tpu.memory_space<vmem>> -> memref<80xi32, #tpu.memory_space<vmem>>
    %dma_start3A_275 = arith.constant 0 : i32
    %dma_start3A_276 = arith.constant 0 : i32
    %dma_start3A_277 = tpu.memref_slice %arg3[%add3A, %dma_start3A_275, %dma_start3A_276] : memref<32x125x80xi32, #tpu.memory_space<hbm>> -> memref<1x125x80xi32, #tpu.memory_space<hbm>>
    %dma_start3A_278 = tpu.memref_squeeze %dma_start3A_277 : memref<1x125x80xi32, #tpu.memory_space<hbm>> -> memref<125x80xi32, #tpu.memory_space<hbm>>
    %dma_start3A_279 = arith.constant 0 : i32
    %dma_start3A_280 = tpu.memref_slice %dma_start3A_278[%dma_start3A_270, %dma_start3A_279] : memref<125x80xi32, #tpu.memory_space<hbm>> -> memref<1x80xi32, #tpu.memory_space<hbm>>
    %dma_start3A_281 = tpu.memref_squeeze %dma_start3A_280 : memref<1x80xi32, #tpu.memory_space<hbm>> -> memref<80xi32, #tpu.memory_space<hbm>>
    %dma_start3A_282 = arith.constant 0 : i32
    %dma_start3A_283 = tpu.memref_slice %arg10[%dma_start3A_271, %dma_start3A_282] : memref<8x80xi32, #tpu.memory_space<vmem>> -> memref<1x80xi32, #tpu.memory_space<vmem>>
    %dma_start3A_284 = tpu.memref_squeeze %dma_start3A_283 : memref<1x80xi32, #tpu.memory_space<vmem>> -> memref<80xi32, #tpu.memory_space<vmem>>
    %dma_start3A_285 = arith.constant 0 : i32
    %dma_start3A_286 = arith.constant 0 : i32
    %dma_start3A_287 = tpu.memref_slice %arg3[%add3A, %dma_start3A_285, %dma_start3A_286] : memref<32x125x80xi32, #tpu.memory_space<hbm>> -> memref<1x125x80xi32, #tpu.memory_space<hbm>>
    %dma_start3A_288 = tpu.memref_squeeze %dma_start3A_287 : memref<1x125x80xi32, #tpu.memory_space<hbm>> -> memref<125x80xi32, #tpu.memory_space<hbm>>
    %dma_start3A_289 = arith.constant 0 : i32
    %dma_start3A_290 = tpu.memref_slice %dma_start3A_288[%dma_start3A_270, %dma_start3A_289] : memref<125x80xi32, #tpu.memory_space<hbm>> -> memref<1x80xi32, #tpu.memory_space<hbm>>
    %dma_start3A_291 = tpu.memref_squeeze %dma_start3A_290 : memref<1x80xi32, #tpu.memory_space<hbm>> -> memref<80xi32, #tpu.memory_space<hbm>>
    tpu.enqueue_dma source(%dma_start3A_291 : memref<80xi32, #tpu.memory_space<hbm>>) target(%dma_start3A_284 : memref<80xi32, #tpu.memory_space<vmem>>) target_semaphore(%arg36 : memref<!tpu.dma_semaphore, #tpu.memory_space<semaphore_mem>>)
    %dma_start3A_292 = arith.constant 6 : i32
    %dma_start3A_293 = arith.constant 6 : i32
    %dma_start3A_294 = arith.constant 0 : i32
    %dma_start3A_295 = tpu.memref_slice %arg11[%dma_start3A_293, %dma_start3A_294] : memref<8x80xi32, #tpu.memory_space<vmem>> -> memref<1x80xi32, #tpu.memory_space<vmem>>
    %dma_start3A_296 = tpu.memref_squeeze %dma_start3A_295 : memref<1x80xi32, #tpu.memory_space<vmem>> -> memref<80xi32, #tpu.memory_space<vmem>>
    %dma_start3A_297 = arith.constant 0 : i32
    %dma_start3A_298 = arith.constant 0 : i32
    %dma_start3A_299 = tpu.memref_slice %arg4[%add3A, %dma_start3A_297, %dma_start3A_298] : memref<32x125x80xi32, #tpu.memory_space<hbm>> -> memref<1x125x80xi32, #tpu.memory_space<hbm>>
    %dma_start3A_300 = tpu.memref_squeeze %dma_start3A_299 : memref<1x125x80xi32, #tpu.memory_space<hbm>> -> memref<125x80xi32, #tpu.memory_space<hbm>>
    %dma_start3A_301 = arith.constant 0 : i32
    %dma_start3A_302 = tpu.memref_slice %dma_start3A_300[%dma_start3A_292, %dma_start3A_301] : memref<125x80xi32, #tpu.memory_space<hbm>> -> memref<1x80xi32, #tpu.memory_space<hbm>>
    %dma_start3A_303 = tpu.memref_squeeze %dma_start3A_302 : memref<1x80xi32, #tpu.memory_space<hbm>> -> memref<80xi32, #tpu.memory_space<hbm>>
    %dma_start3A_304 = arith.constant 0 : i32
    %dma_start3A_305 = tpu.memref_slice %arg11[%dma_start3A_293, %dma_start3A_304] : memref<8x80xi32, #tpu.memory_space<vmem>> -> memref<1x80xi32, #tpu.memory_space<vmem>>
    %dma_start3A_306 = tpu.memref_squeeze %dma_start3A_305 : memref<1x80xi32, #tpu.memory_space<vmem>> -> memref<80xi32, #tpu.memory_space<vmem>>
    %dma_start3A_307 = arith.constant 0 : i32
    %dma_start3A_308 = arith.constant 0 : i32
    %dma_start3A_309 = tpu.memref_slice %arg4[%add3A, %dma_start3A_307, %dma_start3A_308] : memref<32x125x80xi32, #tpu.memory_space<hbm>> -> memref<1x125x80xi32, #tpu.memory_space<hbm>>
    %dma_start3A_310 = tpu.memref_squeeze %dma_start3A_309 : memref<1x125x80xi32, #tpu.memory_space<hbm>> -> memref<125x80xi32, #tpu.memory_space<hbm>>
    %dma_start3A_311 = arith.constant 0 : i32
    %dma_start3A_312 = tpu.memref_slice %dma_start3A_310[%dma_start3A_292, %dma_start3A_311] : memref<125x80xi32, #tpu.memory_space<hbm>> -> memref<1x80xi32, #tpu.memory_space<hbm>>
    %dma_start3A_313 = tpu.memref_squeeze %dma_start3A_312 : memref<1x80xi32, #tpu.memory_space<hbm>> -> memref<80xi32, #tpu.memory_space<hbm>>
    tpu.enqueue_dma source(%dma_start3A_313 : memref<80xi32, #tpu.memory_space<hbm>>) target(%dma_start3A_306 : memref<80xi32, #tpu.memory_space<vmem>>) target_semaphore(%arg36 : memref<!tpu.dma_semaphore, #tpu.memory_space<semaphore_mem>>)
    %dma_wait3A = arith.constant 0 : i32
    %dma_wait3A_314 = arith.constant 0 : i32
    %dma_wait3A_315 = arith.constant 0 : i32
    %dma_wait3A_316 = tpu.memref_slice %arg10[%dma_wait3A_314, %dma_wait3A_315] : memref<8x80xi32, #tpu.memory_space<vmem>> -> memref<1x80xi32, #tpu.memory_space<vmem>>
    %dma_wait3A_317 = tpu.memref_squeeze %dma_wait3A_316 : memref<1x80xi32, #tpu.memory_space<vmem>> -> memref<80xi32, #tpu.memory_space<vmem>>
    %dma_wait3A_318 = arith.constant 0 : i32
    %dma_wait3A_319 = arith.constant 0 : i32
    %dma_wait3A_320 = tpu.memref_slice %arg3[%add3A, %dma_wait3A_318, %dma_wait3A_319] : memref<32x125x80xi32, #tpu.memory_space<hbm>> -> memref<1x125x80xi32, #tpu.memory_space<hbm>>
    %dma_wait3A_321 = tpu.memref_squeeze %dma_wait3A_320 : memref<1x125x80xi32, #tpu.memory_space<hbm>> -> memref<125x80xi32, #tpu.memory_space<hbm>>
    %dma_wait3A_322 = arith.constant 0 : i32
    %dma_wait3A_323 = tpu.memref_slice %dma_wait3A_321[%dma_wait3A, %dma_wait3A_322] : memref<125x80xi32, #tpu.memory_space<hbm>> -> memref<1x80xi32, #tpu.memory_space<hbm>>
    %dma_wait3A_324 = tpu.memref_squeeze %dma_wait3A_323 : memref<1x80xi32, #tpu.memory_space<hbm>> -> memref<80xi32, #tpu.memory_space<hbm>>
    %dma_wait3A_325 = arith.constant 0 : i32
    %dma_wait3A_326 = tpu.memref_slice %arg10[%dma_wait3A_314, %dma_wait3A_325] : memref<8x80xi32, #tpu.memory_space<vmem>> -> memref<1x80xi32, #tpu.memory_space<vmem>>
    %dma_wait3A_327 = tpu.memref_squeeze %dma_wait3A_326 : memref<1x80xi32, #tpu.memory_space<vmem>> -> memref<80xi32, #tpu.memory_space<vmem>>
    %dma_wait3A_328 = arith.constant 0 : i32
    %dma_wait3A_329 = arith.constant 0 : i32
    %dma_wait3A_330 = tpu.memref_slice %arg3[%add3A, %dma_wait3A_328, %dma_wait3A_329] : memref<32x125x80xi32, #tpu.memory_space<hbm>> -> memref<1x125x80xi32, #tpu.memory_space<hbm>>
    %dma_wait3A_331 = tpu.memref_squeeze %dma_wait3A_330 : memref<1x125x80xi32, #tpu.memory_space<hbm>> -> memref<125x80xi32, #tpu.memory_space<hbm>>
    %dma_wait3A_332 = arith.constant 0 : i32
    %dma_wait3A_333 = tpu.memref_slice %dma_wait3A_331[%dma_wait3A, %dma_wait3A_332] : memref<125x80xi32, #tpu.memory_space<hbm>> -> memref<1x80xi32, #tpu.memory_space<hbm>>
    %dma_wait3A_334 = tpu.memref_squeeze %dma_wait3A_333 : memref<1x80xi32, #tpu.memory_space<hbm>> -> memref<80xi32, #tpu.memory_space<hbm>>
    tpu.wait_dma2 semaphore(%arg30 : memref<!tpu.dma_semaphore, #tpu.memory_space<semaphore_mem>>) src(%dma_wait3A_334 : memref<80xi32, #tpu.memory_space<hbm>>) dst(%dma_wait3A_327 : memref<80xi32, #tpu.memory_space<vmem>>)
    %dma_wait3A_335 = arith.constant 0 : i32
    %dma_wait3A_336 = arith.constant 0 : i32
    %dma_wait3A_337 = arith.constant 0 : i32
    %dma_wait3A_338 = tpu.memref_slice %arg11[%dma_wait3A_336, %dma_wait3A_337] : memref<8x80xi32, #tpu.memory_space<vmem>> -> memref<1x80xi32, #tpu.memory_space<vmem>>
    %dma_wait3A_339 = tpu.memref_squeeze %dma_wait3A_338 : memref<1x80xi32, #tpu.memory_space<vmem>> -> memref<80xi32, #tpu.memory_space<vmem>>
    %dma_wait3A_340 = arith.constant 0 : i32
    %dma_wait3A_341 = arith.constant 0 : i32
    %dma_wait3A_342 = tpu.memref_slice %arg4[%add3A, %dma_wait3A_340, %dma_wait3A_341] : memref<32x125x80xi32, #tpu.memory_space<hbm>> -> memref<1x125x80xi32, #tpu.memory_space<hbm>>
    %dma_wait3A_343 = tpu.memref_squeeze %dma_wait3A_342 : memref<1x125x80xi32, #tpu.memory_space<hbm>> -> memref<125x80xi32, #tpu.memory_space<hbm>>
    %dma_wait3A_344 = arith.constant 0 : i32
    %dma_wait3A_345 = tpu.memref_slice %dma_wait3A_343[%dma_wait3A_335, %dma_wait3A_344] : memref<125x80xi32, #tpu.memory_space<hbm>> -> memref<1x80xi32, #tpu.memory_space<hbm>>
    %dma_wait3A_346 = tpu.memref_squeeze %dma_wait3A_345 : memref<1x80xi32, #tpu.memory_space<hbm>> -> memref<80xi32, #tpu.memory_space<hbm>>
    %dma_wait3A_347 = arith.constant 0 : i32
    %dma_wait3A_348 = tpu.memref_slice %arg11[%dma_wait3A_336, %dma_wait3A_347] : memref<8x80xi32, #tpu.memory_space<vmem>> -> memref<1x80xi32, #tpu.memory_space<vmem>>
    %dma_wait3A_349 = tpu.memref_squeeze %dma_wait3A_348 : memref<1x80xi32, #tpu.memory_space<vmem>> -> memref<80xi32, #tpu.memory_space<vmem>>
    %dma_wait3A_350 = arith.constant 0 : i32
    %dma_wait3A_351 = arith.constant 0 : i32
    %dma_wait3A_352 = tpu.memref_slice %arg4[%add3A, %dma_wait3A_350, %dma_wait3A_351] : memref<32x125x80xi32, #tpu.memory_space<hbm>> -> memref<1x125x80xi32, #tpu.memory_space<hbm>>
    %dma_wait3A_353 = tpu.memref_squeeze %dma_wait3A_352 : memref<1x125x80xi32, #tpu.memory_space<hbm>> -> memref<125x80xi32, #tpu.memory_space<hbm>>
    %dma_wait3A_354 = arith.constant 0 : i32
    %dma_wait3A_355 = tpu.memref_slice %dma_wait3A_353[%dma_wait3A_335, %dma_wait3A_354] : memref<125x80xi32, #tpu.memory_space<hbm>> -> memref<1x80xi32, #tpu.memory_space<hbm>>
    %dma_wait3A_356 = tpu.memref_squeeze %dma_wait3A_355 : memref<1x80xi32, #tpu.memory_space<hbm>> -> memref<80xi32, #tpu.memory_space<hbm>>
    tpu.wait_dma2 semaphore(%arg30 : memref<!tpu.dma_semaphore, #tpu.memory_space<semaphore_mem>>) src(%dma_wait3A_356 : memref<80xi32, #tpu.memory_space<hbm>>) dst(%dma_wait3A_349 : memref<80xi32, #tpu.memory_space<vmem>>)
    %dma_start3A_357 = arith.constant 0 : i32
    %dma_start3A_358 = arith.constant 0 : i32
    %dma_start3A_359 = tpu.memref_slice %arg10[%dma_start3A_357, %dma_start3A_358] : memref<8x80xi32, #tpu.memory_space<vmem>> -> memref<1x80xi32, #tpu.memory_space<vmem>>
    %dma_start3A_360 = tpu.memref_squeeze %dma_start3A_359 : memref<1x80xi32, #tpu.memory_space<vmem>> -> memref<80xi32, #tpu.memory_space<vmem>>
    %dma_start3A_361 = arith.constant 0 : i32
    %dma_start3A_362 = arith.constant 0 : i32
    %dma_start3A_363 = tpu.memref_slice %arg2[%dma_start3A_361, %dma_start3A_362] : memref<10000x128xf32, #tpu.memory_space<hbm>> -> memref<10000x128xf32, #tpu.memory_space<hbm>>
    tpu.enqueue_indirect_dma source(%dma_start3A_363 : memref<10000x128xf32, #tpu.memory_space<hbm>>) target(%arg12 : memref<80x128xf32, #tpu.memory_space<vmem>>) offsets(%dma_start3A_360 : memref<80xi32, #tpu.memory_space<vmem>>) semaphore(%arg21 : memref<!tpu.dma_semaphore, #tpu.memory_space<semaphore_mem>>)
    %dma_wait3A_364 = arith.constant 0 : i32
    %dma_wait3A_365 = arith.constant 1 : i32
    %dma_wait3A_366 = arith.constant 0 : i32
    %dma_wait3A_367 = tpu.memref_slice %arg10[%dma_wait3A_365, %dma_wait3A_366] : memref<8x80xi32, #tpu.memory_space<vmem>> -> memref<1x80xi32, #tpu.memory_space<vmem>>
    %dma_wait3A_368 = tpu.memref_squeeze %dma_wait3A_367 : memref<1x80xi32, #tpu.memory_space<vmem>> -> memref<80xi32, #tpu.memory_space<vmem>>
    %dma_wait3A_369 = arith.constant 0 : i32
    %dma_wait3A_370 = arith.constant 0 : i32
    %dma_wait3A_371 = tpu.memref_slice %arg3[%add3A, %dma_wait3A_369, %dma_wait3A_370] : memref<32x125x80xi32, #tpu.memory_space<hbm>> -> memref<1x125x80xi32, #tpu.memory_space<hbm>>
    %dma_wait3A_372 = tpu.memref_squeeze %dma_wait3A_371 : memref<1x125x80xi32, #tpu.memory_space<hbm>> -> memref<125x80xi32, #tpu.memory_space<hbm>>
    %dma_wait3A_373 = arith.constant 0 : i32
    %dma_wait3A_374 = tpu.memref_slice %dma_wait3A_372[%dma_wait3A_364, %dma_wait3A_373] : memref<125x80xi32, #tpu.memory_space<hbm>> -> memref<1x80xi32, #tpu.memory_space<hbm>>
    %dma_wait3A_375 = tpu.memref_squeeze %dma_wait3A_374 : memref<1x80xi32, #tpu.memory_space<hbm>> -> memref<80xi32, #tpu.memory_space<hbm>>
    %dma_wait3A_376 = arith.constant 0 : i32
    %dma_wait3A_377 = tpu.memref_slice %arg10[%dma_wait3A_365, %dma_wait3A_376] : memref<8x80xi32, #tpu.memory_space<vmem>> -> memref<1x80xi32, #tpu.memory_space<vmem>>
    %dma_wait3A_378 = tpu.memref_squeeze %dma_wait3A_377 : memref<1x80xi32, #tpu.memory_space<vmem>> -> memref<80xi32, #tpu.memory_space<vmem>>
    %dma_wait3A_379 = arith.constant 0 : i32
    %dma_wait3A_380 = arith.constant 0 : i32
    %dma_wait3A_381 = tpu.memref_slice %arg3[%add3A, %dma_wait3A_379, %dma_wait3A_380] : memref<32x125x80xi32, #tpu.memory_space<hbm>> -> memref<1x125x80xi32, #tpu.memory_space<hbm>>
    %dma_wait3A_382 = tpu.memref_squeeze %dma_wait3A_381 : memref<1x125x80xi32, #tpu.memory_space<hbm>> -> memref<125x80xi32, #tpu.memory_space<hbm>>
    %dma_wait3A_383 = arith.constant 0 : i32
    %dma_wait3A_384 = tpu.memref_slice %dma_wait3A_382[%dma_wait3A_364, %dma_wait3A_383] : memref<125x80xi32, #tpu.memory_space<hbm>> -> memref<1x80xi32, #tpu.memory_space<hbm>>
    %dma_wait3A_385 = tpu.memref_squeeze %dma_wait3A_384 : memref<1x80xi32, #tpu.memory_space<hbm>> -> memref<80xi32, #tpu.memory_space<hbm>>
    tpu.wait_dma2 semaphore(%arg31 : memref<!tpu.dma_semaphore, #tpu.memory_space<semaphore_mem>>) src(%dma_wait3A_385 : memref<80xi32, #tpu.memory_space<hbm>>) dst(%dma_wait3A_378 : memref<80xi32, #tpu.memory_space<vmem>>)
    %dma_wait3A_386 = arith.constant 0 : i32
    %dma_wait3A_387 = arith.constant 1 : i32
    %dma_wait3A_388 = arith.constant 0 : i32
    %dma_wait3A_389 = tpu.memref_slice %arg11[%dma_wait3A_387, %dma_wait3A_388] : memref<8x80xi32, #tpu.memory_space<vmem>> -> memref<1x80xi32, #tpu.memory_space<vmem>>
    %dma_wait3A_390 = tpu.memref_squeeze %dma_wait3A_389 : memref<1x80xi32, #tpu.memory_space<vmem>> -> memref<80xi32, #tpu.memory_space<vmem>>
    %dma_wait3A_391 = arith.constant 0 : i32
    %dma_wait3A_392 = arith.constant 0 : i32
    %dma_wait3A_393 = tpu.memref_slice %arg4[%add3A, %dma_wait3A_391, %dma_wait3A_392] : memref<32x125x80xi32, #tpu.memory_space<hbm>> -> memref<1x125x80xi32, #tpu.memory_space<hbm>>
    %dma_wait3A_394 = tpu.memref_squeeze %dma_wait3A_393 : memref<1x125x80xi32, #tpu.memory_space<hbm>> -> memref<125x80xi32, #tpu.memory_space<hbm>>
    %dma_wait3A_395 = arith.constant 0 : i32
    %dma_wait3A_396 = tpu.memref_slice %dma_wait3A_394[%dma_wait3A_386, %dma_wait3A_395] : memref<125x80xi32, #tpu.memory_space<hbm>> -> memref<1x80xi32, #tpu.memory_space<hbm>>
    %dma_wait3A_397 = tpu.memref_squeeze %dma_wait3A_396 : memref<1x80xi32, #tpu.memory_space<hbm>> -> memref<80xi32, #tpu.memory_space<hbm>>
    %dma_wait3A_398 = arith.constant 0 : i32
    %dma_wait3A_399 = tpu.memref_slice %arg11[%dma_wait3A_387, %dma_wait3A_398] : memref<8x80xi32, #tpu.memory_space<vmem>> -> memref<1x80xi32, #tpu.memory_space<vmem>>
    %dma_wait3A_400 = tpu.memref_squeeze %dma_wait3A_399 : memref<1x80xi32, #tpu.memory_space<vmem>> -> memref<80xi32, #tpu.memory_space<vmem>>
    %dma_wait3A_401 = arith.constant 0 : i32
    %dma_wait3A_402 = arith.constant 0 : i32
    %dma_wait3A_403 = tpu.memref_slice %arg4[%add3A, %dma_wait3A_401, %dma_wait3A_402] : memref<32x125x80xi32, #tpu.memory_space<hbm>> -> memref<1x125x80xi32, #tpu.memory_space<hbm>>
    %dma_wait3A_404 = tpu.memref_squeeze %dma_wait3A_403 : memref<1x125x80xi32, #tpu.memory_space<hbm>> -> memref<125x80xi32, #tpu.memory_space<hbm>>
    %dma_wait3A_405 = arith.constant 0 : i32
    %dma_wait3A_406 = tpu.memref_slice %dma_wait3A_404[%dma_wait3A_386, %dma_wait3A_405] : memref<125x80xi32, #tpu.memory_space<hbm>> -> memref<1x80xi32, #tpu.memory_space<hbm>>
    %dma_wait3A_407 = tpu.memref_squeeze %dma_wait3A_406 : memref<1x80xi32, #tpu.memory_space<hbm>> -> memref<80xi32, #tpu.memory_space<hbm>>
    tpu.wait_dma2 semaphore(%arg31 : memref<!tpu.dma_semaphore, #tpu.memory_space<semaphore_mem>>) src(%dma_wait3A_407 : memref<80xi32, #tpu.memory_space<hbm>>) dst(%dma_wait3A_400 : memref<80xi32, #tpu.memory_space<vmem>>)
    %dma_start3A_408 = arith.constant 1 : i32
    %dma_start3A_409 = arith.constant 0 : i32
    %dma_start3A_410 = tpu.memref_slice %arg10[%dma_start3A_408, %dma_start3A_409] : memref<8x80xi32, #tpu.memory_space<vmem>> -> memref<1x80xi32, #tpu.memory_space<vmem>>
    %dma_start3A_411 = tpu.memref_squeeze %dma_start3A_410 : memref<1x80xi32, #tpu.memory_space<vmem>> -> memref<80xi32, #tpu.memory_space<vmem>>
    %dma_start3A_412 = arith.constant 0 : i32
    %dma_start3A_413 = arith.constant 0 : i32
    %dma_start3A_414 = tpu.memref_slice %arg2[%dma_start3A_412, %dma_start3A_413] : memref<10000x128xf32, #tpu.memory_space<hbm>> -> memref<10000x128xf32, #tpu.memory_space<hbm>>
    tpu.enqueue_indirect_dma source(%dma_start3A_414 : memref<10000x128xf32, #tpu.memory_space<hbm>>) target(%arg13 : memref<80x128xf32, #tpu.memory_space<vmem>>) offsets(%dma_start3A_411 : memref<80xi32, #tpu.memory_space<vmem>>) semaphore(%arg22 : memref<!tpu.dma_semaphore, #tpu.memory_space<semaphore_mem>>)
    %dma_wait3A_415 = arith.constant 0 : i32
    %dma_wait3A_416 = arith.constant 2 : i32
    %dma_wait3A_417 = arith.constant 0 : i32
    %dma_wait3A_418 = tpu.memref_slice %arg10[%dma_wait3A_416, %dma_wait3A_417] : memref<8x80xi32, #tpu.memory_space<vmem>> -> memref<1x80xi32, #tpu.memory_space<vmem>>
    %dma_wait3A_419 = tpu.memref_squeeze %dma_wait3A_418 : memref<1x80xi32, #tpu.memory_space<vmem>> -> memref<80xi32, #tpu.memory_space<vmem>>
    %dma_wait3A_420 = arith.constant 0 : i32
    %dma_wait3A_421 = arith.constant 0 : i32
    %dma_wait3A_422 = tpu.memref_slice %arg3[%add3A, %dma_wait3A_420, %dma_wait3A_421] : memref<32x125x80xi32, #tpu.memory_space<hbm>> -> memref<1x125x80xi32, #tpu.memory_space<hbm>>
    %dma_wait3A_423 = tpu.memref_squeeze %dma_wait3A_422 : memref<1x125x80xi32, #tpu.memory_space<hbm>> -> memref<125x80xi32, #tpu.memory_space<hbm>>
    %dma_wait3A_424 = arith.constant 0 : i32
    %dma_wait3A_425 = tpu.memref_slice %dma_wait3A_423[%dma_wait3A_415, %dma_wait3A_424] : memref<125x80xi32, #tpu.memory_space<hbm>> -> memref<1x80xi32, #tpu.memory_space<hbm>>
    %dma_wait3A_426 = tpu.memref_squeeze %dma_wait3A_425 : memref<1x80xi32, #tpu.memory_space<hbm>> -> memref<80xi32, #tpu.memory_space<hbm>>
    %dma_wait3A_427 = arith.constant 0 : i32
    %dma_wait3A_428 = tpu.memref_slice %arg10[%dma_wait3A_416, %dma_wait3A_427] : memref<8x80xi32, #tpu.memory_space<vmem>> -> memref<1x80xi32, #tpu.memory_space<vmem>>
    %dma_wait3A_429 = tpu.memref_squeeze %dma_wait3A_428 : memref<1x80xi32, #tpu.memory_space<vmem>> -> memref<80xi32, #tpu.memory_space<vmem>>
    %dma_wait3A_430 = arith.constant 0 : i32
    %dma_wait3A_431 = arith.constant 0 : i32
    %dma_wait3A_432 = tpu.memref_slice %arg3[%add3A, %dma_wait3A_430, %dma_wait3A_431] : memref<32x125x80xi32, #tpu.memory_space<hbm>> -> memref<1x125x80xi32, #tpu.memory_space<hbm>>
    %dma_wait3A_433 = tpu.memref_squeeze %dma_wait3A_432 : memref<1x125x80xi32, #tpu.memory_space<hbm>> -> memref<125x80xi32, #tpu.memory_space<hbm>>
    %dma_wait3A_434 = arith.constant 0 : i32
    %dma_wait3A_435 = tpu.memref_slice %dma_wait3A_433[%dma_wait3A_415, %dma_wait3A_434] : memref<125x80xi32, #tpu.memory_space<hbm>> -> memref<1x80xi32, #tpu.memory_space<hbm>>
    %dma_wait3A_436 = tpu.memref_squeeze %dma_wait3A_435 : memref<1x80xi32, #tpu.memory_space<hbm>> -> memref<80xi32, #tpu.memory_space<hbm>>
    tpu.wait_dma2 semaphore(%arg32 : memref<!tpu.dma_semaphore, #tpu.memory_space<semaphore_mem>>) src(%dma_wait3A_436 : memref<80xi32, #tpu.memory_space<hbm>>) dst(%dma_wait3A_429 : memref<80xi32, #tpu.memory_space<vmem>>)
    %dma_wait3A_437 = arith.constant 0 : i32
    %dma_wait3A_438 = arith.constant 2 : i32
    %dma_wait3A_439 = arith.constant 0 : i32
    %dma_wait3A_440 = tpu.memref_slice %arg11[%dma_wait3A_438, %dma_wait3A_439] : memref<8x80xi32, #tpu.memory_space<vmem>> -> memref<1x80xi32, #tpu.memory_space<vmem>>
    %dma_wait3A_441 = tpu.memref_squeeze %dma_wait3A_440 : memref<1x80xi32, #tpu.memory_space<vmem>> -> memref<80xi32, #tpu.memory_space<vmem>>
    %dma_wait3A_442 = arith.constant 0 : i32
    %dma_wait3A_443 = arith.constant 0 : i32
    %dma_wait3A_444 = tpu.memref_slice %arg4[%add3A, %dma_wait3A_442, %dma_wait3A_443] : memref<32x125x80xi32, #tpu.memory_space<hbm>> -> memref<1x125x80xi32, #tpu.memory_space<hbm>>
    %dma_wait3A_445 = tpu.memref_squeeze %dma_wait3A_444 : memref<1x125x80xi32, #tpu.memory_space<hbm>> -> memref<125x80xi32, #tpu.memory_space<hbm>>
    %dma_wait3A_446 = arith.constant 0 : i32
    %dma_wait3A_447 = tpu.memref_slice %dma_wait3A_445[%dma_wait3A_437, %dma_wait3A_446] : memref<125x80xi32, #tpu.memory_space<hbm>> -> memref<1x80xi32, #tpu.memory_space<hbm>>
    %dma_wait3A_448 = tpu.memref_squeeze %dma_wait3A_447 : memref<1x80xi32, #tpu.memory_space<hbm>> -> memref<80xi32, #tpu.memory_space<hbm>>
    %dma_wait3A_449 = arith.constant 0 : i32
    %dma_wait3A_450 = tpu.memref_slice %arg11[%dma_wait3A_438, %dma_wait3A_449] : memref<8x80xi32, #tpu.memory_space<vmem>> -> memref<1x80xi32, #tpu.memory_space<vmem>>
    %dma_wait3A_451 = tpu.memref_squeeze %dma_wait3A_450 : memref<1x80xi32, #tpu.memory_space<vmem>> -> memref<80xi32, #tpu.memory_space<vmem>>
    %dma_wait3A_452 = arith.constant 0 : i32
    %dma_wait3A_453 = arith.constant 0 : i32
    %dma_wait3A_454 = tpu.memref_slice %arg4[%add3A, %dma_wait3A_452, %dma_wait3A_453] : memref<32x125x80xi32, #tpu.memory_space<hbm>> -> memref<1x125x80xi32, #tpu.memory_space<hbm>>
    %dma_wait3A_455 = tpu.memref_squeeze %dma_wait3A_454 : memref<1x125x80xi32, #tpu.memory_space<hbm>> -> memref<125x80xi32, #tpu.memory_space<hbm>>
    %dma_wait3A_456 = arith.constant 0 : i32
    %dma_wait3A_457 = tpu.memref_slice %dma_wait3A_455[%dma_wait3A_437, %dma_wait3A_456] : memref<125x80xi32, #tpu.memory_space<hbm>> -> memref<1x80xi32, #tpu.memory_space<hbm>>
    %dma_wait3A_458 = tpu.memref_squeeze %dma_wait3A_457 : memref<1x80xi32, #tpu.memory_space<hbm>> -> memref<80xi32, #tpu.memory_space<hbm>>
    tpu.wait_dma2 semaphore(%arg32 : memref<!tpu.dma_semaphore, #tpu.memory_space<semaphore_mem>>) src(%dma_wait3A_458 : memref<80xi32, #tpu.memory_space<hbm>>) dst(%dma_wait3A_451 : memref<80xi32, #tpu.memory_space<vmem>>)
    %dma_start3A_459 = arith.constant 2 : i32
    %dma_start3A_460 = arith.constant 0 : i32
    %dma_start3A_461 = tpu.memref_slice %arg10[%dma_start3A_459, %dma_start3A_460] : memref<8x80xi32, #tpu.memory_space<vmem>> -> memref<1x80xi32, #tpu.memory_space<vmem>>
    %dma_start3A_462 = tpu.memref_squeeze %dma_start3A_461 : memref<1x80xi32, #tpu.memory_space<vmem>> -> memref<80xi32, #tpu.memory_space<vmem>>
    %dma_start3A_463 = arith.constant 0 : i32
    %dma_start3A_464 = arith.constant 0 : i32
    %dma_start3A_465 = tpu.memref_slice %arg2[%dma_start3A_463, %dma_start3A_464] : memref<10000x128xf32, #tpu.memory_space<hbm>> -> memref<10000x128xf32, #tpu.memory_space<hbm>>
    tpu.enqueue_indirect_dma source(%dma_start3A_465 : memref<10000x128xf32, #tpu.memory_space<hbm>>) target(%arg14 : memref<80x128xf32, #tpu.memory_space<vmem>>) offsets(%dma_start3A_462 : memref<80xi32, #tpu.memory_space<vmem>>) semaphore(%arg23 : memref<!tpu.dma_semaphore, #tpu.memory_space<semaphore_mem>>)
    %barrier3A = arith.constant 0 : index
    tpu.barrier barrier_id(%barrier3A)
    %scan3A = arith.constant 0 : i32
    %scan3A_466 = arith.constant 0 : i32
    %scan3A_467 = arith.constant 15 : i32
    %scan3A_468 = arith.addi %scan3A_466, %scan3A_467 : i32
    %scan3A_469 = arith.constant 1 : i32
    scf.for %scan3A_862 = %scan3A_466 to %scan3A_468 step %scan3A_469  : i32 {
      %mul3A_863 = arith.constant 8 : i32
      %mul3A_864 = arith.muli %scan3A_862, %mul3A_863 : i32
      %add3A_865 = arith.constant 0 : i32
      %add3A_866 = arith.addi %mul3A_864, %add3A_865 : i32
      %dma_wait3A_867 = arith.constant 0 : i32
      %dma_wait3A_868 = arith.constant 0 : i32
      %dma_wait3A_869 = tpu.memref_slice %arg10[%dma_wait3A_867, %dma_wait3A_868] : memref<8x80xi32, #tpu.memory_space<vmem>> -> memref<1x80xi32, #tpu.memory_space<vmem>>
      %dma_wait3A_870 = tpu.memref_squeeze %dma_wait3A_869 : memref<1x80xi32, #tpu.memory_space<vmem>> -> memref<80xi32, #tpu.memory_space<vmem>>
      %dma_wait3A_871 = arith.constant 0 : i32
      %dma_wait3A_872 = arith.constant 0 : i32
      %dma_wait3A_873 = tpu.memref_slice %arg2[%dma_wait3A_871, %dma_wait3A_872] : memref<10000x128xf32, #tpu.memory_space<hbm>> -> memref<10000x128xf32, #tpu.memory_space<hbm>>
      tpu.wait_indirect_dma semaphore(%arg21 : memref<!tpu.dma_semaphore, #tpu.memory_space<semaphore_mem>>) src(%dma_wait3A_873 : memref<10000x128xf32, #tpu.memory_space<hbm>>) dst(%arg12 : memref<80x128xf32, #tpu.memory_space<vmem>>)
      %dma_start3A_874 = arith.constant 0 : i32
      %dma_start3A_875 = arith.constant 0 : i32
      %dma_start3A_876 = tpu.memref_slice %arg11[%dma_start3A_874, %dma_start3A_875] : memref<8x80xi32, #tpu.memory_space<vmem>> -> memref<1x80xi32, #tpu.memory_space<vmem>>
      %dma_start3A_877 = tpu.memref_squeeze %dma_start3A_876 : memref<1x80xi32, #tpu.memory_space<vmem>> -> memref<80xi32, #tpu.memory_space<vmem>>
      %dma_start3A_878 = arith.constant 0 : i32
      %dma_start3A_879 = arith.constant 0 : i32
      %dma_start3A_880 = tpu.memref_slice %arg19[%dma_start3A_878, %dma_start3A_879] : memref<10000x128xf32, #tpu.memory_space<vmem_shared>> -> memref<10000x128xf32, #tpu.memory_space<vmem_shared>>
      tpu.enqueue_indirect_dma source(%arg12 : memref<80x128xf32, #tpu.memory_space<vmem>>) target(%dma_start3A_880 : memref<10000x128xf32, #tpu.memory_space<vmem_shared>>) offsets(%dma_start3A_877 : memref<80xi32, #tpu.memory_space<vmem>>) semaphore(%arg25 : memref<!tpu.dma_semaphore, #tpu.memory_space<semaphore_mem>>) {add = true}
      %gt3A = arith.constant 0 : i32
      %gt3A_881 = arith.cmpi sgt, %scan3A_862, %gt3A : i32
      %convert_element_type3A_882 = arith.extui %gt3A_881 : i1 to i32
      %cond3A_883 = arith.constant 0 : i32
      %cond3A_884 = arith.cmpi ne, %convert_element_type3A_882, %cond3A_883 : i32
      scf.if %cond3A_884 {
        %dma_wait3A_1955 = arith.constant 0 : i32
        %dma_wait3A_1956 = arith.constant 0 : i32
        %dma_wait3A_1957 = tpu.memref_slice %arg11[%dma_wait3A_1955, %dma_wait3A_1956] : memref<8x80xi32, #tpu.memory_space<vmem>> -> memref<1x80xi32, #tpu.memory_space<vmem>>
        %dma_wait3A_1958 = tpu.memref_squeeze %dma_wait3A_1957 : memref<1x80xi32, #tpu.memory_space<vmem>> -> memref<80xi32, #tpu.memory_space<vmem>>
        %dma_wait3A_1959 = arith.constant 0 : i32
        %dma_wait3A_1960 = arith.constant 0 : i32
        %dma_wait3A_1961 = tpu.memref_slice %arg19[%dma_wait3A_1959, %dma_wait3A_1960] : memref<10000x128xf32, #tpu.memory_space<vmem_shared>> -> memref<10000x128xf32, #tpu.memory_space<vmem_shared>>
        tpu.wait_indirect_dma semaphore(%arg28 : memref<!tpu.dma_semaphore, #tpu.memory_space<semaphore_mem>>) src(%arg15 : memref<80x128xf32, #tpu.memory_space<vmem>>) dst(%dma_wait3A_1961 : memref<10000x128xf32, #tpu.memory_space<vmem_shared>>)
        %dma_wait3A_1962 = arith.constant 0 : i32
        %dma_wait3A_1963 = arith.constant 0 : i32
        %dma_wait3A_1964 = tpu.memref_slice %arg11[%dma_wait3A_1962, %dma_wait3A_1963] : memref<8x80xi32, #tpu.memory_space<vmem>> -> memref<1x80xi32, #tpu.memory_space<vmem>>
        %dma_wait3A_1965 = tpu.memref_squeeze %dma_wait3A_1964 : memref<1x80xi32, #tpu.memory_space<vmem>> -> memref<80xi32, #tpu.memory_space<vmem>>
        %dma_wait3A_1966 = arith.constant 0 : i32
        %dma_wait3A_1967 = arith.constant 0 : i32
        %dma_wait3A_1968 = tpu.memref_slice %arg20[%dma_wait3A_1966, %dma_wait3A_1967] : memref<10000x8xf32, #tpu.memory_space<vmem_shared>> -> memref<10000x8xf32, #tpu.memory_space<vmem_shared>>
        tpu.wait_indirect_dma semaphore(%arg29 : memref<!tpu.dma_semaphore, #tpu.memory_space<semaphore_mem>>) src(%arg16 : memref<80x8xf32, #tpu.memory_space<vmem>>) dst(%dma_wait3A_1968 : memref<10000x8xf32, #tpu.memory_space<vmem_shared>>)
      } else {
      }
      %dma_start3A_885 = arith.constant 0 : i32
      %dma_start3A_886 = arith.constant 0 : i32
      %dma_start3A_887 = tpu.memref_slice %arg11[%dma_start3A_885, %dma_start3A_886] : memref<8x80xi32, #tpu.memory_space<vmem>> -> memref<1x80xi32, #tpu.memory_space<vmem>>
      %dma_start3A_888 = tpu.memref_squeeze %dma_start3A_887 : memref<1x80xi32, #tpu.memory_space<vmem>> -> memref<80xi32, #tpu.memory_space<vmem>>
      %dma_start3A_889 = arith.constant 0 : i32
      %dma_start3A_890 = arith.constant 0 : i32
      %dma_start3A_891 = tpu.memref_slice %arg20[%dma_start3A_889, %dma_start3A_890] : memref<10000x8xf32, #tpu.memory_space<vmem_shared>> -> memref<10000x8xf32, #tpu.memory_space<vmem_shared>>
      tpu.enqueue_indirect_dma source(%arg16 : memref<80x8xf32, #tpu.memory_space<vmem>>) target(%dma_start3A_891 : memref<10000x8xf32, #tpu.memory_space<vmem_shared>>) offsets(%dma_start3A_888 : memref<80xi32, #tpu.memory_space<vmem>>) semaphore(%arg29 : memref<!tpu.dma_semaphore, #tpu.memory_space<semaphore_mem>>) {add = true}
      %add3A_892 = arith.constant 8 : i32
      %add3A_893 = arith.addi %add3A_866, %add3A_892 : i32
      %sub3A = arith.constant 1 : i32
      %sub3A_894 = arith.subi %add3A_893, %sub3A : i32
      %min3A = arith.constant 124 : i32
      %min3A_895 = arith.minsi %sub3A_894, %min3A : i32
      %dma_start3A_896 = arith.constant 7 : i32
      %dma_start3A_897 = arith.constant 0 : i32
      %dma_start3A_898 = tpu.memref_slice %arg10[%dma_start3A_896, %dma_start3A_897] : memref<8x80xi32, #tpu.memory_space<vmem>> -> memref<1x80xi32, #tpu.memory_space<vmem>>
      %dma_start3A_899 = tpu.memref_squeeze %dma_start3A_898 : memref<1x80xi32, #tpu.memory_space<vmem>> -> memref<80xi32, #tpu.memory_space<vmem>>
      %dma_start3A_900 = arith.constant 0 : i32
      %dma_start3A_901 = arith.constant 0 : i32
      %dma_start3A_902 = tpu.memref_slice %arg3[%add3A, %dma_start3A_900, %dma_start3A_901] : memref<32x125x80xi32, #tpu.memory_space<hbm>> -> memref<1x125x80xi32, #tpu.memory_space<hbm>>
      %dma_start3A_903 = tpu.memref_squeeze %dma_start3A_902 : memref<1x125x80xi32, #tpu.memory_space<hbm>> -> memref<125x80xi32, #tpu.memory_space<hbm>>
      %dma_start3A_904 = arith.constant 0 : i32
      %dma_start3A_905 = tpu.memref_slice %dma_start3A_903[%min3A_895, %dma_start3A_904] : memref<125x80xi32, #tpu.memory_space<hbm>> -> memref<1x80xi32, #tpu.memory_space<hbm>>
      %dma_start3A_906 = tpu.memref_squeeze %dma_start3A_905 : memref<1x80xi32, #tpu.memory_space<hbm>> -> memref<80xi32, #tpu.memory_space<hbm>>
      %dma_start3A_907 = arith.constant 0 : i32
      %dma_start3A_908 = tpu.memref_slice %arg10[%dma_start3A_896, %dma_start3A_907] : memref<8x80xi32, #tpu.memory_space<vmem>> -> memref<1x80xi32, #tpu.memory_space<vmem>>
      %dma_start3A_909 = tpu.memref_squeeze %dma_start3A_908 : memref<1x80xi32, #tpu.memory_space<vmem>> -> memref<80xi32, #tpu.memory_space<vmem>>
      %dma_start3A_910 = arith.constant 0 : i32
      %dma_start3A_911 = arith.constant 0 : i32
      %dma_start3A_912 = tpu.memref_slice %arg3[%add3A, %dma_start3A_910, %dma_start3A_911] : memref<32x125x80xi32, #tpu.memory_space<hbm>> -> memref<1x125x80xi32, #tpu.memory_space<hbm>>
      %dma_start3A_913 = tpu.memref_squeeze %dma_start3A_912 : memref<1x125x80xi32, #tpu.memory_space<hbm>> -> memref<125x80xi32, #tpu.memory_space<hbm>>
      %dma_start3A_914 = arith.constant 0 : i32
      %dma_start3A_915 = tpu.memref_slice %dma_start3A_913[%min3A_895, %dma_start3A_914] : memref<125x80xi32, #tpu.memory_space<hbm>> -> memref<1x80xi32, #tpu.memory_space<hbm>>
      %dma_start3A_916 = tpu.memref_squeeze %dma_start3A_915 : memref<1x80xi32, #tpu.memory_space<hbm>> -> memref<80xi32, #tpu.memory_space<hbm>>
      tpu.enqueue_dma source(%dma_start3A_916 : memref<80xi32, #tpu.memory_space<hbm>>) target(%dma_start3A_909 : memref<80xi32, #tpu.memory_space<vmem>>) target_semaphore(%arg37 : memref<!tpu.dma_semaphore, #tpu.memory_space<semaphore_mem>>)
      %dma_start3A_917 = arith.constant 7 : i32
      %dma_start3A_918 = arith.constant 0 : i32
      %dma_start3A_919 = tpu.memref_slice %arg11[%dma_start3A_917, %dma_start3A_918] : memref<8x80xi32, #tpu.memory_space<vmem>> -> memref<1x80xi32, #tpu.memory_space<vmem>>
      %dma_start3A_920 = tpu.memref_squeeze %dma_start3A_919 : memref<1x80xi32, #tpu.memory_space<vmem>> -> memref<80xi32, #tpu.memory_space<vmem>>
      %dma_start3A_921 = arith.constant 0 : i32
      %dma_start3A_922 = arith.constant 0 : i32
      %dma_start3A_923 = tpu.memref_slice %arg4[%add3A, %dma_start3A_921, %dma_start3A_922] : memref<32x125x80xi32, #tpu.memory_space<hbm>> -> memref<1x125x80xi32, #tpu.memory_space<hbm>>
      %dma_start3A_924 = tpu.memref_squeeze %dma_start3A_923 : memref<1x125x80xi32, #tpu.memory_space<hbm>> -> memref<125x80xi32, #tpu.memory_space<hbm>>
      %dma_start3A_925 = arith.constant 0 : i32
      %dma_start3A_926 = tpu.memref_slice %dma_start3A_924[%min3A_895, %dma_start3A_925] : memref<125x80xi32, #tpu.memory_space<hbm>> -> memref<1x80xi32, #tpu.memory_space<hbm>>
      %dma_start3A_927 = tpu.memref_squeeze %dma_start3A_926 : memref<1x80xi32, #tpu.memory_space<hbm>> -> memref<80xi32, #tpu.memory_space<hbm>>
      %dma_start3A_928 = arith.constant 0 : i32
      %dma_start3A_929 = tpu.memref_slice %arg11[%dma_start3A_917, %dma_start3A_928] : memref<8x80xi32, #tpu.memory_space<vmem>> -> memref<1x80xi32, #tpu.memory_space<vmem>>
      %dma_start3A_930 = tpu.memref_squeeze %dma_start3A_929 : memref<1x80xi32, #tpu.memory_space<vmem>> -> memref<80xi32, #tpu.memory_space<vmem>>
      %dma_start3A_931 = arith.constant 0 : i32
      %dma_start3A_932 = arith.constant 0 : i32
      %dma_start3A_933 = tpu.memref_slice %arg4[%add3A, %dma_start3A_931, %dma_start3A_932] : memref<32x125x80xi32, #tpu.memory_space<hbm>> -> memref<1x125x80xi32, #tpu.memory_space<hbm>>
      %dma_start3A_934 = tpu.memref_squeeze %dma_start3A_933 : memref<1x125x80xi32, #tpu.memory_space<hbm>> -> memref<125x80xi32, #tpu.memory_space<hbm>>
      %dma_start3A_935 = arith.constant 0 : i32
      %dma_start3A_936 = tpu.memref_slice %dma_start3A_934[%min3A_895, %dma_start3A_935] : memref<125x80xi32, #tpu.memory_space<hbm>> -> memref<1x80xi32, #tpu.memory_space<hbm>>
      %dma_start3A_937 = tpu.memref_squeeze %dma_start3A_936 : memref<1x80xi32, #tpu.memory_space<hbm>> -> memref<80xi32, #tpu.memory_space<hbm>>
      tpu.enqueue_dma source(%dma_start3A_937 : memref<80xi32, #tpu.memory_space<hbm>>) target(%dma_start3A_930 : memref<80xi32, #tpu.memory_space<vmem>>) target_semaphore(%arg37 : memref<!tpu.dma_semaphore, #tpu.memory_space<semaphore_mem>>)
      %dma_wait3A_938 = arith.constant 0 : i32
      %dma_wait3A_939 = arith.constant 3 : i32
      %dma_wait3A_940 = arith.constant 0 : i32
      %dma_wait3A_941 = tpu.memref_slice %arg10[%dma_wait3A_939, %dma_wait3A_940] : memref<8x80xi32, #tpu.memory_space<vmem>> -> memref<1x80xi32, #tpu.memory_space<vmem>>
      %dma_wait3A_942 = tpu.memref_squeeze %dma_wait3A_941 : memref<1x80xi32, #tpu.memory_space<vmem>> -> memref<80xi32, #tpu.memory_space<vmem>>
      %dma_wait3A_943 = arith.constant 0 : i32
      %dma_wait3A_944 = arith.constant 0 : i32
      %dma_wait3A_945 = tpu.memref_slice %arg3[%add3A, %dma_wait3A_943, %dma_wait3A_944] : memref<32x125x80xi32, #tpu.memory_space<hbm>> -> memref<1x125x80xi32, #tpu.memory_space<hbm>>
      %dma_wait3A_946 = tpu.memref_squeeze %dma_wait3A_945 : memref<1x125x80xi32, #tpu.memory_space<hbm>> -> memref<125x80xi32, #tpu.memory_space<hbm>>
      %dma_wait3A_947 = arith.constant 0 : i32
      %dma_wait3A_948 = tpu.memref_slice %dma_wait3A_946[%dma_wait3A_938, %dma_wait3A_947] : memref<125x80xi32, #tpu.memory_space<hbm>> -> memref<1x80xi32, #tpu.memory_space<hbm>>
      %dma_wait3A_949 = tpu.memref_squeeze %dma_wait3A_948 : memref<1x80xi32, #tpu.memory_space<hbm>> -> memref<80xi32, #tpu.memory_space<hbm>>
      %dma_wait3A_950 = arith.constant 0 : i32
      %dma_wait3A_951 = tpu.memref_slice %arg10[%dma_wait3A_939, %dma_wait3A_950] : memref<8x80xi32, #tpu.memory_space<vmem>> -> memref<1x80xi32, #tpu.memory_space<vmem>>
      %dma_wait3A_952 = tpu.memref_squeeze %dma_wait3A_951 : memref<1x80xi32, #tpu.memory_space<vmem>> -> memref<80xi32, #tpu.memory_space<vmem>>
      %dma_wait3A_953 = arith.constant 0 : i32
      %dma_wait3A_954 = arith.constant 0 : i32
      %dma_wait3A_955 = tpu.memref_slice %arg3[%add3A, %dma_wait3A_953, %dma_wait3A_954] : memref<32x125x80xi32, #tpu.memory_space<hbm>> -> memref<1x125x80xi32, #tpu.memory_space<hbm>>
      %dma_wait3A_956 = tpu.memref_squeeze %dma_wait3A_955 : memref<1x125x80xi32, #tpu.memory_space<hbm>> -> memref<125x80xi32, #tpu.memory_space<hbm>>
      %dma_wait3A_957 = arith.constant 0 : i32
      %dma_wait3A_958 = tpu.memref_slice %dma_wait3A_956[%dma_wait3A_938, %dma_wait3A_957] : memref<125x80xi32, #tpu.memory_space<hbm>> -> memref<1x80xi32, #tpu.memory_space<hbm>>
      %dma_wait3A_959 = tpu.memref_squeeze %dma_wait3A_958 : memref<1x80xi32, #tpu.memory_space<hbm>> -> memref<80xi32, #tpu.memory_space<hbm>>
      tpu.wait_dma2 semaphore(%arg33 : memref<!tpu.dma_semaphore, #tpu.memory_space<semaphore_mem>>) src(%dma_wait3A_959 : memref<80xi32, #tpu.memory_space<hbm>>) dst(%dma_wait3A_952 : memref<80xi32, #tpu.memory_space<vmem>>)
      %dma_wait3A_960 = arith.constant 0 : i32
      %dma_wait3A_961 = arith.constant 3 : i32
      %dma_wait3A_962 = arith.constant 0 : i32
      %dma_wait3A_963 = tpu.memref_slice %arg11[%dma_wait3A_961, %dma_wait3A_962] : memref<8x80xi32, #tpu.memory_space<vmem>> -> memref<1x80xi32, #tpu.memory_space<vmem>>
      %dma_wait3A_964 = tpu.memref_squeeze %dma_wait3A_963 : memref<1x80xi32, #tpu.memory_space<vmem>> -> memref<80xi32, #tpu.memory_space<vmem>>
      %dma_wait3A_965 = arith.constant 0 : i32
      %dma_wait3A_966 = arith.constant 0 : i32
      %dma_wait3A_967 = tpu.memref_slice %arg4[%add3A, %dma_wait3A_965, %dma_wait3A_966] : memref<32x125x80xi32, #tpu.memory_space<hbm>> -> memref<1x125x80xi32, #tpu.memory_space<hbm>>
      %dma_wait3A_968 = tpu.memref_squeeze %dma_wait3A_967 : memref<1x125x80xi32, #tpu.memory_space<hbm>> -> memref<125x80xi32, #tpu.memory_space<hbm>>
      %dma_wait3A_969 = arith.constant 0 : i32
      %dma_wait3A_970 = tpu.memref_slice %dma_wait3A_968[%dma_wait3A_960, %dma_wait3A_969] : memref<125x80xi32, #tpu.memory_space<hbm>> -> memref<1x80xi32, #tpu.memory_space<hbm>>
      %dma_wait3A_971 = tpu.memref_squeeze %dma_wait3A_970 : memref<1x80xi32, #tpu.memory_space<hbm>> -> memref<80xi32, #tpu.memory_space<hbm>>
      %dma_wait3A_972 = arith.constant 0 : i32
      %dma_wait3A_973 = tpu.memref_slice %arg11[%dma_wait3A_961, %dma_wait3A_972] : memref<8x80xi32, #tpu.memory_space<vmem>> -> memref<1x80xi32, #tpu.memory_space<vmem>>
      %dma_wait3A_974 = tpu.memref_squeeze %dma_wait3A_973 : memref<1x80xi32, #tpu.memory_space<vmem>> -> memref<80xi32, #tpu.memory_space<vmem>>
      %dma_wait3A_975 = arith.constant 0 : i32
      %dma_wait3A_976 = arith.constant 0 : i32
      %dma_wait3A_977 = tpu.memref_slice %arg4[%add3A, %dma_wait3A_975, %dma_wait3A_976] : memref<32x125x80xi32, #tpu.memory_space<hbm>> -> memref<1x125x80xi32, #tpu.memory_space<hbm>>
      %dma_wait3A_978 = tpu.memref_squeeze %dma_wait3A_977 : memref<1x125x80xi32, #tpu.memory_space<hbm>> -> memref<125x80xi32, #tpu.memory_space<hbm>>
      %dma_wait3A_979 = arith.constant 0 : i32
      %dma_wait3A_980 = tpu.memref_slice %dma_wait3A_978[%dma_wait3A_960, %dma_wait3A_979] : memref<125x80xi32, #tpu.memory_space<hbm>> -> memref<1x80xi32, #tpu.memory_space<hbm>>
      %dma_wait3A_981 = tpu.memref_squeeze %dma_wait3A_980 : memref<1x80xi32, #tpu.memory_space<hbm>> -> memref<80xi32, #tpu.memory_space<hbm>>
      tpu.wait_dma2 semaphore(%arg33 : memref<!tpu.dma_semaphore, #tpu.memory_space<semaphore_mem>>) src(%dma_wait3A_981 : memref<80xi32, #tpu.memory_space<hbm>>) dst(%dma_wait3A_974 : memref<80xi32, #tpu.memory_space<vmem>>)
      %dma_start3A_982 = arith.constant 3 : i32
      %dma_start3A_983 = arith.constant 0 : i32
      %dma_start3A_984 = tpu.memref_slice %arg10[%dma_start3A_982, %dma_start3A_983] : memref<8x80xi32, #tpu.memory_space<vmem>> -> memref<1x80xi32, #tpu.memory_space<vmem>>
      %dma_start3A_985 = tpu.memref_squeeze %dma_start3A_984 : memref<1x80xi32, #tpu.memory_space<vmem>> -> memref<80xi32, #tpu.memory_space<vmem>>
      %dma_start3A_986 = arith.constant 0 : i32
      %dma_start3A_987 = arith.constant 0 : i32
      %dma_start3A_988 = tpu.memref_slice %arg2[%dma_start3A_986, %dma_start3A_987] : memref<10000x128xf32, #tpu.memory_space<hbm>> -> memref<10000x128xf32, #tpu.memory_space<hbm>>
      tpu.enqueue_indirect_dma source(%dma_start3A_988 : memref<10000x128xf32, #tpu.memory_space<hbm>>) target(%arg15 : memref<80x128xf32, #tpu.memory_space<vmem>>) offsets(%dma_start3A_985 : memref<80xi32, #tpu.memory_space<vmem>>) semaphore(%arg24 : memref<!tpu.dma_semaphore, #tpu.memory_space<semaphore_mem>>)
      %mul3A_989 = arith.constant 8 : i32
      %mul3A_990 = arith.muli %scan3A_862, %mul3A_989 : i32
      %add3A_991 = arith.constant 1 : i32
      %add3A_992 = arith.addi %mul3A_990, %add3A_991 : i32
      %dma_wait3A_993 = arith.constant 0 : i32
      %dma_wait3A_994 = arith.constant 0 : i32
      %dma_wait3A_995 = tpu.memref_slice %arg10[%dma_wait3A_993, %dma_wait3A_994] : memref<8x80xi32, #tpu.memory_space<vmem>> -> memref<1x80xi32, #tpu.memory_space<vmem>>
      %dma_wait3A_996 = tpu.memref_squeeze %dma_wait3A_995 : memref<1x80xi32, #tpu.memory_space<vmem>> -> memref<80xi32, #tpu.memory_space<vmem>>
      %dma_wait3A_997 = arith.constant 0 : i32
      %dma_wait3A_998 = arith.constant 0 : i32
      %dma_wait3A_999 = tpu.memref_slice %arg2[%dma_wait3A_997, %dma_wait3A_998] : memref<10000x128xf32, #tpu.memory_space<hbm>> -> memref<10000x128xf32, #tpu.memory_space<hbm>>
      tpu.wait_indirect_dma semaphore(%arg22 : memref<!tpu.dma_semaphore, #tpu.memory_space<semaphore_mem>>) src(%dma_wait3A_999 : memref<10000x128xf32, #tpu.memory_space<hbm>>) dst(%arg13 : memref<80x128xf32, #tpu.memory_space<vmem>>)
      %dma_start3A_1000 = arith.constant 1 : i32
      %dma_start3A_1001 = arith.constant 0 : i32
      %dma_start3A_1002 = tpu.memref_slice %arg11[%dma_start3A_1000, %dma_start3A_1001] : memref<8x80xi32, #tpu.memory_space<vmem>> -> memref<1x80xi32, #tpu.memory_space<vmem>>
      %dma_start3A_1003 = tpu.memref_squeeze %dma_start3A_1002 : memref<1x80xi32, #tpu.memory_space<vmem>> -> memref<80xi32, #tpu.memory_space<vmem>>
      %dma_start3A_1004 = arith.constant 0 : i32
      %dma_start3A_1005 = arith.constant 0 : i32
      %dma_start3A_1006 = tpu.memref_slice %arg19[%dma_start3A_1004, %dma_start3A_1005] : memref<10000x128xf32, #tpu.memory_space<vmem_shared>> -> memref<10000x128xf32, #tpu.memory_space<vmem_shared>>
      tpu.enqueue_indirect_dma source(%arg13 : memref<80x128xf32, #tpu.memory_space<vmem>>) target(%dma_start3A_1006 : memref<10000x128xf32, #tpu.memory_space<vmem_shared>>) offsets(%dma_start3A_1003 : memref<80xi32, #tpu.memory_space<vmem>>) semaphore(%arg26 : memref<!tpu.dma_semaphore, #tpu.memory_space<semaphore_mem>>) {add = true}
      %dma_wait3A_1007 = arith.constant 0 : i32
      %dma_wait3A_1008 = arith.constant 0 : i32
      %dma_wait3A_1009 = tpu.memref_slice %arg11[%dma_wait3A_1007, %dma_wait3A_1008] : memref<8x80xi32, #tpu.memory_space<vmem>> -> memref<1x80xi32, #tpu.memory_space<vmem>>
      %dma_wait3A_1010 = tpu.memref_squeeze %dma_wait3A_1009 : memref<1x80xi32, #tpu.memory_space<vmem>> -> memref<80xi32, #tpu.memory_space<vmem>>
      %dma_wait3A_1011 = arith.constant 0 : i32
      %dma_wait3A_1012 = arith.constant 0 : i32
      %dma_wait3A_1013 = tpu.memref_slice %arg19[%dma_wait3A_1011, %dma_wait3A_1012] : memref<10000x128xf32, #tpu.memory_space<vmem_shared>> -> memref<10000x128xf32, #tpu.memory_space<vmem_shared>>
      tpu.wait_indirect_dma semaphore(%arg25 : memref<!tpu.dma_semaphore, #tpu.memory_space<semaphore_mem>>) src(%arg12 : memref<80x128xf32, #tpu.memory_space<vmem>>) dst(%dma_wait3A_1013 : memref<10000x128xf32, #tpu.memory_space<vmem_shared>>)
      %dma_wait3A_1014 = arith.constant 0 : i32
      %dma_wait3A_1015 = arith.constant 0 : i32
      %dma_wait3A_1016 = tpu.memref_slice %arg11[%dma_wait3A_1014, %dma_wait3A_1015] : memref<8x80xi32, #tpu.memory_space<vmem>> -> memref<1x80xi32, #tpu.memory_space<vmem>>
      %dma_wait3A_1017 = tpu.memref_squeeze %dma_wait3A_1016 : memref<1x80xi32, #tpu.memory_space<vmem>> -> memref<80xi32, #tpu.memory_space<vmem>>
      %dma_wait3A_1018 = arith.constant 0 : i32
      %dma_wait3A_1019 = arith.constant 0 : i32
      %dma_wait3A_1020 = tpu.memref_slice %arg20[%dma_wait3A_1018, %dma_wait3A_1019] : memref<10000x8xf32, #tpu.memory_space<vmem_shared>> -> memref<10000x8xf32, #tpu.memory_space<vmem_shared>>
      tpu.wait_indirect_dma semaphore(%arg29 : memref<!tpu.dma_semaphore, #tpu.memory_space<semaphore_mem>>) src(%arg16 : memref<80x8xf32, #tpu.memory_space<vmem>>) dst(%dma_wait3A_1020 : memref<10000x8xf32, #tpu.memory_space<vmem_shared>>)
      %dma_start3A_1021 = arith.constant 1 : i32
      %dma_start3A_1022 = arith.constant 0 : i32
      %dma_start3A_1023 = tpu.memref_slice %arg11[%dma_start3A_1021, %dma_start3A_1022] : memref<8x80xi32, #tpu.memory_space<vmem>> -> memref<1x80xi32, #tpu.memory_space<vmem>>
      %dma_start3A_1024 = tpu.memref_squeeze %dma_start3A_1023 : memref<1x80xi32, #tpu.memory_space<vmem>> -> memref<80xi32, #tpu.memory_space<vmem>>
      %dma_start3A_1025 = arith.constant 0 : i32
      %dma_start3A_1026 = arith.constant 0 : i32
      %dma_start3A_1027 = tpu.memref_slice %arg20[%dma_start3A_1025, %dma_start3A_1026] : memref<10000x8xf32, #tpu.memory_space<vmem_shared>> -> memref<10000x8xf32, #tpu.memory_space<vmem_shared>>
      tpu.enqueue_indirect_dma source(%arg16 : memref<80x8xf32, #tpu.memory_space<vmem>>) target(%dma_start3A_1027 : memref<10000x8xf32, #tpu.memory_space<vmem_shared>>) offsets(%dma_start3A_1024 : memref<80xi32, #tpu.memory_space<vmem>>) semaphore(%arg29 : memref<!tpu.dma_semaphore, #tpu.memory_space<semaphore_mem>>) {add = true}
      %add3A_1028 = arith.constant 8 : i32
      %add3A_1029 = arith.addi %add3A_992, %add3A_1028 : i32
      %sub3A_1030 = arith.constant 1 : i32
      %sub3A_1031 = arith.subi %add3A_1029, %sub3A_1030 : i32
      %min3A_1032 = arith.constant 124 : i32
      %min3A_1033 = arith.minsi %sub3A_1031, %min3A_1032 : i32
      %dma_start3A_1034 = arith.constant 0 : i32
      %dma_start3A_1035 = arith.constant 0 : i32
      %dma_start3A_1036 = tpu.memref_slice %arg10[%dma_start3A_1034, %dma_start3A_1035] : memref<8x80xi32, #tpu.memory_space<vmem>> -> memref<1x80xi32, #tpu.memory_space<vmem>>
      %dma_start3A_1037 = tpu.memref_squeeze %dma_start3A_1036 : memref<1x80xi32, #tpu.memory_space<vmem>> -> memref<80xi32, #tpu.memory_space<vmem>>
      %dma_start3A_1038 = arith.constant 0 : i32
      %dma_start3A_1039 = arith.constant 0 : i32
      %dma_start3A_1040 = tpu.memref_slice %arg3[%add3A, %dma_start3A_1038, %dma_start3A_1039] : memref<32x125x80xi32, #tpu.memory_space<hbm>> -> memref<1x125x80xi32, #tpu.memory_space<hbm>>
      %dma_start3A_1041 = tpu.memref_squeeze %dma_start3A_1040 : memref<1x125x80xi32, #tpu.memory_space<hbm>> -> memref<125x80xi32, #tpu.memory_space<hbm>>
      %dma_start3A_1042 = arith.constant 0 : i32
      %dma_start3A_1043 = tpu.memref_slice %dma_start3A_1041[%min3A_1033, %dma_start3A_1042] : memref<125x80xi32, #tpu.memory_space<hbm>> -> memref<1x80xi32, #tpu.memory_space<hbm>>
      %dma_start3A_1044 = tpu.memref_squeeze %dma_start3A_1043 : memref<1x80xi32, #tpu.memory_space<hbm>> -> memref<80xi32, #tpu.memory_space<hbm>>
      %dma_start3A_1045 = arith.constant 0 : i32
      %dma_start3A_1046 = tpu.memref_slice %arg10[%dma_start3A_1034, %dma_start3A_1045] : memref<8x80xi32, #tpu.memory_space<vmem>> -> memref<1x80xi32, #tpu.memory_space<vmem>>
      %dma_start3A_1047 = tpu.memref_squeeze %dma_start3A_1046 : memref<1x80xi32, #tpu.memory_space<vmem>> -> memref<80xi32, #tpu.memory_space<vmem>>
      %dma_start3A_1048 = arith.constant 0 : i32
      %dma_start3A_1049 = arith.constant 0 : i32
      %dma_start3A_1050 = tpu.memref_slice %arg3[%add3A, %dma_start3A_1048, %dma_start3A_1049] : memref<32x125x80xi32, #tpu.memory_space<hbm>> -> memref<1x125x80xi32, #tpu.memory_space<hbm>>
      %dma_start3A_1051 = tpu.memref_squeeze %dma_start3A_1050 : memref<1x125x80xi32, #tpu.memory_space<hbm>> -> memref<125x80xi32, #tpu.memory_space<hbm>>
      %dma_start3A_1052 = arith.constant 0 : i32
      %dma_start3A_1053 = tpu.memref_slice %dma_start3A_1051[%min3A_1033, %dma_start3A_1052] : memref<125x80xi32, #tpu.memory_space<hbm>> -> memref<1x80xi32, #tpu.memory_space<hbm>>
      %dma_start3A_1054 = tpu.memref_squeeze %dma_start3A_1053 : memref<1x80xi32, #tpu.memory_space<hbm>> -> memref<80xi32, #tpu.memory_space<hbm>>
      tpu.enqueue_dma source(%dma_start3A_1054 : memref<80xi32, #tpu.memory_space<hbm>>) target(%dma_start3A_1047 : memref<80xi32, #tpu.memory_space<vmem>>) target_semaphore(%arg30 : memref<!tpu.dma_semaphore, #tpu.memory_space<semaphore_mem>>)
      %dma_start3A_1055 = arith.constant 0 : i32
      %dma_start3A_1056 = arith.constant 0 : i32
      %dma_start3A_1057 = tpu.memref_slice %arg11[%dma_start3A_1055, %dma_start3A_1056] : memref<8x80xi32, #tpu.memory_space<vmem>> -> memref<1x80xi32, #tpu.memory_space<vmem>>
      %dma_start3A_1058 = tpu.memref_squeeze %dma_start3A_1057 : memref<1x80xi32, #tpu.memory_space<vmem>> -> memref<80xi32, #tpu.memory_space<vmem>>
      %dma_start3A_1059 = arith.constant 0 : i32
      %dma_start3A_1060 = arith.constant 0 : i32
      %dma_start3A_1061 = tpu.memref_slice %arg4[%add3A, %dma_start3A_1059, %dma_start3A_1060] : memref<32x125x80xi32, #tpu.memory_space<hbm>> -> memref<1x125x80xi32, #tpu.memory_space<hbm>>
      %dma_start3A_1062 = tpu.memref_squeeze %dma_start3A_1061 : memref<1x125x80xi32, #tpu.memory_space<hbm>> -> memref<125x80xi32, #tpu.memory_space<hbm>>
      %dma_start3A_1063 = arith.constant 0 : i32
      %dma_start3A_1064 = tpu.memref_slice %dma_start3A_1062[%min3A_1033, %dma_start3A_1063] : memref<125x80xi32, #tpu.memory_space<hbm>> -> memref<1x80xi32, #tpu.memory_space<hbm>>
      %dma_start3A_1065 = tpu.memref_squeeze %dma_start3A_1064 : memref<1x80xi32, #tpu.memory_space<hbm>> -> memref<80xi32, #tpu.memory_space<hbm>>
      %dma_start3A_1066 = arith.constant 0 : i32
      %dma_start3A_1067 = tpu.memref_slice %arg11[%dma_start3A_1055, %dma_start3A_1066] : memref<8x80xi32, #tpu.memory_space<vmem>> -> memref<1x80xi32, #tpu.memory_space<vmem>>
      %dma_start3A_1068 = tpu.memref_squeeze %dma_start3A_1067 : memref<1x80xi32, #tpu.memory_space<vmem>> -> memref<80xi32, #tpu.memory_space<vmem>>
      %dma_start3A_1069 = arith.constant 0 : i32
      %dma_start3A_1070 = arith.constant 0 : i32
      %dma_start3A_1071 = tpu.memref_slice %arg4[%add3A, %dma_start3A_1069, %dma_start3A_1070] : memref<32x125x80xi32, #tpu.memory_space<hbm>> -> memref<1x125x80xi32, #tpu.memory_space<hbm>>
      %dma_start3A_1072 = tpu.memref_squeeze %dma_start3A_1071 : memref<1x125x80xi32, #tpu.memory_space<hbm>> -> memref<125x80xi32, #tpu.memory_space<hbm>>
      %dma_start3A_1073 = arith.constant 0 : i32
      %dma_start3A_1074 = tpu.memref_slice %dma_start3A_1072[%min3A_1033, %dma_start3A_1073] : memref<125x80xi32, #tpu.memory_space<hbm>> -> memref<1x80xi32, #tpu.memory_space<hbm>>
      %dma_start3A_1075 = tpu.memref_squeeze %dma_start3A_1074 : memref<1x80xi32, #tpu.memory_space<hbm>> -> memref<80xi32, #tpu.memory_space<hbm>>
      tpu.enqueue_dma source(%dma_start3A_1075 : memref<80xi32, #tpu.memory_space<hbm>>) target(%dma_start3A_1068 : memref<80xi32, #tpu.memory_space<vmem>>) target_semaphore(%arg30 : memref<!tpu.dma_semaphore, #tpu.memory_space<semaphore_mem>>)
      %dma_wait3A_1076 = arith.constant 0 : i32
      %dma_wait3A_1077 = arith.constant 4 : i32
      %dma_wait3A_1078 = arith.constant 0 : i32
      %dma_wait3A_1079 = tpu.memref_slice %arg10[%dma_wait3A_1077, %dma_wait3A_1078] : memref<8x80xi32, #tpu.memory_space<vmem>> -> memref<1x80xi32, #tpu.memory_space<vmem>>
      %dma_wait3A_1080 = tpu.memref_squeeze %dma_wait3A_1079 : memref<1x80xi32, #tpu.memory_space<vmem>> -> memref<80xi32, #tpu.memory_space<vmem>>
      %dma_wait3A_1081 = arith.constant 0 : i32
      %dma_wait3A_1082 = arith.constant 0 : i32
      %dma_wait3A_1083 = tpu.memref_slice %arg3[%add3A, %dma_wait3A_1081, %dma_wait3A_1082] : memref<32x125x80xi32, #tpu.memory_space<hbm>> -> memref<1x125x80xi32, #tpu.memory_space<hbm>>
      %dma_wait3A_1084 = tpu.memref_squeeze %dma_wait3A_1083 : memref<1x125x80xi32, #tpu.memory_space<hbm>> -> memref<125x80xi32, #tpu.memory_space<hbm>>
      %dma_wait3A_1085 = arith.constant 0 : i32
      %dma_wait3A_1086 = tpu.memref_slice %dma_wait3A_1084[%dma_wait3A_1076, %dma_wait3A_1085] : memref<125x80xi32, #tpu.memory_space<hbm>> -> memref<1x80xi32, #tpu.memory_space<hbm>>
      %dma_wait3A_1087 = tpu.memref_squeeze %dma_wait3A_1086 : memref<1x80xi32, #tpu.memory_space<hbm>> -> memref<80xi32, #tpu.memory_space<hbm>>
      %dma_wait3A_1088 = arith.constant 0 : i32
      %dma_wait3A_1089 = tpu.memref_slice %arg10[%dma_wait3A_1077, %dma_wait3A_1088] : memref<8x80xi32, #tpu.memory_space<vmem>> -> memref<1x80xi32, #tpu.memory_space<vmem>>
      %dma_wait3A_1090 = tpu.memref_squeeze %dma_wait3A_1089 : memref<1x80xi32, #tpu.memory_space<vmem>> -> memref<80xi32, #tpu.memory_space<vmem>>
      %dma_wait3A_1091 = arith.constant 0 : i32
      %dma_wait3A_1092 = arith.constant 0 : i32
      %dma_wait3A_1093 = tpu.memref_slice %arg3[%add3A, %dma_wait3A_1091, %dma_wait3A_1092] : memref<32x125x80xi32, #tpu.memory_space<hbm>> -> memref<1x125x80xi32, #tpu.memory_space<hbm>>
      %dma_wait3A_1094 = tpu.memref_squeeze %dma_wait3A_1093 : memref<1x125x80xi32, #tpu.memory_space<hbm>> -> memref<125x80xi32, #tpu.memory_space<hbm>>
      %dma_wait3A_1095 = arith.constant 0 : i32
      %dma_wait3A_1096 = tpu.memref_slice %dma_wait3A_1094[%dma_wait3A_1076, %dma_wait3A_1095] : memref<125x80xi32, #tpu.memory_space<hbm>> -> memref<1x80xi32, #tpu.memory_space<hbm>>
      %dma_wait3A_1097 = tpu.memref_squeeze %dma_wait3A_1096 : memref<1x80xi32, #tpu.memory_space<hbm>> -> memref<80xi32, #tpu.memory_space<hbm>>
      tpu.wait_dma2 semaphore(%arg34 : memref<!tpu.dma_semaphore, #tpu.memory_space<semaphore_mem>>) src(%dma_wait3A_1097 : memref<80xi32, #tpu.memory_space<hbm>>) dst(%dma_wait3A_1090 : memref<80xi32, #tpu.memory_space<vmem>>)
      %dma_wait3A_1098 = arith.constant 0 : i32
      %dma_wait3A_1099 = arith.constant 4 : i32
      %dma_wait3A_1100 = arith.constant 0 : i32
      %dma_wait3A_1101 = tpu.memref_slice %arg11[%dma_wait3A_1099, %dma_wait3A_1100] : memref<8x80xi32, #tpu.memory_space<vmem>> -> memref<1x80xi32, #tpu.memory_space<vmem>>
      %dma_wait3A_1102 = tpu.memref_squeeze %dma_wait3A_1101 : memref<1x80xi32, #tpu.memory_space<vmem>> -> memref<80xi32, #tpu.memory_space<vmem>>
      %dma_wait3A_1103 = arith.constant 0 : i32
      %dma_wait3A_1104 = arith.constant 0 : i32
      %dma_wait3A_1105 = tpu.memref_slice %arg4[%add3A, %dma_wait3A_1103, %dma_wait3A_1104] : memref<32x125x80xi32, #tpu.memory_space<hbm>> -> memref<1x125x80xi32, #tpu.memory_space<hbm>>
      %dma_wait3A_1106 = tpu.memref_squeeze %dma_wait3A_1105 : memref<1x125x80xi32, #tpu.memory_space<hbm>> -> memref<125x80xi32, #tpu.memory_space<hbm>>
      %dma_wait3A_1107 = arith.constant 0 : i32
      %dma_wait3A_1108 = tpu.memref_slice %dma_wait3A_1106[%dma_wait3A_1098, %dma_wait3A_1107] : memref<125x80xi32, #tpu.memory_space<hbm>> -> memref<1x80xi32, #tpu.memory_space<hbm>>
      %dma_wait3A_1109 = tpu.memref_squeeze %dma_wait3A_1108 : memref<1x80xi32, #tpu.memory_space<hbm>> -> memref<80xi32, #tpu.memory_space<hbm>>
      %dma_wait3A_1110 = arith.constant 0 : i32
      %dma_wait3A_1111 = tpu.memref_slice %arg11[%dma_wait3A_1099, %dma_wait3A_1110] : memref<8x80xi32, #tpu.memory_space<vmem>> -> memref<1x80xi32, #tpu.memory_space<vmem>>
      %dma_wait3A_1112 = tpu.memref_squeeze %dma_wait3A_1111 : memref<1x80xi32, #tpu.memory_space<vmem>> -> memref<80xi32, #tpu.memory_space<vmem>>
      %dma_wait3A_1113 = arith.constant 0 : i32
      %dma_wait3A_1114 = arith.constant 0 : i32
      %dma_wait3A_1115 = tpu.memref_slice %arg4[%add3A, %dma_wait3A_1113, %dma_wait3A_1114] : memref<32x125x80xi32, #tpu.memory_space<hbm>> -> memref<1x125x80xi32, #tpu.memory_space<hbm>>
      %dma_wait3A_1116 = tpu.memref_squeeze %dma_wait3A_1115 : memref<1x125x80xi32, #tpu.memory_space<hbm>> -> memref<125x80xi32, #tpu.memory_space<hbm>>
      %dma_wait3A_1117 = arith.constant 0 : i32
      %dma_wait3A_1118 = tpu.memref_slice %dma_wait3A_1116[%dma_wait3A_1098, %dma_wait3A_1117] : memref<125x80xi32, #tpu.memory_space<hbm>> -> memref<1x80xi32, #tpu.memory_space<hbm>>
      %dma_wait3A_1119 = tpu.memref_squeeze %dma_wait3A_1118 : memref<1x80xi32, #tpu.memory_space<hbm>> -> memref<80xi32, #tpu.memory_space<hbm>>
      tpu.wait_dma2 semaphore(%arg34 : memref<!tpu.dma_semaphore, #tpu.memory_space<semaphore_mem>>) src(%dma_wait3A_1119 : memref<80xi32, #tpu.memory_space<hbm>>) dst(%dma_wait3A_1112 : memref<80xi32, #tpu.memory_space<vmem>>)
      %dma_start3A_1120 = arith.constant 4 : i32
      %dma_start3A_1121 = arith.constant 0 : i32
      %dma_start3A_1122 = tpu.memref_slice %arg10[%dma_start3A_1120, %dma_start3A_1121] : memref<8x80xi32, #tpu.memory_space<vmem>> -> memref<1x80xi32, #tpu.memory_space<vmem>>
      %dma_start3A_1123 = tpu.memref_squeeze %dma_start3A_1122 : memref<1x80xi32, #tpu.memory_space<vmem>> -> memref<80xi32, #tpu.memory_space<vmem>>
      %dma_start3A_1124 = arith.constant 0 : i32
      %dma_start3A_1125 = arith.constant 0 : i32
      %dma_start3A_1126 = tpu.memref_slice %arg2[%dma_start3A_1124, %dma_start3A_1125] : memref<10000x128xf32, #tpu.memory_space<hbm>> -> memref<10000x128xf32, #tpu.memory_space<hbm>>
      tpu.enqueue_indirect_dma source(%dma_start3A_1126 : memref<10000x128xf32, #tpu.memory_space<hbm>>) target(%arg12 : memref<80x128xf32, #tpu.memory_space<vmem>>) offsets(%dma_start3A_1123 : memref<80xi32, #tpu.memory_space<vmem>>) semaphore(%arg21 : memref<!tpu.dma_semaphore, #tpu.memory_space<semaphore_mem>>)
      %mul3A_1127 = arith.constant 8 : i32
      %mul3A_1128 = arith.muli %scan3A_862, %mul3A_1127 : i32
      %add3A_1129 = arith.constant 2 : i32
      %add3A_1130 = arith.addi %mul3A_1128, %add3A_1129 : i32
      %dma_wait3A_1131 = arith.constant 0 : i32
      %dma_wait3A_1132 = arith.constant 0 : i32
      %dma_wait3A_1133 = tpu.memref_slice %arg10[%dma_wait3A_1131, %dma_wait3A_1132] : memref<8x80xi32, #tpu.memory_space<vmem>> -> memref<1x80xi32, #tpu.memory_space<vmem>>
      %dma_wait3A_1134 = tpu.memref_squeeze %dma_wait3A_1133 : memref<1x80xi32, #tpu.memory_space<vmem>> -> memref<80xi32, #tpu.memory_space<vmem>>
      %dma_wait3A_1135 = arith.constant 0 : i32
      %dma_wait3A_1136 = arith.constant 0 : i32
      %dma_wait3A_1137 = tpu.memref_slice %arg2[%dma_wait3A_1135, %dma_wait3A_1136] : memref<10000x128xf32, #tpu.memory_space<hbm>> -> memref<10000x128xf32, #tpu.memory_space<hbm>>
      tpu.wait_indirect_dma semaphore(%arg23 : memref<!tpu.dma_semaphore, #tpu.memory_space<semaphore_mem>>) src(%dma_wait3A_1137 : memref<10000x128xf32, #tpu.memory_space<hbm>>) dst(%arg14 : memref<80x128xf32, #tpu.memory_space<vmem>>)
      %dma_start3A_1138 = arith.constant 2 : i32
      %dma_start3A_1139 = arith.constant 0 : i32
      %dma_start3A_1140 = tpu.memref_slice %arg11[%dma_start3A_1138, %dma_start3A_1139] : memref<8x80xi32, #tpu.memory_space<vmem>> -> memref<1x80xi32, #tpu.memory_space<vmem>>
      %dma_start3A_1141 = tpu.memref_squeeze %dma_start3A_1140 : memref<1x80xi32, #tpu.memory_space<vmem>> -> memref<80xi32, #tpu.memory_space<vmem>>
      %dma_start3A_1142 = arith.constant 0 : i32
      %dma_start3A_1143 = arith.constant 0 : i32
      %dma_start3A_1144 = tpu.memref_slice %arg19[%dma_start3A_1142, %dma_start3A_1143] : memref<10000x128xf32, #tpu.memory_space<vmem_shared>> -> memref<10000x128xf32, #tpu.memory_space<vmem_shared>>
      tpu.enqueue_indirect_dma source(%arg14 : memref<80x128xf32, #tpu.memory_space<vmem>>) target(%dma_start3A_1144 : memref<10000x128xf32, #tpu.memory_space<vmem_shared>>) offsets(%dma_start3A_1141 : memref<80xi32, #tpu.memory_space<vmem>>) semaphore(%arg27 : memref<!tpu.dma_semaphore, #tpu.memory_space<semaphore_mem>>) {add = true}
      %dma_wait3A_1145 = arith.constant 0 : i32
      %dma_wait3A_1146 = arith.constant 0 : i32
      %dma_wait3A_1147 = tpu.memref_slice %arg11[%dma_wait3A_1145, %dma_wait3A_1146] : memref<8x80xi32, #tpu.memory_space<vmem>> -> memref<1x80xi32, #tpu.memory_space<vmem>>
      %dma_wait3A_1148 = tpu.memref_squeeze %dma_wait3A_1147 : memref<1x80xi32, #tpu.memory_space<vmem>> -> memref<80xi32, #tpu.memory_space<vmem>>
      %dma_wait3A_1149 = arith.constant 0 : i32
      %dma_wait3A_1150 = arith.constant 0 : i32
      %dma_wait3A_1151 = tpu.memref_slice %arg19[%dma_wait3A_1149, %dma_wait3A_1150] : memref<10000x128xf32, #tpu.memory_space<vmem_shared>> -> memref<10000x128xf32, #tpu.memory_space<vmem_shared>>
      tpu.wait_indirect_dma semaphore(%arg26 : memref<!tpu.dma_semaphore, #tpu.memory_space<semaphore_mem>>) src(%arg13 : memref<80x128xf32, #tpu.memory_space<vmem>>) dst(%dma_wait3A_1151 : memref<10000x128xf32, #tpu.memory_space<vmem_shared>>)
      %dma_wait3A_1152 = arith.constant 0 : i32
      %dma_wait3A_1153 = arith.constant 0 : i32
      %dma_wait3A_1154 = tpu.memref_slice %arg11[%dma_wait3A_1152, %dma_wait3A_1153] : memref<8x80xi32, #tpu.memory_space<vmem>> -> memref<1x80xi32, #tpu.memory_space<vmem>>
      %dma_wait3A_1155 = tpu.memref_squeeze %dma_wait3A_1154 : memref<1x80xi32, #tpu.memory_space<vmem>> -> memref<80xi32, #tpu.memory_space<vmem>>
      %dma_wait3A_1156 = arith.constant 0 : i32
      %dma_wait3A_1157 = arith.constant 0 : i32
      %dma_wait3A_1158 = tpu.memref_slice %arg20[%dma_wait3A_1156, %dma_wait3A_1157] : memref<10000x8xf32, #tpu.memory_space<vmem_shared>> -> memref<10000x8xf32, #tpu.memory_space<vmem_shared>>
      tpu.wait_indirect_dma semaphore(%arg29 : memref<!tpu.dma_semaphore, #tpu.memory_space<semaphore_mem>>) src(%arg16 : memref<80x8xf32, #tpu.memory_space<vmem>>) dst(%dma_wait3A_1158 : memref<10000x8xf32, #tpu.memory_space<vmem_shared>>)
      %dma_start3A_1159 = arith.constant 2 : i32
      %dma_start3A_1160 = arith.constant 0 : i32
      %dma_start3A_1161 = tpu.memref_slice %arg11[%dma_start3A_1159, %dma_start3A_1160] : memref<8x80xi32, #tpu.memory_space<vmem>> -> memref<1x80xi32, #tpu.memory_space<vmem>>
      %dma_start3A_1162 = tpu.memref_squeeze %dma_start3A_1161 : memref<1x80xi32, #tpu.memory_space<vmem>> -> memref<80xi32, #tpu.memory_space<vmem>>
      %dma_start3A_1163 = arith.constant 0 : i32
      %dma_start3A_1164 = arith.constant 0 : i32
      %dma_start3A_1165 = tpu.memref_slice %arg20[%dma_start3A_1163, %dma_start3A_1164] : memref<10000x8xf32, #tpu.memory_space<vmem_shared>> -> memref<10000x8xf32, #tpu.memory_space<vmem_shared>>
      tpu.enqueue_indirect_dma source(%arg16 : memref<80x8xf32, #tpu.memory_space<vmem>>) target(%dma_start3A_1165 : memref<10000x8xf32, #tpu.memory_space<vmem_shared>>) offsets(%dma_start3A_1162 : memref<80xi32, #tpu.memory_space<vmem>>) semaphore(%arg29 : memref<!tpu.dma_semaphore, #tpu.memory_space<semaphore_mem>>) {add = true}
      %add3A_1166 = arith.constant 8 : i32
      %add3A_1167 = arith.addi %add3A_1130, %add3A_1166 : i32
      %sub3A_1168 = arith.constant 1 : i32
      %sub3A_1169 = arith.subi %add3A_1167, %sub3A_1168 : i32
      %min3A_1170 = arith.constant 124 : i32
      %min3A_1171 = arith.minsi %sub3A_1169, %min3A_1170 : i32
      %dma_start3A_1172 = arith.constant 1 : i32
      %dma_start3A_1173 = arith.constant 0 : i32
      %dma_start3A_1174 = tpu.memref_slice %arg10[%dma_start3A_1172, %dma_start3A_1173] : memref<8x80xi32, #tpu.memory_space<vmem>> -> memref<1x80xi32, #tpu.memory_space<vmem>>
      %dma_start3A_1175 = tpu.memref_squeeze %dma_start3A_1174 : memref<1x80xi32, #tpu.memory_space<vmem>> -> memref<80xi32, #tpu.memory_space<vmem>>
      %dma_start3A_1176 = arith.constant 0 : i32
      %dma_start3A_1177 = arith.constant 0 : i32
      %dma_start3A_1178 = tpu.memref_slice %arg3[%add3A, %dma_start3A_1176, %dma_start3A_1177] : memref<32x125x80xi32, #tpu.memory_space<hbm>> -> memref<1x125x80xi32, #tpu.memory_space<hbm>>
      %dma_start3A_1179 = tpu.memref_squeeze %dma_start3A_1178 : memref<1x125x80xi32, #tpu.memory_space<hbm>> -> memref<125x80xi32, #tpu.memory_space<hbm>>
      %dma_start3A_1180 = arith.constant 0 : i32
      %dma_start3A_1181 = tpu.memref_slice %dma_start3A_1179[%min3A_1171, %dma_start3A_1180] : memref<125x80xi32, #tpu.memory_space<hbm>> -> memref<1x80xi32, #tpu.memory_space<hbm>>
      %dma_start3A_1182 = tpu.memref_squeeze %dma_start3A_1181 : memref<1x80xi32, #tpu.memory_space<hbm>> -> memref<80xi32, #tpu.memory_space<hbm>>
      %dma_start3A_1183 = arith.constant 0 : i32
      %dma_start3A_1184 = tpu.memref_slice %arg10[%dma_start3A_1172, %dma_start3A_1183] : memref<8x80xi32, #tpu.memory_space<vmem>> -> memref<1x80xi32, #tpu.memory_space<vmem>>
      %dma_start3A_1185 = tpu.memref_squeeze %dma_start3A_1184 : memref<1x80xi32, #tpu.memory_space<vmem>> -> memref<80xi32, #tpu.memory_space<vmem>>
      %dma_start3A_1186 = arith.constant 0 : i32
      %dma_start3A_1187 = arith.constant 0 : i32
      %dma_start3A_1188 = tpu.memref_slice %arg3[%add3A, %dma_start3A_1186, %dma_start3A_1187] : memref<32x125x80xi32, #tpu.memory_space<hbm>> -> memref<1x125x80xi32, #tpu.memory_space<hbm>>
      %dma_start3A_1189 = tpu.memref_squeeze %dma_start3A_1188 : memref<1x125x80xi32, #tpu.memory_space<hbm>> -> memref<125x80xi32, #tpu.memory_space<hbm>>
      %dma_start3A_1190 = arith.constant 0 : i32
      %dma_start3A_1191 = tpu.memref_slice %dma_start3A_1189[%min3A_1171, %dma_start3A_1190] : memref<125x80xi32, #tpu.memory_space<hbm>> -> memref<1x80xi32, #tpu.memory_space<hbm>>
      %dma_start3A_1192 = tpu.memref_squeeze %dma_start3A_1191 : memref<1x80xi32, #tpu.memory_space<hbm>> -> memref<80xi32, #tpu.memory_space<hbm>>
      tpu.enqueue_dma source(%dma_start3A_1192 : memref<80xi32, #tpu.memory_space<hbm>>) target(%dma_start3A_1185 : memref<80xi32, #tpu.memory_space<vmem>>) target_semaphore(%arg31 : memref<!tpu.dma_semaphore, #tpu.memory_space<semaphore_mem>>)
      %dma_start3A_1193 = arith.constant 1 : i32
      %dma_start3A_1194 = arith.constant 0 : i32
      %dma_start3A_1195 = tpu.memref_slice %arg11[%dma_start3A_1193, %dma_start3A_1194] : memref<8x80xi32, #tpu.memory_space<vmem>> -> memref<1x80xi32, #tpu.memory_space<vmem>>
      %dma_start3A_1196 = tpu.memref_squeeze %dma_start3A_1195 : memref<1x80xi32, #tpu.memory_space<vmem>> -> memref<80xi32, #tpu.memory_space<vmem>>
      %dma_start3A_1197 = arith.constant 0 : i32
      %dma_start3A_1198 = arith.constant 0 : i32
      %dma_start3A_1199 = tpu.memref_slice %arg4[%add3A, %dma_start3A_1197, %dma_start3A_1198] : memref<32x125x80xi32, #tpu.memory_space<hbm>> -> memref<1x125x80xi32, #tpu.memory_space<hbm>>
      %dma_start3A_1200 = tpu.memref_squeeze %dma_start3A_1199 : memref<1x125x80xi32, #tpu.memory_space<hbm>> -> memref<125x80xi32, #tpu.memory_space<hbm>>
      %dma_start3A_1201 = arith.constant 0 : i32
      %dma_start3A_1202 = tpu.memref_slice %dma_start3A_1200[%min3A_1171, %dma_start3A_1201] : memref<125x80xi32, #tpu.memory_space<hbm>> -> memref<1x80xi32, #tpu.memory_space<hbm>>
      %dma_start3A_1203 = tpu.memref_squeeze %dma_start3A_1202 : memref<1x80xi32, #tpu.memory_space<hbm>> -> memref<80xi32, #tpu.memory_space<hbm>>
      %dma_start3A_1204 = arith.constant 0 : i32
      %dma_start3A_1205 = tpu.memref_slice %arg11[%dma_start3A_1193, %dma_start3A_1204] : memref<8x80xi32, #tpu.memory_space<vmem>> -> memref<1x80xi32, #tpu.memory_space<vmem>>
      %dma_start3A_1206 = tpu.memref_squeeze %dma_start3A_1205 : memref<1x80xi32, #tpu.memory_space<vmem>> -> memref<80xi32, #tpu.memory_space<vmem>>
      %dma_start3A_1207 = arith.constant 0 : i32
      %dma_start3A_1208 = arith.constant 0 : i32
      %dma_start3A_1209 = tpu.memref_slice %arg4[%add3A, %dma_start3A_1207, %dma_start3A_1208] : memref<32x125x80xi32, #tpu.memory_space<hbm>> -> memref<1x125x80xi32, #tpu.memory_space<hbm>>
      %dma_start3A_1210 = tpu.memref_squeeze %dma_start3A_1209 : memref<1x125x80xi32, #tpu.memory_space<hbm>> -> memref<125x80xi32, #tpu.memory_space<hbm>>
      %dma_start3A_1211 = arith.constant 0 : i32
      %dma_start3A_1212 = tpu.memref_slice %dma_start3A_1210[%min3A_1171, %dma_start3A_1211] : memref<125x80xi32, #tpu.memory_space<hbm>> -> memref<1x80xi32, #tpu.memory_space<hbm>>
      %dma_start3A_1213 = tpu.memref_squeeze %dma_start3A_1212 : memref<1x80xi32, #tpu.memory_space<hbm>> -> memref<80xi32, #tpu.memory_space<hbm>>
      tpu.enqueue_dma source(%dma_start3A_1213 : memref<80xi32, #tpu.memory_space<hbm>>) target(%dma_start3A_1206 : memref<80xi32, #tpu.memory_space<vmem>>) target_semaphore(%arg31 : memref<!tpu.dma_semaphore, #tpu.memory_space<semaphore_mem>>)
      %dma_wait3A_1214 = arith.constant 0 : i32
      %dma_wait3A_1215 = arith.constant 5 : i32
      %dma_wait3A_1216 = arith.constant 0 : i32
      %dma_wait3A_1217 = tpu.memref_slice %arg10[%dma_wait3A_1215, %dma_wait3A_1216] : memref<8x80xi32, #tpu.memory_space<vmem>> -> memref<1x80xi32, #tpu.memory_space<vmem>>
      %dma_wait3A_1218 = tpu.memref_squeeze %dma_wait3A_1217 : memref<1x80xi32, #tpu.memory_space<vmem>> -> memref<80xi32, #tpu.memory_space<vmem>>
      %dma_wait3A_1219 = arith.constant 0 : i32
      %dma_wait3A_1220 = arith.constant 0 : i32
      %dma_wait3A_1221 = tpu.memref_slice %arg3[%add3A, %dma_wait3A_1219, %dma_wait3A_1220] : memref<32x125x80xi32, #tpu.memory_space<hbm>> -> memref<1x125x80xi32, #tpu.memory_space<hbm>>
      %dma_wait3A_1222 = tpu.memref_squeeze %dma_wait3A_1221 : memref<1x125x80xi32, #tpu.memory_space<hbm>> -> memref<125x80xi32, #tpu.memory_space<hbm>>
      %dma_wait3A_1223 = arith.constant 0 : i32
      %dma_wait3A_1224 = tpu.memref_slice %dma_wait3A_1222[%dma_wait3A_1214, %dma_wait3A_1223] : memref<125x80xi32, #tpu.memory_space<hbm>> -> memref<1x80xi32, #tpu.memory_space<hbm>>
      %dma_wait3A_1225 = tpu.memref_squeeze %dma_wait3A_1224 : memref<1x80xi32, #tpu.memory_space<hbm>> -> memref<80xi32, #tpu.memory_space<hbm>>
      %dma_wait3A_1226 = arith.constant 0 : i32
      %dma_wait3A_1227 = tpu.memref_slice %arg10[%dma_wait3A_1215, %dma_wait3A_1226] : memref<8x80xi32, #tpu.memory_space<vmem>> -> memref<1x80xi32, #tpu.memory_space<vmem>>
      %dma_wait3A_1228 = tpu.memref_squeeze %dma_wait3A_1227 : memref<1x80xi32, #tpu.memory_space<vmem>> -> memref<80xi32, #tpu.memory_space<vmem>>
      %dma_wait3A_1229 = arith.constant 0 : i32
      %dma_wait3A_1230 = arith.constant 0 : i32
      %dma_wait3A_1231 = tpu.memref_slice %arg3[%add3A, %dma_wait3A_1229, %dma_wait3A_1230] : memref<32x125x80xi32, #tpu.memory_space<hbm>> -> memref<1x125x80xi32, #tpu.memory_space<hbm>>
      %dma_wait3A_1232 = tpu.memref_squeeze %dma_wait3A_1231 : memref<1x125x80xi32, #tpu.memory_space<hbm>> -> memref<125x80xi32, #tpu.memory_space<hbm>>
      %dma_wait3A_1233 = arith.constant 0 : i32
      %dma_wait3A_1234 = tpu.memref_slice %dma_wait3A_1232[%dma_wait3A_1214, %dma_wait3A_1233] : memref<125x80xi32, #tpu.memory_space<hbm>> -> memref<1x80xi32, #tpu.memory_space<hbm>>
      %dma_wait3A_1235 = tpu.memref_squeeze %dma_wait3A_1234 : memref<1x80xi32, #tpu.memory_space<hbm>> -> memref<80xi32, #tpu.memory_space<hbm>>
      tpu.wait_dma2 semaphore(%arg35 : memref<!tpu.dma_semaphore, #tpu.memory_space<semaphore_mem>>) src(%dma_wait3A_1235 : memref<80xi32, #tpu.memory_space<hbm>>) dst(%dma_wait3A_1228 : memref<80xi32, #tpu.memory_space<vmem>>)
      %dma_wait3A_1236 = arith.constant 0 : i32
      %dma_wait3A_1237 = arith.constant 5 : i32
      %dma_wait3A_1238 = arith.constant 0 : i32
      %dma_wait3A_1239 = tpu.memref_slice %arg11[%dma_wait3A_1237, %dma_wait3A_1238] : memref<8x80xi32, #tpu.memory_space<vmem>> -> memref<1x80xi32, #tpu.memory_space<vmem>>
      %dma_wait3A_1240 = tpu.memref_squeeze %dma_wait3A_1239 : memref<1x80xi32, #tpu.memory_space<vmem>> -> memref<80xi32, #tpu.memory_space<vmem>>
      %dma_wait3A_1241 = arith.constant 0 : i32
      %dma_wait3A_1242 = arith.constant 0 : i32
      %dma_wait3A_1243 = tpu.memref_slice %arg4[%add3A, %dma_wait3A_1241, %dma_wait3A_1242] : memref<32x125x80xi32, #tpu.memory_space<hbm>> -> memref<1x125x80xi32, #tpu.memory_space<hbm>>
      %dma_wait3A_1244 = tpu.memref_squeeze %dma_wait3A_1243 : memref<1x125x80xi32, #tpu.memory_space<hbm>> -> memref<125x80xi32, #tpu.memory_space<hbm>>
      %dma_wait3A_1245 = arith.constant 0 : i32
      %dma_wait3A_1246 = tpu.memref_slice %dma_wait3A_1244[%dma_wait3A_1236, %dma_wait3A_1245] : memref<125x80xi32, #tpu.memory_space<hbm>> -> memref<1x80xi32, #tpu.memory_space<hbm>>
      %dma_wait3A_1247 = tpu.memref_squeeze %dma_wait3A_1246 : memref<1x80xi32, #tpu.memory_space<hbm>> -> memref<80xi32, #tpu.memory_space<hbm>>
      %dma_wait3A_1248 = arith.constant 0 : i32
      %dma_wait3A_1249 = tpu.memref_slice %arg11[%dma_wait3A_1237, %dma_wait3A_1248] : memref<8x80xi32, #tpu.memory_space<vmem>> -> memref<1x80xi32, #tpu.memory_space<vmem>>
      %dma_wait3A_1250 = tpu.memref_squeeze %dma_wait3A_1249 : memref<1x80xi32, #tpu.memory_space<vmem>> -> memref<80xi32, #tpu.memory_space<vmem>>
      %dma_wait3A_1251 = arith.constant 0 : i32
      %dma_wait3A_1252 = arith.constant 0 : i32
      %dma_wait3A_1253 = tpu.memref_slice %arg4[%add3A, %dma_wait3A_1251, %dma_wait3A_1252] : memref<32x125x80xi32, #tpu.memory_space<hbm>> -> memref<1x125x80xi32, #tpu.memory_space<hbm>>
      %dma_wait3A_1254 = tpu.memref_squeeze %dma_wait3A_1253 : memref<1x125x80xi32, #tpu.memory_space<hbm>> -> memref<125x80xi32, #tpu.memory_space<hbm>>
      %dma_wait3A_1255 = arith.constant 0 : i32
      %dma_wait3A_1256 = tpu.memref_slice %dma_wait3A_1254[%dma_wait3A_1236, %dma_wait3A_1255] : memref<125x80xi32, #tpu.memory_space<hbm>> -> memref<1x80xi32, #tpu.memory_space<hbm>>
      %dma_wait3A_1257 = tpu.memref_squeeze %dma_wait3A_1256 : memref<1x80xi32, #tpu.memory_space<hbm>> -> memref<80xi32, #tpu.memory_space<hbm>>
      tpu.wait_dma2 semaphore(%arg35 : memref<!tpu.dma_semaphore, #tpu.memory_space<semaphore_mem>>) src(%dma_wait3A_1257 : memref<80xi32, #tpu.memory_space<hbm>>) dst(%dma_wait3A_1250 : memref<80xi32, #tpu.memory_space<vmem>>)
      %dma_start3A_1258 = arith.constant 5 : i32
      %dma_start3A_1259 = arith.constant 0 : i32
      %dma_start3A_1260 = tpu.memref_slice %arg10[%dma_start3A_1258, %dma_start3A_1259] : memref<8x80xi32, #tpu.memory_space<vmem>> -> memref<1x80xi32, #tpu.memory_space<vmem>>
      %dma_start3A_1261 = tpu.memref_squeeze %dma_start3A_1260 : memref<1x80xi32, #tpu.memory_space<vmem>> -> memref<80xi32, #tpu.memory_space<vmem>>
      %dma_start3A_1262 = arith.constant 0 : i32
      %dma_start3A_1263 = arith.constant 0 : i32
      %dma_start3A_1264 = tpu.memref_slice %arg2[%dma_start3A_1262, %dma_start3A_1263] : memref<10000x128xf32, #tpu.memory_space<hbm>> -> memref<10000x128xf32, #tpu.memory_space<hbm>>
      tpu.enqueue_indirect_dma source(%dma_start3A_1264 : memref<10000x128xf32, #tpu.memory_space<hbm>>) target(%arg13 : memref<80x128xf32, #tpu.memory_space<vmem>>) offsets(%dma_start3A_1261 : memref<80xi32, #tpu.memory_space<vmem>>) semaphore(%arg22 : memref<!tpu.dma_semaphore, #tpu.memory_space<semaphore_mem>>)
      %mul3A_1265 = arith.constant 8 : i32
      %mul3A_1266 = arith.muli %scan3A_862, %mul3A_1265 : i32
      %add3A_1267 = arith.constant 3 : i32
      %add3A_1268 = arith.addi %mul3A_1266, %add3A_1267 : i32
      %dma_wait3A_1269 = arith.constant 0 : i32
      %dma_wait3A_1270 = arith.constant 0 : i32
      %dma_wait3A_1271 = tpu.memref_slice %arg10[%dma_wait3A_1269, %dma_wait3A_1270] : memref<8x80xi32, #tpu.memory_space<vmem>> -> memref<1x80xi32, #tpu.memory_space<vmem>>
      %dma_wait3A_1272 = tpu.memref_squeeze %dma_wait3A_1271 : memref<1x80xi32, #tpu.memory_space<vmem>> -> memref<80xi32, #tpu.memory_space<vmem>>
      %dma_wait3A_1273 = arith.constant 0 : i32
      %dma_wait3A_1274 = arith.constant 0 : i32
      %dma_wait3A_1275 = tpu.memref_slice %arg2[%dma_wait3A_1273, %dma_wait3A_1274] : memref<10000x128xf32, #tpu.memory_space<hbm>> -> memref<10000x128xf32, #tpu.memory_space<hbm>>
      tpu.wait_indirect_dma semaphore(%arg24 : memref<!tpu.dma_semaphore, #tpu.memory_space<semaphore_mem>>) src(%dma_wait3A_1275 : memref<10000x128xf32, #tpu.memory_space<hbm>>) dst(%arg15 : memref<80x128xf32, #tpu.memory_space<vmem>>)
      %dma_start3A_1276 = arith.constant 3 : i32
      %dma_start3A_1277 = arith.constant 0 : i32
      %dma_start3A_1278 = tpu.memref_slice %arg11[%dma_start3A_1276, %dma_start3A_1277] : memref<8x80xi32, #tpu.memory_space<vmem>> -> memref<1x80xi32, #tpu.memory_space<vmem>>
      %dma_start3A_1279 = tpu.memref_squeeze %dma_start3A_1278 : memref<1x80xi32, #tpu.memory_space<vmem>> -> memref<80xi32, #tpu.memory_space<vmem>>
      %dma_start3A_1280 = arith.constant 0 : i32
      %dma_start3A_1281 = arith.constant 0 : i32
      %dma_start3A_1282 = tpu.memref_slice %arg19[%dma_start3A_1280, %dma_start3A_1281] : memref<10000x128xf32, #tpu.memory_space<vmem_shared>> -> memref<10000x128xf32, #tpu.memory_space<vmem_shared>>
      tpu.enqueue_indirect_dma source(%arg15 : memref<80x128xf32, #tpu.memory_space<vmem>>) target(%dma_start3A_1282 : memref<10000x128xf32, #tpu.memory_space<vmem_shared>>) offsets(%dma_start3A_1279 : memref<80xi32, #tpu.memory_space<vmem>>) semaphore(%arg28 : memref<!tpu.dma_semaphore, #tpu.memory_space<semaphore_mem>>) {add = true}
      %dma_wait3A_1283 = arith.constant 0 : i32
      %dma_wait3A_1284 = arith.constant 0 : i32
      %dma_wait3A_1285 = tpu.memref_slice %arg11[%dma_wait3A_1283, %dma_wait3A_1284] : memref<8x80xi32, #tpu.memory_space<vmem>> -> memref<1x80xi32, #tpu.memory_space<vmem>>
      %dma_wait3A_1286 = tpu.memref_squeeze %dma_wait3A_1285 : memref<1x80xi32, #tpu.memory_space<vmem>> -> memref<80xi32, #tpu.memory_space<vmem>>
      %dma_wait3A_1287 = arith.constant 0 : i32
      %dma_wait3A_1288 = arith.constant 0 : i32
      %dma_wait3A_1289 = tpu.memref_slice %arg19[%dma_wait3A_1287, %dma_wait3A_1288] : memref<10000x128xf32, #tpu.memory_space<vmem_shared>> -> memref<10000x128xf32, #tpu.memory_space<vmem_shared>>
      tpu.wait_indirect_dma semaphore(%arg27 : memref<!tpu.dma_semaphore, #tpu.memory_space<semaphore_mem>>) src(%arg14 : memref<80x128xf32, #tpu.memory_space<vmem>>) dst(%dma_wait3A_1289 : memref<10000x128xf32, #tpu.memory_space<vmem_shared>>)
      %dma_wait3A_1290 = arith.constant 0 : i32
      %dma_wait3A_1291 = arith.constant 0 : i32
      %dma_wait3A_1292 = tpu.memref_slice %arg11[%dma_wait3A_1290, %dma_wait3A_1291] : memref<8x80xi32, #tpu.memory_space<vmem>> -> memref<1x80xi32, #tpu.memory_space<vmem>>
      %dma_wait3A_1293 = tpu.memref_squeeze %dma_wait3A_1292 : memref<1x80xi32, #tpu.memory_space<vmem>> -> memref<80xi32, #tpu.memory_space<vmem>>
      %dma_wait3A_1294 = arith.constant 0 : i32
      %dma_wait3A_1295 = arith.constant 0 : i32
      %dma_wait3A_1296 = tpu.memref_slice %arg20[%dma_wait3A_1294, %dma_wait3A_1295] : memref<10000x8xf32, #tpu.memory_space<vmem_shared>> -> memref<10000x8xf32, #tpu.memory_space<vmem_shared>>
      tpu.wait_indirect_dma semaphore(%arg29 : memref<!tpu.dma_semaphore, #tpu.memory_space<semaphore_mem>>) src(%arg16 : memref<80x8xf32, #tpu.memory_space<vmem>>) dst(%dma_wait3A_1296 : memref<10000x8xf32, #tpu.memory_space<vmem_shared>>)
      %dma_start3A_1297 = arith.constant 3 : i32
      %dma_start3A_1298 = arith.constant 0 : i32
      %dma_start3A_1299 = tpu.memref_slice %arg11[%dma_start3A_1297, %dma_start3A_1298] : memref<8x80xi32, #tpu.memory_space<vmem>> -> memref<1x80xi32, #tpu.memory_space<vmem>>
      %dma_start3A_1300 = tpu.memref_squeeze %dma_start3A_1299 : memref<1x80xi32, #tpu.memory_space<vmem>> -> memref<80xi32, #tpu.memory_space<vmem>>
      %dma_start3A_1301 = arith.constant 0 : i32
      %dma_start3A_1302 = arith.constant 0 : i32
      %dma_start3A_1303 = tpu.memref_slice %arg20[%dma_start3A_1301, %dma_start3A_1302] : memref<10000x8xf32, #tpu.memory_space<vmem_shared>> -> memref<10000x8xf32, #tpu.memory_space<vmem_shared>>
      tpu.enqueue_indirect_dma source(%arg16 : memref<80x8xf32, #tpu.memory_space<vmem>>) target(%dma_start3A_1303 : memref<10000x8xf32, #tpu.memory_space<vmem_shared>>) offsets(%dma_start3A_1300 : memref<80xi32, #tpu.memory_space<vmem>>) semaphore(%arg29 : memref<!tpu.dma_semaphore, #tpu.memory_space<semaphore_mem>>) {add = true}
      %add3A_1304 = arith.constant 8 : i32
      %add3A_1305 = arith.addi %add3A_1268, %add3A_1304 : i32
      %sub3A_1306 = arith.constant 1 : i32
      %sub3A_1307 = arith.subi %add3A_1305, %sub3A_1306 : i32
      %min3A_1308 = arith.constant 124 : i32
      %min3A_1309 = arith.minsi %sub3A_1307, %min3A_1308 : i32
      %dma_start3A_1310 = arith.constant 2 : i32
      %dma_start3A_1311 = arith.constant 0 : i32
      %dma_start3A_1312 = tpu.memref_slice %arg10[%dma_start3A_1310, %dma_start3A_1311] : memref<8x80xi32, #tpu.memory_space<vmem>> -> memref<1x80xi32, #tpu.memory_space<vmem>>
      %dma_start3A_1313 = tpu.memref_squeeze %dma_start3A_1312 : memref<1x80xi32, #tpu.memory_space<vmem>> -> memref<80xi32, #tpu.memory_space<vmem>>
      %dma_start3A_1314 = arith.constant 0 : i32
      %dma_start3A_1315 = arith.constant 0 : i32
      %dma_start3A_1316 = tpu.memref_slice %arg3[%add3A, %dma_start3A_1314, %dma_start3A_1315] : memref<32x125x80xi32, #tpu.memory_space<hbm>> -> memref<1x125x80xi32, #tpu.memory_space<hbm>>
      %dma_start3A_1317 = tpu.memref_squeeze %dma_start3A_1316 : memref<1x125x80xi32, #tpu.memory_space<hbm>> -> memref<125x80xi32, #tpu.memory_space<hbm>>
      %dma_start3A_1318 = arith.constant 0 : i32
      %dma_start3A_1319 = tpu.memref_slice %dma_start3A_1317[%min3A_1309, %dma_start3A_1318] : memref<125x80xi32, #tpu.memory_space<hbm>> -> memref<1x80xi32, #tpu.memory_space<hbm>>
      %dma_start3A_1320 = tpu.memref_squeeze %dma_start3A_1319 : memref<1x80xi32, #tpu.memory_space<hbm>> -> memref<80xi32, #tpu.memory_space<hbm>>
      %dma_start3A_1321 = arith.constant 0 : i32
      %dma_start3A_1322 = tpu.memref_slice %arg10[%dma_start3A_1310, %dma_start3A_1321] : memref<8x80xi32, #tpu.memory_space<vmem>> -> memref<1x80xi32, #tpu.memory_space<vmem>>
      %dma_start3A_1323 = tpu.memref_squeeze %dma_start3A_1322 : memref<1x80xi32, #tpu.memory_space<vmem>> -> memref<80xi32, #tpu.memory_space<vmem>>
      %dma_start3A_1324 = arith.constant 0 : i32
      %dma_start3A_1325 = arith.constant 0 : i32
      %dma_start3A_1326 = tpu.memref_slice %arg3[%add3A, %dma_start3A_1324, %dma_start3A_1325] : memref<32x125x80xi32, #tpu.memory_space<hbm>> -> memref<1x125x80xi32, #tpu.memory_space<hbm>>
      %dma_start3A_1327 = tpu.memref_squeeze %dma_start3A_1326 : memref<1x125x80xi32, #tpu.memory_space<hbm>> -> memref<125x80xi32, #tpu.memory_space<hbm>>
      %dma_start3A_1328 = arith.constant 0 : i32
      %dma_start3A_1329 = tpu.memref_slice %dma_start3A_1327[%min3A_1309, %dma_start3A_1328] : memref<125x80xi32, #tpu.memory_space<hbm>> -> memref<1x80xi32, #tpu.memory_space<hbm>>
      %dma_start3A_1330 = tpu.memref_squeeze %dma_start3A_1329 : memref<1x80xi32, #tpu.memory_space<hbm>> -> memref<80xi32, #tpu.memory_space<hbm>>
      tpu.enqueue_dma source(%dma_start3A_1330 : memref<80xi32, #tpu.memory_space<hbm>>) target(%dma_start3A_1323 : memref<80xi32, #tpu.memory_space<vmem>>) target_semaphore(%arg32 : memref<!tpu.dma_semaphore, #tpu.memory_space<semaphore_mem>>)
      %dma_start3A_1331 = arith.constant 2 : i32
      %dma_start3A_1332 = arith.constant 0 : i32
      %dma_start3A_1333 = tpu.memref_slice %arg11[%dma_start3A_1331, %dma_start3A_1332] : memref<8x80xi32, #tpu.memory_space<vmem>> -> memref<1x80xi32, #tpu.memory_space<vmem>>
      %dma_start3A_1334 = tpu.memref_squeeze %dma_start3A_1333 : memref<1x80xi32, #tpu.memory_space<vmem>> -> memref<80xi32, #tpu.memory_space<vmem>>
      %dma_start3A_1335 = arith.constant 0 : i32
      %dma_start3A_1336 = arith.constant 0 : i32
      %dma_start3A_1337 = tpu.memref_slice %arg4[%add3A, %dma_start3A_1335, %dma_start3A_1336] : memref<32x125x80xi32, #tpu.memory_space<hbm>> -> memref<1x125x80xi32, #tpu.memory_space<hbm>>
      %dma_start3A_1338 = tpu.memref_squeeze %dma_start3A_1337 : memref<1x125x80xi32, #tpu.memory_space<hbm>> -> memref<125x80xi32, #tpu.memory_space<hbm>>
      %dma_start3A_1339 = arith.constant 0 : i32
      %dma_start3A_1340 = tpu.memref_slice %dma_start3A_1338[%min3A_1309, %dma_start3A_1339] : memref<125x80xi32, #tpu.memory_space<hbm>> -> memref<1x80xi32, #tpu.memory_space<hbm>>
      %dma_start3A_1341 = tpu.memref_squeeze %dma_start3A_1340 : memref<1x80xi32, #tpu.memory_space<hbm>> -> memref<80xi32, #tpu.memory_space<hbm>>
      %dma_start3A_1342 = arith.constant 0 : i32
      %dma_start3A_1343 = tpu.memref_slice %arg11[%dma_start3A_1331, %dma_start3A_1342] : memref<8x80xi32, #tpu.memory_space<vmem>> -> memref<1x80xi32, #tpu.memory_space<vmem>>
      %dma_start3A_1344 = tpu.memref_squeeze %dma_start3A_1343 : memref<1x80xi32, #tpu.memory_space<vmem>> -> memref<80xi32, #tpu.memory_space<vmem>>
      %dma_start3A_1345 = arith.constant 0 : i32
      %dma_start3A_1346 = arith.constant 0 : i32
      %dma_start3A_1347 = tpu.memref_slice %arg4[%add3A, %dma_start3A_1345, %dma_start3A_1346] : memref<32x125x80xi32, #tpu.memory_space<hbm>> -> memref<1x125x80xi32, #tpu.memory_space<hbm>>
      %dma_start3A_1348 = tpu.memref_squeeze %dma_start3A_1347 : memref<1x125x80xi32, #tpu.memory_space<hbm>> -> memref<125x80xi32, #tpu.memory_space<hbm>>
      %dma_start3A_1349 = arith.constant 0 : i32
      %dma_start3A_1350 = tpu.memref_slice %dma_start3A_1348[%min3A_1309, %dma_start3A_1349] : memref<125x80xi32, #tpu.memory_space<hbm>> -> memref<1x80xi32, #tpu.memory_space<hbm>>
      %dma_start3A_1351 = tpu.memref_squeeze %dma_start3A_1350 : memref<1x80xi32, #tpu.memory_space<hbm>> -> memref<80xi32, #tpu.memory_space<hbm>>
      tpu.enqueue_dma source(%dma_start3A_1351 : memref<80xi32, #tpu.memory_space<hbm>>) target(%dma_start3A_1344 : memref<80xi32, #tpu.memory_space<vmem>>) target_semaphore(%arg32 : memref<!tpu.dma_semaphore, #tpu.memory_space<semaphore_mem>>)
      %dma_wait3A_1352 = arith.constant 0 : i32
      %dma_wait3A_1353 = arith.constant 6 : i32
      %dma_wait3A_1354 = arith.constant 0 : i32
      %dma_wait3A_1355 = tpu.memref_slice %arg10[%dma_wait3A_1353, %dma_wait3A_1354] : memref<8x80xi32, #tpu.memory_space<vmem>> -> memref<1x80xi32, #tpu.memory_space<vmem>>
      %dma_wait3A_1356 = tpu.memref_squeeze %dma_wait3A_1355 : memref<1x80xi32, #tpu.memory_space<vmem>> -> memref<80xi32, #tpu.memory_space<vmem>>
      %dma_wait3A_1357 = arith.constant 0 : i32
      %dma_wait3A_1358 = arith.constant 0 : i32
      %dma_wait3A_1359 = tpu.memref_slice %arg3[%add3A, %dma_wait3A_1357, %dma_wait3A_1358] : memref<32x125x80xi32, #tpu.memory_space<hbm>> -> memref<1x125x80xi32, #tpu.memory_space<hbm>>
      %dma_wait3A_1360 = tpu.memref_squeeze %dma_wait3A_1359 : memref<1x125x80xi32, #tpu.memory_space<hbm>> -> memref<125x80xi32, #tpu.memory_space<hbm>>
      %dma_wait3A_1361 = arith.constant 0 : i32
      %dma_wait3A_1362 = tpu.memref_slice %dma_wait3A_1360[%dma_wait3A_1352, %dma_wait3A_1361] : memref<125x80xi32, #tpu.memory_space<hbm>> -> memref<1x80xi32, #tpu.memory_space<hbm>>
      %dma_wait3A_1363 = tpu.memref_squeeze %dma_wait3A_1362 : memref<1x80xi32, #tpu.memory_space<hbm>> -> memref<80xi32, #tpu.memory_space<hbm>>
      %dma_wait3A_1364 = arith.constant 0 : i32
      %dma_wait3A_1365 = tpu.memref_slice %arg10[%dma_wait3A_1353, %dma_wait3A_1364] : memref<8x80xi32, #tpu.memory_space<vmem>> -> memref<1x80xi32, #tpu.memory_space<vmem>>
      %dma_wait3A_1366 = tpu.memref_squeeze %dma_wait3A_1365 : memref<1x80xi32, #tpu.memory_space<vmem>> -> memref<80xi32, #tpu.memory_space<vmem>>
      %dma_wait3A_1367 = arith.constant 0 : i32
      %dma_wait3A_1368 = arith.constant 0 : i32
      %dma_wait3A_1369 = tpu.memref_slice %arg3[%add3A, %dma_wait3A_1367, %dma_wait3A_1368] : memref<32x125x80xi32, #tpu.memory_space<hbm>> -> memref<1x125x80xi32, #tpu.memory_space<hbm>>
      %dma_wait3A_1370 = tpu.memref_squeeze %dma_wait3A_1369 : memref<1x125x80xi32, #tpu.memory_space<hbm>> -> memref<125x80xi32, #tpu.memory_space<hbm>>
      %dma_wait3A_1371 = arith.constant 0 : i32
      %dma_wait3A_1372 = tpu.memref_slice %dma_wait3A_1370[%dma_wait3A_1352, %dma_wait3A_1371] : memref<125x80xi32, #tpu.memory_space<hbm>> -> memref<1x80xi32, #tpu.memory_space<hbm>>
      %dma_wait3A_1373 = tpu.memref_squeeze %dma_wait3A_1372 : memref<1x80xi32, #tpu.memory_space<hbm>> -> memref<80xi32, #tpu.memory_space<hbm>>
      tpu.wait_dma2 semaphore(%arg36 : memref<!tpu.dma_semaphore, #tpu.memory_space<semaphore_mem>>) src(%dma_wait3A_1373 : memref<80xi32, #tpu.memory_space<hbm>>) dst(%dma_wait3A_1366 : memref<80xi32, #tpu.memory_space<vmem>>)
      %dma_wait3A_1374 = arith.constant 0 : i32
      %dma_wait3A_1375 = arith.constant 6 : i32
      %dma_wait3A_1376 = arith.constant 0 : i32
      %dma_wait3A_1377 = tpu.memref_slice %arg11[%dma_wait3A_1375, %dma_wait3A_1376] : memref<8x80xi32, #tpu.memory_space<vmem>> -> memref<1x80xi32, #tpu.memory_space<vmem>>
      %dma_wait3A_1378 = tpu.memref_squeeze %dma_wait3A_1377 : memref<1x80xi32, #tpu.memory_space<vmem>> -> memref<80xi32, #tpu.memory_space<vmem>>
      %dma_wait3A_1379 = arith.constant 0 : i32
      %dma_wait3A_1380 = arith.constant 0 : i32
      %dma_wait3A_1381 = tpu.memref_slice %arg4[%add3A, %dma_wait3A_1379, %dma_wait3A_1380] : memref<32x125x80xi32, #tpu.memory_space<hbm>> -> memref<1x125x80xi32, #tpu.memory_space<hbm>>
      %dma_wait3A_1382 = tpu.memref_squeeze %dma_wait3A_1381 : memref<1x125x80xi32, #tpu.memory_space<hbm>> -> memref<125x80xi32, #tpu.memory_space<hbm>>
      %dma_wait3A_1383 = arith.constant 0 : i32
      %dma_wait3A_1384 = tpu.memref_slice %dma_wait3A_1382[%dma_wait3A_1374, %dma_wait3A_1383] : memref<125x80xi32, #tpu.memory_space<hbm>> -> memref<1x80xi32, #tpu.memory_space<hbm>>
      %dma_wait3A_1385 = tpu.memref_squeeze %dma_wait3A_1384 : memref<1x80xi32, #tpu.memory_space<hbm>> -> memref<80xi32, #tpu.memory_space<hbm>>
      %dma_wait3A_1386 = arith.constant 0 : i32
      %dma_wait3A_1387 = tpu.memref_slice %arg11[%dma_wait3A_1375, %dma_wait3A_1386] : memref<8x80xi32, #tpu.memory_space<vmem>> -> memref<1x80xi32, #tpu.memory_space<vmem>>
      %dma_wait3A_1388 = tpu.memref_squeeze %dma_wait3A_1387 : memref<1x80xi32, #tpu.memory_space<vmem>> -> memref<80xi32, #tpu.memory_space<vmem>>
      %dma_wait3A_1389 = arith.constant 0 : i32
      %dma_wait3A_1390 = arith.constant 0 : i32
      %dma_wait3A_1391 = tpu.memref_slice %arg4[%add3A, %dma_wait3A_1389, %dma_wait3A_1390] : memref<32x125x80xi32, #tpu.memory_space<hbm>> -> memref<1x125x80xi32, #tpu.memory_space<hbm>>
      %dma_wait3A_1392 = tpu.memref_squeeze %dma_wait3A_1391 : memref<1x125x80xi32, #tpu.memory_space<hbm>> -> memref<125x80xi32, #tpu.memory_space<hbm>>
      %dma_wait3A_1393 = arith.constant 0 : i32
      %dma_wait3A_1394 = tpu.memref_slice %dma_wait3A_1392[%dma_wait3A_1374, %dma_wait3A_1393] : memref<125x80xi32, #tpu.memory_space<hbm>> -> memref<1x80xi32, #tpu.memory_space<hbm>>
      %dma_wait3A_1395 = tpu.memref_squeeze %dma_wait3A_1394 : memref<1x80xi32, #tpu.memory_space<hbm>> -> memref<80xi32, #tpu.memory_space<hbm>>
      tpu.wait_dma2 semaphore(%arg36 : memref<!tpu.dma_semaphore, #tpu.memory_space<semaphore_mem>>) src(%dma_wait3A_1395 : memref<80xi32, #tpu.memory_space<hbm>>) dst(%dma_wait3A_1388 : memref<80xi32, #tpu.memory_space<vmem>>)
      %dma_start3A_1396 = arith.constant 6 : i32
      %dma_start3A_1397 = arith.constant 0 : i32
      %dma_start3A_1398 = tpu.memref_slice %arg10[%dma_start3A_1396, %dma_start3A_1397] : memref<8x80xi32, #tpu.memory_space<vmem>> -> memref<1x80xi32, #tpu.memory_space<vmem>>
      %dma_start3A_1399 = tpu.memref_squeeze %dma_start3A_1398 : memref<1x80xi32, #tpu.memory_space<vmem>> -> memref<80xi32, #tpu.memory_space<vmem>>
      %dma_start3A_1400 = arith.constant 0 : i32
      %dma_start3A_1401 = arith.constant 0 : i32
      %dma_start3A_1402 = tpu.memref_slice %arg2[%dma_start3A_1400, %dma_start3A_1401] : memref<10000x128xf32, #tpu.memory_space<hbm>> -> memref<10000x128xf32, #tpu.memory_space<hbm>>
      tpu.enqueue_indirect_dma source(%dma_start3A_1402 : memref<10000x128xf32, #tpu.memory_space<hbm>>) target(%arg14 : memref<80x128xf32, #tpu.memory_space<vmem>>) offsets(%dma_start3A_1399 : memref<80xi32, #tpu.memory_space<vmem>>) semaphore(%arg23 : memref<!tpu.dma_semaphore, #tpu.memory_space<semaphore_mem>>)
      %mul3A_1403 = arith.constant 8 : i32
      %mul3A_1404 = arith.muli %scan3A_862, %mul3A_1403 : i32
      %add3A_1405 = arith.constant 4 : i32
      %add3A_1406 = arith.addi %mul3A_1404, %add3A_1405 : i32
      %dma_wait3A_1407 = arith.constant 0 : i32
      %dma_wait3A_1408 = arith.constant 0 : i32
      %dma_wait3A_1409 = tpu.memref_slice %arg10[%dma_wait3A_1407, %dma_wait3A_1408] : memref<8x80xi32, #tpu.memory_space<vmem>> -> memref<1x80xi32, #tpu.memory_space<vmem>>
      %dma_wait3A_1410 = tpu.memref_squeeze %dma_wait3A_1409 : memref<1x80xi32, #tpu.memory_space<vmem>> -> memref<80xi32, #tpu.memory_space<vmem>>
      %dma_wait3A_1411 = arith.constant 0 : i32
      %dma_wait3A_1412 = arith.constant 0 : i32
      %dma_wait3A_1413 = tpu.memref_slice %arg2[%dma_wait3A_1411, %dma_wait3A_1412] : memref<10000x128xf32, #tpu.memory_space<hbm>> -> memref<10000x128xf32, #tpu.memory_space<hbm>>
      tpu.wait_indirect_dma semaphore(%arg21 : memref<!tpu.dma_semaphore, #tpu.memory_space<semaphore_mem>>) src(%dma_wait3A_1413 : memref<10000x128xf32, #tpu.memory_space<hbm>>) dst(%arg12 : memref<80x128xf32, #tpu.memory_space<vmem>>)
      %dma_start3A_1414 = arith.constant 4 : i32
      %dma_start3A_1415 = arith.constant 0 : i32
      %dma_start3A_1416 = tpu.memref_slice %arg11[%dma_start3A_1414, %dma_start3A_1415] : memref<8x80xi32, #tpu.memory_space<vmem>> -> memref<1x80xi32, #tpu.memory_space<vmem>>
      %dma_start3A_1417 = tpu.memref_squeeze %dma_start3A_1416 : memref<1x80xi32, #tpu.memory_space<vmem>> -> memref<80xi32, #tpu.memory_space<vmem>>
      %dma_start3A_1418 = arith.constant 0 : i32
      %dma_start3A_1419 = arith.constant 0 : i32
      %dma_start3A_1420 = tpu.memref_slice %arg19[%dma_start3A_1418, %dma_start3A_1419] : memref<10000x128xf32, #tpu.memory_space<vmem_shared>> -> memref<10000x128xf32, #tpu.memory_space<vmem_shared>>
      tpu.enqueue_indirect_dma source(%arg12 : memref<80x128xf32, #tpu.memory_space<vmem>>) target(%dma_start3A_1420 : memref<10000x128xf32, #tpu.memory_space<vmem_shared>>) offsets(%dma_start3A_1417 : memref<80xi32, #tpu.memory_space<vmem>>) semaphore(%arg25 : memref<!tpu.dma_semaphore, #tpu.memory_space<semaphore_mem>>) {add = true}
      %dma_wait3A_1421 = arith.constant 0 : i32
      %dma_wait3A_1422 = arith.constant 0 : i32
      %dma_wait3A_1423 = tpu.memref_slice %arg11[%dma_wait3A_1421, %dma_wait3A_1422] : memref<8x80xi32, #tpu.memory_space<vmem>> -> memref<1x80xi32, #tpu.memory_space<vmem>>
      %dma_wait3A_1424 = tpu.memref_squeeze %dma_wait3A_1423 : memref<1x80xi32, #tpu.memory_space<vmem>> -> memref<80xi32, #tpu.memory_space<vmem>>
      %dma_wait3A_1425 = arith.constant 0 : i32
      %dma_wait3A_1426 = arith.constant 0 : i32
      %dma_wait3A_1427 = tpu.memref_slice %arg19[%dma_wait3A_1425, %dma_wait3A_1426] : memref<10000x128xf32, #tpu.memory_space<vmem_shared>> -> memref<10000x128xf32, #tpu.memory_space<vmem_shared>>
      tpu.wait_indirect_dma semaphore(%arg28 : memref<!tpu.dma_semaphore, #tpu.memory_space<semaphore_mem>>) src(%arg15 : memref<80x128xf32, #tpu.memory_space<vmem>>) dst(%dma_wait3A_1427 : memref<10000x128xf32, #tpu.memory_space<vmem_shared>>)
      %dma_wait3A_1428 = arith.constant 0 : i32
      %dma_wait3A_1429 = arith.constant 0 : i32
      %dma_wait3A_1430 = tpu.memref_slice %arg11[%dma_wait3A_1428, %dma_wait3A_1429] : memref<8x80xi32, #tpu.memory_space<vmem>> -> memref<1x80xi32, #tpu.memory_space<vmem>>
      %dma_wait3A_1431 = tpu.memref_squeeze %dma_wait3A_1430 : memref<1x80xi32, #tpu.memory_space<vmem>> -> memref<80xi32, #tpu.memory_space<vmem>>
      %dma_wait3A_1432 = arith.constant 0 : i32
      %dma_wait3A_1433 = arith.constant 0 : i32
      %dma_wait3A_1434 = tpu.memref_slice %arg20[%dma_wait3A_1432, %dma_wait3A_1433] : memref<10000x8xf32, #tpu.memory_space<vmem_shared>> -> memref<10000x8xf32, #tpu.memory_space<vmem_shared>>
      tpu.wait_indirect_dma semaphore(%arg29 : memref<!tpu.dma_semaphore, #tpu.memory_space<semaphore_mem>>) src(%arg16 : memref<80x8xf32, #tpu.memory_space<vmem>>) dst(%dma_wait3A_1434 : memref<10000x8xf32, #tpu.memory_space<vmem_shared>>)
      %dma_start3A_1435 = arith.constant 4 : i32
      %dma_start3A_1436 = arith.constant 0 : i32
      %dma_start3A_1437 = tpu.memref_slice %arg11[%dma_start3A_1435, %dma_start3A_1436] : memref<8x80xi32, #tpu.memory_space<vmem>> -> memref<1x80xi32, #tpu.memory_space<vmem>>
      %dma_start3A_1438 = tpu.memref_squeeze %dma_start3A_1437 : memref<1x80xi32, #tpu.memory_space<vmem>> -> memref<80xi32, #tpu.memory_space<vmem>>
      %dma_start3A_1439 = arith.constant 0 : i32
      %dma_start3A_1440 = arith.constant 0 : i32
      %dma_start3A_1441 = tpu.memref_slice %arg20[%dma_start3A_1439, %dma_start3A_1440] : memref<10000x8xf32, #tpu.memory_space<vmem_shared>> -> memref<10000x8xf32, #tpu.memory_space<vmem_shared>>
      tpu.enqueue_indirect_dma source(%arg16 : memref<80x8xf32, #tpu.memory_space<vmem>>) target(%dma_start3A_1441 : memref<10000x8xf32, #tpu.memory_space<vmem_shared>>) offsets(%dma_start3A_1438 : memref<80xi32, #tpu.memory_space<vmem>>) semaphore(%arg29 : memref<!tpu.dma_semaphore, #tpu.memory_space<semaphore_mem>>) {add = true}
      %add3A_1442 = arith.constant 8 : i32
      %add3A_1443 = arith.addi %add3A_1406, %add3A_1442 : i32
      %sub3A_1444 = arith.constant 1 : i32
      %sub3A_1445 = arith.subi %add3A_1443, %sub3A_1444 : i32
      %min3A_1446 = arith.constant 124 : i32
      %min3A_1447 = arith.minsi %sub3A_1445, %min3A_1446 : i32
      %dma_start3A_1448 = arith.constant 3 : i32
      %dma_start3A_1449 = arith.constant 0 : i32
      %dma_start3A_1450 = tpu.memref_slice %arg10[%dma_start3A_1448, %dma_start3A_1449] : memref<8x80xi32, #tpu.memory_space<vmem>> -> memref<1x80xi32, #tpu.memory_space<vmem>>
      %dma_start3A_1451 = tpu.memref_squeeze %dma_start3A_1450 : memref<1x80xi32, #tpu.memory_space<vmem>> -> memref<80xi32, #tpu.memory_space<vmem>>
      %dma_start3A_1452 = arith.constant 0 : i32
      %dma_start3A_1453 = arith.constant 0 : i32
      %dma_start3A_1454 = tpu.memref_slice %arg3[%add3A, %dma_start3A_1452, %dma_start3A_1453] : memref<32x125x80xi32, #tpu.memory_space<hbm>> -> memref<1x125x80xi32, #tpu.memory_space<hbm>>
      %dma_start3A_1455 = tpu.memref_squeeze %dma_start3A_1454 : memref<1x125x80xi32, #tpu.memory_space<hbm>> -> memref<125x80xi32, #tpu.memory_space<hbm>>
      %dma_start3A_1456 = arith.constant 0 : i32
      %dma_start3A_1457 = tpu.memref_slice %dma_start3A_1455[%min3A_1447, %dma_start3A_1456] : memref<125x80xi32, #tpu.memory_space<hbm>> -> memref<1x80xi32, #tpu.memory_space<hbm>>
      %dma_start3A_1458 = tpu.memref_squeeze %dma_start3A_1457 : memref<1x80xi32, #tpu.memory_space<hbm>> -> memref<80xi32, #tpu.memory_space<hbm>>
      %dma_start3A_1459 = arith.constant 0 : i32
      %dma_start3A_1460 = tpu.memref_slice %arg10[%dma_start3A_1448, %dma_start3A_1459] : memref<8x80xi32, #tpu.memory_space<vmem>> -> memref<1x80xi32, #tpu.memory_space<vmem>>
      %dma_start3A_1461 = tpu.memref_squeeze %dma_start3A_1460 : memref<1x80xi32, #tpu.memory_space<vmem>> -> memref<80xi32, #tpu.memory_space<vmem>>
      %dma_start3A_1462 = arith.constant 0 : i32
      %dma_start3A_1463 = arith.constant 0 : i32
      %dma_start3A_1464 = tpu.memref_slice %arg3[%add3A, %dma_start3A_1462, %dma_start3A_1463] : memref<32x125x80xi32, #tpu.memory_space<hbm>> -> memref<1x125x80xi32, #tpu.memory_space<hbm>>
      %dma_start3A_1465 = tpu.memref_squeeze %dma_start3A_1464 : memref<1x125x80xi32, #tpu.memory_space<hbm>> -> memref<125x80xi32, #tpu.memory_space<hbm>>
      %dma_start3A_1466 = arith.constant 0 : i32
      %dma_start3A_1467 = tpu.memref_slice %dma_start3A_1465[%min3A_1447, %dma_start3A_1466] : memref<125x80xi32, #tpu.memory_space<hbm>> -> memref<1x80xi32, #tpu.memory_space<hbm>>
      %dma_start3A_1468 = tpu.memref_squeeze %dma_start3A_1467 : memref<1x80xi32, #tpu.memory_space<hbm>> -> memref<80xi32, #tpu.memory_space<hbm>>
      tpu.enqueue_dma source(%dma_start3A_1468 : memref<80xi32, #tpu.memory_space<hbm>>) target(%dma_start3A_1461 : memref<80xi32, #tpu.memory_space<vmem>>) target_semaphore(%arg33 : memref<!tpu.dma_semaphore, #tpu.memory_space<semaphore_mem>>)
      %dma_start3A_1469 = arith.constant 3 : i32
      %dma_start3A_1470 = arith.constant 0 : i32
      %dma_start3A_1471 = tpu.memref_slice %arg11[%dma_start3A_1469, %dma_start3A_1470] : memref<8x80xi32, #tpu.memory_space<vmem>> -> memref<1x80xi32, #tpu.memory_space<vmem>>
      %dma_start3A_1472 = tpu.memref_squeeze %dma_start3A_1471 : memref<1x80xi32, #tpu.memory_space<vmem>> -> memref<80xi32, #tpu.memory_space<vmem>>
      %dma_start3A_1473 = arith.constant 0 : i32
      %dma_start3A_1474 = arith.constant 0 : i32
      %dma_start3A_1475 = tpu.memref_slice %arg4[%add3A, %dma_start3A_1473, %dma_start3A_1474] : memref<32x125x80xi32, #tpu.memory_space<hbm>> -> memref<1x125x80xi32, #tpu.memory_space<hbm>>
      %dma_start3A_1476 = tpu.memref_squeeze %dma_start3A_1475 : memref<1x125x80xi32, #tpu.memory_space<hbm>> -> memref<125x80xi32, #tpu.memory_space<hbm>>
      %dma_start3A_1477 = arith.constant 0 : i32
      %dma_start3A_1478 = tpu.memref_slice %dma_start3A_1476[%min3A_1447, %dma_start3A_1477] : memref<125x80xi32, #tpu.memory_space<hbm>> -> memref<1x80xi32, #tpu.memory_space<hbm>>
      %dma_start3A_1479 = tpu.memref_squeeze %dma_start3A_1478 : memref<1x80xi32, #tpu.memory_space<hbm>> -> memref<80xi32, #tpu.memory_space<hbm>>
      %dma_start3A_1480 = arith.constant 0 : i32
      %dma_start3A_1481 = tpu.memref_slice %arg11[%dma_start3A_1469, %dma_start3A_1480] : memref<8x80xi32, #tpu.memory_space<vmem>> -> memref<1x80xi32, #tpu.memory_space<vmem>>
      %dma_start3A_1482 = tpu.memref_squeeze %dma_start3A_1481 : memref<1x80xi32, #tpu.memory_space<vmem>> -> memref<80xi32, #tpu.memory_space<vmem>>
      %dma_start3A_1483 = arith.constant 0 : i32
      %dma_start3A_1484 = arith.constant 0 : i32
      %dma_start3A_1485 = tpu.memref_slice %arg4[%add3A, %dma_start3A_1483, %dma_start3A_1484] : memref<32x125x80xi32, #tpu.memory_space<hbm>> -> memref<1x125x80xi32, #tpu.memory_space<hbm>>
      %dma_start3A_1486 = tpu.memref_squeeze %dma_start3A_1485 : memref<1x125x80xi32, #tpu.memory_space<hbm>> -> memref<125x80xi32, #tpu.memory_space<hbm>>
      %dma_start3A_1487 = arith.constant 0 : i32
      %dma_start3A_1488 = tpu.memref_slice %dma_start3A_1486[%min3A_1447, %dma_start3A_1487] : memref<125x80xi32, #tpu.memory_space<hbm>> -> memref<1x80xi32, #tpu.memory_space<hbm>>
      %dma_start3A_1489 = tpu.memref_squeeze %dma_start3A_1488 : memref<1x80xi32, #tpu.memory_space<hbm>> -> memref<80xi32, #tpu.memory_space<hbm>>
      tpu.enqueue_dma source(%dma_start3A_1489 : memref<80xi32, #tpu.memory_space<hbm>>) target(%dma_start3A_1482 : memref<80xi32, #tpu.memory_space<vmem>>) target_semaphore(%arg33 : memref<!tpu.dma_semaphore, #tpu.memory_space<semaphore_mem>>)
      %dma_wait3A_1490 = arith.constant 0 : i32
      %dma_wait3A_1491 = arith.constant 7 : i32
      %dma_wait3A_1492 = arith.constant 0 : i32
      %dma_wait3A_1493 = tpu.memref_slice %arg10[%dma_wait3A_1491, %dma_wait3A_1492] : memref<8x80xi32, #tpu.memory_space<vmem>> -> memref<1x80xi32, #tpu.memory_space<vmem>>
      %dma_wait3A_1494 = tpu.memref_squeeze %dma_wait3A_1493 : memref<1x80xi32, #tpu.memory_space<vmem>> -> memref<80xi32, #tpu.memory_space<vmem>>
      %dma_wait3A_1495 = arith.constant 0 : i32
      %dma_wait3A_1496 = arith.constant 0 : i32
      %dma_wait3A_1497 = tpu.memref_slice %arg3[%add3A, %dma_wait3A_1495, %dma_wait3A_1496] : memref<32x125x80xi32, #tpu.memory_space<hbm>> -> memref<1x125x80xi32, #tpu.memory_space<hbm>>
      %dma_wait3A_1498 = tpu.memref_squeeze %dma_wait3A_1497 : memref<1x125x80xi32, #tpu.memory_space<hbm>> -> memref<125x80xi32, #tpu.memory_space<hbm>>
      %dma_wait3A_1499 = arith.constant 0 : i32
      %dma_wait3A_1500 = tpu.memref_slice %dma_wait3A_1498[%dma_wait3A_1490, %dma_wait3A_1499] : memref<125x80xi32, #tpu.memory_space<hbm>> -> memref<1x80xi32, #tpu.memory_space<hbm>>
      %dma_wait3A_1501 = tpu.memref_squeeze %dma_wait3A_1500 : memref<1x80xi32, #tpu.memory_space<hbm>> -> memref<80xi32, #tpu.memory_space<hbm>>
      %dma_wait3A_1502 = arith.constant 0 : i32
      %dma_wait3A_1503 = tpu.memref_slice %arg10[%dma_wait3A_1491, %dma_wait3A_1502] : memref<8x80xi32, #tpu.memory_space<vmem>> -> memref<1x80xi32, #tpu.memory_space<vmem>>
      %dma_wait3A_1504 = tpu.memref_squeeze %dma_wait3A_1503 : memref<1x80xi32, #tpu.memory_space<vmem>> -> memref<80xi32, #tpu.memory_space<vmem>>
      %dma_wait3A_1505 = arith.constant 0 : i32
      %dma_wait3A_1506 = arith.constant 0 : i32
      %dma_wait3A_1507 = tpu.memref_slice %arg3[%add3A, %dma_wait3A_1505, %dma_wait3A_1506] : memref<32x125x80xi32, #tpu.memory_space<hbm>> -> memref<1x125x80xi32, #tpu.memory_space<hbm>>
      %dma_wait3A_1508 = tpu.memref_squeeze %dma_wait3A_1507 : memref<1x125x80xi32, #tpu.memory_space<hbm>> -> memref<125x80xi32, #tpu.memory_space<hbm>>
      %dma_wait3A_1509 = arith.constant 0 : i32
      %dma_wait3A_1510 = tpu.memref_slice %dma_wait3A_1508[%dma_wait3A_1490, %dma_wait3A_1509] : memref<125x80xi32, #tpu.memory_space<hbm>> -> memref<1x80xi32, #tpu.memory_space<hbm>>
      %dma_wait3A_1511 = tpu.memref_squeeze %dma_wait3A_1510 : memref<1x80xi32, #tpu.memory_space<hbm>> -> memref<80xi32, #tpu.memory_space<hbm>>
      tpu.wait_dma2 semaphore(%arg37 : memref<!tpu.dma_semaphore, #tpu.memory_space<semaphore_mem>>) src(%dma_wait3A_1511 : memref<80xi32, #tpu.memory_space<hbm>>) dst(%dma_wait3A_1504 : memref<80xi32, #tpu.memory_space<vmem>>)
      %dma_wait3A_1512 = arith.constant 0 : i32
      %dma_wait3A_1513 = arith.constant 7 : i32
      %dma_wait3A_1514 = arith.constant 0 : i32
      %dma_wait3A_1515 = tpu.memref_slice %arg11[%dma_wait3A_1513, %dma_wait3A_1514] : memref<8x80xi32, #tpu.memory_space<vmem>> -> memref<1x80xi32, #tpu.memory_space<vmem>>
      %dma_wait3A_1516 = tpu.memref_squeeze %dma_wait3A_1515 : memref<1x80xi32, #tpu.memory_space<vmem>> -> memref<80xi32, #tpu.memory_space<vmem>>
      %dma_wait3A_1517 = arith.constant 0 : i32
      %dma_wait3A_1518 = arith.constant 0 : i32
      %dma_wait3A_1519 = tpu.memref_slice %arg4[%add3A, %dma_wait3A_1517, %dma_wait3A_1518] : memref<32x125x80xi32, #tpu.memory_space<hbm>> -> memref<1x125x80xi32, #tpu.memory_space<hbm>>
      %dma_wait3A_1520 = tpu.memref_squeeze %dma_wait3A_1519 : memref<1x125x80xi32, #tpu.memory_space<hbm>> -> memref<125x80xi32, #tpu.memory_space<hbm>>
      %dma_wait3A_1521 = arith.constant 0 : i32
      %dma_wait3A_1522 = tpu.memref_slice %dma_wait3A_1520[%dma_wait3A_1512, %dma_wait3A_1521] : memref<125x80xi32, #tpu.memory_space<hbm>> -> memref<1x80xi32, #tpu.memory_space<hbm>>
      %dma_wait3A_1523 = tpu.memref_squeeze %dma_wait3A_1522 : memref<1x80xi32, #tpu.memory_space<hbm>> -> memref<80xi32, #tpu.memory_space<hbm>>
      %dma_wait3A_1524 = arith.constant 0 : i32
      %dma_wait3A_1525 = tpu.memref_slice %arg11[%dma_wait3A_1513, %dma_wait3A_1524] : memref<8x80xi32, #tpu.memory_space<vmem>> -> memref<1x80xi32, #tpu.memory_space<vmem>>
      %dma_wait3A_1526 = tpu.memref_squeeze %dma_wait3A_1525 : memref<1x80xi32, #tpu.memory_space<vmem>> -> memref<80xi32, #tpu.memory_space<vmem>>
      %dma_wait3A_1527 = arith.constant 0 : i32
      %dma_wait3A_1528 = arith.constant 0 : i32
      %dma_wait3A_1529 = tpu.memref_slice %arg4[%add3A, %dma_wait3A_1527, %dma_wait3A_1528] : memref<32x125x80xi32, #tpu.memory_space<hbm>> -> memref<1x125x80xi32, #tpu.memory_space<hbm>>
      %dma_wait3A_1530 = tpu.memref_squeeze %dma_wait3A_1529 : memref<1x125x80xi32, #tpu.memory_space<hbm>> -> memref<125x80xi32, #tpu.memory_space<hbm>>
      %dma_wait3A_1531 = arith.constant 0 : i32
      %dma_wait3A_1532 = tpu.memref_slice %dma_wait3A_1530[%dma_wait3A_1512, %dma_wait3A_1531] : memref<125x80xi32, #tpu.memory_space<hbm>> -> memref<1x80xi32, #tpu.memory_space<hbm>>
      %dma_wait3A_1533 = tpu.memref_squeeze %dma_wait3A_1532 : memref<1x80xi32, #tpu.memory_space<hbm>> -> memref<80xi32, #tpu.memory_space<hbm>>
      tpu.wait_dma2 semaphore(%arg37 : memref<!tpu.dma_semaphore, #tpu.memory_space<semaphore_mem>>) src(%dma_wait3A_1533 : memref<80xi32, #tpu.memory_space<hbm>>) dst(%dma_wait3A_1526 : memref<80xi32, #tpu.memory_space<vmem>>)
      %dma_start3A_1534 = arith.constant 7 : i32
      %dma_start3A_1535 = arith.constant 0 : i32
      %dma_start3A_1536 = tpu.memref_slice %arg10[%dma_start3A_1534, %dma_start3A_1535] : memref<8x80xi32, #tpu.memory_space<vmem>> -> memref<1x80xi32, #tpu.memory_space<vmem>>
      %dma_start3A_1537 = tpu.memref_squeeze %dma_start3A_1536 : memref<1x80xi32, #tpu.memory_space<vmem>> -> memref<80xi32, #tpu.memory_space<vmem>>
      %dma_start3A_1538 = arith.constant 0 : i32
      %dma_start3A_1539 = arith.constant 0 : i32
      %dma_start3A_1540 = tpu.memref_slice %arg2[%dma_start3A_1538, %dma_start3A_1539] : memref<10000x128xf32, #tpu.memory_space<hbm>> -> memref<10000x128xf32, #tpu.memory_space<hbm>>
      tpu.enqueue_indirect_dma source(%dma_start3A_1540 : memref<10000x128xf32, #tpu.memory_space<hbm>>) target(%arg15 : memref<80x128xf32, #tpu.memory_space<vmem>>) offsets(%dma_start3A_1537 : memref<80xi32, #tpu.memory_space<vmem>>) semaphore(%arg24 : memref<!tpu.dma_semaphore, #tpu.memory_space<semaphore_mem>>)
      %mul3A_1541 = arith.constant 8 : i32
      %mul3A_1542 = arith.muli %scan3A_862, %mul3A_1541 : i32
      %add3A_1543 = arith.constant 5 : i32
      %add3A_1544 = arith.addi %mul3A_1542, %add3A_1543 : i32
      %dma_wait3A_1545 = arith.constant 0 : i32
      %dma_wait3A_1546 = arith.constant 0 : i32
      %dma_wait3A_1547 = tpu.memref_slice %arg10[%dma_wait3A_1545, %dma_wait3A_1546] : memref<8x80xi32, #tpu.memory_space<vmem>> -> memref<1x80xi32, #tpu.memory_space<vmem>>
      %dma_wait3A_1548 = tpu.memref_squeeze %dma_wait3A_1547 : memref<1x80xi32, #tpu.memory_space<vmem>> -> memref<80xi32, #tpu.memory_space<vmem>>
      %dma_wait3A_1549 = arith.constant 0 : i32
      %dma_wait3A_1550 = arith.constant 0 : i32
      %dma_wait3A_1551 = tpu.memref_slice %arg2[%dma_wait3A_1549, %dma_wait3A_1550] : memref<10000x128xf32, #tpu.memory_space<hbm>> -> memref<10000x128xf32, #tpu.memory_space<hbm>>
      tpu.wait_indirect_dma semaphore(%arg22 : memref<!tpu.dma_semaphore, #tpu.memory_space<semaphore_mem>>) src(%dma_wait3A_1551 : memref<10000x128xf32, #tpu.memory_space<hbm>>) dst(%arg13 : memref<80x128xf32, #tpu.memory_space<vmem>>)
      %dma_start3A_1552 = arith.constant 5 : i32
      %dma_start3A_1553 = arith.constant 0 : i32
      %dma_start3A_1554 = tpu.memref_slice %arg11[%dma_start3A_1552, %dma_start3A_1553] : memref<8x80xi32, #tpu.memory_space<vmem>> -> memref<1x80xi32, #tpu.memory_space<vmem>>
      %dma_start3A_1555 = tpu.memref_squeeze %dma_start3A_1554 : memref<1x80xi32, #tpu.memory_space<vmem>> -> memref<80xi32, #tpu.memory_space<vmem>>
      %dma_start3A_1556 = arith.constant 0 : i32
      %dma_start3A_1557 = arith.constant 0 : i32
      %dma_start3A_1558 = tpu.memref_slice %arg19[%dma_start3A_1556, %dma_start3A_1557] : memref<10000x128xf32, #tpu.memory_space<vmem_shared>> -> memref<10000x128xf32, #tpu.memory_space<vmem_shared>>
      tpu.enqueue_indirect_dma source(%arg13 : memref<80x128xf32, #tpu.memory_space<vmem>>) target(%dma_start3A_1558 : memref<10000x128xf32, #tpu.memory_space<vmem_shared>>) offsets(%dma_start3A_1555 : memref<80xi32, #tpu.memory_space<vmem>>) semaphore(%arg26 : memref<!tpu.dma_semaphore, #tpu.memory_space<semaphore_mem>>) {add = true}
      %dma_wait3A_1559 = arith.constant 0 : i32
      %dma_wait3A_1560 = arith.constant 0 : i32
      %dma_wait3A_1561 = tpu.memref_slice %arg11[%dma_wait3A_1559, %dma_wait3A_1560] : memref<8x80xi32, #tpu.memory_space<vmem>> -> memref<1x80xi32, #tpu.memory_space<vmem>>
      %dma_wait3A_1562 = tpu.memref_squeeze %dma_wait3A_1561 : memref<1x80xi32, #tpu.memory_space<vmem>> -> memref<80xi32, #tpu.memory_space<vmem>>
      %dma_wait3A_1563 = arith.constant 0 : i32
      %dma_wait3A_1564 = arith.constant 0 : i32
      %dma_wait3A_1565 = tpu.memref_slice %arg19[%dma_wait3A_1563, %dma_wait3A_1564] : memref<10000x128xf32, #tpu.memory_space<vmem_shared>> -> memref<10000x128xf32, #tpu.memory_space<vmem_shared>>
      tpu.wait_indirect_dma semaphore(%arg25 : memref<!tpu.dma_semaphore, #tpu.memory_space<semaphore_mem>>) src(%arg12 : memref<80x128xf32, #tpu.memory_space<vmem>>) dst(%dma_wait3A_1565 : memref<10000x128xf32, #tpu.memory_space<vmem_shared>>)
      %dma_wait3A_1566 = arith.constant 0 : i32
      %dma_wait3A_1567 = arith.constant 0 : i32
      %dma_wait3A_1568 = tpu.memref_slice %arg11[%dma_wait3A_1566, %dma_wait3A_1567] : memref<8x80xi32, #tpu.memory_space<vmem>> -> memref<1x80xi32, #tpu.memory_space<vmem>>
      %dma_wait3A_1569 = tpu.memref_squeeze %dma_wait3A_1568 : memref<1x80xi32, #tpu.memory_space<vmem>> -> memref<80xi32, #tpu.memory_space<vmem>>
      %dma_wait3A_1570 = arith.constant 0 : i32
      %dma_wait3A_1571 = arith.constant 0 : i32
      %dma_wait3A_1572 = tpu.memref_slice %arg20[%dma_wait3A_1570, %dma_wait3A_1571] : memref<10000x8xf32, #tpu.memory_space<vmem_shared>> -> memref<10000x8xf32, #tpu.memory_space<vmem_shared>>
      tpu.wait_indirect_dma semaphore(%arg29 : memref<!tpu.dma_semaphore, #tpu.memory_space<semaphore_mem>>) src(%arg16 : memref<80x8xf32, #tpu.memory_space<vmem>>) dst(%dma_wait3A_1572 : memref<10000x8xf32, #tpu.memory_space<vmem_shared>>)
      %dma_start3A_1573 = arith.constant 5 : i32
      %dma_start3A_1574 = arith.constant 0 : i32
      %dma_start3A_1575 = tpu.memref_slice %arg11[%dma_start3A_1573, %dma_start3A_1574] : memref<8x80xi32, #tpu.memory_space<vmem>> -> memref<1x80xi32, #tpu.memory_space<vmem>>
      %dma_start3A_1576 = tpu.memref_squeeze %dma_start3A_1575 : memref<1x80xi32, #tpu.memory_space<vmem>> -> memref<80xi32, #tpu.memory_space<vmem>>
      %dma_start3A_1577 = arith.constant 0 : i32
      %dma_start3A_1578 = arith.constant 0 : i32
      %dma_start3A_1579 = tpu.memref_slice %arg20[%dma_start3A_1577, %dma_start3A_1578] : memref<10000x8xf32, #tpu.memory_space<vmem_shared>> -> memref<10000x8xf32, #tpu.memory_space<vmem_shared>>
      tpu.enqueue_indirect_dma source(%arg16 : memref<80x8xf32, #tpu.memory_space<vmem>>) target(%dma_start3A_1579 : memref<10000x8xf32, #tpu.memory_space<vmem_shared>>) offsets(%dma_start3A_1576 : memref<80xi32, #tpu.memory_space<vmem>>) semaphore(%arg29 : memref<!tpu.dma_semaphore, #tpu.memory_space<semaphore_mem>>) {add = true}
      %add3A_1580 = arith.constant 8 : i32
      %add3A_1581 = arith.addi %add3A_1544, %add3A_1580 : i32
      %sub3A_1582 = arith.constant 1 : i32
      %sub3A_1583 = arith.subi %add3A_1581, %sub3A_1582 : i32
      %min3A_1584 = arith.constant 124 : i32
      %min3A_1585 = arith.minsi %sub3A_1583, %min3A_1584 : i32
      %dma_start3A_1586 = arith.constant 4 : i32
      %dma_start3A_1587 = arith.constant 0 : i32
      %dma_start3A_1588 = tpu.memref_slice %arg10[%dma_start3A_1586, %dma_start3A_1587] : memref<8x80xi32, #tpu.memory_space<vmem>> -> memref<1x80xi32, #tpu.memory_space<vmem>>
      %dma_start3A_1589 = tpu.memref_squeeze %dma_start3A_1588 : memref<1x80xi32, #tpu.memory_space<vmem>> -> memref<80xi32, #tpu.memory_space<vmem>>
      %dma_start3A_1590 = arith.constant 0 : i32
      %dma_start3A_1591 = arith.constant 0 : i32
      %dma_start3A_1592 = tpu.memref_slice %arg3[%add3A, %dma_start3A_1590, %dma_start3A_1591] : memref<32x125x80xi32, #tpu.memory_space<hbm>> -> memref<1x125x80xi32, #tpu.memory_space<hbm>>
      %dma_start3A_1593 = tpu.memref_squeeze %dma_start3A_1592 : memref<1x125x80xi32, #tpu.memory_space<hbm>> -> memref<125x80xi32, #tpu.memory_space<hbm>>
      %dma_start3A_1594 = arith.constant 0 : i32
      %dma_start3A_1595 = tpu.memref_slice %dma_start3A_1593[%min3A_1585, %dma_start3A_1594] : memref<125x80xi32, #tpu.memory_space<hbm>> -> memref<1x80xi32, #tpu.memory_space<hbm>>
      %dma_start3A_1596 = tpu.memref_squeeze %dma_start3A_1595 : memref<1x80xi32, #tpu.memory_space<hbm>> -> memref<80xi32, #tpu.memory_space<hbm>>
      %dma_start3A_1597 = arith.constant 0 : i32
      %dma_start3A_1598 = tpu.memref_slice %arg10[%dma_start3A_1586, %dma_start3A_1597] : memref<8x80xi32, #tpu.memory_space<vmem>> -> memref<1x80xi32, #tpu.memory_space<vmem>>
      %dma_start3A_1599 = tpu.memref_squeeze %dma_start3A_1598 : memref<1x80xi32, #tpu.memory_space<vmem>> -> memref<80xi32, #tpu.memory_space<vmem>>
      %dma_start3A_1600 = arith.constant 0 : i32
      %dma_start3A_1601 = arith.constant 0 : i32
      %dma_start3A_1602 = tpu.memref_slice %arg3[%add3A, %dma_start3A_1600, %dma_start3A_1601] : memref<32x125x80xi32, #tpu.memory_space<hbm>> -> memref<1x125x80xi32, #tpu.memory_space<hbm>>
      %dma_start3A_1603 = tpu.memref_squeeze %dma_start3A_1602 : memref<1x125x80xi32, #tpu.memory_space<hbm>> -> memref<125x80xi32, #tpu.memory_space<hbm>>
      %dma_start3A_1604 = arith.constant 0 : i32
      %dma_start3A_1605 = tpu.memref_slice %dma_start3A_1603[%min3A_1585, %dma_start3A_1604] : memref<125x80xi32, #tpu.memory_space<hbm>> -> memref<1x80xi32, #tpu.memory_space<hbm>>
      %dma_start3A_1606 = tpu.memref_squeeze %dma_start3A_1605 : memref<1x80xi32, #tpu.memory_space<hbm>> -> memref<80xi32, #tpu.memory_space<hbm>>
      tpu.enqueue_dma source(%dma_start3A_1606 : memref<80xi32, #tpu.memory_space<hbm>>) target(%dma_start3A_1599 : memref<80xi32, #tpu.memory_space<vmem>>) target_semaphore(%arg34 : memref<!tpu.dma_semaphore, #tpu.memory_space<semaphore_mem>>)
      %dma_start3A_1607 = arith.constant 4 : i32
      %dma_start3A_1608 = arith.constant 0 : i32
      %dma_start3A_1609 = tpu.memref_slice %arg11[%dma_start3A_1607, %dma_start3A_1608] : memref<8x80xi32, #tpu.memory_space<vmem>> -> memref<1x80xi32, #tpu.memory_space<vmem>>
      %dma_start3A_1610 = tpu.memref_squeeze %dma_start3A_1609 : memref<1x80xi32, #tpu.memory_space<vmem>> -> memref<80xi32, #tpu.memory_space<vmem>>
      %dma_start3A_1611 = arith.constant 0 : i32
      %dma_start3A_1612 = arith.constant 0 : i32
      %dma_start3A_1613 = tpu.memref_slice %arg4[%add3A, %dma_start3A_1611, %dma_start3A_1612] : memref<32x125x80xi32, #tpu.memory_space<hbm>> -> memref<1x125x80xi32, #tpu.memory_space<hbm>>
      %dma_start3A_1614 = tpu.memref_squeeze %dma_start3A_1613 : memref<1x125x80xi32, #tpu.memory_space<hbm>> -> memref<125x80xi32, #tpu.memory_space<hbm>>
      %dma_start3A_1615 = arith.constant 0 : i32
      %dma_start3A_1616 = tpu.memref_slice %dma_start3A_1614[%min3A_1585, %dma_start3A_1615] : memref<125x80xi32, #tpu.memory_space<hbm>> -> memref<1x80xi32, #tpu.memory_space<hbm>>
      %dma_start3A_1617 = tpu.memref_squeeze %dma_start3A_1616 : memref<1x80xi32, #tpu.memory_space<hbm>> -> memref<80xi32, #tpu.memory_space<hbm>>
      %dma_start3A_1618 = arith.constant 0 : i32
      %dma_start3A_1619 = tpu.memref_slice %arg11[%dma_start3A_1607, %dma_start3A_1618] : memref<8x80xi32, #tpu.memory_space<vmem>> -> memref<1x80xi32, #tpu.memory_space<vmem>>
      %dma_start3A_1620 = tpu.memref_squeeze %dma_start3A_1619 : memref<1x80xi32, #tpu.memory_space<vmem>> -> memref<80xi32, #tpu.memory_space<vmem>>
      %dma_start3A_1621 = arith.constant 0 : i32
      %dma_start3A_1622 = arith.constant 0 : i32
      %dma_start3A_1623 = tpu.memref_slice %arg4[%add3A, %dma_start3A_1621, %dma_start3A_1622] : memref<32x125x80xi32, #tpu.memory_space<hbm>> -> memref<1x125x80xi32, #tpu.memory_space<hbm>>
      %dma_start3A_1624 = tpu.memref_squeeze %dma_start3A_1623 : memref<1x125x80xi32, #tpu.memory_space<hbm>> -> memref<125x80xi32, #tpu.memory_space<hbm>>
      %dma_start3A_1625 = arith.constant 0 : i32
      %dma_start3A_1626 = tpu.memref_slice %dma_start3A_1624[%min3A_1585, %dma_start3A_1625] : memref<125x80xi32, #tpu.memory_space<hbm>> -> memref<1x80xi32, #tpu.memory_space<hbm>>
      %dma_start3A_1627 = tpu.memref_squeeze %dma_start3A_1626 : memref<1x80xi32, #tpu.memory_space<hbm>> -> memref<80xi32, #tpu.memory_space<hbm>>
      tpu.enqueue_dma source(%dma_start3A_1627 : memref<80xi32, #tpu.memory_space<hbm>>) target(%dma_start3A_1620 : memref<80xi32, #tpu.memory_space<vmem>>) target_semaphore(%arg34 : memref<!tpu.dma_semaphore, #tpu.memory_space<semaphore_mem>>)
      %dma_wait3A_1628 = arith.constant 0 : i32
      %dma_wait3A_1629 = arith.constant 0 : i32
      %dma_wait3A_1630 = arith.constant 0 : i32
      %dma_wait3A_1631 = tpu.memref_slice %arg10[%dma_wait3A_1629, %dma_wait3A_1630] : memref<8x80xi32, #tpu.memory_space<vmem>> -> memref<1x80xi32, #tpu.memory_space<vmem>>
      %dma_wait3A_1632 = tpu.memref_squeeze %dma_wait3A_1631 : memref<1x80xi32, #tpu.memory_space<vmem>> -> memref<80xi32, #tpu.memory_space<vmem>>
      %dma_wait3A_1633 = arith.constant 0 : i32
      %dma_wait3A_1634 = arith.constant 0 : i32
      %dma_wait3A_1635 = tpu.memref_slice %arg3[%add3A, %dma_wait3A_1633, %dma_wait3A_1634] : memref<32x125x80xi32, #tpu.memory_space<hbm>> -> memref<1x125x80xi32, #tpu.memory_space<hbm>>
      %dma_wait3A_1636 = tpu.memref_squeeze %dma_wait3A_1635 : memref<1x125x80xi32, #tpu.memory_space<hbm>> -> memref<125x80xi32, #tpu.memory_space<hbm>>
      %dma_wait3A_1637 = arith.constant 0 : i32
      %dma_wait3A_1638 = tpu.memref_slice %dma_wait3A_1636[%dma_wait3A_1628, %dma_wait3A_1637] : memref<125x80xi32, #tpu.memory_space<hbm>> -> memref<1x80xi32, #tpu.memory_space<hbm>>
      %dma_wait3A_1639 = tpu.memref_squeeze %dma_wait3A_1638 : memref<1x80xi32, #tpu.memory_space<hbm>> -> memref<80xi32, #tpu.memory_space<hbm>>
      %dma_wait3A_1640 = arith.constant 0 : i32
      %dma_wait3A_1641 = tpu.memref_slice %arg10[%dma_wait3A_1629, %dma_wait3A_1640] : memref<8x80xi32, #tpu.memory_space<vmem>> -> memref<1x80xi32, #tpu.memory_space<vmem>>
      %dma_wait3A_1642 = tpu.memref_squeeze %dma_wait3A_1641 : memref<1x80xi32, #tpu.memory_space<vmem>> -> memref<80xi32, #tpu.memory_space<vmem>>
      %dma_wait3A_1643 = arith.constant 0 : i32
      %dma_wait3A_1644 = arith.constant 0 : i32
      %dma_wait3A_1645 = tpu.memref_slice %arg3[%add3A, %dma_wait3A_1643, %dma_wait3A_1644] : memref<32x125x80xi32, #tpu.memory_space<hbm>> -> memref<1x125x80xi32, #tpu.memory_space<hbm>>
      %dma_wait3A_1646 = tpu.memref_squeeze %dma_wait3A_1645 : memref<1x125x80xi32, #tpu.memory_space<hbm>> -> memref<125x80xi32, #tpu.memory_space<hbm>>
      %dma_wait3A_1647 = arith.constant 0 : i32
      %dma_wait3A_1648 = tpu.memref_slice %dma_wait3A_1646[%dma_wait3A_1628, %dma_wait3A_1647] : memref<125x80xi32, #tpu.memory_space<hbm>> -> memref<1x80xi32, #tpu.memory_space<hbm>>
      %dma_wait3A_1649 = tpu.memref_squeeze %dma_wait3A_1648 : memref<1x80xi32, #tpu.memory_space<hbm>> -> memref<80xi32, #tpu.memory_space<hbm>>
      tpu.wait_dma2 semaphore(%arg30 : memref<!tpu.dma_semaphore, #tpu.memory_space<semaphore_mem>>) src(%dma_wait3A_1649 : memref<80xi32, #tpu.memory_space<hbm>>) dst(%dma_wait3A_1642 : memref<80xi32, #tpu.memory_space<vmem>>)
      %dma_wait3A_1650 = arith.constant 0 : i32
      %dma_wait3A_1651 = arith.constant 0 : i32
      %dma_wait3A_1652 = arith.constant 0 : i32
      %dma_wait3A_1653 = tpu.memref_slice %arg11[%dma_wait3A_1651, %dma_wait3A_1652] : memref<8x80xi32, #tpu.memory_space<vmem>> -> memref<1x80xi32, #tpu.memory_space<vmem>>
      %dma_wait3A_1654 = tpu.memref_squeeze %dma_wait3A_1653 : memref<1x80xi32, #tpu.memory_space<vmem>> -> memref<80xi32, #tpu.memory_space<vmem>>
      %dma_wait3A_1655 = arith.constant 0 : i32
      %dma_wait3A_1656 = arith.constant 0 : i32
      %dma_wait3A_1657 = tpu.memref_slice %arg4[%add3A, %dma_wait3A_1655, %dma_wait3A_1656] : memref<32x125x80xi32, #tpu.memory_space<hbm>> -> memref<1x125x80xi32, #tpu.memory_space<hbm>>
      %dma_wait3A_1658 = tpu.memref_squeeze %dma_wait3A_1657 : memref<1x125x80xi32, #tpu.memory_space<hbm>> -> memref<125x80xi32, #tpu.memory_space<hbm>>
      %dma_wait3A_1659 = arith.constant 0 : i32
      %dma_wait3A_1660 = tpu.memref_slice %dma_wait3A_1658[%dma_wait3A_1650, %dma_wait3A_1659] : memref<125x80xi32, #tpu.memory_space<hbm>> -> memref<1x80xi32, #tpu.memory_space<hbm>>
      %dma_wait3A_1661 = tpu.memref_squeeze %dma_wait3A_1660 : memref<1x80xi32, #tpu.memory_space<hbm>> -> memref<80xi32, #tpu.memory_space<hbm>>
      %dma_wait3A_1662 = arith.constant 0 : i32
      %dma_wait3A_1663 = tpu.memref_slice %arg11[%dma_wait3A_1651, %dma_wait3A_1662] : memref<8x80xi32, #tpu.memory_space<vmem>> -> memref<1x80xi32, #tpu.memory_space<vmem>>
      %dma_wait3A_1664 = tpu.memref_squeeze %dma_wait3A_1663 : memref<1x80xi32, #tpu.memory_space<vmem>> -> memref<80xi32, #tpu.memory_space<vmem>>
      %dma_wait3A_1665 = arith.constant 0 : i32
      %dma_wait3A_1666 = arith.constant 0 : i32
      %dma_wait3A_1667 = tpu.memref_slice %arg4[%add3A, %dma_wait3A_1665, %dma_wait3A_1666] : memref<32x125x80xi32, #tpu.memory_space<hbm>> -> memref<1x125x80xi32, #tpu.memory_space<hbm>>
      %dma_wait3A_1668 = tpu.memref_squeeze %dma_wait3A_1667 : memref<1x125x80xi32, #tpu.memory_space<hbm>> -> memref<125x80xi32, #tpu.memory_space<hbm>>
      %dma_wait3A_1669 = arith.constant 0 : i32
      %dma_wait3A_1670 = tpu.memref_slice %dma_wait3A_1668[%dma_wait3A_1650, %dma_wait3A_1669] : memref<125x80xi32, #tpu.memory_space<hbm>> -> memref<1x80xi32, #tpu.memory_space<hbm>>
      %dma_wait3A_1671 = tpu.memref_squeeze %dma_wait3A_1670 : memref<1x80xi32, #tpu.memory_space<hbm>> -> memref<80xi32, #tpu.memory_space<hbm>>
      tpu.wait_dma2 semaphore(%arg30 : memref<!tpu.dma_semaphore, #tpu.memory_space<semaphore_mem>>) src(%dma_wait3A_1671 : memref<80xi32, #tpu.memory_space<hbm>>) dst(%dma_wait3A_1664 : memref<80xi32, #tpu.memory_space<vmem>>)
      %dma_start3A_1672 = arith.constant 0 : i32
      %dma_start3A_1673 = arith.constant 0 : i32
      %dma_start3A_1674 = tpu.memref_slice %arg10[%dma_start3A_1672, %dma_start3A_1673] : memref<8x80xi32, #tpu.memory_space<vmem>> -> memref<1x80xi32, #tpu.memory_space<vmem>>
      %dma_start3A_1675 = tpu.memref_squeeze %dma_start3A_1674 : memref<1x80xi32, #tpu.memory_space<vmem>> -> memref<80xi32, #tpu.memory_space<vmem>>
      %dma_start3A_1676 = arith.constant 0 : i32
      %dma_start3A_1677 = arith.constant 0 : i32
      %dma_start3A_1678 = tpu.memref_slice %arg2[%dma_start3A_1676, %dma_start3A_1677] : memref<10000x128xf32, #tpu.memory_space<hbm>> -> memref<10000x128xf32, #tpu.memory_space<hbm>>
      tpu.enqueue_indirect_dma source(%dma_start3A_1678 : memref<10000x128xf32, #tpu.memory_space<hbm>>) target(%arg12 : memref<80x128xf32, #tpu.memory_space<vmem>>) offsets(%dma_start3A_1675 : memref<80xi32, #tpu.memory_space<vmem>>) semaphore(%arg21 : memref<!tpu.dma_semaphore, #tpu.memory_space<semaphore_mem>>)
      %mul3A_1679 = arith.constant 8 : i32
      %mul3A_1680 = arith.muli %scan3A_862, %mul3A_1679 : i32
      %add3A_1681 = arith.constant 6 : i32
      %add3A_1682 = arith.addi %mul3A_1680, %add3A_1681 : i32
      %dma_wait3A_1683 = arith.constant 0 : i32
      %dma_wait3A_1684 = arith.constant 0 : i32
      %dma_wait3A_1685 = tpu.memref_slice %arg10[%dma_wait3A_1683, %dma_wait3A_1684] : memref<8x80xi32, #tpu.memory_space<vmem>> -> memref<1x80xi32, #tpu.memory_space<vmem>>
      %dma_wait3A_1686 = tpu.memref_squeeze %dma_wait3A_1685 : memref<1x80xi32, #tpu.memory_space<vmem>> -> memref<80xi32, #tpu.memory_space<vmem>>
      %dma_wait3A_1687 = arith.constant 0 : i32
      %dma_wait3A_1688 = arith.constant 0 : i32
      %dma_wait3A_1689 = tpu.memref_slice %arg2[%dma_wait3A_1687, %dma_wait3A_1688] : memref<10000x128xf32, #tpu.memory_space<hbm>> -> memref<10000x128xf32, #tpu.memory_space<hbm>>
      tpu.wait_indirect_dma semaphore(%arg23 : memref<!tpu.dma_semaphore, #tpu.memory_space<semaphore_mem>>) src(%dma_wait3A_1689 : memref<10000x128xf32, #tpu.memory_space<hbm>>) dst(%arg14 : memref<80x128xf32, #tpu.memory_space<vmem>>)
      %dma_start3A_1690 = arith.constant 6 : i32
      %dma_start3A_1691 = arith.constant 0 : i32
      %dma_start3A_1692 = tpu.memref_slice %arg11[%dma_start3A_1690, %dma_start3A_1691] : memref<8x80xi32, #tpu.memory_space<vmem>> -> memref<1x80xi32, #tpu.memory_space<vmem>>
      %dma_start3A_1693 = tpu.memref_squeeze %dma_start3A_1692 : memref<1x80xi32, #tpu.memory_space<vmem>> -> memref<80xi32, #tpu.memory_space<vmem>>
      %dma_start3A_1694 = arith.constant 0 : i32
      %dma_start3A_1695 = arith.constant 0 : i32
      %dma_start3A_1696 = tpu.memref_slice %arg19[%dma_start3A_1694, %dma_start3A_1695] : memref<10000x128xf32, #tpu.memory_space<vmem_shared>> -> memref<10000x128xf32, #tpu.memory_space<vmem_shared>>
      tpu.enqueue_indirect_dma source(%arg14 : memref<80x128xf32, #tpu.memory_space<vmem>>) target(%dma_start3A_1696 : memref<10000x128xf32, #tpu.memory_space<vmem_shared>>) offsets(%dma_start3A_1693 : memref<80xi32, #tpu.memory_space<vmem>>) semaphore(%arg27 : memref<!tpu.dma_semaphore, #tpu.memory_space<semaphore_mem>>) {add = true}
      %dma_wait3A_1697 = arith.constant 0 : i32
      %dma_wait3A_1698 = arith.constant 0 : i32
      %dma_wait3A_1699 = tpu.memref_slice %arg11[%dma_wait3A_1697, %dma_wait3A_1698] : memref<8x80xi32, #tpu.memory_space<vmem>> -> memref<1x80xi32, #tpu.memory_space<vmem>>
      %dma_wait3A_1700 = tpu.memref_squeeze %dma_wait3A_1699 : memref<1x80xi32, #tpu.memory_space<vmem>> -> memref<80xi32, #tpu.memory_space<vmem>>
      %dma_wait3A_1701 = arith.constant 0 : i32
      %dma_wait3A_1702 = arith.constant 0 : i32
      %dma_wait3A_1703 = tpu.memref_slice %arg19[%dma_wait3A_1701, %dma_wait3A_1702] : memref<10000x128xf32, #tpu.memory_space<vmem_shared>> -> memref<10000x128xf32, #tpu.memory_space<vmem_shared>>
      tpu.wait_indirect_dma semaphore(%arg26 : memref<!tpu.dma_semaphore, #tpu.memory_space<semaphore_mem>>) src(%arg13 : memref<80x128xf32, #tpu.memory_space<vmem>>) dst(%dma_wait3A_1703 : memref<10000x128xf32, #tpu.memory_space<vmem_shared>>)
      %dma_wait3A_1704 = arith.constant 0 : i32
      %dma_wait3A_1705 = arith.constant 0 : i32
      %dma_wait3A_1706 = tpu.memref_slice %arg11[%dma_wait3A_1704, %dma_wait3A_1705] : memref<8x80xi32, #tpu.memory_space<vmem>> -> memref<1x80xi32, #tpu.memory_space<vmem>>
      %dma_wait3A_1707 = tpu.memref_squeeze %dma_wait3A_1706 : memref<1x80xi32, #tpu.memory_space<vmem>> -> memref<80xi32, #tpu.memory_space<vmem>>
      %dma_wait3A_1708 = arith.constant 0 : i32
      %dma_wait3A_1709 = arith.constant 0 : i32
      %dma_wait3A_1710 = tpu.memref_slice %arg20[%dma_wait3A_1708, %dma_wait3A_1709] : memref<10000x8xf32, #tpu.memory_space<vmem_shared>> -> memref<10000x8xf32, #tpu.memory_space<vmem_shared>>
      tpu.wait_indirect_dma semaphore(%arg29 : memref<!tpu.dma_semaphore, #tpu.memory_space<semaphore_mem>>) src(%arg16 : memref<80x8xf32, #tpu.memory_space<vmem>>) dst(%dma_wait3A_1710 : memref<10000x8xf32, #tpu.memory_space<vmem_shared>>)
      %dma_start3A_1711 = arith.constant 6 : i32
      %dma_start3A_1712 = arith.constant 0 : i32
      %dma_start3A_1713 = tpu.memref_slice %arg11[%dma_start3A_1711, %dma_start3A_1712] : memref<8x80xi32, #tpu.memory_space<vmem>> -> memref<1x80xi32, #tpu.memory_space<vmem>>
      %dma_start3A_1714 = tpu.memref_squeeze %dma_start3A_1713 : memref<1x80xi32, #tpu.memory_space<vmem>> -> memref<80xi32, #tpu.memory_space<vmem>>
      %dma_start3A_1715 = arith.constant 0 : i32
      %dma_start3A_1716 = arith.constant 0 : i32
      %dma_start3A_1717 = tpu.memref_slice %arg20[%dma_start3A_1715, %dma_start3A_1716] : memref<10000x8xf32, #tpu.memory_space<vmem_shared>> -> memref<10000x8xf32, #tpu.memory_space<vmem_shared>>
      tpu.enqueue_indirect_dma source(%arg16 : memref<80x8xf32, #tpu.memory_space<vmem>>) target(%dma_start3A_1717 : memref<10000x8xf32, #tpu.memory_space<vmem_shared>>) offsets(%dma_start3A_1714 : memref<80xi32, #tpu.memory_space<vmem>>) semaphore(%arg29 : memref<!tpu.dma_semaphore, #tpu.memory_space<semaphore_mem>>) {add = true}
      %add3A_1718 = arith.constant 8 : i32
      %add3A_1719 = arith.addi %add3A_1682, %add3A_1718 : i32
      %sub3A_1720 = arith.constant 1 : i32
      %sub3A_1721 = arith.subi %add3A_1719, %sub3A_1720 : i32
      %min3A_1722 = arith.constant 124 : i32
      %min3A_1723 = arith.minsi %sub3A_1721, %min3A_1722 : i32
      %dma_start3A_1724 = arith.constant 5 : i32
      %dma_start3A_1725 = arith.constant 0 : i32
      %dma_start3A_1726 = tpu.memref_slice %arg10[%dma_start3A_1724, %dma_start3A_1725] : memref<8x80xi32, #tpu.memory_space<vmem>> -> memref<1x80xi32, #tpu.memory_space<vmem>>
      %dma_start3A_1727 = tpu.memref_squeeze %dma_start3A_1726 : memref<1x80xi32, #tpu.memory_space<vmem>> -> memref<80xi32, #tpu.memory_space<vmem>>
      %dma_start3A_1728 = arith.constant 0 : i32
      %dma_start3A_1729 = arith.constant 0 : i32
      %dma_start3A_1730 = tpu.memref_slice %arg3[%add3A, %dma_start3A_1728, %dma_start3A_1729] : memref<32x125x80xi32, #tpu.memory_space<hbm>> -> memref<1x125x80xi32, #tpu.memory_space<hbm>>
      %dma_start3A_1731 = tpu.memref_squeeze %dma_start3A_1730 : memref<1x125x80xi32, #tpu.memory_space<hbm>> -> memref<125x80xi32, #tpu.memory_space<hbm>>
      %dma_start3A_1732 = arith.constant 0 : i32
      %dma_start3A_1733 = tpu.memref_slice %dma_start3A_1731[%min3A_1723, %dma_start3A_1732] : memref<125x80xi32, #tpu.memory_space<hbm>> -> memref<1x80xi32, #tpu.memory_space<hbm>>
      %dma_start3A_1734 = tpu.memref_squeeze %dma_start3A_1733 : memref<1x80xi32, #tpu.memory_space<hbm>> -> memref<80xi32, #tpu.memory_space<hbm>>
      %dma_start3A_1735 = arith.constant 0 : i32
      %dma_start3A_1736 = tpu.memref_slice %arg10[%dma_start3A_1724, %dma_start3A_1735] : memref<8x80xi32, #tpu.memory_space<vmem>> -> memref<1x80xi32, #tpu.memory_space<vmem>>
      %dma_start3A_1737 = tpu.memref_squeeze %dma_start3A_1736 : memref<1x80xi32, #tpu.memory_space<vmem>> -> memref<80xi32, #tpu.memory_space<vmem>>
      %dma_start3A_1738 = arith.constant 0 : i32
      %dma_start3A_1739 = arith.constant 0 : i32
      %dma_start3A_1740 = tpu.memref_slice %arg3[%add3A, %dma_start3A_1738, %dma_start3A_1739] : memref<32x125x80xi32, #tpu.memory_space<hbm>> -> memref<1x125x80xi32, #tpu.memory_space<hbm>>
      %dma_start3A_1741 = tpu.memref_squeeze %dma_start3A_1740 : memref<1x125x80xi32, #tpu.memory_space<hbm>> -> memref<125x80xi32, #tpu.memory_space<hbm>>
      %dma_start3A_1742 = arith.constant 0 : i32
      %dma_start3A_1743 = tpu.memref_slice %dma_start3A_1741[%min3A_1723, %dma_start3A_1742] : memref<125x80xi32, #tpu.memory_space<hbm>> -> memref<1x80xi32, #tpu.memory_space<hbm>>
      %dma_start3A_1744 = tpu.memref_squeeze %dma_start3A_1743 : memref<1x80xi32, #tpu.memory_space<hbm>> -> memref<80xi32, #tpu.memory_space<hbm>>
      tpu.enqueue_dma source(%dma_start3A_1744 : memref<80xi32, #tpu.memory_space<hbm>>) target(%dma_start3A_1737 : memref<80xi32, #tpu.memory_space<vmem>>) target_semaphore(%arg35 : memref<!tpu.dma_semaphore, #tpu.memory_space<semaphore_mem>>)
      %dma_start3A_1745 = arith.constant 5 : i32
      %dma_start3A_1746 = arith.constant 0 : i32
      %dma_start3A_1747 = tpu.memref_slice %arg11[%dma_start3A_1745, %dma_start3A_1746] : memref<8x80xi32, #tpu.memory_space<vmem>> -> memref<1x80xi32, #tpu.memory_space<vmem>>
      %dma_start3A_1748 = tpu.memref_squeeze %dma_start3A_1747 : memref<1x80xi32, #tpu.memory_space<vmem>> -> memref<80xi32, #tpu.memory_space<vmem>>
      %dma_start3A_1749 = arith.constant 0 : i32
      %dma_start3A_1750 = arith.constant 0 : i32
      %dma_start3A_1751 = tpu.memref_slice %arg4[%add3A, %dma_start3A_1749, %dma_start3A_1750] : memref<32x125x80xi32, #tpu.memory_space<hbm>> -> memref<1x125x80xi32, #tpu.memory_space<hbm>>
      %dma_start3A_1752 = tpu.memref_squeeze %dma_start3A_1751 : memref<1x125x80xi32, #tpu.memory_space<hbm>> -> memref<125x80xi32, #tpu.memory_space<hbm>>
      %dma_start3A_1753 = arith.constant 0 : i32
      %dma_start3A_1754 = tpu.memref_slice %dma_start3A_1752[%min3A_1723, %dma_start3A_1753] : memref<125x80xi32, #tpu.memory_space<hbm>> -> memref<1x80xi32, #tpu.memory_space<hbm>>
      %dma_start3A_1755 = tpu.memref_squeeze %dma_start3A_1754 : memref<1x80xi32, #tpu.memory_space<hbm>> -> memref<80xi32, #tpu.memory_space<hbm>>
      %dma_start3A_1756 = arith.constant 0 : i32
      %dma_start3A_1757 = tpu.memref_slice %arg11[%dma_start3A_1745, %dma_start3A_1756] : memref<8x80xi32, #tpu.memory_space<vmem>> -> memref<1x80xi32, #tpu.memory_space<vmem>>
      %dma_start3A_1758 = tpu.memref_squeeze %dma_start3A_1757 : memref<1x80xi32, #tpu.memory_space<vmem>> -> memref<80xi32, #tpu.memory_space<vmem>>
      %dma_start3A_1759 = arith.constant 0 : i32
      %dma_start3A_1760 = arith.constant 0 : i32
      %dma_start3A_1761 = tpu.memref_slice %arg4[%add3A, %dma_start3A_1759, %dma_start3A_1760] : memref<32x125x80xi32, #tpu.memory_space<hbm>> -> memref<1x125x80xi32, #tpu.memory_space<hbm>>
      %dma_start3A_1762 = tpu.memref_squeeze %dma_start3A_1761 : memref<1x125x80xi32, #tpu.memory_space<hbm>> -> memref<125x80xi32, #tpu.memory_space<hbm>>
      %dma_start3A_1763 = arith.constant 0 : i32
      %dma_start3A_1764 = tpu.memref_slice %dma_start3A_1762[%min3A_1723, %dma_start3A_1763] : memref<125x80xi32, #tpu.memory_space<hbm>> -> memref<1x80xi32, #tpu.memory_space<hbm>>
      %dma_start3A_1765 = tpu.memref_squeeze %dma_start3A_1764 : memref<1x80xi32, #tpu.memory_space<hbm>> -> memref<80xi32, #tpu.memory_space<hbm>>
      tpu.enqueue_dma source(%dma_start3A_1765 : memref<80xi32, #tpu.memory_space<hbm>>) target(%dma_start3A_1758 : memref<80xi32, #tpu.memory_space<vmem>>) target_semaphore(%arg35 : memref<!tpu.dma_semaphore, #tpu.memory_space<semaphore_mem>>)
      %dma_wait3A_1766 = arith.constant 0 : i32
      %dma_wait3A_1767 = arith.constant 1 : i32
      %dma_wait3A_1768 = arith.constant 0 : i32
      %dma_wait3A_1769 = tpu.memref_slice %arg10[%dma_wait3A_1767, %dma_wait3A_1768] : memref<8x80xi32, #tpu.memory_space<vmem>> -> memref<1x80xi32, #tpu.memory_space<vmem>>
      %dma_wait3A_1770 = tpu.memref_squeeze %dma_wait3A_1769 : memref<1x80xi32, #tpu.memory_space<vmem>> -> memref<80xi32, #tpu.memory_space<vmem>>
      %dma_wait3A_1771 = arith.constant 0 : i32
      %dma_wait3A_1772 = arith.constant 0 : i32
      %dma_wait3A_1773 = tpu.memref_slice %arg3[%add3A, %dma_wait3A_1771, %dma_wait3A_1772] : memref<32x125x80xi32, #tpu.memory_space<hbm>> -> memref<1x125x80xi32, #tpu.memory_space<hbm>>
      %dma_wait3A_1774 = tpu.memref_squeeze %dma_wait3A_1773 : memref<1x125x80xi32, #tpu.memory_space<hbm>> -> memref<125x80xi32, #tpu.memory_space<hbm>>
      %dma_wait3A_1775 = arith.constant 0 : i32
      %dma_wait3A_1776 = tpu.memref_slice %dma_wait3A_1774[%dma_wait3A_1766, %dma_wait3A_1775] : memref<125x80xi32, #tpu.memory_space<hbm>> -> memref<1x80xi32, #tpu.memory_space<hbm>>
      %dma_wait3A_1777 = tpu.memref_squeeze %dma_wait3A_1776 : memref<1x80xi32, #tpu.memory_space<hbm>> -> memref<80xi32, #tpu.memory_space<hbm>>
      %dma_wait3A_1778 = arith.constant 0 : i32
      %dma_wait3A_1779 = tpu.memref_slice %arg10[%dma_wait3A_1767, %dma_wait3A_1778] : memref<8x80xi32, #tpu.memory_space<vmem>> -> memref<1x80xi32, #tpu.memory_space<vmem>>
      %dma_wait3A_1780 = tpu.memref_squeeze %dma_wait3A_1779 : memref<1x80xi32, #tpu.memory_space<vmem>> -> memref<80xi32, #tpu.memory_space<vmem>>
      %dma_wait3A_1781 = arith.constant 0 : i32
      %dma_wait3A_1782 = arith.constant 0 : i32
      %dma_wait3A_1783 = tpu.memref_slice %arg3[%add3A, %dma_wait3A_1781, %dma_wait3A_1782] : memref<32x125x80xi32, #tpu.memory_space<hbm>> -> memref<1x125x80xi32, #tpu.memory_space<hbm>>
      %dma_wait3A_1784 = tpu.memref_squeeze %dma_wait3A_1783 : memref<1x125x80xi32, #tpu.memory_space<hbm>> -> memref<125x80xi32, #tpu.memory_space<hbm>>
      %dma_wait3A_1785 = arith.constant 0 : i32
      %dma_wait3A_1786 = tpu.memref_slice %dma_wait3A_1784[%dma_wait3A_1766, %dma_wait3A_1785] : memref<125x80xi32, #tpu.memory_space<hbm>> -> memref<1x80xi32, #tpu.memory_space<hbm>>
      %dma_wait3A_1787 = tpu.memref_squeeze %dma_wait3A_1786 : memref<1x80xi32, #tpu.memory_space<hbm>> -> memref<80xi32, #tpu.memory_space<hbm>>
      tpu.wait_dma2 semaphore(%arg31 : memref<!tpu.dma_semaphore, #tpu.memory_space<semaphore_mem>>) src(%dma_wait3A_1787 : memref<80xi32, #tpu.memory_space<hbm>>) dst(%dma_wait3A_1780 : memref<80xi32, #tpu.memory_space<vmem>>)
      %dma_wait3A_1788 = arith.constant 0 : i32
      %dma_wait3A_1789 = arith.constant 1 : i32
      %dma_wait3A_1790 = arith.constant 0 : i32
      %dma_wait3A_1791 = tpu.memref_slice %arg11[%dma_wait3A_1789, %dma_wait3A_1790] : memref<8x80xi32, #tpu.memory_space<vmem>> -> memref<1x80xi32, #tpu.memory_space<vmem>>
      %dma_wait3A_1792 = tpu.memref_squeeze %dma_wait3A_1791 : memref<1x80xi32, #tpu.memory_space<vmem>> -> memref<80xi32, #tpu.memory_space<vmem>>
      %dma_wait3A_1793 = arith.constant 0 : i32
      %dma_wait3A_1794 = arith.constant 0 : i32
      %dma_wait3A_1795 = tpu.memref_slice %arg4[%add3A, %dma_wait3A_1793, %dma_wait3A_1794] : memref<32x125x80xi32, #tpu.memory_space<hbm>> -> memref<1x125x80xi32, #tpu.memory_space<hbm>>
      %dma_wait3A_1796 = tpu.memref_squeeze %dma_wait3A_1795 : memref<1x125x80xi32, #tpu.memory_space<hbm>> -> memref<125x80xi32, #tpu.memory_space<hbm>>
      %dma_wait3A_1797 = arith.constant 0 : i32
      %dma_wait3A_1798 = tpu.memref_slice %dma_wait3A_1796[%dma_wait3A_1788, %dma_wait3A_1797] : memref<125x80xi32, #tpu.memory_space<hbm>> -> memref<1x80xi32, #tpu.memory_space<hbm>>
      %dma_wait3A_1799 = tpu.memref_squeeze %dma_wait3A_1798 : memref<1x80xi32, #tpu.memory_space<hbm>> -> memref<80xi32, #tpu.memory_space<hbm>>
      %dma_wait3A_1800 = arith.constant 0 : i32
      %dma_wait3A_1801 = tpu.memref_slice %arg11[%dma_wait3A_1789, %dma_wait3A_1800] : memref<8x80xi32, #tpu.memory_space<vmem>> -> memref<1x80xi32, #tpu.memory_space<vmem>>
      %dma_wait3A_1802 = tpu.memref_squeeze %dma_wait3A_1801 : memref<1x80xi32, #tpu.memory_space<vmem>> -> memref<80xi32, #tpu.memory_space<vmem>>
      %dma_wait3A_1803 = arith.constant 0 : i32
      %dma_wait3A_1804 = arith.constant 0 : i32
      %dma_wait3A_1805 = tpu.memref_slice %arg4[%add3A, %dma_wait3A_1803, %dma_wait3A_1804] : memref<32x125x80xi32, #tpu.memory_space<hbm>> -> memref<1x125x80xi32, #tpu.memory_space<hbm>>
      %dma_wait3A_1806 = tpu.memref_squeeze %dma_wait3A_1805 : memref<1x125x80xi32, #tpu.memory_space<hbm>> -> memref<125x80xi32, #tpu.memory_space<hbm>>
      %dma_wait3A_1807 = arith.constant 0 : i32
      %dma_wait3A_1808 = tpu.memref_slice %dma_wait3A_1806[%dma_wait3A_1788, %dma_wait3A_1807] : memref<125x80xi32, #tpu.memory_space<hbm>> -> memref<1x80xi32, #tpu.memory_space<hbm>>
      %dma_wait3A_1809 = tpu.memref_squeeze %dma_wait3A_1808 : memref<1x80xi32, #tpu.memory_space<hbm>> -> memref<80xi32, #tpu.memory_space<hbm>>
      tpu.wait_dma2 semaphore(%arg31 : memref<!tpu.dma_semaphore, #tpu.memory_space<semaphore_mem>>) src(%dma_wait3A_1809 : memref<80xi32, #tpu.memory_space<hbm>>) dst(%dma_wait3A_1802 : memref<80xi32, #tpu.memory_space<vmem>>)
      %dma_start3A_1810 = arith.constant 1 : i32
      %dma_start3A_1811 = arith.constant 0 : i32
      %dma_start3A_1812 = tpu.memref_slice %arg10[%dma_start3A_1810, %dma_start3A_1811] : memref<8x80xi32, #tpu.memory_space<vmem>> -> memref<1x80xi32, #tpu.memory_space<vmem>>
      %dma_start3A_1813 = tpu.memref_squeeze %dma_start3A_1812 : memref<1x80xi32, #tpu.memory_space<vmem>> -> memref<80xi32, #tpu.memory_space<vmem>>
      %dma_start3A_1814 = arith.constant 0 : i32
      %dma_start3A_1815 = arith.constant 0 : i32
      %dma_start3A_1816 = tpu.memref_slice %arg2[%dma_start3A_1814, %dma_start3A_1815] : memref<10000x128xf32, #tpu.memory_space<hbm>> -> memref<10000x128xf32, #tpu.memory_space<hbm>>
      tpu.enqueue_indirect_dma source(%dma_start3A_1816 : memref<10000x128xf32, #tpu.memory_space<hbm>>) target(%arg13 : memref<80x128xf32, #tpu.memory_space<vmem>>) offsets(%dma_start3A_1813 : memref<80xi32, #tpu.memory_space<vmem>>) semaphore(%arg22 : memref<!tpu.dma_semaphore, #tpu.memory_space<semaphore_mem>>)
      %mul3A_1817 = arith.constant 8 : i32
      %mul3A_1818 = arith.muli %scan3A_862, %mul3A_1817 : i32
      %add3A_1819 = arith.constant 7 : i32
      %add3A_1820 = arith.addi %mul3A_1818, %add3A_1819 : i32
      %dma_wait3A_1821 = arith.constant 0 : i32
      %dma_wait3A_1822 = arith.constant 0 : i32
      %dma_wait3A_1823 = tpu.memref_slice %arg10[%dma_wait3A_1821, %dma_wait3A_1822] : memref<8x80xi32, #tpu.memory_space<vmem>> -> memref<1x80xi32, #tpu.memory_space<vmem>>
      %dma_wait3A_1824 = tpu.memref_squeeze %dma_wait3A_1823 : memref<1x80xi32, #tpu.memory_space<vmem>> -> memref<80xi32, #tpu.memory_space<vmem>>
      %dma_wait3A_1825 = arith.constant 0 : i32
      %dma_wait3A_1826 = arith.constant 0 : i32
      %dma_wait3A_1827 = tpu.memref_slice %arg2[%dma_wait3A_1825, %dma_wait3A_1826] : memref<10000x128xf32, #tpu.memory_space<hbm>> -> memref<10000x128xf32, #tpu.memory_space<hbm>>
      tpu.wait_indirect_dma semaphore(%arg24 : memref<!tpu.dma_semaphore, #tpu.memory_space<semaphore_mem>>) src(%dma_wait3A_1827 : memref<10000x128xf32, #tpu.memory_space<hbm>>) dst(%arg15 : memref<80x128xf32, #tpu.memory_space<vmem>>)
      %dma_start3A_1828 = arith.constant 7 : i32
      %dma_start3A_1829 = arith.constant 0 : i32
      %dma_start3A_1830 = tpu.memref_slice %arg11[%dma_start3A_1828, %dma_start3A_1829] : memref<8x80xi32, #tpu.memory_space<vmem>> -> memref<1x80xi32, #tpu.memory_space<vmem>>
      %dma_start3A_1831 = tpu.memref_squeeze %dma_start3A_1830 : memref<1x80xi32, #tpu.memory_space<vmem>> -> memref<80xi32, #tpu.memory_space<vmem>>
      %dma_start3A_1832 = arith.constant 0 : i32
      %dma_start3A_1833 = arith.constant 0 : i32
      %dma_start3A_1834 = tpu.memref_slice %arg19[%dma_start3A_1832, %dma_start3A_1833] : memref<10000x128xf32, #tpu.memory_space<vmem_shared>> -> memref<10000x128xf32, #tpu.memory_space<vmem_shared>>
      tpu.enqueue_indirect_dma source(%arg15 : memref<80x128xf32, #tpu.memory_space<vmem>>) target(%dma_start3A_1834 : memref<10000x128xf32, #tpu.memory_space<vmem_shared>>) offsets(%dma_start3A_1831 : memref<80xi32, #tpu.memory_space<vmem>>) semaphore(%arg28 : memref<!tpu.dma_semaphore, #tpu.memory_space<semaphore_mem>>) {add = true}
      %dma_wait3A_1835 = arith.constant 0 : i32
      %dma_wait3A_1836 = arith.constant 0 : i32
      %dma_wait3A_1837 = tpu.memref_slice %arg11[%dma_wait3A_1835, %dma_wait3A_1836] : memref<8x80xi32, #tpu.memory_space<vmem>> -> memref<1x80xi32, #tpu.memory_space<vmem>>
      %dma_wait3A_1838 = tpu.memref_squeeze %dma_wait3A_1837 : memref<1x80xi32, #tpu.memory_space<vmem>> -> memref<80xi32, #tpu.memory_space<vmem>>
      %dma_wait3A_1839 = arith.constant 0 : i32
      %dma_wait3A_1840 = arith.constant 0 : i32
      %dma_wait3A_1841 = tpu.memref_slice %arg19[%dma_wait3A_1839, %dma_wait3A_1840] : memref<10000x128xf32, #tpu.memory_space<vmem_shared>> -> memref<10000x128xf32, #tpu.memory_space<vmem_shared>>
      tpu.wait_indirect_dma semaphore(%arg27 : memref<!tpu.dma_semaphore, #tpu.memory_space<semaphore_mem>>) src(%arg14 : memref<80x128xf32, #tpu.memory_space<vmem>>) dst(%dma_wait3A_1841 : memref<10000x128xf32, #tpu.memory_space<vmem_shared>>)
      %dma_wait3A_1842 = arith.constant 0 : i32
      %dma_wait3A_1843 = arith.constant 0 : i32
      %dma_wait3A_1844 = tpu.memref_slice %arg11[%dma_wait3A_1842, %dma_wait3A_1843] : memref<8x80xi32, #tpu.memory_space<vmem>> -> memref<1x80xi32, #tpu.memory_space<vmem>>
      %dma_wait3A_1845 = tpu.memref_squeeze %dma_wait3A_1844 : memref<1x80xi32, #tpu.memory_space<vmem>> -> memref<80xi32, #tpu.memory_space<vmem>>
      %dma_wait3A_1846 = arith.constant 0 : i32
      %dma_wait3A_1847 = arith.constant 0 : i32
      %dma_wait3A_1848 = tpu.memref_slice %arg20[%dma_wait3A_1846, %dma_wait3A_1847] : memref<10000x8xf32, #tpu.memory_space<vmem_shared>> -> memref<10000x8xf32, #tpu.memory_space<vmem_shared>>
      tpu.wait_indirect_dma semaphore(%arg29 : memref<!tpu.dma_semaphore, #tpu.memory_space<semaphore_mem>>) src(%arg16 : memref<80x8xf32, #tpu.memory_space<vmem>>) dst(%dma_wait3A_1848 : memref<10000x8xf32, #tpu.memory_space<vmem_shared>>)
      %dma_start3A_1849 = arith.constant 7 : i32
      %dma_start3A_1850 = arith.constant 0 : i32
      %dma_start3A_1851 = tpu.memref_slice %arg11[%dma_start3A_1849, %dma_start3A_1850] : memref<8x80xi32, #tpu.memory_space<vmem>> -> memref<1x80xi32, #tpu.memory_space<vmem>>
      %dma_start3A_1852 = tpu.memref_squeeze %dma_start3A_1851 : memref<1x80xi32, #tpu.memory_space<vmem>> -> memref<80xi32, #tpu.memory_space<vmem>>
      %dma_start3A_1853 = arith.constant 0 : i32
      %dma_start3A_1854 = arith.constant 0 : i32
      %dma_start3A_1855 = tpu.memref_slice %arg20[%dma_start3A_1853, %dma_start3A_1854] : memref<10000x8xf32, #tpu.memory_space<vmem_shared>> -> memref<10000x8xf32, #tpu.memory_space<vmem_shared>>
      tpu.enqueue_indirect_dma source(%arg16 : memref<80x8xf32, #tpu.memory_space<vmem>>) target(%dma_start3A_1855 : memref<10000x8xf32, #tpu.memory_space<vmem_shared>>) offsets(%dma_start3A_1852 : memref<80xi32, #tpu.memory_space<vmem>>) semaphore(%arg29 : memref<!tpu.dma_semaphore, #tpu.memory_space<semaphore_mem>>) {add = true}
      %add3A_1856 = arith.constant 8 : i32
      %add3A_1857 = arith.addi %add3A_1820, %add3A_1856 : i32
      %sub3A_1858 = arith.constant 1 : i32
      %sub3A_1859 = arith.subi %add3A_1857, %sub3A_1858 : i32
      %min3A_1860 = arith.constant 124 : i32
      %min3A_1861 = arith.minsi %sub3A_1859, %min3A_1860 : i32
      %dma_start3A_1862 = arith.constant 6 : i32
      %dma_start3A_1863 = arith.constant 0 : i32
      %dma_start3A_1864 = tpu.memref_slice %arg10[%dma_start3A_1862, %dma_start3A_1863] : memref<8x80xi32, #tpu.memory_space<vmem>> -> memref<1x80xi32, #tpu.memory_space<vmem>>
      %dma_start3A_1865 = tpu.memref_squeeze %dma_start3A_1864 : memref<1x80xi32, #tpu.memory_space<vmem>> -> memref<80xi32, #tpu.memory_space<vmem>>
      %dma_start3A_1866 = arith.constant 0 : i32
      %dma_start3A_1867 = arith.constant 0 : i32
      %dma_start3A_1868 = tpu.memref_slice %arg3[%add3A, %dma_start3A_1866, %dma_start3A_1867] : memref<32x125x80xi32, #tpu.memory_space<hbm>> -> memref<1x125x80xi32, #tpu.memory_space<hbm>>
      %dma_start3A_1869 = tpu.memref_squeeze %dma_start3A_1868 : memref<1x125x80xi32, #tpu.memory_space<hbm>> -> memref<125x80xi32, #tpu.memory_space<hbm>>
      %dma_start3A_1870 = arith.constant 0 : i32
      %dma_start3A_1871 = tpu.memref_slice %dma_start3A_1869[%min3A_1861, %dma_start3A_1870] : memref<125x80xi32, #tpu.memory_space<hbm>> -> memref<1x80xi32, #tpu.memory_space<hbm>>
      %dma_start3A_1872 = tpu.memref_squeeze %dma_start3A_1871 : memref<1x80xi32, #tpu.memory_space<hbm>> -> memref<80xi32, #tpu.memory_space<hbm>>
      %dma_start3A_1873 = arith.constant 0 : i32
      %dma_start3A_1874 = tpu.memref_slice %arg10[%dma_start3A_1862, %dma_start3A_1873] : memref<8x80xi32, #tpu.memory_space<vmem>> -> memref<1x80xi32, #tpu.memory_space<vmem>>
      %dma_start3A_1875 = tpu.memref_squeeze %dma_start3A_1874 : memref<1x80xi32, #tpu.memory_space<vmem>> -> memref<80xi32, #tpu.memory_space<vmem>>
      %dma_start3A_1876 = arith.constant 0 : i32
      %dma_start3A_1877 = arith.constant 0 : i32
      %dma_start3A_1878 = tpu.memref_slice %arg3[%add3A, %dma_start3A_1876, %dma_start3A_1877] : memref<32x125x80xi32, #tpu.memory_space<hbm>> -> memref<1x125x80xi32, #tpu.memory_space<hbm>>
      %dma_start3A_1879 = tpu.memref_squeeze %dma_start3A_1878 : memref<1x125x80xi32, #tpu.memory_space<hbm>> -> memref<125x80xi32, #tpu.memory_space<hbm>>
      %dma_start3A_1880 = arith.constant 0 : i32
      %dma_start3A_1881 = tpu.memref_slice %dma_start3A_1879[%min3A_1861, %dma_start3A_1880] : memref<125x80xi32, #tpu.memory_space<hbm>> -> memref<1x80xi32, #tpu.memory_space<hbm>>
      %dma_start3A_1882 = tpu.memref_squeeze %dma_start3A_1881 : memref<1x80xi32, #tpu.memory_space<hbm>> -> memref<80xi32, #tpu.memory_space<hbm>>
      tpu.enqueue_dma source(%dma_start3A_1882 : memref<80xi32, #tpu.memory_space<hbm>>) target(%dma_start3A_1875 : memref<80xi32, #tpu.memory_space<vmem>>) target_semaphore(%arg36 : memref<!tpu.dma_semaphore, #tpu.memory_space<semaphore_mem>>)
      %dma_start3A_1883 = arith.constant 6 : i32
      %dma_start3A_1884 = arith.constant 0 : i32
      %dma_start3A_1885 = tpu.memref_slice %arg11[%dma_start3A_1883, %dma_start3A_1884] : memref<8x80xi32, #tpu.memory_space<vmem>> -> memref<1x80xi32, #tpu.memory_space<vmem>>
      %dma_start3A_1886 = tpu.memref_squeeze %dma_start3A_1885 : memref<1x80xi32, #tpu.memory_space<vmem>> -> memref<80xi32, #tpu.memory_space<vmem>>
      %dma_start3A_1887 = arith.constant 0 : i32
      %dma_start3A_1888 = arith.constant 0 : i32
      %dma_start3A_1889 = tpu.memref_slice %arg4[%add3A, %dma_start3A_1887, %dma_start3A_1888] : memref<32x125x80xi32, #tpu.memory_space<hbm>> -> memref<1x125x80xi32, #tpu.memory_space<hbm>>
      %dma_start3A_1890 = tpu.memref_squeeze %dma_start3A_1889 : memref<1x125x80xi32, #tpu.memory_space<hbm>> -> memref<125x80xi32, #tpu.memory_space<hbm>>
      %dma_start3A_1891 = arith.constant 0 : i32
      %dma_start3A_1892 = tpu.memref_slice %dma_start3A_1890[%min3A_1861, %dma_start3A_1891] : memref<125x80xi32, #tpu.memory_space<hbm>> -> memref<1x80xi32, #tpu.memory_space<hbm>>
      %dma_start3A_1893 = tpu.memref_squeeze %dma_start3A_1892 : memref<1x80xi32, #tpu.memory_space<hbm>> -> memref<80xi32, #tpu.memory_space<hbm>>
      %dma_start3A_1894 = arith.constant 0 : i32
      %dma_start3A_1895 = tpu.memref_slice %arg11[%dma_start3A_1883, %dma_start3A_1894] : memref<8x80xi32, #tpu.memory_space<vmem>> -> memref<1x80xi32, #tpu.memory_space<vmem>>
      %dma_start3A_1896 = tpu.memref_squeeze %dma_start3A_1895 : memref<1x80xi32, #tpu.memory_space<vmem>> -> memref<80xi32, #tpu.memory_space<vmem>>
      %dma_start3A_1897 = arith.constant 0 : i32
      %dma_start3A_1898 = arith.constant 0 : i32
      %dma_start3A_1899 = tpu.memref_slice %arg4[%add3A, %dma_start3A_1897, %dma_start3A_1898] : memref<32x125x80xi32, #tpu.memory_space<hbm>> -> memref<1x125x80xi32, #tpu.memory_space<hbm>>
      %dma_start3A_1900 = tpu.memref_squeeze %dma_start3A_1899 : memref<1x125x80xi32, #tpu.memory_space<hbm>> -> memref<125x80xi32, #tpu.memory_space<hbm>>
      %dma_start3A_1901 = arith.constant 0 : i32
      %dma_start3A_1902 = tpu.memref_slice %dma_start3A_1900[%min3A_1861, %dma_start3A_1901] : memref<125x80xi32, #tpu.memory_space<hbm>> -> memref<1x80xi32, #tpu.memory_space<hbm>>
      %dma_start3A_1903 = tpu.memref_squeeze %dma_start3A_1902 : memref<1x80xi32, #tpu.memory_space<hbm>> -> memref<80xi32, #tpu.memory_space<hbm>>
      tpu.enqueue_dma source(%dma_start3A_1903 : memref<80xi32, #tpu.memory_space<hbm>>) target(%dma_start3A_1896 : memref<80xi32, #tpu.memory_space<vmem>>) target_semaphore(%arg36 : memref<!tpu.dma_semaphore, #tpu.memory_space<semaphore_mem>>)
      %dma_wait3A_1904 = arith.constant 0 : i32
      %dma_wait3A_1905 = arith.constant 2 : i32
      %dma_wait3A_1906 = arith.constant 0 : i32
      %dma_wait3A_1907 = tpu.memref_slice %arg10[%dma_wait3A_1905, %dma_wait3A_1906] : memref<8x80xi32, #tpu.memory_space<vmem>> -> memref<1x80xi32, #tpu.memory_space<vmem>>
      %dma_wait3A_1908 = tpu.memref_squeeze %dma_wait3A_1907 : memref<1x80xi32, #tpu.memory_space<vmem>> -> memref<80xi32, #tpu.memory_space<vmem>>
      %dma_wait3A_1909 = arith.constant 0 : i32
      %dma_wait3A_1910 = arith.constant 0 : i32
      %dma_wait3A_1911 = tpu.memref_slice %arg3[%add3A, %dma_wait3A_1909, %dma_wait3A_1910] : memref<32x125x80xi32, #tpu.memory_space<hbm>> -> memref<1x125x80xi32, #tpu.memory_space<hbm>>
      %dma_wait3A_1912 = tpu.memref_squeeze %dma_wait3A_1911 : memref<1x125x80xi32, #tpu.memory_space<hbm>> -> memref<125x80xi32, #tpu.memory_space<hbm>>
      %dma_wait3A_1913 = arith.constant 0 : i32
      %dma_wait3A_1914 = tpu.memref_slice %dma_wait3A_1912[%dma_wait3A_1904, %dma_wait3A_1913] : memref<125x80xi32, #tpu.memory_space<hbm>> -> memref<1x80xi32, #tpu.memory_space<hbm>>
      %dma_wait3A_1915 = tpu.memref_squeeze %dma_wait3A_1914 : memref<1x80xi32, #tpu.memory_space<hbm>> -> memref<80xi32, #tpu.memory_space<hbm>>
      %dma_wait3A_1916 = arith.constant 0 : i32
      %dma_wait3A_1917 = tpu.memref_slice %arg10[%dma_wait3A_1905, %dma_wait3A_1916] : memref<8x80xi32, #tpu.memory_space<vmem>> -> memref<1x80xi32, #tpu.memory_space<vmem>>
      %dma_wait3A_1918 = tpu.memref_squeeze %dma_wait3A_1917 : memref<1x80xi32, #tpu.memory_space<vmem>> -> memref<80xi32, #tpu.memory_space<vmem>>
      %dma_wait3A_1919 = arith.constant 0 : i32
      %dma_wait3A_1920 = arith.constant 0 : i32
      %dma_wait3A_1921 = tpu.memref_slice %arg3[%add3A, %dma_wait3A_1919, %dma_wait3A_1920] : memref<32x125x80xi32, #tpu.memory_space<hbm>> -> memref<1x125x80xi32, #tpu.memory_space<hbm>>
      %dma_wait3A_1922 = tpu.memref_squeeze %dma_wait3A_1921 : memref<1x125x80xi32, #tpu.memory_space<hbm>> -> memref<125x80xi32, #tpu.memory_space<hbm>>
      %dma_wait3A_1923 = arith.constant 0 : i32
      %dma_wait3A_1924 = tpu.memref_slice %dma_wait3A_1922[%dma_wait3A_1904, %dma_wait3A_1923] : memref<125x80xi32, #tpu.memory_space<hbm>> -> memref<1x80xi32, #tpu.memory_space<hbm>>
      %dma_wait3A_1925 = tpu.memref_squeeze %dma_wait3A_1924 : memref<1x80xi32, #tpu.memory_space<hbm>> -> memref<80xi32, #tpu.memory_space<hbm>>
      tpu.wait_dma2 semaphore(%arg32 : memref<!tpu.dma_semaphore, #tpu.memory_space<semaphore_mem>>) src(%dma_wait3A_1925 : memref<80xi32, #tpu.memory_space<hbm>>) dst(%dma_wait3A_1918 : memref<80xi32, #tpu.memory_space<vmem>>)
      %dma_wait3A_1926 = arith.constant 0 : i32
      %dma_wait3A_1927 = arith.constant 2 : i32
      %dma_wait3A_1928 = arith.constant 0 : i32
      %dma_wait3A_1929 = tpu.memref_slice %arg11[%dma_wait3A_1927, %dma_wait3A_1928] : memref<8x80xi32, #tpu.memory_space<vmem>> -> memref<1x80xi32, #tpu.memory_space<vmem>>
      %dma_wait3A_1930 = tpu.memref_squeeze %dma_wait3A_1929 : memref<1x80xi32, #tpu.memory_space<vmem>> -> memref<80xi32, #tpu.memory_space<vmem>>
      %dma_wait3A_1931 = arith.constant 0 : i32
      %dma_wait3A_1932 = arith.constant 0 : i32
      %dma_wait3A_1933 = tpu.memref_slice %arg4[%add3A, %dma_wait3A_1931, %dma_wait3A_1932] : memref<32x125x80xi32, #tpu.memory_space<hbm>> -> memref<1x125x80xi32, #tpu.memory_space<hbm>>
      %dma_wait3A_1934 = tpu.memref_squeeze %dma_wait3A_1933 : memref<1x125x80xi32, #tpu.memory_space<hbm>> -> memref<125x80xi32, #tpu.memory_space<hbm>>
      %dma_wait3A_1935 = arith.constant 0 : i32
      %dma_wait3A_1936 = tpu.memref_slice %dma_wait3A_1934[%dma_wait3A_1926, %dma_wait3A_1935] : memref<125x80xi32, #tpu.memory_space<hbm>> -> memref<1x80xi32, #tpu.memory_space<hbm>>
      %dma_wait3A_1937 = tpu.memref_squeeze %dma_wait3A_1936 : memref<1x80xi32, #tpu.memory_space<hbm>> -> memref<80xi32, #tpu.memory_space<hbm>>
      %dma_wait3A_1938 = arith.constant 0 : i32
      %dma_wait3A_1939 = tpu.memref_slice %arg11[%dma_wait3A_1927, %dma_wait3A_1938] : memref<8x80xi32, #tpu.memory_space<vmem>> -> memref<1x80xi32, #tpu.memory_space<vmem>>
      %dma_wait3A_1940 = tpu.memref_squeeze %dma_wait3A_1939 : memref<1x80xi32, #tpu.memory_space<vmem>> -> memref<80xi32, #tpu.memory_space<vmem>>
      %dma_wait3A_1941 = arith.constant 0 : i32
      %dma_wait3A_1942 = arith.constant 0 : i32
      %dma_wait3A_1943 = tpu.memref_slice %arg4[%add3A, %dma_wait3A_1941, %dma_wait3A_1942] : memref<32x125x80xi32, #tpu.memory_space<hbm>> -> memref<1x125x80xi32, #tpu.memory_space<hbm>>
      %dma_wait3A_1944 = tpu.memref_squeeze %dma_wait3A_1943 : memref<1x125x80xi32, #tpu.memory_space<hbm>> -> memref<125x80xi32, #tpu.memory_space<hbm>>
      %dma_wait3A_1945 = arith.constant 0 : i32
      %dma_wait3A_1946 = tpu.memref_slice %dma_wait3A_1944[%dma_wait3A_1926, %dma_wait3A_1945] : memref<125x80xi32, #tpu.memory_space<hbm>> -> memref<1x80xi32, #tpu.memory_space<hbm>>
      %dma_wait3A_1947 = tpu.memref_squeeze %dma_wait3A_1946 : memref<1x80xi32, #tpu.memory_space<hbm>> -> memref<80xi32, #tpu.memory_space<hbm>>
      tpu.wait_dma2 semaphore(%arg32 : memref<!tpu.dma_semaphore, #tpu.memory_space<semaphore_mem>>) src(%dma_wait3A_1947 : memref<80xi32, #tpu.memory_space<hbm>>) dst(%dma_wait3A_1940 : memref<80xi32, #tpu.memory_space<vmem>>)
      %dma_start3A_1948 = arith.constant 2 : i32
      %dma_start3A_1949 = arith.constant 0 : i32
      %dma_start3A_1950 = tpu.memref_slice %arg10[%dma_start3A_1948, %dma_start3A_1949] : memref<8x80xi32, #tpu.memory_space<vmem>> -> memref<1x80xi32, #tpu.memory_space<vmem>>
      %dma_start3A_1951 = tpu.memref_squeeze %dma_start3A_1950 : memref<1x80xi32, #tpu.memory_space<vmem>> -> memref<80xi32, #tpu.memory_space<vmem>>
      %dma_start3A_1952 = arith.constant 0 : i32
      %dma_start3A_1953 = arith.constant 0 : i32
      %dma_start3A_1954 = tpu.memref_slice %arg2[%dma_start3A_1952, %dma_start3A_1953] : memref<10000x128xf32, #tpu.memory_space<hbm>> -> memref<10000x128xf32, #tpu.memory_space<hbm>>
      tpu.enqueue_indirect_dma source(%dma_start3A_1954 : memref<10000x128xf32, #tpu.memory_space<hbm>>) target(%arg14 : memref<80x128xf32, #tpu.memory_space<vmem>>) offsets(%dma_start3A_1951 : memref<80xi32, #tpu.memory_space<vmem>>) semaphore(%arg23 : memref<!tpu.dma_semaphore, #tpu.memory_space<semaphore_mem>>)
    }
    %scan3A_470 = arith.constant 15 : i32
    %dma_wait3A_471 = arith.constant 0 : i32
    %dma_wait3A_472 = arith.constant 0 : i32
    %dma_wait3A_473 = tpu.memref_slice %arg10[%dma_wait3A_471, %dma_wait3A_472] : memref<8x80xi32, #tpu.memory_space<vmem>> -> memref<1x80xi32, #tpu.memory_space<vmem>>
    %dma_wait3A_474 = tpu.memref_squeeze %dma_wait3A_473 : memref<1x80xi32, #tpu.memory_space<vmem>> -> memref<80xi32, #tpu.memory_space<vmem>>
    %dma_wait3A_475 = arith.constant 0 : i32
    %dma_wait3A_476 = arith.constant 0 : i32
    %dma_wait3A_477 = tpu.memref_slice %arg2[%dma_wait3A_475, %dma_wait3A_476] : memref<10000x128xf32, #tpu.memory_space<hbm>> -> memref<10000x128xf32, #tpu.memory_space<hbm>>
    tpu.wait_indirect_dma semaphore(%arg21 : memref<!tpu.dma_semaphore, #tpu.memory_space<semaphore_mem>>) src(%dma_wait3A_477 : memref<10000x128xf32, #tpu.memory_space<hbm>>) dst(%arg12 : memref<80x128xf32, #tpu.memory_space<vmem>>)
    %dma_start3A_478 = arith.constant 0 : i32
    %dma_start3A_479 = arith.constant 0 : i32
    %dma_start3A_480 = tpu.memref_slice %arg11[%dma_start3A_478, %dma_start3A_479] : memref<8x80xi32, #tpu.memory_space<vmem>> -> memref<1x80xi32, #tpu.memory_space<vmem>>
    %dma_start3A_481 = tpu.memref_squeeze %dma_start3A_480 : memref<1x80xi32, #tpu.memory_space<vmem>> -> memref<80xi32, #tpu.memory_space<vmem>>
    %dma_start3A_482 = arith.constant 0 : i32
    %dma_start3A_483 = arith.constant 0 : i32
    %dma_start3A_484 = tpu.memref_slice %arg19[%dma_start3A_482, %dma_start3A_483] : memref<10000x128xf32, #tpu.memory_space<vmem_shared>> -> memref<10000x128xf32, #tpu.memory_space<vmem_shared>>
    tpu.enqueue_indirect_dma source(%arg12 : memref<80x128xf32, #tpu.memory_space<vmem>>) target(%dma_start3A_484 : memref<10000x128xf32, #tpu.memory_space<vmem_shared>>) offsets(%dma_start3A_481 : memref<80xi32, #tpu.memory_space<vmem>>) semaphore(%arg25 : memref<!tpu.dma_semaphore, #tpu.memory_space<semaphore_mem>>) {add = true}
    %dma_wait3A_485 = arith.constant 0 : i32
    %dma_wait3A_486 = arith.constant 0 : i32
    %dma_wait3A_487 = tpu.memref_slice %arg11[%dma_wait3A_485, %dma_wait3A_486] : memref<8x80xi32, #tpu.memory_space<vmem>> -> memref<1x80xi32, #tpu.memory_space<vmem>>
    %dma_wait3A_488 = tpu.memref_squeeze %dma_wait3A_487 : memref<1x80xi32, #tpu.memory_space<vmem>> -> memref<80xi32, #tpu.memory_space<vmem>>
    %dma_wait3A_489 = arith.constant 0 : i32
    %dma_wait3A_490 = arith.constant 0 : i32
    %dma_wait3A_491 = tpu.memref_slice %arg19[%dma_wait3A_489, %dma_wait3A_490] : memref<10000x128xf32, #tpu.memory_space<vmem_shared>> -> memref<10000x128xf32, #tpu.memory_space<vmem_shared>>
    tpu.wait_indirect_dma semaphore(%arg28 : memref<!tpu.dma_semaphore, #tpu.memory_space<semaphore_mem>>) src(%arg15 : memref<80x128xf32, #tpu.memory_space<vmem>>) dst(%dma_wait3A_491 : memref<10000x128xf32, #tpu.memory_space<vmem_shared>>)
    %dma_wait3A_492 = arith.constant 0 : i32
    %dma_wait3A_493 = arith.constant 0 : i32
    %dma_wait3A_494 = tpu.memref_slice %arg11[%dma_wait3A_492, %dma_wait3A_493] : memref<8x80xi32, #tpu.memory_space<vmem>> -> memref<1x80xi32, #tpu.memory_space<vmem>>
    %dma_wait3A_495 = tpu.memref_squeeze %dma_wait3A_494 : memref<1x80xi32, #tpu.memory_space<vmem>> -> memref<80xi32, #tpu.memory_space<vmem>>
    %dma_wait3A_496 = arith.constant 0 : i32
    %dma_wait3A_497 = arith.constant 0 : i32
    %dma_wait3A_498 = tpu.memref_slice %arg20[%dma_wait3A_496, %dma_wait3A_497] : memref<10000x8xf32, #tpu.memory_space<vmem_shared>> -> memref<10000x8xf32, #tpu.memory_space<vmem_shared>>
    tpu.wait_indirect_dma semaphore(%arg29 : memref<!tpu.dma_semaphore, #tpu.memory_space<semaphore_mem>>) src(%arg16 : memref<80x8xf32, #tpu.memory_space<vmem>>) dst(%dma_wait3A_498 : memref<10000x8xf32, #tpu.memory_space<vmem_shared>>)
    %dma_start3A_499 = arith.constant 0 : i32
    %dma_start3A_500 = arith.constant 0 : i32
    %dma_start3A_501 = tpu.memref_slice %arg11[%dma_start3A_499, %dma_start3A_500] : memref<8x80xi32, #tpu.memory_space<vmem>> -> memref<1x80xi32, #tpu.memory_space<vmem>>
    %dma_start3A_502 = tpu.memref_squeeze %dma_start3A_501 : memref<1x80xi32, #tpu.memory_space<vmem>> -> memref<80xi32, #tpu.memory_space<vmem>>
    %dma_start3A_503 = arith.constant 0 : i32
    %dma_start3A_504 = arith.constant 0 : i32
    %dma_start3A_505 = tpu.memref_slice %arg20[%dma_start3A_503, %dma_start3A_504] : memref<10000x8xf32, #tpu.memory_space<vmem_shared>> -> memref<10000x8xf32, #tpu.memory_space<vmem_shared>>
    tpu.enqueue_indirect_dma source(%arg16 : memref<80x8xf32, #tpu.memory_space<vmem>>) target(%dma_start3A_505 : memref<10000x8xf32, #tpu.memory_space<vmem_shared>>) offsets(%dma_start3A_502 : memref<80xi32, #tpu.memory_space<vmem>>) semaphore(%arg29 : memref<!tpu.dma_semaphore, #tpu.memory_space<semaphore_mem>>) {add = true}
    %dma_wait3A_506 = arith.constant 0 : i32
    %dma_wait3A_507 = arith.constant 3 : i32
    %dma_wait3A_508 = arith.constant 0 : i32
    %dma_wait3A_509 = tpu.memref_slice %arg10[%dma_wait3A_507, %dma_wait3A_508] : memref<8x80xi32, #tpu.memory_space<vmem>> -> memref<1x80xi32, #tpu.memory_space<vmem>>
    %dma_wait3A_510 = tpu.memref_squeeze %dma_wait3A_509 : memref<1x80xi32, #tpu.memory_space<vmem>> -> memref<80xi32, #tpu.memory_space<vmem>>
    %dma_wait3A_511 = arith.constant 0 : i32
    %dma_wait3A_512 = arith.constant 0 : i32
    %dma_wait3A_513 = tpu.memref_slice %arg3[%add3A, %dma_wait3A_511, %dma_wait3A_512] : memref<32x125x80xi32, #tpu.memory_space<hbm>> -> memref<1x125x80xi32, #tpu.memory_space<hbm>>
    %dma_wait3A_514 = tpu.memref_squeeze %dma_wait3A_513 : memref<1x125x80xi32, #tpu.memory_space<hbm>> -> memref<125x80xi32, #tpu.memory_space<hbm>>
    %dma_wait3A_515 = arith.constant 0 : i32
    %dma_wait3A_516 = tpu.memref_slice %dma_wait3A_514[%dma_wait3A_506, %dma_wait3A_515] : memref<125x80xi32, #tpu.memory_space<hbm>> -> memref<1x80xi32, #tpu.memory_space<hbm>>
    %dma_wait3A_517 = tpu.memref_squeeze %dma_wait3A_516 : memref<1x80xi32, #tpu.memory_space<hbm>> -> memref<80xi32, #tpu.memory_space<hbm>>
    %dma_wait3A_518 = arith.constant 0 : i32
    %dma_wait3A_519 = tpu.memref_slice %arg10[%dma_wait3A_507, %dma_wait3A_518] : memref<8x80xi32, #tpu.memory_space<vmem>> -> memref<1x80xi32, #tpu.memory_space<vmem>>
    %dma_wait3A_520 = tpu.memref_squeeze %dma_wait3A_519 : memref<1x80xi32, #tpu.memory_space<vmem>> -> memref<80xi32, #tpu.memory_space<vmem>>
    %dma_wait3A_521 = arith.constant 0 : i32
    %dma_wait3A_522 = arith.constant 0 : i32
    %dma_wait3A_523 = tpu.memref_slice %arg3[%add3A, %dma_wait3A_521, %dma_wait3A_522] : memref<32x125x80xi32, #tpu.memory_space<hbm>> -> memref<1x125x80xi32, #tpu.memory_space<hbm>>
    %dma_wait3A_524 = tpu.memref_squeeze %dma_wait3A_523 : memref<1x125x80xi32, #tpu.memory_space<hbm>> -> memref<125x80xi32, #tpu.memory_space<hbm>>
    %dma_wait3A_525 = arith.constant 0 : i32
    %dma_wait3A_526 = tpu.memref_slice %dma_wait3A_524[%dma_wait3A_506, %dma_wait3A_525] : memref<125x80xi32, #tpu.memory_space<hbm>> -> memref<1x80xi32, #tpu.memory_space<hbm>>
    %dma_wait3A_527 = tpu.memref_squeeze %dma_wait3A_526 : memref<1x80xi32, #tpu.memory_space<hbm>> -> memref<80xi32, #tpu.memory_space<hbm>>
    tpu.wait_dma2 semaphore(%arg33 : memref<!tpu.dma_semaphore, #tpu.memory_space<semaphore_mem>>) src(%dma_wait3A_527 : memref<80xi32, #tpu.memory_space<hbm>>) dst(%dma_wait3A_520 : memref<80xi32, #tpu.memory_space<vmem>>)
    %dma_wait3A_528 = arith.constant 0 : i32
    %dma_wait3A_529 = arith.constant 3 : i32
    %dma_wait3A_530 = arith.constant 0 : i32
    %dma_wait3A_531 = tpu.memref_slice %arg11[%dma_wait3A_529, %dma_wait3A_530] : memref<8x80xi32, #tpu.memory_space<vmem>> -> memref<1x80xi32, #tpu.memory_space<vmem>>
    %dma_wait3A_532 = tpu.memref_squeeze %dma_wait3A_531 : memref<1x80xi32, #tpu.memory_space<vmem>> -> memref<80xi32, #tpu.memory_space<vmem>>
    %dma_wait3A_533 = arith.constant 0 : i32
    %dma_wait3A_534 = arith.constant 0 : i32
    %dma_wait3A_535 = tpu.memref_slice %arg4[%add3A, %dma_wait3A_533, %dma_wait3A_534] : memref<32x125x80xi32, #tpu.memory_space<hbm>> -> memref<1x125x80xi32, #tpu.memory_space<hbm>>
    %dma_wait3A_536 = tpu.memref_squeeze %dma_wait3A_535 : memref<1x125x80xi32, #tpu.memory_space<hbm>> -> memref<125x80xi32, #tpu.memory_space<hbm>>
    %dma_wait3A_537 = arith.constant 0 : i32
    %dma_wait3A_538 = tpu.memref_slice %dma_wait3A_536[%dma_wait3A_528, %dma_wait3A_537] : memref<125x80xi32, #tpu.memory_space<hbm>> -> memref<1x80xi32, #tpu.memory_space<hbm>>
    %dma_wait3A_539 = tpu.memref_squeeze %dma_wait3A_538 : memref<1x80xi32, #tpu.memory_space<hbm>> -> memref<80xi32, #tpu.memory_space<hbm>>
    %dma_wait3A_540 = arith.constant 0 : i32
    %dma_wait3A_541 = tpu.memref_slice %arg11[%dma_wait3A_529, %dma_wait3A_540] : memref<8x80xi32, #tpu.memory_space<vmem>> -> memref<1x80xi32, #tpu.memory_space<vmem>>
    %dma_wait3A_542 = tpu.memref_squeeze %dma_wait3A_541 : memref<1x80xi32, #tpu.memory_space<vmem>> -> memref<80xi32, #tpu.memory_space<vmem>>
    %dma_wait3A_543 = arith.constant 0 : i32
    %dma_wait3A_544 = arith.constant 0 : i32
    %dma_wait3A_545 = tpu.memref_slice %arg4[%add3A, %dma_wait3A_543, %dma_wait3A_544] : memref<32x125x80xi32, #tpu.memory_space<hbm>> -> memref<1x125x80xi32, #tpu.memory_space<hbm>>
    %dma_wait3A_546 = tpu.memref_squeeze %dma_wait3A_545 : memref<1x125x80xi32, #tpu.memory_space<hbm>> -> memref<125x80xi32, #tpu.memory_space<hbm>>
    %dma_wait3A_547 = arith.constant 0 : i32
    %dma_wait3A_548 = tpu.memref_slice %dma_wait3A_546[%dma_wait3A_528, %dma_wait3A_547] : memref<125x80xi32, #tpu.memory_space<hbm>> -> memref<1x80xi32, #tpu.memory_space<hbm>>
    %dma_wait3A_549 = tpu.memref_squeeze %dma_wait3A_548 : memref<1x80xi32, #tpu.memory_space<hbm>> -> memref<80xi32, #tpu.memory_space<hbm>>
    tpu.wait_dma2 semaphore(%arg33 : memref<!tpu.dma_semaphore, #tpu.memory_space<semaphore_mem>>) src(%dma_wait3A_549 : memref<80xi32, #tpu.memory_space<hbm>>) dst(%dma_wait3A_542 : memref<80xi32, #tpu.memory_space<vmem>>)
    %dma_start3A_550 = arith.constant 3 : i32
    %dma_start3A_551 = arith.constant 0 : i32
    %dma_start3A_552 = tpu.memref_slice %arg10[%dma_start3A_550, %dma_start3A_551] : memref<8x80xi32, #tpu.memory_space<vmem>> -> memref<1x80xi32, #tpu.memory_space<vmem>>
    %dma_start3A_553 = tpu.memref_squeeze %dma_start3A_552 : memref<1x80xi32, #tpu.memory_space<vmem>> -> memref<80xi32, #tpu.memory_space<vmem>>
    %dma_start3A_554 = arith.constant 0 : i32
    %dma_start3A_555 = arith.constant 0 : i32
    %dma_start3A_556 = tpu.memref_slice %arg2[%dma_start3A_554, %dma_start3A_555] : memref<10000x128xf32, #tpu.memory_space<hbm>> -> memref<10000x128xf32, #tpu.memory_space<hbm>>
    tpu.enqueue_indirect_dma source(%dma_start3A_556 : memref<10000x128xf32, #tpu.memory_space<hbm>>) target(%arg15 : memref<80x128xf32, #tpu.memory_space<vmem>>) offsets(%dma_start3A_553 : memref<80xi32, #tpu.memory_space<vmem>>) semaphore(%arg24 : memref<!tpu.dma_semaphore, #tpu.memory_space<semaphore_mem>>)
    %dma_wait3A_557 = arith.constant 0 : i32
    %dma_wait3A_558 = arith.constant 0 : i32
    %dma_wait3A_559 = tpu.memref_slice %arg10[%dma_wait3A_557, %dma_wait3A_558] : memref<8x80xi32, #tpu.memory_space<vmem>> -> memref<1x80xi32, #tpu.memory_space<vmem>>
    %dma_wait3A_560 = tpu.memref_squeeze %dma_wait3A_559 : memref<1x80xi32, #tpu.memory_space<vmem>> -> memref<80xi32, #tpu.memory_space<vmem>>
    %dma_wait3A_561 = arith.constant 0 : i32
    %dma_wait3A_562 = arith.constant 0 : i32
    %dma_wait3A_563 = tpu.memref_slice %arg2[%dma_wait3A_561, %dma_wait3A_562] : memref<10000x128xf32, #tpu.memory_space<hbm>> -> memref<10000x128xf32, #tpu.memory_space<hbm>>
    tpu.wait_indirect_dma semaphore(%arg22 : memref<!tpu.dma_semaphore, #tpu.memory_space<semaphore_mem>>) src(%dma_wait3A_563 : memref<10000x128xf32, #tpu.memory_space<hbm>>) dst(%arg13 : memref<80x128xf32, #tpu.memory_space<vmem>>)
    %dma_start3A_564 = arith.constant 1 : i32
    %dma_start3A_565 = arith.constant 0 : i32
    %dma_start3A_566 = tpu.memref_slice %arg11[%dma_start3A_564, %dma_start3A_565] : memref<8x80xi32, #tpu.memory_space<vmem>> -> memref<1x80xi32, #tpu.memory_space<vmem>>
    %dma_start3A_567 = tpu.memref_squeeze %dma_start3A_566 : memref<1x80xi32, #tpu.memory_space<vmem>> -> memref<80xi32, #tpu.memory_space<vmem>>
    %dma_start3A_568 = arith.constant 0 : i32
    %dma_start3A_569 = arith.constant 0 : i32
    %dma_start3A_570 = tpu.memref_slice %arg19[%dma_start3A_568, %dma_start3A_569] : memref<10000x128xf32, #tpu.memory_space<vmem_shared>> -> memref<10000x128xf32, #tpu.memory_space<vmem_shared>>
    tpu.enqueue_indirect_dma source(%arg13 : memref<80x128xf32, #tpu.memory_space<vmem>>) target(%dma_start3A_570 : memref<10000x128xf32, #tpu.memory_space<vmem_shared>>) offsets(%dma_start3A_567 : memref<80xi32, #tpu.memory_space<vmem>>) semaphore(%arg26 : memref<!tpu.dma_semaphore, #tpu.memory_space<semaphore_mem>>) {add = true}
    %dma_wait3A_571 = arith.constant 0 : i32
    %dma_wait3A_572 = arith.constant 0 : i32
    %dma_wait3A_573 = tpu.memref_slice %arg11[%dma_wait3A_571, %dma_wait3A_572] : memref<8x80xi32, #tpu.memory_space<vmem>> -> memref<1x80xi32, #tpu.memory_space<vmem>>
    %dma_wait3A_574 = tpu.memref_squeeze %dma_wait3A_573 : memref<1x80xi32, #tpu.memory_space<vmem>> -> memref<80xi32, #tpu.memory_space<vmem>>
    %dma_wait3A_575 = arith.constant 0 : i32
    %dma_wait3A_576 = arith.constant 0 : i32
    %dma_wait3A_577 = tpu.memref_slice %arg19[%dma_wait3A_575, %dma_wait3A_576] : memref<10000x128xf32, #tpu.memory_space<vmem_shared>> -> memref<10000x128xf32, #tpu.memory_space<vmem_shared>>
    tpu.wait_indirect_dma semaphore(%arg25 : memref<!tpu.dma_semaphore, #tpu.memory_space<semaphore_mem>>) src(%arg12 : memref<80x128xf32, #tpu.memory_space<vmem>>) dst(%dma_wait3A_577 : memref<10000x128xf32, #tpu.memory_space<vmem_shared>>)
    %dma_wait3A_578 = arith.constant 0 : i32
    %dma_wait3A_579 = arith.constant 0 : i32
    %dma_wait3A_580 = tpu.memref_slice %arg11[%dma_wait3A_578, %dma_wait3A_579] : memref<8x80xi32, #tpu.memory_space<vmem>> -> memref<1x80xi32, #tpu.memory_space<vmem>>
    %dma_wait3A_581 = tpu.memref_squeeze %dma_wait3A_580 : memref<1x80xi32, #tpu.memory_space<vmem>> -> memref<80xi32, #tpu.memory_space<vmem>>
    %dma_wait3A_582 = arith.constant 0 : i32
    %dma_wait3A_583 = arith.constant 0 : i32
    %dma_wait3A_584 = tpu.memref_slice %arg20[%dma_wait3A_582, %dma_wait3A_583] : memref<10000x8xf32, #tpu.memory_space<vmem_shared>> -> memref<10000x8xf32, #tpu.memory_space<vmem_shared>>
    tpu.wait_indirect_dma semaphore(%arg29 : memref<!tpu.dma_semaphore, #tpu.memory_space<semaphore_mem>>) src(%arg16 : memref<80x8xf32, #tpu.memory_space<vmem>>) dst(%dma_wait3A_584 : memref<10000x8xf32, #tpu.memory_space<vmem_shared>>)
    %dma_start3A_585 = arith.constant 1 : i32
    %dma_start3A_586 = arith.constant 0 : i32
    %dma_start3A_587 = tpu.memref_slice %arg11[%dma_start3A_585, %dma_start3A_586] : memref<8x80xi32, #tpu.memory_space<vmem>> -> memref<1x80xi32, #tpu.memory_space<vmem>>
    %dma_start3A_588 = tpu.memref_squeeze %dma_start3A_587 : memref<1x80xi32, #tpu.memory_space<vmem>> -> memref<80xi32, #tpu.memory_space<vmem>>
    %dma_start3A_589 = arith.constant 0 : i32
    %dma_start3A_590 = arith.constant 0 : i32
    %dma_start3A_591 = tpu.memref_slice %arg20[%dma_start3A_589, %dma_start3A_590] : memref<10000x8xf32, #tpu.memory_space<vmem_shared>> -> memref<10000x8xf32, #tpu.memory_space<vmem_shared>>
    tpu.enqueue_indirect_dma source(%arg16 : memref<80x8xf32, #tpu.memory_space<vmem>>) target(%dma_start3A_591 : memref<10000x8xf32, #tpu.memory_space<vmem_shared>>) offsets(%dma_start3A_588 : memref<80xi32, #tpu.memory_space<vmem>>) semaphore(%arg29 : memref<!tpu.dma_semaphore, #tpu.memory_space<semaphore_mem>>) {add = true}
    %dma_wait3A_592 = arith.constant 0 : i32
    %dma_wait3A_593 = arith.constant 4 : i32
    %dma_wait3A_594 = arith.constant 0 : i32
    %dma_wait3A_595 = tpu.memref_slice %arg10[%dma_wait3A_593, %dma_wait3A_594] : memref<8x80xi32, #tpu.memory_space<vmem>> -> memref<1x80xi32, #tpu.memory_space<vmem>>
    %dma_wait3A_596 = tpu.memref_squeeze %dma_wait3A_595 : memref<1x80xi32, #tpu.memory_space<vmem>> -> memref<80xi32, #tpu.memory_space<vmem>>
    %dma_wait3A_597 = arith.constant 0 : i32
    %dma_wait3A_598 = arith.constant 0 : i32
    %dma_wait3A_599 = tpu.memref_slice %arg3[%add3A, %dma_wait3A_597, %dma_wait3A_598] : memref<32x125x80xi32, #tpu.memory_space<hbm>> -> memref<1x125x80xi32, #tpu.memory_space<hbm>>
    %dma_wait3A_600 = tpu.memref_squeeze %dma_wait3A_599 : memref<1x125x80xi32, #tpu.memory_space<hbm>> -> memref<125x80xi32, #tpu.memory_space<hbm>>
    %dma_wait3A_601 = arith.constant 0 : i32
    %dma_wait3A_602 = tpu.memref_slice %dma_wait3A_600[%dma_wait3A_592, %dma_wait3A_601] : memref<125x80xi32, #tpu.memory_space<hbm>> -> memref<1x80xi32, #tpu.memory_space<hbm>>
    %dma_wait3A_603 = tpu.memref_squeeze %dma_wait3A_602 : memref<1x80xi32, #tpu.memory_space<hbm>> -> memref<80xi32, #tpu.memory_space<hbm>>
    %dma_wait3A_604 = arith.constant 0 : i32
    %dma_wait3A_605 = tpu.memref_slice %arg10[%dma_wait3A_593, %dma_wait3A_604] : memref<8x80xi32, #tpu.memory_space<vmem>> -> memref<1x80xi32, #tpu.memory_space<vmem>>
    %dma_wait3A_606 = tpu.memref_squeeze %dma_wait3A_605 : memref<1x80xi32, #tpu.memory_space<vmem>> -> memref<80xi32, #tpu.memory_space<vmem>>
    %dma_wait3A_607 = arith.constant 0 : i32
    %dma_wait3A_608 = arith.constant 0 : i32
    %dma_wait3A_609 = tpu.memref_slice %arg3[%add3A, %dma_wait3A_607, %dma_wait3A_608] : memref<32x125x80xi32, #tpu.memory_space<hbm>> -> memref<1x125x80xi32, #tpu.memory_space<hbm>>
    %dma_wait3A_610 = tpu.memref_squeeze %dma_wait3A_609 : memref<1x125x80xi32, #tpu.memory_space<hbm>> -> memref<125x80xi32, #tpu.memory_space<hbm>>
    %dma_wait3A_611 = arith.constant 0 : i32
    %dma_wait3A_612 = tpu.memref_slice %dma_wait3A_610[%dma_wait3A_592, %dma_wait3A_611] : memref<125x80xi32, #tpu.memory_space<hbm>> -> memref<1x80xi32, #tpu.memory_space<hbm>>
    %dma_wait3A_613 = tpu.memref_squeeze %dma_wait3A_612 : memref<1x80xi32, #tpu.memory_space<hbm>> -> memref<80xi32, #tpu.memory_space<hbm>>
    tpu.wait_dma2 semaphore(%arg34 : memref<!tpu.dma_semaphore, #tpu.memory_space<semaphore_mem>>) src(%dma_wait3A_613 : memref<80xi32, #tpu.memory_space<hbm>>) dst(%dma_wait3A_606 : memref<80xi32, #tpu.memory_space<vmem>>)
    %dma_wait3A_614 = arith.constant 0 : i32
    %dma_wait3A_615 = arith.constant 4 : i32
    %dma_wait3A_616 = arith.constant 0 : i32
    %dma_wait3A_617 = tpu.memref_slice %arg11[%dma_wait3A_615, %dma_wait3A_616] : memref<8x80xi32, #tpu.memory_space<vmem>> -> memref<1x80xi32, #tpu.memory_space<vmem>>
    %dma_wait3A_618 = tpu.memref_squeeze %dma_wait3A_617 : memref<1x80xi32, #tpu.memory_space<vmem>> -> memref<80xi32, #tpu.memory_space<vmem>>
    %dma_wait3A_619 = arith.constant 0 : i32
    %dma_wait3A_620 = arith.constant 0 : i32
    %dma_wait3A_621 = tpu.memref_slice %arg4[%add3A, %dma_wait3A_619, %dma_wait3A_620] : memref<32x125x80xi32, #tpu.memory_space<hbm>> -> memref<1x125x80xi32, #tpu.memory_space<hbm>>
    %dma_wait3A_622 = tpu.memref_squeeze %dma_wait3A_621 : memref<1x125x80xi32, #tpu.memory_space<hbm>> -> memref<125x80xi32, #tpu.memory_space<hbm>>
    %dma_wait3A_623 = arith.constant 0 : i32
    %dma_wait3A_624 = tpu.memref_slice %dma_wait3A_622[%dma_wait3A_614, %dma_wait3A_623] : memref<125x80xi32, #tpu.memory_space<hbm>> -> memref<1x80xi32, #tpu.memory_space<hbm>>
    %dma_wait3A_625 = tpu.memref_squeeze %dma_wait3A_624 : memref<1x80xi32, #tpu.memory_space<hbm>> -> memref<80xi32, #tpu.memory_space<hbm>>
    %dma_wait3A_626 = arith.constant 0 : i32
    %dma_wait3A_627 = tpu.memref_slice %arg11[%dma_wait3A_615, %dma_wait3A_626] : memref<8x80xi32, #tpu.memory_space<vmem>> -> memref<1x80xi32, #tpu.memory_space<vmem>>
    %dma_wait3A_628 = tpu.memref_squeeze %dma_wait3A_627 : memref<1x80xi32, #tpu.memory_space<vmem>> -> memref<80xi32, #tpu.memory_space<vmem>>
    %dma_wait3A_629 = arith.constant 0 : i32
    %dma_wait3A_630 = arith.constant 0 : i32
    %dma_wait3A_631 = tpu.memref_slice %arg4[%add3A, %dma_wait3A_629, %dma_wait3A_630] : memref<32x125x80xi32, #tpu.memory_space<hbm>> -> memref<1x125x80xi32, #tpu.memory_space<hbm>>
    %dma_wait3A_632 = tpu.memref_squeeze %dma_wait3A_631 : memref<1x125x80xi32, #tpu.memory_space<hbm>> -> memref<125x80xi32, #tpu.memory_space<hbm>>
    %dma_wait3A_633 = arith.constant 0 : i32
    %dma_wait3A_634 = tpu.memref_slice %dma_wait3A_632[%dma_wait3A_614, %dma_wait3A_633] : memref<125x80xi32, #tpu.memory_space<hbm>> -> memref<1x80xi32, #tpu.memory_space<hbm>>
    %dma_wait3A_635 = tpu.memref_squeeze %dma_wait3A_634 : memref<1x80xi32, #tpu.memory_space<hbm>> -> memref<80xi32, #tpu.memory_space<hbm>>
    tpu.wait_dma2 semaphore(%arg34 : memref<!tpu.dma_semaphore, #tpu.memory_space<semaphore_mem>>) src(%dma_wait3A_635 : memref<80xi32, #tpu.memory_space<hbm>>) dst(%dma_wait3A_628 : memref<80xi32, #tpu.memory_space<vmem>>)
    %dma_start3A_636 = arith.constant 4 : i32
    %dma_start3A_637 = arith.constant 0 : i32
    %dma_start3A_638 = tpu.memref_slice %arg10[%dma_start3A_636, %dma_start3A_637] : memref<8x80xi32, #tpu.memory_space<vmem>> -> memref<1x80xi32, #tpu.memory_space<vmem>>
    %dma_start3A_639 = tpu.memref_squeeze %dma_start3A_638 : memref<1x80xi32, #tpu.memory_space<vmem>> -> memref<80xi32, #tpu.memory_space<vmem>>
    %dma_start3A_640 = arith.constant 0 : i32
    %dma_start3A_641 = arith.constant 0 : i32
    %dma_start3A_642 = tpu.memref_slice %arg2[%dma_start3A_640, %dma_start3A_641] : memref<10000x128xf32, #tpu.memory_space<hbm>> -> memref<10000x128xf32, #tpu.memory_space<hbm>>
    tpu.enqueue_indirect_dma source(%dma_start3A_642 : memref<10000x128xf32, #tpu.memory_space<hbm>>) target(%arg12 : memref<80x128xf32, #tpu.memory_space<vmem>>) offsets(%dma_start3A_639 : memref<80xi32, #tpu.memory_space<vmem>>) semaphore(%arg21 : memref<!tpu.dma_semaphore, #tpu.memory_space<semaphore_mem>>)
    %dma_wait3A_643 = arith.constant 0 : i32
    %dma_wait3A_644 = arith.constant 0 : i32
    %dma_wait3A_645 = tpu.memref_slice %arg10[%dma_wait3A_643, %dma_wait3A_644] : memref<8x80xi32, #tpu.memory_space<vmem>> -> memref<1x80xi32, #tpu.memory_space<vmem>>
    %dma_wait3A_646 = tpu.memref_squeeze %dma_wait3A_645 : memref<1x80xi32, #tpu.memory_space<vmem>> -> memref<80xi32, #tpu.memory_space<vmem>>
    %dma_wait3A_647 = arith.constant 0 : i32
    %dma_wait3A_648 = arith.constant 0 : i32
    %dma_wait3A_649 = tpu.memref_slice %arg2[%dma_wait3A_647, %dma_wait3A_648] : memref<10000x128xf32, #tpu.memory_space<hbm>> -> memref<10000x128xf32, #tpu.memory_space<hbm>>
    tpu.wait_indirect_dma semaphore(%arg23 : memref<!tpu.dma_semaphore, #tpu.memory_space<semaphore_mem>>) src(%dma_wait3A_649 : memref<10000x128xf32, #tpu.memory_space<hbm>>) dst(%arg14 : memref<80x128xf32, #tpu.memory_space<vmem>>)
    %dma_start3A_650 = arith.constant 2 : i32
    %dma_start3A_651 = arith.constant 0 : i32
    %dma_start3A_652 = tpu.memref_slice %arg11[%dma_start3A_650, %dma_start3A_651] : memref<8x80xi32, #tpu.memory_space<vmem>> -> memref<1x80xi32, #tpu.memory_space<vmem>>
    %dma_start3A_653 = tpu.memref_squeeze %dma_start3A_652 : memref<1x80xi32, #tpu.memory_space<vmem>> -> memref<80xi32, #tpu.memory_space<vmem>>
    %dma_start3A_654 = arith.constant 0 : i32
    %dma_start3A_655 = arith.constant 0 : i32
    %dma_start3A_656 = tpu.memref_slice %arg19[%dma_start3A_654, %dma_start3A_655] : memref<10000x128xf32, #tpu.memory_space<vmem_shared>> -> memref<10000x128xf32, #tpu.memory_space<vmem_shared>>
    tpu.enqueue_indirect_dma source(%arg14 : memref<80x128xf32, #tpu.memory_space<vmem>>) target(%dma_start3A_656 : memref<10000x128xf32, #tpu.memory_space<vmem_shared>>) offsets(%dma_start3A_653 : memref<80xi32, #tpu.memory_space<vmem>>) semaphore(%arg27 : memref<!tpu.dma_semaphore, #tpu.memory_space<semaphore_mem>>) {add = true}
    %dma_wait3A_657 = arith.constant 0 : i32
    %dma_wait3A_658 = arith.constant 0 : i32
    %dma_wait3A_659 = tpu.memref_slice %arg11[%dma_wait3A_657, %dma_wait3A_658] : memref<8x80xi32, #tpu.memory_space<vmem>> -> memref<1x80xi32, #tpu.memory_space<vmem>>
    %dma_wait3A_660 = tpu.memref_squeeze %dma_wait3A_659 : memref<1x80xi32, #tpu.memory_space<vmem>> -> memref<80xi32, #tpu.memory_space<vmem>>
    %dma_wait3A_661 = arith.constant 0 : i32
    %dma_wait3A_662 = arith.constant 0 : i32
    %dma_wait3A_663 = tpu.memref_slice %arg19[%dma_wait3A_661, %dma_wait3A_662] : memref<10000x128xf32, #tpu.memory_space<vmem_shared>> -> memref<10000x128xf32, #tpu.memory_space<vmem_shared>>
    tpu.wait_indirect_dma semaphore(%arg26 : memref<!tpu.dma_semaphore, #tpu.memory_space<semaphore_mem>>) src(%arg13 : memref<80x128xf32, #tpu.memory_space<vmem>>) dst(%dma_wait3A_663 : memref<10000x128xf32, #tpu.memory_space<vmem_shared>>)
    %dma_wait3A_664 = arith.constant 0 : i32
    %dma_wait3A_665 = arith.constant 0 : i32
    %dma_wait3A_666 = tpu.memref_slice %arg11[%dma_wait3A_664, %dma_wait3A_665] : memref<8x80xi32, #tpu.memory_space<vmem>> -> memref<1x80xi32, #tpu.memory_space<vmem>>
    %dma_wait3A_667 = tpu.memref_squeeze %dma_wait3A_666 : memref<1x80xi32, #tpu.memory_space<vmem>> -> memref<80xi32, #tpu.memory_space<vmem>>
    %dma_wait3A_668 = arith.constant 0 : i32
    %dma_wait3A_669 = arith.constant 0 : i32
    %dma_wait3A_670 = tpu.memref_slice %arg20[%dma_wait3A_668, %dma_wait3A_669] : memref<10000x8xf32, #tpu.memory_space<vmem_shared>> -> memref<10000x8xf32, #tpu.memory_space<vmem_shared>>
    tpu.wait_indirect_dma semaphore(%arg29 : memref<!tpu.dma_semaphore, #tpu.memory_space<semaphore_mem>>) src(%arg16 : memref<80x8xf32, #tpu.memory_space<vmem>>) dst(%dma_wait3A_670 : memref<10000x8xf32, #tpu.memory_space<vmem_shared>>)
    %dma_start3A_671 = arith.constant 2 : i32
    %dma_start3A_672 = arith.constant 0 : i32
    %dma_start3A_673 = tpu.memref_slice %arg11[%dma_start3A_671, %dma_start3A_672] : memref<8x80xi32, #tpu.memory_space<vmem>> -> memref<1x80xi32, #tpu.memory_space<vmem>>
    %dma_start3A_674 = tpu.memref_squeeze %dma_start3A_673 : memref<1x80xi32, #tpu.memory_space<vmem>> -> memref<80xi32, #tpu.memory_space<vmem>>
    %dma_start3A_675 = arith.constant 0 : i32
    %dma_start3A_676 = arith.constant 0 : i32
    %dma_start3A_677 = tpu.memref_slice %arg20[%dma_start3A_675, %dma_start3A_676] : memref<10000x8xf32, #tpu.memory_space<vmem_shared>> -> memref<10000x8xf32, #tpu.memory_space<vmem_shared>>
    tpu.enqueue_indirect_dma source(%arg16 : memref<80x8xf32, #tpu.memory_space<vmem>>) target(%dma_start3A_677 : memref<10000x8xf32, #tpu.memory_space<vmem_shared>>) offsets(%dma_start3A_674 : memref<80xi32, #tpu.memory_space<vmem>>) semaphore(%arg29 : memref<!tpu.dma_semaphore, #tpu.memory_space<semaphore_mem>>) {add = true}
    %dma_wait3A_678 = arith.constant 0 : i32
    %dma_wait3A_679 = arith.constant 0 : i32
    %dma_wait3A_680 = tpu.memref_slice %arg10[%dma_wait3A_678, %dma_wait3A_679] : memref<8x80xi32, #tpu.memory_space<vmem>> -> memref<1x80xi32, #tpu.memory_space<vmem>>
    %dma_wait3A_681 = tpu.memref_squeeze %dma_wait3A_680 : memref<1x80xi32, #tpu.memory_space<vmem>> -> memref<80xi32, #tpu.memory_space<vmem>>
    %dma_wait3A_682 = arith.constant 0 : i32
    %dma_wait3A_683 = arith.constant 0 : i32
    %dma_wait3A_684 = tpu.memref_slice %arg2[%dma_wait3A_682, %dma_wait3A_683] : memref<10000x128xf32, #tpu.memory_space<hbm>> -> memref<10000x128xf32, #tpu.memory_space<hbm>>
    tpu.wait_indirect_dma semaphore(%arg24 : memref<!tpu.dma_semaphore, #tpu.memory_space<semaphore_mem>>) src(%dma_wait3A_684 : memref<10000x128xf32, #tpu.memory_space<hbm>>) dst(%arg15 : memref<80x128xf32, #tpu.memory_space<vmem>>)
    %dma_start3A_685 = arith.constant 3 : i32
    %dma_start3A_686 = arith.constant 0 : i32
    %dma_start3A_687 = tpu.memref_slice %arg11[%dma_start3A_685, %dma_start3A_686] : memref<8x80xi32, #tpu.memory_space<vmem>> -> memref<1x80xi32, #tpu.memory_space<vmem>>
    %dma_start3A_688 = tpu.memref_squeeze %dma_start3A_687 : memref<1x80xi32, #tpu.memory_space<vmem>> -> memref<80xi32, #tpu.memory_space<vmem>>
    %dma_start3A_689 = arith.constant 0 : i32
    %dma_start3A_690 = arith.constant 0 : i32
    %dma_start3A_691 = tpu.memref_slice %arg19[%dma_start3A_689, %dma_start3A_690] : memref<10000x128xf32, #tpu.memory_space<vmem_shared>> -> memref<10000x128xf32, #tpu.memory_space<vmem_shared>>
    tpu.enqueue_indirect_dma source(%arg15 : memref<80x128xf32, #tpu.memory_space<vmem>>) target(%dma_start3A_691 : memref<10000x128xf32, #tpu.memory_space<vmem_shared>>) offsets(%dma_start3A_688 : memref<80xi32, #tpu.memory_space<vmem>>) semaphore(%arg28 : memref<!tpu.dma_semaphore, #tpu.memory_space<semaphore_mem>>) {add = true}
    %dma_wait3A_692 = arith.constant 0 : i32
    %dma_wait3A_693 = arith.constant 0 : i32
    %dma_wait3A_694 = tpu.memref_slice %arg11[%dma_wait3A_692, %dma_wait3A_693] : memref<8x80xi32, #tpu.memory_space<vmem>> -> memref<1x80xi32, #tpu.memory_space<vmem>>
    %dma_wait3A_695 = tpu.memref_squeeze %dma_wait3A_694 : memref<1x80xi32, #tpu.memory_space<vmem>> -> memref<80xi32, #tpu.memory_space<vmem>>
    %dma_wait3A_696 = arith.constant 0 : i32
    %dma_wait3A_697 = arith.constant 0 : i32
    %dma_wait3A_698 = tpu.memref_slice %arg19[%dma_wait3A_696, %dma_wait3A_697] : memref<10000x128xf32, #tpu.memory_space<vmem_shared>> -> memref<10000x128xf32, #tpu.memory_space<vmem_shared>>
    tpu.wait_indirect_dma semaphore(%arg27 : memref<!tpu.dma_semaphore, #tpu.memory_space<semaphore_mem>>) src(%arg14 : memref<80x128xf32, #tpu.memory_space<vmem>>) dst(%dma_wait3A_698 : memref<10000x128xf32, #tpu.memory_space<vmem_shared>>)
    %dma_wait3A_699 = arith.constant 0 : i32
    %dma_wait3A_700 = arith.constant 0 : i32
    %dma_wait3A_701 = tpu.memref_slice %arg11[%dma_wait3A_699, %dma_wait3A_700] : memref<8x80xi32, #tpu.memory_space<vmem>> -> memref<1x80xi32, #tpu.memory_space<vmem>>
    %dma_wait3A_702 = tpu.memref_squeeze %dma_wait3A_701 : memref<1x80xi32, #tpu.memory_space<vmem>> -> memref<80xi32, #tpu.memory_space<vmem>>
    %dma_wait3A_703 = arith.constant 0 : i32
    %dma_wait3A_704 = arith.constant 0 : i32
    %dma_wait3A_705 = tpu.memref_slice %arg20[%dma_wait3A_703, %dma_wait3A_704] : memref<10000x8xf32, #tpu.memory_space<vmem_shared>> -> memref<10000x8xf32, #tpu.memory_space<vmem_shared>>
    tpu.wait_indirect_dma semaphore(%arg29 : memref<!tpu.dma_semaphore, #tpu.memory_space<semaphore_mem>>) src(%arg16 : memref<80x8xf32, #tpu.memory_space<vmem>>) dst(%dma_wait3A_705 : memref<10000x8xf32, #tpu.memory_space<vmem_shared>>)
    %dma_start3A_706 = arith.constant 3 : i32
    %dma_start3A_707 = arith.constant 0 : i32
    %dma_start3A_708 = tpu.memref_slice %arg11[%dma_start3A_706, %dma_start3A_707] : memref<8x80xi32, #tpu.memory_space<vmem>> -> memref<1x80xi32, #tpu.memory_space<vmem>>
    %dma_start3A_709 = tpu.memref_squeeze %dma_start3A_708 : memref<1x80xi32, #tpu.memory_space<vmem>> -> memref<80xi32, #tpu.memory_space<vmem>>
    %dma_start3A_710 = arith.constant 0 : i32
    %dma_start3A_711 = arith.constant 0 : i32
    %dma_start3A_712 = tpu.memref_slice %arg20[%dma_start3A_710, %dma_start3A_711] : memref<10000x8xf32, #tpu.memory_space<vmem_shared>> -> memref<10000x8xf32, #tpu.memory_space<vmem_shared>>
    tpu.enqueue_indirect_dma source(%arg16 : memref<80x8xf32, #tpu.memory_space<vmem>>) target(%dma_start3A_712 : memref<10000x8xf32, #tpu.memory_space<vmem_shared>>) offsets(%dma_start3A_709 : memref<80xi32, #tpu.memory_space<vmem>>) semaphore(%arg29 : memref<!tpu.dma_semaphore, #tpu.memory_space<semaphore_mem>>) {add = true}
    %dma_wait3A_713 = arith.constant 0 : i32
    %dma_wait3A_714 = arith.constant 0 : i32
    %dma_wait3A_715 = tpu.memref_slice %arg10[%dma_wait3A_713, %dma_wait3A_714] : memref<8x80xi32, #tpu.memory_space<vmem>> -> memref<1x80xi32, #tpu.memory_space<vmem>>
    %dma_wait3A_716 = tpu.memref_squeeze %dma_wait3A_715 : memref<1x80xi32, #tpu.memory_space<vmem>> -> memref<80xi32, #tpu.memory_space<vmem>>
    %dma_wait3A_717 = arith.constant 0 : i32
    %dma_wait3A_718 = arith.constant 0 : i32
    %dma_wait3A_719 = tpu.memref_slice %arg2[%dma_wait3A_717, %dma_wait3A_718] : memref<10000x128xf32, #tpu.memory_space<hbm>> -> memref<10000x128xf32, #tpu.memory_space<hbm>>
    tpu.wait_indirect_dma semaphore(%arg21 : memref<!tpu.dma_semaphore, #tpu.memory_space<semaphore_mem>>) src(%dma_wait3A_719 : memref<10000x128xf32, #tpu.memory_space<hbm>>) dst(%arg12 : memref<80x128xf32, #tpu.memory_space<vmem>>)
    %dma_start3A_720 = arith.constant 4 : i32
    %dma_start3A_721 = arith.constant 0 : i32
    %dma_start3A_722 = tpu.memref_slice %arg11[%dma_start3A_720, %dma_start3A_721] : memref<8x80xi32, #tpu.memory_space<vmem>> -> memref<1x80xi32, #tpu.memory_space<vmem>>
    %dma_start3A_723 = tpu.memref_squeeze %dma_start3A_722 : memref<1x80xi32, #tpu.memory_space<vmem>> -> memref<80xi32, #tpu.memory_space<vmem>>
    %dma_start3A_724 = arith.constant 0 : i32
    %dma_start3A_725 = arith.constant 0 : i32
    %dma_start3A_726 = tpu.memref_slice %arg19[%dma_start3A_724, %dma_start3A_725] : memref<10000x128xf32, #tpu.memory_space<vmem_shared>> -> memref<10000x128xf32, #tpu.memory_space<vmem_shared>>
    tpu.enqueue_indirect_dma source(%arg12 : memref<80x128xf32, #tpu.memory_space<vmem>>) target(%dma_start3A_726 : memref<10000x128xf32, #tpu.memory_space<vmem_shared>>) offsets(%dma_start3A_723 : memref<80xi32, #tpu.memory_space<vmem>>) semaphore(%arg25 : memref<!tpu.dma_semaphore, #tpu.memory_space<semaphore_mem>>) {add = true}
    %dma_wait3A_727 = arith.constant 0 : i32
    %dma_wait3A_728 = arith.constant 0 : i32
    %dma_wait3A_729 = tpu.memref_slice %arg11[%dma_wait3A_727, %dma_wait3A_728] : memref<8x80xi32, #tpu.memory_space<vmem>> -> memref<1x80xi32, #tpu.memory_space<vmem>>
    %dma_wait3A_730 = tpu.memref_squeeze %dma_wait3A_729 : memref<1x80xi32, #tpu.memory_space<vmem>> -> memref<80xi32, #tpu.memory_space<vmem>>
    %dma_wait3A_731 = arith.constant 0 : i32
    %dma_wait3A_732 = arith.constant 0 : i32
    %dma_wait3A_733 = tpu.memref_slice %arg19[%dma_wait3A_731, %dma_wait3A_732] : memref<10000x128xf32, #tpu.memory_space<vmem_shared>> -> memref<10000x128xf32, #tpu.memory_space<vmem_shared>>
    tpu.wait_indirect_dma semaphore(%arg28 : memref<!tpu.dma_semaphore, #tpu.memory_space<semaphore_mem>>) src(%arg15 : memref<80x128xf32, #tpu.memory_space<vmem>>) dst(%dma_wait3A_733 : memref<10000x128xf32, #tpu.memory_space<vmem_shared>>)
    %dma_wait3A_734 = arith.constant 0 : i32
    %dma_wait3A_735 = arith.constant 0 : i32
    %dma_wait3A_736 = tpu.memref_slice %arg11[%dma_wait3A_734, %dma_wait3A_735] : memref<8x80xi32, #tpu.memory_space<vmem>> -> memref<1x80xi32, #tpu.memory_space<vmem>>
    %dma_wait3A_737 = tpu.memref_squeeze %dma_wait3A_736 : memref<1x80xi32, #tpu.memory_space<vmem>> -> memref<80xi32, #tpu.memory_space<vmem>>
    %dma_wait3A_738 = arith.constant 0 : i32
    %dma_wait3A_739 = arith.constant 0 : i32
    %dma_wait3A_740 = tpu.memref_slice %arg20[%dma_wait3A_738, %dma_wait3A_739] : memref<10000x8xf32, #tpu.memory_space<vmem_shared>> -> memref<10000x8xf32, #tpu.memory_space<vmem_shared>>
    tpu.wait_indirect_dma semaphore(%arg29 : memref<!tpu.dma_semaphore, #tpu.memory_space<semaphore_mem>>) src(%arg16 : memref<80x8xf32, #tpu.memory_space<vmem>>) dst(%dma_wait3A_740 : memref<10000x8xf32, #tpu.memory_space<vmem_shared>>)
    %dma_start3A_741 = arith.constant 4 : i32
    %dma_start3A_742 = arith.constant 0 : i32
    %dma_start3A_743 = tpu.memref_slice %arg11[%dma_start3A_741, %dma_start3A_742] : memref<8x80xi32, #tpu.memory_space<vmem>> -> memref<1x80xi32, #tpu.memory_space<vmem>>
    %dma_start3A_744 = tpu.memref_squeeze %dma_start3A_743 : memref<1x80xi32, #tpu.memory_space<vmem>> -> memref<80xi32, #tpu.memory_space<vmem>>
    %dma_start3A_745 = arith.constant 0 : i32
    %dma_start3A_746 = arith.constant 0 : i32
    %dma_start3A_747 = tpu.memref_slice %arg20[%dma_start3A_745, %dma_start3A_746] : memref<10000x8xf32, #tpu.memory_space<vmem_shared>> -> memref<10000x8xf32, #tpu.memory_space<vmem_shared>>
    tpu.enqueue_indirect_dma source(%arg16 : memref<80x8xf32, #tpu.memory_space<vmem>>) target(%dma_start3A_747 : memref<10000x8xf32, #tpu.memory_space<vmem_shared>>) offsets(%dma_start3A_744 : memref<80xi32, #tpu.memory_space<vmem>>) semaphore(%arg29 : memref<!tpu.dma_semaphore, #tpu.memory_space<semaphore_mem>>) {add = true}
    %dma_wait3A_748 = arith.constant 0 : i32
    %dma_wait3A_749 = arith.constant 0 : i32
    %dma_wait3A_750 = tpu.memref_slice %arg11[%dma_wait3A_748, %dma_wait3A_749] : memref<8x80xi32, #tpu.memory_space<vmem>> -> memref<1x80xi32, #tpu.memory_space<vmem>>
    %dma_wait3A_751 = tpu.memref_squeeze %dma_wait3A_750 : memref<1x80xi32, #tpu.memory_space<vmem>> -> memref<80xi32, #tpu.memory_space<vmem>>
    %dma_wait3A_752 = arith.constant 0 : i32
    %dma_wait3A_753 = arith.constant 0 : i32
    %dma_wait3A_754 = tpu.memref_slice %arg19[%dma_wait3A_752, %dma_wait3A_753] : memref<10000x128xf32, #tpu.memory_space<vmem_shared>> -> memref<10000x128xf32, #tpu.memory_space<vmem_shared>>
    tpu.wait_indirect_dma semaphore(%arg25 : memref<!tpu.dma_semaphore, #tpu.memory_space<semaphore_mem>>) src(%arg12 : memref<80x128xf32, #tpu.memory_space<vmem>>) dst(%dma_wait3A_754 : memref<10000x128xf32, #tpu.memory_space<vmem_shared>>)
    %dma_wait3A_755 = arith.constant 0 : i32
    %dma_wait3A_756 = arith.constant 0 : i32
    %dma_wait3A_757 = tpu.memref_slice %arg11[%dma_wait3A_755, %dma_wait3A_756] : memref<8x80xi32, #tpu.memory_space<vmem>> -> memref<1x80xi32, #tpu.memory_space<vmem>>
    %dma_wait3A_758 = tpu.memref_squeeze %dma_wait3A_757 : memref<1x80xi32, #tpu.memory_space<vmem>> -> memref<80xi32, #tpu.memory_space<vmem>>
    %dma_wait3A_759 = arith.constant 0 : i32
    %dma_wait3A_760 = arith.constant 0 : i32
    %dma_wait3A_761 = tpu.memref_slice %arg20[%dma_wait3A_759, %dma_wait3A_760] : memref<10000x8xf32, #tpu.memory_space<vmem_shared>> -> memref<10000x8xf32, #tpu.memory_space<vmem_shared>>
    tpu.wait_indirect_dma semaphore(%arg29 : memref<!tpu.dma_semaphore, #tpu.memory_space<semaphore_mem>>) src(%arg16 : memref<80x8xf32, #tpu.memory_space<vmem>>) dst(%dma_wait3A_761 : memref<10000x8xf32, #tpu.memory_space<vmem_shared>>)
    %dma_wait3A_762 = arith.constant 0 : i32
    %dma_wait3A_763 = arith.constant 5 : i32
    %dma_wait3A_764 = arith.constant 0 : i32
    %dma_wait3A_765 = tpu.memref_slice %arg10[%dma_wait3A_763, %dma_wait3A_764] : memref<8x80xi32, #tpu.memory_space<vmem>> -> memref<1x80xi32, #tpu.memory_space<vmem>>
    %dma_wait3A_766 = tpu.memref_squeeze %dma_wait3A_765 : memref<1x80xi32, #tpu.memory_space<vmem>> -> memref<80xi32, #tpu.memory_space<vmem>>
    %dma_wait3A_767 = arith.constant 0 : i32
    %dma_wait3A_768 = arith.constant 0 : i32
    %dma_wait3A_769 = tpu.memref_slice %arg3[%add3A, %dma_wait3A_767, %dma_wait3A_768] : memref<32x125x80xi32, #tpu.memory_space<hbm>> -> memref<1x125x80xi32, #tpu.memory_space<hbm>>
    %dma_wait3A_770 = tpu.memref_squeeze %dma_wait3A_769 : memref<1x125x80xi32, #tpu.memory_space<hbm>> -> memref<125x80xi32, #tpu.memory_space<hbm>>
    %dma_wait3A_771 = arith.constant 0 : i32
    %dma_wait3A_772 = tpu.memref_slice %dma_wait3A_770[%dma_wait3A_762, %dma_wait3A_771] : memref<125x80xi32, #tpu.memory_space<hbm>> -> memref<1x80xi32, #tpu.memory_space<hbm>>
    %dma_wait3A_773 = tpu.memref_squeeze %dma_wait3A_772 : memref<1x80xi32, #tpu.memory_space<hbm>> -> memref<80xi32, #tpu.memory_space<hbm>>
    %dma_wait3A_774 = arith.constant 0 : i32
    %dma_wait3A_775 = tpu.memref_slice %arg10[%dma_wait3A_763, %dma_wait3A_774] : memref<8x80xi32, #tpu.memory_space<vmem>> -> memref<1x80xi32, #tpu.memory_space<vmem>>
    %dma_wait3A_776 = tpu.memref_squeeze %dma_wait3A_775 : memref<1x80xi32, #tpu.memory_space<vmem>> -> memref<80xi32, #tpu.memory_space<vmem>>
    %dma_wait3A_777 = arith.constant 0 : i32
    %dma_wait3A_778 = arith.constant 0 : i32
    %dma_wait3A_779 = tpu.memref_slice %arg3[%add3A, %dma_wait3A_777, %dma_wait3A_778] : memref<32x125x80xi32, #tpu.memory_space<hbm>> -> memref<1x125x80xi32, #tpu.memory_space<hbm>>
    %dma_wait3A_780 = tpu.memref_squeeze %dma_wait3A_779 : memref<1x125x80xi32, #tpu.memory_space<hbm>> -> memref<125x80xi32, #tpu.memory_space<hbm>>
    %dma_wait3A_781 = arith.constant 0 : i32
    %dma_wait3A_782 = tpu.memref_slice %dma_wait3A_780[%dma_wait3A_762, %dma_wait3A_781] : memref<125x80xi32, #tpu.memory_space<hbm>> -> memref<1x80xi32, #tpu.memory_space<hbm>>
    %dma_wait3A_783 = tpu.memref_squeeze %dma_wait3A_782 : memref<1x80xi32, #tpu.memory_space<hbm>> -> memref<80xi32, #tpu.memory_space<hbm>>
    tpu.wait_dma2 semaphore(%arg35 : memref<!tpu.dma_semaphore, #tpu.memory_space<semaphore_mem>>) src(%dma_wait3A_783 : memref<80xi32, #tpu.memory_space<hbm>>) dst(%dma_wait3A_776 : memref<80xi32, #tpu.memory_space<vmem>>)
    %dma_wait3A_784 = arith.constant 0 : i32
    %dma_wait3A_785 = arith.constant 5 : i32
    %dma_wait3A_786 = arith.constant 0 : i32
    %dma_wait3A_787 = tpu.memref_slice %arg11[%dma_wait3A_785, %dma_wait3A_786] : memref<8x80xi32, #tpu.memory_space<vmem>> -> memref<1x80xi32, #tpu.memory_space<vmem>>
    %dma_wait3A_788 = tpu.memref_squeeze %dma_wait3A_787 : memref<1x80xi32, #tpu.memory_space<vmem>> -> memref<80xi32, #tpu.memory_space<vmem>>
    %dma_wait3A_789 = arith.constant 0 : i32
    %dma_wait3A_790 = arith.constant 0 : i32
    %dma_wait3A_791 = tpu.memref_slice %arg4[%add3A, %dma_wait3A_789, %dma_wait3A_790] : memref<32x125x80xi32, #tpu.memory_space<hbm>> -> memref<1x125x80xi32, #tpu.memory_space<hbm>>
    %dma_wait3A_792 = tpu.memref_squeeze %dma_wait3A_791 : memref<1x125x80xi32, #tpu.memory_space<hbm>> -> memref<125x80xi32, #tpu.memory_space<hbm>>
    %dma_wait3A_793 = arith.constant 0 : i32
    %dma_wait3A_794 = tpu.memref_slice %dma_wait3A_792[%dma_wait3A_784, %dma_wait3A_793] : memref<125x80xi32, #tpu.memory_space<hbm>> -> memref<1x80xi32, #tpu.memory_space<hbm>>
    %dma_wait3A_795 = tpu.memref_squeeze %dma_wait3A_794 : memref<1x80xi32, #tpu.memory_space<hbm>> -> memref<80xi32, #tpu.memory_space<hbm>>
    %dma_wait3A_796 = arith.constant 0 : i32
    %dma_wait3A_797 = tpu.memref_slice %arg11[%dma_wait3A_785, %dma_wait3A_796] : memref<8x80xi32, #tpu.memory_space<vmem>> -> memref<1x80xi32, #tpu.memory_space<vmem>>
    %dma_wait3A_798 = tpu.memref_squeeze %dma_wait3A_797 : memref<1x80xi32, #tpu.memory_space<vmem>> -> memref<80xi32, #tpu.memory_space<vmem>>
    %dma_wait3A_799 = arith.constant 0 : i32
    %dma_wait3A_800 = arith.constant 0 : i32
    %dma_wait3A_801 = tpu.memref_slice %arg4[%add3A, %dma_wait3A_799, %dma_wait3A_800] : memref<32x125x80xi32, #tpu.memory_space<hbm>> -> memref<1x125x80xi32, #tpu.memory_space<hbm>>
    %dma_wait3A_802 = tpu.memref_squeeze %dma_wait3A_801 : memref<1x125x80xi32, #tpu.memory_space<hbm>> -> memref<125x80xi32, #tpu.memory_space<hbm>>
    %dma_wait3A_803 = arith.constant 0 : i32
    %dma_wait3A_804 = tpu.memref_slice %dma_wait3A_802[%dma_wait3A_784, %dma_wait3A_803] : memref<125x80xi32, #tpu.memory_space<hbm>> -> memref<1x80xi32, #tpu.memory_space<hbm>>
    %dma_wait3A_805 = tpu.memref_squeeze %dma_wait3A_804 : memref<1x80xi32, #tpu.memory_space<hbm>> -> memref<80xi32, #tpu.memory_space<hbm>>
    tpu.wait_dma2 semaphore(%arg35 : memref<!tpu.dma_semaphore, #tpu.memory_space<semaphore_mem>>) src(%dma_wait3A_805 : memref<80xi32, #tpu.memory_space<hbm>>) dst(%dma_wait3A_798 : memref<80xi32, #tpu.memory_space<vmem>>)
    %dma_wait3A_806 = arith.constant 0 : i32
    %dma_wait3A_807 = arith.constant 6 : i32
    %dma_wait3A_808 = arith.constant 0 : i32
    %dma_wait3A_809 = tpu.memref_slice %arg10[%dma_wait3A_807, %dma_wait3A_808] : memref<8x80xi32, #tpu.memory_space<vmem>> -> memref<1x80xi32, #tpu.memory_space<vmem>>
    %dma_wait3A_810 = tpu.memref_squeeze %dma_wait3A_809 : memref<1x80xi32, #tpu.memory_space<vmem>> -> memref<80xi32, #tpu.memory_space<vmem>>
    %dma_wait3A_811 = arith.constant 0 : i32
    %dma_wait3A_812 = arith.constant 0 : i32
    %dma_wait3A_813 = tpu.memref_slice %arg3[%add3A, %dma_wait3A_811, %dma_wait3A_812] : memref<32x125x80xi32, #tpu.memory_space<hbm>> -> memref<1x125x80xi32, #tpu.memory_space<hbm>>
    %dma_wait3A_814 = tpu.memref_squeeze %dma_wait3A_813 : memref<1x125x80xi32, #tpu.memory_space<hbm>> -> memref<125x80xi32, #tpu.memory_space<hbm>>
    %dma_wait3A_815 = arith.constant 0 : i32
    %dma_wait3A_816 = tpu.memref_slice %dma_wait3A_814[%dma_wait3A_806, %dma_wait3A_815] : memref<125x80xi32, #tpu.memory_space<hbm>> -> memref<1x80xi32, #tpu.memory_space<hbm>>
    %dma_wait3A_817 = tpu.memref_squeeze %dma_wait3A_816 : memref<1x80xi32, #tpu.memory_space<hbm>> -> memref<80xi32, #tpu.memory_space<hbm>>
    %dma_wait3A_818 = arith.constant 0 : i32
    %dma_wait3A_819 = tpu.memref_slice %arg10[%dma_wait3A_807, %dma_wait3A_818] : memref<8x80xi32, #tpu.memory_space<vmem>> -> memref<1x80xi32, #tpu.memory_space<vmem>>
    %dma_wait3A_820 = tpu.memref_squeeze %dma_wait3A_819 : memref<1x80xi32, #tpu.memory_space<vmem>> -> memref<80xi32, #tpu.memory_space<vmem>>
    %dma_wait3A_821 = arith.constant 0 : i32
    %dma_wait3A_822 = arith.constant 0 : i32
    %dma_wait3A_823 = tpu.memref_slice %arg3[%add3A, %dma_wait3A_821, %dma_wait3A_822] : memref<32x125x80xi32, #tpu.memory_space<hbm>> -> memref<1x125x80xi32, #tpu.memory_space<hbm>>
    %dma_wait3A_824 = tpu.memref_squeeze %dma_wait3A_823 : memref<1x125x80xi32, #tpu.memory_space<hbm>> -> memref<125x80xi32, #tpu.memory_space<hbm>>
    %dma_wait3A_825 = arith.constant 0 : i32
    %dma_wait3A_826 = tpu.memref_slice %dma_wait3A_824[%dma_wait3A_806, %dma_wait3A_825] : memref<125x80xi32, #tpu.memory_space<hbm>> -> memref<1x80xi32, #tpu.memory_space<hbm>>
    %dma_wait3A_827 = tpu.memref_squeeze %dma_wait3A_826 : memref<1x80xi32, #tpu.memory_space<hbm>> -> memref<80xi32, #tpu.memory_space<hbm>>
    tpu.wait_dma2 semaphore(%arg36 : memref<!tpu.dma_semaphore, #tpu.memory_space<semaphore_mem>>) src(%dma_wait3A_827 : memref<80xi32, #tpu.memory_space<hbm>>) dst(%dma_wait3A_820 : memref<80xi32, #tpu.memory_space<vmem>>)
    %dma_wait3A_828 = arith.constant 0 : i32
    %dma_wait3A_829 = arith.constant 6 : i32
    %dma_wait3A_830 = arith.constant 0 : i32
    %dma_wait3A_831 = tpu.memref_slice %arg11[%dma_wait3A_829, %dma_wait3A_830] : memref<8x80xi32, #tpu.memory_space<vmem>> -> memref<1x80xi32, #tpu.memory_space<vmem>>
    %dma_wait3A_832 = tpu.memref_squeeze %dma_wait3A_831 : memref<1x80xi32, #tpu.memory_space<vmem>> -> memref<80xi32, #tpu.memory_space<vmem>>
    %dma_wait3A_833 = arith.constant 0 : i32
    %dma_wait3A_834 = arith.constant 0 : i32
    %dma_wait3A_835 = tpu.memref_slice %arg4[%add3A, %dma_wait3A_833, %dma_wait3A_834] : memref<32x125x80xi32, #tpu.memory_space<hbm>> -> memref<1x125x80xi32, #tpu.memory_space<hbm>>
    %dma_wait3A_836 = tpu.memref_squeeze %dma_wait3A_835 : memref<1x125x80xi32, #tpu.memory_space<hbm>> -> memref<125x80xi32, #tpu.memory_space<hbm>>
    %dma_wait3A_837 = arith.constant 0 : i32
    %dma_wait3A_838 = tpu.memref_slice %dma_wait3A_836[%dma_wait3A_828, %dma_wait3A_837] : memref<125x80xi32, #tpu.memory_space<hbm>> -> memref<1x80xi32, #tpu.memory_space<hbm>>
    %dma_wait3A_839 = tpu.memref_squeeze %dma_wait3A_838 : memref<1x80xi32, #tpu.memory_space<hbm>> -> memref<80xi32, #tpu.memory_space<hbm>>
    %dma_wait3A_840 = arith.constant 0 : i32
    %dma_wait3A_841 = tpu.memref_slice %arg11[%dma_wait3A_829, %dma_wait3A_840] : memref<8x80xi32, #tpu.memory_space<vmem>> -> memref<1x80xi32, #tpu.memory_space<vmem>>
    %dma_wait3A_842 = tpu.memref_squeeze %dma_wait3A_841 : memref<1x80xi32, #tpu.memory_space<vmem>> -> memref<80xi32, #tpu.memory_space<vmem>>
    %dma_wait3A_843 = arith.constant 0 : i32
    %dma_wait3A_844 = arith.constant 0 : i32
    %dma_wait3A_845 = tpu.memref_slice %arg4[%add3A, %dma_wait3A_843, %dma_wait3A_844] : memref<32x125x80xi32, #tpu.memory_space<hbm>> -> memref<1x125x80xi32, #tpu.memory_space<hbm>>
    %dma_wait3A_846 = tpu.memref_squeeze %dma_wait3A_845 : memref<1x125x80xi32, #tpu.memory_space<hbm>> -> memref<125x80xi32, #tpu.memory_space<hbm>>
    %dma_wait3A_847 = arith.constant 0 : i32
    %dma_wait3A_848 = tpu.memref_slice %dma_wait3A_846[%dma_wait3A_828, %dma_wait3A_847] : memref<125x80xi32, #tpu.memory_space<hbm>> -> memref<1x80xi32, #tpu.memory_space<hbm>>
    %dma_wait3A_849 = tpu.memref_squeeze %dma_wait3A_848 : memref<1x80xi32, #tpu.memory_space<hbm>> -> memref<80xi32, #tpu.memory_space<hbm>>
    tpu.wait_dma2 semaphore(%arg36 : memref<!tpu.dma_semaphore, #tpu.memory_space<semaphore_mem>>) src(%dma_wait3A_849 : memref<80xi32, #tpu.memory_space<hbm>>) dst(%dma_wait3A_842 : memref<80xi32, #tpu.memory_space<vmem>>)
    %barrier3A_850 = arith.constant 0 : index
    tpu.barrier barrier_id(%barrier3A_850)
    %iota3A = tpu.iota {dimensions = array<i32: 0>} : vector<16xi32>
    %broadcast_in_dim3A = arith.constant 0 : i32
    %broadcast_in_dim3A_851 = vector.broadcast %broadcast_in_dim3A : i32 to vector<16xi32>
    %lt3A_852 = arith.constant 15 : i32
    %lt3A_853 = arith.cmpi slt, %arg1, %lt3A_852 : i32
    %convert_element_type3A_854 = arith.extui %lt3A_853 : i1 to i32
    %cond3A_855 = arith.constant 0 : i32
    %cond3A_856 = arith.cmpi ne, %convert_element_type3A_854, %cond3A_855 : i32
    scf.if %cond3A_856 {
      %mul3A_862 = arith.constant 624 : i32
      %mul3A_863 = arith.muli %arg1, %mul3A_862 : i32
      %mul3A_864 = arith.constant 624 : i32
      %mul3A_865 = arith.muli %arg1, %mul3A_864 : i32
      "tpu.region"() ({
        %run_scoped3A = tpu.sem_alloc : memref<!tpu.dma_semaphore, #tpu.memory_space<semaphore_mem>>
        %dma_start3A_1108 = arith.constant 0 : i32
        %dma_start3A_1109 = arith.constant 0 : i32
        %dma_start3A_1110 = tpu.memref_slice %arg8[%arg0, %dma_start3A_1108, %dma_start3A_1109] : memref<2x10000x128xf32, #tpu.memory_space<hbm>> -> memref<1x10000x128xf32, #tpu.memory_space<hbm>>
        %dma_start3A_1111 = tpu.memref_squeeze %dma_start3A_1110 : memref<1x10000x128xf32, #tpu.memory_space<hbm>> -> memref<10000x128xf32, #tpu.memory_space<hbm>>
        %dma_start3A_1112 = arith.constant 0 : i32
        %dma_start3A_1113 = tpu.memref_slice %dma_start3A_1111[%mul3A_865, %dma_start3A_1112] : memref<10000x128xf32, #tpu.memory_space<hbm>> -> memref<624x128xf32, #tpu.memory_space<hbm>>
        %dma_start3A_1114 = arith.constant 0 : i32
        %dma_start3A_1115 = tpu.memref_slice %arg19[%mul3A_863, %dma_start3A_1114] : memref<10000x128xf32, #tpu.memory_space<vmem_shared>> -> memref<624x128xf32, #tpu.memory_space<vmem_shared>>
        tpu.enqueue_dma source(%dma_start3A_1115 : memref<624x128xf32, #tpu.memory_space<vmem_shared>>) target(%dma_start3A_1113 : memref<624x128xf32, #tpu.memory_space<hbm>>) target_semaphore(%run_scoped3A : memref<!tpu.dma_semaphore, #tpu.memory_space<semaphore_mem>>)
        %dma_wait3A_1116 = arith.constant 0 : i32
        %dma_wait3A_1117 = arith.constant 0 : i32
        %dma_wait3A_1118 = tpu.memref_slice %arg8[%arg0, %dma_wait3A_1116, %dma_wait3A_1117] : memref<2x10000x128xf32, #tpu.memory_space<hbm>> -> memref<1x10000x128xf32, #tpu.memory_space<hbm>>
        %dma_wait3A_1119 = tpu.memref_squeeze %dma_wait3A_1118 : memref<1x10000x128xf32, #tpu.memory_space<hbm>> -> memref<10000x128xf32, #tpu.memory_space<hbm>>
        %dma_wait3A_1120 = arith.constant 0 : i32
        %dma_wait3A_1121 = tpu.memref_slice %dma_wait3A_1119[%mul3A_865, %dma_wait3A_1120] : memref<10000x128xf32, #tpu.memory_space<hbm>> -> memref<624x128xf32, #tpu.memory_space<hbm>>
        %dma_wait3A_1122 = arith.constant 0 : i32
        %dma_wait3A_1123 = tpu.memref_slice %arg19[%mul3A_863, %dma_wait3A_1122] : memref<10000x128xf32, #tpu.memory_space<vmem_shared>> -> memref<624x128xf32, #tpu.memory_space<vmem_shared>>
        tpu.wait_dma2 semaphore(%run_scoped3A : memref<!tpu.dma_semaphore, #tpu.memory_space<semaphore_mem>>) src(%dma_wait3A_1123 : memref<624x128xf32, #tpu.memory_space<vmem_shared>>) dst(%dma_wait3A_1121 : memref<624x128xf32, #tpu.memory_space<hbm>>)
        tpu.yield
      }) : () -> ()
      %mul3A_866 = arith.constant 624 : i32
      %mul3A_867 = arith.muli %arg1, %mul3A_866 : i32
      %add3A_868 = arith.constant 0 : i32
      %add3A_869 = arith.addi %mul3A_867, %add3A_868 : i32
      "tpu.region"() ({
        %run_scoped3A = tpu.sem_alloc : memref<!tpu.dma_semaphore, #tpu.memory_space<semaphore_mem>>
        %dma_start3A_1108 = arith.constant 0 : i32
        %dma_start3A_1109 = arith.constant 0 : i32
        %dma_start3A_1110 = tpu.memref_slice %arg17[%dma_start3A_1108, %dma_start3A_1109] : memref<160x8xf32, #tpu.memory_space<vmem>> -> memref<160x8xf32, #tpu.memory_space<vmem>>
        %dma_start3A_1111 = arith.constant 0 : i32
        %dma_start3A_1112 = tpu.memref_slice %arg20[%add3A_869, %dma_start3A_1111] : memref<10000x8xf32, #tpu.memory_space<vmem_shared>> -> memref<160x8xf32, #tpu.memory_space<vmem_shared>>
        %dma_start3A_1113 = arith.constant 0 : i32
        %dma_start3A_1114 = arith.constant 0 : i32
        %dma_start3A_1115 = tpu.memref_slice %arg17[%dma_start3A_1113, %dma_start3A_1114] : memref<160x8xf32, #tpu.memory_space<vmem>> -> memref<160x8xf32, #tpu.memory_space<vmem>>
        %dma_start3A_1116 = arith.constant 0 : i32
        %dma_start3A_1117 = tpu.memref_slice %arg20[%add3A_869, %dma_start3A_1116] : memref<10000x8xf32, #tpu.memory_space<vmem_shared>> -> memref<160x8xf32, #tpu.memory_space<vmem_shared>>
        tpu.enqueue_dma source(%dma_start3A_1117 : memref<160x8xf32, #tpu.memory_space<vmem_shared>>) target(%dma_start3A_1115 : memref<160x8xf32, #tpu.memory_space<vmem>>) target_semaphore(%run_scoped3A : memref<!tpu.dma_semaphore, #tpu.memory_space<semaphore_mem>>)
        %dma_wait3A_1118 = arith.constant 0 : i32
        %dma_wait3A_1119 = arith.constant 0 : i32
        %dma_wait3A_1120 = tpu.memref_slice %arg17[%dma_wait3A_1118, %dma_wait3A_1119] : memref<160x8xf32, #tpu.memory_space<vmem>> -> memref<160x8xf32, #tpu.memory_space<vmem>>
        %dma_wait3A_1121 = arith.constant 0 : i32
        %dma_wait3A_1122 = tpu.memref_slice %arg20[%add3A_869, %dma_wait3A_1121] : memref<10000x8xf32, #tpu.memory_space<vmem_shared>> -> memref<160x8xf32, #tpu.memory_space<vmem_shared>>
        %dma_wait3A_1123 = arith.constant 0 : i32
        %dma_wait3A_1124 = arith.constant 0 : i32
        %dma_wait3A_1125 = tpu.memref_slice %arg17[%dma_wait3A_1123, %dma_wait3A_1124] : memref<160x8xf32, #tpu.memory_space<vmem>> -> memref<160x8xf32, #tpu.memory_space<vmem>>
        %dma_wait3A_1126 = arith.constant 0 : i32
        %dma_wait3A_1127 = tpu.memref_slice %arg20[%add3A_869, %dma_wait3A_1126] : memref<10000x8xf32, #tpu.memory_space<vmem_shared>> -> memref<160x8xf32, #tpu.memory_space<vmem_shared>>
        tpu.wait_dma2 semaphore(%run_scoped3A : memref<!tpu.dma_semaphore, #tpu.memory_space<semaphore_mem>>) src(%dma_wait3A_1127 : memref<160x8xf32, #tpu.memory_space<vmem_shared>>) dst(%dma_wait3A_1125 : memref<160x8xf32, #tpu.memory_space<vmem>>)
        tpu.yield
      }) : () -> ()
      %add3A_870 = arith.constant 0 : i32
      %add3A_871 = vector.broadcast %add3A_870 : i32 to vector<16xi32>
      %add3A_872 = arith.addi %add3A_871, %iota3A : vector<16xi32>
      %gather3A = tpu.vector_load_idx %arg17[%add3A_872, %broadcast_in_dim3A_851] : memref<160x8xf32, #tpu.memory_space<vmem>>[vector<16xi32>, vector<16xi32>], vector<16xf32>,
      %swap3A = arith.constant 0 : index
      %swap3A_873 = tpu.vector_load %arg18[%swap3A] {strides = array<i32>} : memref<640xf32, #tpu.memory_space<vmem>>, vector<16xf32>,
      tpu.vector_store %arg18[%swap3A], %gather3A {strides = array<i32>} : memref<640xf32, #tpu.memory_space<vmem>>, vector<16xf32>,
      %add3A_874 = arith.constant 16 : i32
      %add3A_875 = vector.broadcast %add3A_874 : i32 to vector<16xi32>
      %add3A_876 = arith.addi %add3A_875, %iota3A : vector<16xi32>
      %gather3A_877 = tpu.vector_load_idx %arg17[%add3A_876, %broadcast_in_dim3A_851] : memref<160x8xf32, #tpu.memory_space<vmem>>[vector<16xi32>, vector<16xi32>], vector<16xf32>,
      %swap3A_878 = arith.constant 16 : index
      %swap3A_879 = tpu.vector_load %arg18[%swap3A_878] {strides = array<i32>} : memref<640xf32, #tpu.memory_space<vmem>>, vector<16xf32>,
      tpu.vector_store %arg18[%swap3A_878], %gather3A_877 {strides = array<i32>} : memref<640xf32, #tpu.memory_space<vmem>>, vector<16xf32>,
      %add3A_880 = arith.constant 32 : i32
      %add3A_881 = vector.broadcast %add3A_880 : i32 to vector<16xi32>
      %add3A_882 = arith.addi %add3A_881, %iota3A : vector<16xi32>
      %gather3A_883 = tpu.vector_load_idx %arg17[%add3A_882, %broadcast_in_dim3A_851] : memref<160x8xf32, #tpu.memory_space<vmem>>[vector<16xi32>, vector<16xi32>], vector<16xf32>,
      %swap3A_884 = arith.constant 32 : index
      %swap3A_885 = tpu.vector_load %arg18[%swap3A_884] {strides = array<i32>} : memref<640xf32, #tpu.memory_space<vmem>>, vector<16xf32>,
      tpu.vector_store %arg18[%swap3A_884], %gather3A_883 {strides = array<i32>} : memref<640xf32, #tpu.memory_space<vmem>>, vector<16xf32>,
      %add3A_886 = arith.constant 48 : i32
      %add3A_887 = vector.broadcast %add3A_886 : i32 to vector<16xi32>
      %add3A_888 = arith.addi %add3A_887, %iota3A : vector<16xi32>
      %gather3A_889 = tpu.vector_load_idx %arg17[%add3A_888, %broadcast_in_dim3A_851] : memref<160x8xf32, #tpu.memory_space<vmem>>[vector<16xi32>, vector<16xi32>], vector<16xf32>,
      %swap3A_890 = arith.constant 48 : index
      %swap3A_891 = tpu.vector_load %arg18[%swap3A_890] {strides = array<i32>} : memref<640xf32, #tpu.memory_space<vmem>>, vector<16xf32>,
      tpu.vector_store %arg18[%swap3A_890], %gather3A_889 {strides = array<i32>} : memref<640xf32, #tpu.memory_space<vmem>>, vector<16xf32>,
      %add3A_892 = arith.constant 64 : i32
      %add3A_893 = vector.broadcast %add3A_892 : i32 to vector<16xi32>
      %add3A_894 = arith.addi %add3A_893, %iota3A : vector<16xi32>
      %gather3A_895 = tpu.vector_load_idx %arg17[%add3A_894, %broadcast_in_dim3A_851] : memref<160x8xf32, #tpu.memory_space<vmem>>[vector<16xi32>, vector<16xi32>], vector<16xf32>,
      %swap3A_896 = arith.constant 64 : index
      %swap3A_897 = tpu.vector_load %arg18[%swap3A_896] {strides = array<i32>} : memref<640xf32, #tpu.memory_space<vmem>>, vector<16xf32>,
      tpu.vector_store %arg18[%swap3A_896], %gather3A_895 {strides = array<i32>} : memref<640xf32, #tpu.memory_space<vmem>>, vector<16xf32>,
      %add3A_898 = arith.constant 80 : i32
      %add3A_899 = vector.broadcast %add3A_898 : i32 to vector<16xi32>
      %add3A_900 = arith.addi %add3A_899, %iota3A : vector<16xi32>
      %gather3A_901 = tpu.vector_load_idx %arg17[%add3A_900, %broadcast_in_dim3A_851] : memref<160x8xf32, #tpu.memory_space<vmem>>[vector<16xi32>, vector<16xi32>], vector<16xf32>,
      %swap3A_902 = arith.constant 80 : index
      %swap3A_903 = tpu.vector_load %arg18[%swap3A_902] {strides = array<i32>} : memref<640xf32, #tpu.memory_space<vmem>>, vector<16xf32>,
      tpu.vector_store %arg18[%swap3A_902], %gather3A_901 {strides = array<i32>} : memref<640xf32, #tpu.memory_space<vmem>>, vector<16xf32>,
      %add3A_904 = arith.constant 96 : i32
      %add3A_905 = vector.broadcast %add3A_904 : i32 to vector<16xi32>
      %add3A_906 = arith.addi %add3A_905, %iota3A : vector<16xi32>
      %gather3A_907 = tpu.vector_load_idx %arg17[%add3A_906, %broadcast_in_dim3A_851] : memref<160x8xf32, #tpu.memory_space<vmem>>[vector<16xi32>, vector<16xi32>], vector<16xf32>,
      %swap3A_908 = arith.constant 96 : index
      %swap3A_909 = tpu.vector_load %arg18[%swap3A_908] {strides = array<i32>} : memref<640xf32, #tpu.memory_space<vmem>>, vector<16xf32>,
      tpu.vector_store %arg18[%swap3A_908], %gather3A_907 {strides = array<i32>} : memref<640xf32, #tpu.memory_space<vmem>>, vector<16xf32>,
      %add3A_910 = arith.constant 112 : i32
      %add3A_911 = vector.broadcast %add3A_910 : i32 to vector<16xi32>
      %add3A_912 = arith.addi %add3A_911, %iota3A : vector<16xi32>
      %gather3A_913 = tpu.vector_load_idx %arg17[%add3A_912, %broadcast_in_dim3A_851] : memref<160x8xf32, #tpu.memory_space<vmem>>[vector<16xi32>, vector<16xi32>], vector<16xf32>,
      %swap3A_914 = arith.constant 112 : index
      %swap3A_915 = tpu.vector_load %arg18[%swap3A_914] {strides = array<i32>} : memref<640xf32, #tpu.memory_space<vmem>>, vector<16xf32>,
      tpu.vector_store %arg18[%swap3A_914], %gather3A_913 {strides = array<i32>} : memref<640xf32, #tpu.memory_space<vmem>>, vector<16xf32>,
      %add3A_916 = arith.constant 128 : i32
      %add3A_917 = vector.broadcast %add3A_916 : i32 to vector<16xi32>
      %add3A_918 = arith.addi %add3A_917, %iota3A : vector<16xi32>
      %gather3A_919 = tpu.vector_load_idx %arg17[%add3A_918, %broadcast_in_dim3A_851] : memref<160x8xf32, #tpu.memory_space<vmem>>[vector<16xi32>, vector<16xi32>], vector<16xf32>,
      %swap3A_920 = arith.constant 128 : index
      %swap3A_921 = tpu.vector_load %arg18[%swap3A_920] {strides = array<i32>} : memref<640xf32, #tpu.memory_space<vmem>>, vector<16xf32>,
      tpu.vector_store %arg18[%swap3A_920], %gather3A_919 {strides = array<i32>} : memref<640xf32, #tpu.memory_space<vmem>>, vector<16xf32>,
      %add3A_922 = arith.constant 144 : i32
      %add3A_923 = vector.broadcast %add3A_922 : i32 to vector<16xi32>
      %add3A_924 = arith.addi %add3A_923, %iota3A : vector<16xi32>
      %gather3A_925 = tpu.vector_load_idx %arg17[%add3A_924, %broadcast_in_dim3A_851] : memref<160x8xf32, #tpu.memory_space<vmem>>[vector<16xi32>, vector<16xi32>], vector<16xf32>,
      %swap3A_926 = arith.constant 144 : index
      %swap3A_927 = tpu.vector_load %arg18[%swap3A_926] {strides = array<i32>} : memref<640xf32, #tpu.memory_space<vmem>>, vector<16xf32>,
      tpu.vector_store %arg18[%swap3A_926], %gather3A_925 {strides = array<i32>} : memref<640xf32, #tpu.memory_space<vmem>>, vector<16xf32>,
      %add3A_928 = arith.constant 160 : i32
      %add3A_929 = arith.addi %mul3A_867, %add3A_928 : i32
      "tpu.region"() ({
        %run_scoped3A = tpu.sem_alloc : memref<!tpu.dma_semaphore, #tpu.memory_space<semaphore_mem>>
        %dma_start3A_1108 = arith.constant 0 : i32
        %dma_start3A_1109 = arith.constant 0 : i32
        %dma_start3A_1110 = tpu.memref_slice %arg17[%dma_start3A_1108, %dma_start3A_1109] : memref<160x8xf32, #tpu.memory_space<vmem>> -> memref<160x8xf32, #tpu.memory_space<vmem>>
        %dma_start3A_1111 = arith.constant 0 : i32
        %dma_start3A_1112 = tpu.memref_slice %arg20[%add3A_929, %dma_start3A_1111] : memref<10000x8xf32, #tpu.memory_space<vmem_shared>> -> memref<160x8xf32, #tpu.memory_space<vmem_shared>>
        %dma_start3A_1113 = arith.constant 0 : i32
        %dma_start3A_1114 = arith.constant 0 : i32
        %dma_start3A_1115 = tpu.memref_slice %arg17[%dma_start3A_1113, %dma_start3A_1114] : memref<160x8xf32, #tpu.memory_space<vmem>> -> memref<160x8xf32, #tpu.memory_space<vmem>>
        %dma_start3A_1116 = arith.constant 0 : i32
        %dma_start3A_1117 = tpu.memref_slice %arg20[%add3A_929, %dma_start3A_1116] : memref<10000x8xf32, #tpu.memory_space<vmem_shared>> -> memref<160x8xf32, #tpu.memory_space<vmem_shared>>
        tpu.enqueue_dma source(%dma_start3A_1117 : memref<160x8xf32, #tpu.memory_space<vmem_shared>>) target(%dma_start3A_1115 : memref<160x8xf32, #tpu.memory_space<vmem>>) target_semaphore(%run_scoped3A : memref<!tpu.dma_semaphore, #tpu.memory_space<semaphore_mem>>)
        %dma_wait3A_1118 = arith.constant 0 : i32
        %dma_wait3A_1119 = arith.constant 0 : i32
        %dma_wait3A_1120 = tpu.memref_slice %arg17[%dma_wait3A_1118, %dma_wait3A_1119] : memref<160x8xf32, #tpu.memory_space<vmem>> -> memref<160x8xf32, #tpu.memory_space<vmem>>
        %dma_wait3A_1121 = arith.constant 0 : i32
        %dma_wait3A_1122 = tpu.memref_slice %arg20[%add3A_929, %dma_wait3A_1121] : memref<10000x8xf32, #tpu.memory_space<vmem_shared>> -> memref<160x8xf32, #tpu.memory_space<vmem_shared>>
        %dma_wait3A_1123 = arith.constant 0 : i32
        %dma_wait3A_1124 = arith.constant 0 : i32
        %dma_wait3A_1125 = tpu.memref_slice %arg17[%dma_wait3A_1123, %dma_wait3A_1124] : memref<160x8xf32, #tpu.memory_space<vmem>> -> memref<160x8xf32, #tpu.memory_space<vmem>>
        %dma_wait3A_1126 = arith.constant 0 : i32
        %dma_wait3A_1127 = tpu.memref_slice %arg20[%add3A_929, %dma_wait3A_1126] : memref<10000x8xf32, #tpu.memory_space<vmem_shared>> -> memref<160x8xf32, #tpu.memory_space<vmem_shared>>
        tpu.wait_dma2 semaphore(%run_scoped3A : memref<!tpu.dma_semaphore, #tpu.memory_space<semaphore_mem>>) src(%dma_wait3A_1127 : memref<160x8xf32, #tpu.memory_space<vmem_shared>>) dst(%dma_wait3A_1125 : memref<160x8xf32, #tpu.memory_space<vmem>>)
        tpu.yield
      }) : () -> ()
      %add3A_930 = arith.constant 0 : i32
      %add3A_931 = vector.broadcast %add3A_930 : i32 to vector<16xi32>
      %add3A_932 = arith.addi %add3A_931, %iota3A : vector<16xi32>
      %gather3A_933 = tpu.vector_load_idx %arg17[%add3A_932, %broadcast_in_dim3A_851] : memref<160x8xf32, #tpu.memory_space<vmem>>[vector<16xi32>, vector<16xi32>], vector<16xf32>,
      %swap3A_934 = arith.constant 160 : index
      %swap3A_935 = tpu.vector_load %arg18[%swap3A_934] {strides = array<i32>} : memref<640xf32, #tpu.memory_space<vmem>>, vector<16xf32>,
      tpu.vector_store %arg18[%swap3A_934], %gather3A_933 {strides = array<i32>} : memref<640xf32, #tpu.memory_space<vmem>>, vector<16xf32>,
      %add3A_936 = arith.constant 16 : i32
      %add3A_937 = vector.broadcast %add3A_936 : i32 to vector<16xi32>
      %add3A_938 = arith.addi %add3A_937, %iota3A : vector<16xi32>
      %gather3A_939 = tpu.vector_load_idx %arg17[%add3A_938, %broadcast_in_dim3A_851] : memref<160x8xf32, #tpu.memory_space<vmem>>[vector<16xi32>, vector<16xi32>], vector<16xf32>,
      %swap3A_940 = arith.constant 176 : index
      %swap3A_941 = tpu.vector_load %arg18[%swap3A_940] {strides = array<i32>} : memref<640xf32, #tpu.memory_space<vmem>>, vector<16xf32>,
      tpu.vector_store %arg18[%swap3A_940], %gather3A_939 {strides = array<i32>} : memref<640xf32, #tpu.memory_space<vmem>>, vector<16xf32>,
      %add3A_942 = arith.constant 32 : i32
      %add3A_943 = vector.broadcast %add3A_942 : i32 to vector<16xi32>
      %add3A_944 = arith.addi %add3A_943, %iota3A : vector<16xi32>
      %gather3A_945 = tpu.vector_load_idx %arg17[%add3A_944, %broadcast_in_dim3A_851] : memref<160x8xf32, #tpu.memory_space<vmem>>[vector<16xi32>, vector<16xi32>], vector<16xf32>,
      %swap3A_946 = arith.constant 192 : index
      %swap3A_947 = tpu.vector_load %arg18[%swap3A_946] {strides = array<i32>} : memref<640xf32, #tpu.memory_space<vmem>>, vector<16xf32>,
      tpu.vector_store %arg18[%swap3A_946], %gather3A_945 {strides = array<i32>} : memref<640xf32, #tpu.memory_space<vmem>>, vector<16xf32>,
      %add3A_948 = arith.constant 48 : i32
      %add3A_949 = vector.broadcast %add3A_948 : i32 to vector<16xi32>
      %add3A_950 = arith.addi %add3A_949, %iota3A : vector<16xi32>
      %gather3A_951 = tpu.vector_load_idx %arg17[%add3A_950, %broadcast_in_dim3A_851] : memref<160x8xf32, #tpu.memory_space<vmem>>[vector<16xi32>, vector<16xi32>], vector<16xf32>,
      %swap3A_952 = arith.constant 208 : index
      %swap3A_953 = tpu.vector_load %arg18[%swap3A_952] {strides = array<i32>} : memref<640xf32, #tpu.memory_space<vmem>>, vector<16xf32>,
      tpu.vector_store %arg18[%swap3A_952], %gather3A_951 {strides = array<i32>} : memref<640xf32, #tpu.memory_space<vmem>>, vector<16xf32>,
      %add3A_954 = arith.constant 64 : i32
      %add3A_955 = vector.broadcast %add3A_954 : i32 to vector<16xi32>
      %add3A_956 = arith.addi %add3A_955, %iota3A : vector<16xi32>
      %gather3A_957 = tpu.vector_load_idx %arg17[%add3A_956, %broadcast_in_dim3A_851] : memref<160x8xf32, #tpu.memory_space<vmem>>[vector<16xi32>, vector<16xi32>], vector<16xf32>,
      %swap3A_958 = arith.constant 224 : index
      %swap3A_959 = tpu.vector_load %arg18[%swap3A_958] {strides = array<i32>} : memref<640xf32, #tpu.memory_space<vmem>>, vector<16xf32>,
      tpu.vector_store %arg18[%swap3A_958], %gather3A_957 {strides = array<i32>} : memref<640xf32, #tpu.memory_space<vmem>>, vector<16xf32>,
      %add3A_960 = arith.constant 80 : i32
      %add3A_961 = vector.broadcast %add3A_960 : i32 to vector<16xi32>
      %add3A_962 = arith.addi %add3A_961, %iota3A : vector<16xi32>
      %gather3A_963 = tpu.vector_load_idx %arg17[%add3A_962, %broadcast_in_dim3A_851] : memref<160x8xf32, #tpu.memory_space<vmem>>[vector<16xi32>, vector<16xi32>], vector<16xf32>,
      %swap3A_964 = arith.constant 240 : index
      %swap3A_965 = tpu.vector_load %arg18[%swap3A_964] {strides = array<i32>} : memref<640xf32, #tpu.memory_space<vmem>>, vector<16xf32>,
      tpu.vector_store %arg18[%swap3A_964], %gather3A_963 {strides = array<i32>} : memref<640xf32, #tpu.memory_space<vmem>>, vector<16xf32>,
      %add3A_966 = arith.constant 96 : i32
      %add3A_967 = vector.broadcast %add3A_966 : i32 to vector<16xi32>
      %add3A_968 = arith.addi %add3A_967, %iota3A : vector<16xi32>
      %gather3A_969 = tpu.vector_load_idx %arg17[%add3A_968, %broadcast_in_dim3A_851] : memref<160x8xf32, #tpu.memory_space<vmem>>[vector<16xi32>, vector<16xi32>], vector<16xf32>,
      %swap3A_970 = arith.constant 256 : index
      %swap3A_971 = tpu.vector_load %arg18[%swap3A_970] {strides = array<i32>} : memref<640xf32, #tpu.memory_space<vmem>>, vector<16xf32>,
      tpu.vector_store %arg18[%swap3A_970], %gather3A_969 {strides = array<i32>} : memref<640xf32, #tpu.memory_space<vmem>>, vector<16xf32>,
      %add3A_972 = arith.constant 112 : i32
      %add3A_973 = vector.broadcast %add3A_972 : i32 to vector<16xi32>
      %add3A_974 = arith.addi %add3A_973, %iota3A : vector<16xi32>
      %gather3A_975 = tpu.vector_load_idx %arg17[%add3A_974, %broadcast_in_dim3A_851] : memref<160x8xf32, #tpu.memory_space<vmem>>[vector<16xi32>, vector<16xi32>], vector<16xf32>,
      %swap3A_976 = arith.constant 272 : index
      %swap3A_977 = tpu.vector_load %arg18[%swap3A_976] {strides = array<i32>} : memref<640xf32, #tpu.memory_space<vmem>>, vector<16xf32>,
      tpu.vector_store %arg18[%swap3A_976], %gather3A_975 {strides = array<i32>} : memref<640xf32, #tpu.memory_space<vmem>>, vector<16xf32>,
      %add3A_978 = arith.constant 128 : i32
      %add3A_979 = vector.broadcast %add3A_978 : i32 to vector<16xi32>
      %add3A_980 = arith.addi %add3A_979, %iota3A : vector<16xi32>
      %gather3A_981 = tpu.vector_load_idx %arg17[%add3A_980, %broadcast_in_dim3A_851] : memref<160x8xf32, #tpu.memory_space<vmem>>[vector<16xi32>, vector<16xi32>], vector<16xf32>,
      %swap3A_982 = arith.constant 288 : index
      %swap3A_983 = tpu.vector_load %arg18[%swap3A_982] {strides = array<i32>} : memref<640xf32, #tpu.memory_space<vmem>>, vector<16xf32>,
      tpu.vector_store %arg18[%swap3A_982], %gather3A_981 {strides = array<i32>} : memref<640xf32, #tpu.memory_space<vmem>>, vector<16xf32>,
      %add3A_984 = arith.constant 144 : i32
      %add3A_985 = vector.broadcast %add3A_984 : i32 to vector<16xi32>
      %add3A_986 = arith.addi %add3A_985, %iota3A : vector<16xi32>
      %gather3A_987 = tpu.vector_load_idx %arg17[%add3A_986, %broadcast_in_dim3A_851] : memref<160x8xf32, #tpu.memory_space<vmem>>[vector<16xi32>, vector<16xi32>], vector<16xf32>,
      %swap3A_988 = arith.constant 304 : index
      %swap3A_989 = tpu.vector_load %arg18[%swap3A_988] {strides = array<i32>} : memref<640xf32, #tpu.memory_space<vmem>>, vector<16xf32>,
      tpu.vector_store %arg18[%swap3A_988], %gather3A_987 {strides = array<i32>} : memref<640xf32, #tpu.memory_space<vmem>>, vector<16xf32>,
      %add3A_990 = arith.constant 320 : i32
      %add3A_991 = arith.addi %mul3A_867, %add3A_990 : i32
      "tpu.region"() ({
        %run_scoped3A = tpu.sem_alloc : memref<!tpu.dma_semaphore, #tpu.memory_space<semaphore_mem>>
        %dma_start3A_1108 = arith.constant 0 : i32
        %dma_start3A_1109 = arith.constant 0 : i32
        %dma_start3A_1110 = tpu.memref_slice %arg17[%dma_start3A_1108, %dma_start3A_1109] : memref<160x8xf32, #tpu.memory_space<vmem>> -> memref<160x8xf32, #tpu.memory_space<vmem>>
        %dma_start3A_1111 = arith.constant 0 : i32
        %dma_start3A_1112 = tpu.memref_slice %arg20[%add3A_991, %dma_start3A_1111] : memref<10000x8xf32, #tpu.memory_space<vmem_shared>> -> memref<160x8xf32, #tpu.memory_space<vmem_shared>>
        %dma_start3A_1113 = arith.constant 0 : i32
        %dma_start3A_1114 = arith.constant 0 : i32
        %dma_start3A_1115 = tpu.memref_slice %arg17[%dma_start3A_1113, %dma_start3A_1114] : memref<160x8xf32, #tpu.memory_space<vmem>> -> memref<160x8xf32, #tpu.memory_space<vmem>>
        %dma_start3A_1116 = arith.constant 0 : i32
        %dma_start3A_1117 = tpu.memref_slice %arg20[%add3A_991, %dma_start3A_1116] : memref<10000x8xf32, #tpu.memory_space<vmem_shared>> -> memref<160x8xf32, #tpu.memory_space<vmem_shared>>
        tpu.enqueue_dma source(%dma_start3A_1117 : memref<160x8xf32, #tpu.memory_space<vmem_shared>>) target(%dma_start3A_1115 : memref<160x8xf32, #tpu.memory_space<vmem>>) target_semaphore(%run_scoped3A : memref<!tpu.dma_semaphore, #tpu.memory_space<semaphore_mem>>)
        %dma_wait3A_1118 = arith.constant 0 : i32
        %dma_wait3A_1119 = arith.constant 0 : i32
        %dma_wait3A_1120 = tpu.memref_slice %arg17[%dma_wait3A_1118, %dma_wait3A_1119] : memref<160x8xf32, #tpu.memory_space<vmem>> -> memref<160x8xf32, #tpu.memory_space<vmem>>
        %dma_wait3A_1121 = arith.constant 0 : i32
        %dma_wait3A_1122 = tpu.memref_slice %arg20[%add3A_991, %dma_wait3A_1121] : memref<10000x8xf32, #tpu.memory_space<vmem_shared>> -> memref<160x8xf32, #tpu.memory_space<vmem_shared>>
        %dma_wait3A_1123 = arith.constant 0 : i32
        %dma_wait3A_1124 = arith.constant 0 : i32
        %dma_wait3A_1125 = tpu.memref_slice %arg17[%dma_wait3A_1123, %dma_wait3A_1124] : memref<160x8xf32, #tpu.memory_space<vmem>> -> memref<160x8xf32, #tpu.memory_space<vmem>>
        %dma_wait3A_1126 = arith.constant 0 : i32
        %dma_wait3A_1127 = tpu.memref_slice %arg20[%add3A_991, %dma_wait3A_1126] : memref<10000x8xf32, #tpu.memory_space<vmem_shared>> -> memref<160x8xf32, #tpu.memory_space<vmem_shared>>
        tpu.wait_dma2 semaphore(%run_scoped3A : memref<!tpu.dma_semaphore, #tpu.memory_space<semaphore_mem>>) src(%dma_wait3A_1127 : memref<160x8xf32, #tpu.memory_space<vmem_shared>>) dst(%dma_wait3A_1125 : memref<160x8xf32, #tpu.memory_space<vmem>>)
        tpu.yield
      }) : () -> ()
      %add3A_992 = arith.constant 0 : i32
      %add3A_993 = vector.broadcast %add3A_992 : i32 to vector<16xi32>
      %add3A_994 = arith.addi %add3A_993, %iota3A : vector<16xi32>
      %gather3A_995 = tpu.vector_load_idx %arg17[%add3A_994, %broadcast_in_dim3A_851] : memref<160x8xf32, #tpu.memory_space<vmem>>[vector<16xi32>, vector<16xi32>], vector<16xf32>,
      %swap3A_996 = arith.constant 320 : index
      %swap3A_997 = tpu.vector_load %arg18[%swap3A_996] {strides = array<i32>} : memref<640xf32, #tpu.memory_space<vmem>>, vector<16xf32>,
      tpu.vector_store %arg18[%swap3A_996], %gather3A_995 {strides = array<i32>} : memref<640xf32, #tpu.memory_space<vmem>>, vector<16xf32>,
      %add3A_998 = arith.constant 16 : i32
      %add3A_999 = vector.broadcast %add3A_998 : i32 to vector<16xi32>
      %add3A_1000 = arith.addi %add3A_999, %iota3A : vector<16xi32>
      %gather3A_1001 = tpu.vector_load_idx %arg17[%add3A_1000, %broadcast_in_dim3A_851] : memref<160x8xf32, #tpu.memory_space<vmem>>[vector<16xi32>, vector<16xi32>], vector<16xf32>,
      %swap3A_1002 = arith.constant 336 : index
      %swap3A_1003 = tpu.vector_load %arg18[%swap3A_1002] {strides = array<i32>} : memref<640xf32, #tpu.memory_space<vmem>>, vector<16xf32>,
      tpu.vector_store %arg18[%swap3A_1002], %gather3A_1001 {strides = array<i32>} : memref<640xf32, #tpu.memory_space<vmem>>, vector<16xf32>,
      %add3A_1004 = arith.constant 32 : i32
      %add3A_1005 = vector.broadcast %add3A_1004 : i32 to vector<16xi32>
      %add3A_1006 = arith.addi %add3A_1005, %iota3A : vector<16xi32>
      %gather3A_1007 = tpu.vector_load_idx %arg17[%add3A_1006, %broadcast_in_dim3A_851] : memref<160x8xf32, #tpu.memory_space<vmem>>[vector<16xi32>, vector<16xi32>], vector<16xf32>,
      %swap3A_1008 = arith.constant 352 : index
      %swap3A_1009 = tpu.vector_load %arg18[%swap3A_1008] {strides = array<i32>} : memref<640xf32, #tpu.memory_space<vmem>>, vector<16xf32>,
      tpu.vector_store %arg18[%swap3A_1008], %gather3A_1007 {strides = array<i32>} : memref<640xf32, #tpu.memory_space<vmem>>, vector<16xf32>,
      %add3A_1010 = arith.constant 48 : i32
      %add3A_1011 = vector.broadcast %add3A_1010 : i32 to vector<16xi32>
      %add3A_1012 = arith.addi %add3A_1011, %iota3A : vector<16xi32>
      %gather3A_1013 = tpu.vector_load_idx %arg17[%add3A_1012, %broadcast_in_dim3A_851] : memref<160x8xf32, #tpu.memory_space<vmem>>[vector<16xi32>, vector<16xi32>], vector<16xf32>,
      %swap3A_1014 = arith.constant 368 : index
      %swap3A_1015 = tpu.vector_load %arg18[%swap3A_1014] {strides = array<i32>} : memref<640xf32, #tpu.memory_space<vmem>>, vector<16xf32>,
      tpu.vector_store %arg18[%swap3A_1014], %gather3A_1013 {strides = array<i32>} : memref<640xf32, #tpu.memory_space<vmem>>, vector<16xf32>,
      %add3A_1016 = arith.constant 64 : i32
      %add3A_1017 = vector.broadcast %add3A_1016 : i32 to vector<16xi32>
      %add3A_1018 = arith.addi %add3A_1017, %iota3A : vector<16xi32>
      %gather3A_1019 = tpu.vector_load_idx %arg17[%add3A_1018, %broadcast_in_dim3A_851] : memref<160x8xf32, #tpu.memory_space<vmem>>[vector<16xi32>, vector<16xi32>], vector<16xf32>,
      %swap3A_1020 = arith.constant 384 : index
      %swap3A_1021 = tpu.vector_load %arg18[%swap3A_1020] {strides = array<i32>} : memref<640xf32, #tpu.memory_space<vmem>>, vector<16xf32>,
      tpu.vector_store %arg18[%swap3A_1020], %gather3A_1019 {strides = array<i32>} : memref<640xf32, #tpu.memory_space<vmem>>, vector<16xf32>,
      %add3A_1022 = arith.constant 80 : i32
      %add3A_1023 = vector.broadcast %add3A_1022 : i32 to vector<16xi32>
      %add3A_1024 = arith.addi %add3A_1023, %iota3A : vector<16xi32>
      %gather3A_1025 = tpu.vector_load_idx %arg17[%add3A_1024, %broadcast_in_dim3A_851] : memref<160x8xf32, #tpu.memory_space<vmem>>[vector<16xi32>, vector<16xi32>], vector<16xf32>,
      %swap3A_1026 = arith.constant 400 : index
      %swap3A_1027 = tpu.vector_load %arg18[%swap3A_1026] {strides = array<i32>} : memref<640xf32, #tpu.memory_space<vmem>>, vector<16xf32>,
      tpu.vector_store %arg18[%swap3A_1026], %gather3A_1025 {strides = array<i32>} : memref<640xf32, #tpu.memory_space<vmem>>, vector<16xf32>,
      %add3A_1028 = arith.constant 96 : i32
      %add3A_1029 = vector.broadcast %add3A_1028 : i32 to vector<16xi32>
      %add3A_1030 = arith.addi %add3A_1029, %iota3A : vector<16xi32>
      %gather3A_1031 = tpu.vector_load_idx %arg17[%add3A_1030, %broadcast_in_dim3A_851] : memref<160x8xf32, #tpu.memory_space<vmem>>[vector<16xi32>, vector<16xi32>], vector<16xf32>,
      %swap3A_1032 = arith.constant 416 : index
      %swap3A_1033 = tpu.vector_load %arg18[%swap3A_1032] {strides = array<i32>} : memref<640xf32, #tpu.memory_space<vmem>>, vector<16xf32>,
      tpu.vector_store %arg18[%swap3A_1032], %gather3A_1031 {strides = array<i32>} : memref<640xf32, #tpu.memory_space<vmem>>, vector<16xf32>,
      %add3A_1034 = arith.constant 112 : i32
      %add3A_1035 = vector.broadcast %add3A_1034 : i32 to vector<16xi32>
      %add3A_1036 = arith.addi %add3A_1035, %iota3A : vector<16xi32>
      %gather3A_1037 = tpu.vector_load_idx %arg17[%add3A_1036, %broadcast_in_dim3A_851] : memref<160x8xf32, #tpu.memory_space<vmem>>[vector<16xi32>, vector<16xi32>], vector<16xf32>,
      %swap3A_1038 = arith.constant 432 : index
      %swap3A_1039 = tpu.vector_load %arg18[%swap3A_1038] {strides = array<i32>} : memref<640xf32, #tpu.memory_space<vmem>>, vector<16xf32>,
      tpu.vector_store %arg18[%swap3A_1038], %gather3A_1037 {strides = array<i32>} : memref<640xf32, #tpu.memory_space<vmem>>, vector<16xf32>,
      %add3A_1040 = arith.constant 128 : i32
      %add3A_1041 = vector.broadcast %add3A_1040 : i32 to vector<16xi32>
      %add3A_1042 = arith.addi %add3A_1041, %iota3A : vector<16xi32>
      %gather3A_1043 = tpu.vector_load_idx %arg17[%add3A_1042, %broadcast_in_dim3A_851] : memref<160x8xf32, #tpu.memory_space<vmem>>[vector<16xi32>, vector<16xi32>], vector<16xf32>,
      %swap3A_1044 = arith.constant 448 : index
      %swap3A_1045 = tpu.vector_load %arg18[%swap3A_1044] {strides = array<i32>} : memref<640xf32, #tpu.memory_space<vmem>>, vector<16xf32>,
      tpu.vector_store %arg18[%swap3A_1044], %gather3A_1043 {strides = array<i32>} : memref<640xf32, #tpu.memory_space<vmem>>, vector<16xf32>,
      %add3A_1046 = arith.constant 144 : i32
      %add3A_1047 = vector.broadcast %add3A_1046 : i32 to vector<16xi32>
      %add3A_1048 = arith.addi %add3A_1047, %iota3A : vector<16xi32>
      %gather3A_1049 = tpu.vector_load_idx %arg17[%add3A_1048, %broadcast_in_dim3A_851] : memref<160x8xf32, #tpu.memory_space<vmem>>[vector<16xi32>, vector<16xi32>], vector<16xf32>,
      %swap3A_1050 = arith.constant 464 : index
      %swap3A_1051 = tpu.vector_load %arg18[%swap3A_1050] {strides = array<i32>} : memref<640xf32, #tpu.memory_space<vmem>>, vector<16xf32>,
      tpu.vector_store %arg18[%swap3A_1050], %gather3A_1049 {strides = array<i32>} : memref<640xf32, #tpu.memory_space<vmem>>, vector<16xf32>,
      %add3A_1052 = arith.constant 480 : i32
      %add3A_1053 = arith.addi %mul3A_867, %add3A_1052 : i32
      "tpu.region"() ({
        %run_scoped3A = tpu.sem_alloc : memref<!tpu.dma_semaphore, #tpu.memory_space<semaphore_mem>>
        %dma_start3A_1108 = arith.constant 0 : i32
        %dma_start3A_1109 = arith.constant 0 : i32
        %dma_start3A_1110 = tpu.memref_slice %arg17[%dma_start3A_1108, %dma_start3A_1109] : memref<160x8xf32, #tpu.memory_space<vmem>> -> memref<144x8xf32, #tpu.memory_space<vmem>>
        %dma_start3A_1111 = arith.constant 0 : i32
        %dma_start3A_1112 = tpu.memref_slice %arg20[%add3A_1053, %dma_start3A_1111] : memref<10000x8xf32, #tpu.memory_space<vmem_shared>> -> memref<144x8xf32, #tpu.memory_space<vmem_shared>>
        %dma_start3A_1113 = arith.constant 0 : i32
        %dma_start3A_1114 = arith.constant 0 : i32
        %dma_start3A_1115 = tpu.memref_slice %arg17[%dma_start3A_1113, %dma_start3A_1114] : memref<160x8xf32, #tpu.memory_space<vmem>> -> memref<144x8xf32, #tpu.memory_space<vmem>>
        %dma_start3A_1116 = arith.constant 0 : i32
        %dma_start3A_1117 = tpu.memref_slice %arg20[%add3A_1053, %dma_start3A_1116] : memref<10000x8xf32, #tpu.memory_space<vmem_shared>> -> memref<144x8xf32, #tpu.memory_space<vmem_shared>>
        tpu.enqueue_dma source(%dma_start3A_1117 : memref<144x8xf32, #tpu.memory_space<vmem_shared>>) target(%dma_start3A_1115 : memref<144x8xf32, #tpu.memory_space<vmem>>) target_semaphore(%run_scoped3A : memref<!tpu.dma_semaphore, #tpu.memory_space<semaphore_mem>>)
        %dma_wait3A_1118 = arith.constant 0 : i32
        %dma_wait3A_1119 = arith.constant 0 : i32
        %dma_wait3A_1120 = tpu.memref_slice %arg17[%dma_wait3A_1118, %dma_wait3A_1119] : memref<160x8xf32, #tpu.memory_space<vmem>> -> memref<144x8xf32, #tpu.memory_space<vmem>>
        %dma_wait3A_1121 = arith.constant 0 : i32
        %dma_wait3A_1122 = tpu.memref_slice %arg20[%add3A_1053, %dma_wait3A_1121] : memref<10000x8xf32, #tpu.memory_space<vmem_shared>> -> memref<144x8xf32, #tpu.memory_space<vmem_shared>>
        %dma_wait3A_1123 = arith.constant 0 : i32
        %dma_wait3A_1124 = arith.constant 0 : i32
        %dma_wait3A_1125 = tpu.memref_slice %arg17[%dma_wait3A_1123, %dma_wait3A_1124] : memref<160x8xf32, #tpu.memory_space<vmem>> -> memref<144x8xf32, #tpu.memory_space<vmem>>
        %dma_wait3A_1126 = arith.constant 0 : i32
        %dma_wait3A_1127 = tpu.memref_slice %arg20[%add3A_1053, %dma_wait3A_1126] : memref<10000x8xf32, #tpu.memory_space<vmem_shared>> -> memref<144x8xf32, #tpu.memory_space<vmem_shared>>
        tpu.wait_dma2 semaphore(%run_scoped3A : memref<!tpu.dma_semaphore, #tpu.memory_space<semaphore_mem>>) src(%dma_wait3A_1127 : memref<144x8xf32, #tpu.memory_space<vmem_shared>>) dst(%dma_wait3A_1125 : memref<144x8xf32, #tpu.memory_space<vmem>>)
        tpu.yield
      }) : () -> ()
      %add3A_1054 = arith.constant 0 : i32
      %add3A_1055 = vector.broadcast %add3A_1054 : i32 to vector<16xi32>
      %add3A_1056 = arith.addi %add3A_1055, %iota3A : vector<16xi32>
      %gather3A_1057 = tpu.vector_load_idx %arg17[%add3A_1056, %broadcast_in_dim3A_851] : memref<160x8xf32, #tpu.memory_space<vmem>>[vector<16xi32>, vector<16xi32>], vector<16xf32>,
      %swap3A_1058 = arith.constant 480 : index
      %swap3A_1059 = tpu.vector_load %arg18[%swap3A_1058] {strides = array<i32>} : memref<640xf32, #tpu.memory_space<vmem>>, vector<16xf32>,
      tpu.vector_store %arg18[%swap3A_1058], %gather3A_1057 {strides = array<i32>} : memref<640xf32, #tpu.memory_space<vmem>>, vector<16xf32>,
      %add3A_1060 = arith.constant 16 : i32
      %add3A_1061 = vector.broadcast %add3A_1060 : i32 to vector<16xi32>
      %add3A_1062 = arith.addi %add3A_1061, %iota3A : vector<16xi32>
      %gather3A_1063 = tpu.vector_load_idx %arg17[%add3A_1062, %broadcast_in_dim3A_851] : memref<160x8xf32, #tpu.memory_space<vmem>>[vector<16xi32>, vector<16xi32>], vector<16xf32>,
      %swap3A_1064 = arith.constant 496 : index
      %swap3A_1065 = tpu.vector_load %arg18[%swap3A_1064] {strides = array<i32>} : memref<640xf32, #tpu.memory_space<vmem>>, vector<16xf32>,
      tpu.vector_store %arg18[%swap3A_1064], %gather3A_1063 {strides = array<i32>} : memref<640xf32, #tpu.memory_space<vmem>>, vector<16xf32>,
      %add3A_1066 = arith.constant 32 : i32
      %add3A_1067 = vector.broadcast %add3A_1066 : i32 to vector<16xi32>
      %add3A_1068 = arith.addi %add3A_1067, %iota3A : vector<16xi32>
      %gather3A_1069 = tpu.vector_load_idx %arg17[%add3A_1068, %broadcast_in_dim3A_851] : memref<160x8xf32, #tpu.memory_space<vmem>>[vector<16xi32>, vector<16xi32>], vector<16xf32>,
      %swap3A_1070 = arith.constant 512 : index
      %swap3A_1071 = tpu.vector_load %arg18[%swap3A_1070] {strides = array<i32>} : memref<640xf32, #tpu.memory_space<vmem>>, vector<16xf32>,
      tpu.vector_store %arg18[%swap3A_1070], %gather3A_1069 {strides = array<i32>} : memref<640xf32, #tpu.memory_space<vmem>>, vector<16xf32>,
      %add3A_1072 = arith.constant 48 : i32
      %add3A_1073 = vector.broadcast %add3A_1072 : i32 to vector<16xi32>
      %add3A_1074 = arith.addi %add3A_1073, %iota3A : vector<16xi32>
      %gather3A_1075 = tpu.vector_load_idx %arg17[%add3A_1074, %broadcast_in_dim3A_851] : memref<160x8xf32, #tpu.memory_space<vmem>>[vector<16xi32>, vector<16xi32>], vector<16xf32>,
      %swap3A_1076 = arith.constant 528 : index
      %swap3A_1077 = tpu.vector_load %arg18[%swap3A_1076] {strides = array<i32>} : memref<640xf32, #tpu.memory_space<vmem>>, vector<16xf32>,
      tpu.vector_store %arg18[%swap3A_1076], %gather3A_1075 {strides = array<i32>} : memref<640xf32, #tpu.memory_space<vmem>>, vector<16xf32>,
      %add3A_1078 = arith.constant 64 : i32
      %add3A_1079 = vector.broadcast %add3A_1078 : i32 to vector<16xi32>
      %add3A_1080 = arith.addi %add3A_1079, %iota3A : vector<16xi32>
      %gather3A_1081 = tpu.vector_load_idx %arg17[%add3A_1080, %broadcast_in_dim3A_851] : memref<160x8xf32, #tpu.memory_space<vmem>>[vector<16xi32>, vector<16xi32>], vector<16xf32>,
      %swap3A_1082 = arith.constant 544 : index
      %swap3A_1083 = tpu.vector_load %arg18[%swap3A_1082] {strides = array<i32>} : memref<640xf32, #tpu.memory_space<vmem>>, vector<16xf32>,
      tpu.vector_store %arg18[%swap3A_1082], %gather3A_1081 {strides = array<i32>} : memref<640xf32, #tpu.memory_space<vmem>>, vector<16xf32>,
      %add3A_1084 = arith.constant 80 : i32
      %add3A_1085 = vector.broadcast %add3A_1084 : i32 to vector<16xi32>
      %add3A_1086 = arith.addi %add3A_1085, %iota3A : vector<16xi32>
      %gather3A_1087 = tpu.vector_load_idx %arg17[%add3A_1086, %broadcast_in_dim3A_851] : memref<160x8xf32, #tpu.memory_space<vmem>>[vector<16xi32>, vector<16xi32>], vector<16xf32>,
      %swap3A_1088 = arith.constant 560 : index
      %swap3A_1089 = tpu.vector_load %arg18[%swap3A_1088] {strides = array<i32>} : memref<640xf32, #tpu.memory_space<vmem>>, vector<16xf32>,
      tpu.vector_store %arg18[%swap3A_1088], %gather3A_1087 {strides = array<i32>} : memref<640xf32, #tpu.memory_space<vmem>>, vector<16xf32>,
      %add3A_1090 = arith.constant 96 : i32
      %add3A_1091 = vector.broadcast %add3A_1090 : i32 to vector<16xi32>
      %add3A_1092 = arith.addi %add3A_1091, %iota3A : vector<16xi32>
      %gather3A_1093 = tpu.vector_load_idx %arg17[%add3A_1092, %broadcast_in_dim3A_851] : memref<160x8xf32, #tpu.memory_space<vmem>>[vector<16xi32>, vector<16xi32>], vector<16xf32>,
      %swap3A_1094 = arith.constant 576 : index
      %swap3A_1095 = tpu.vector_load %arg18[%swap3A_1094] {strides = array<i32>} : memref<640xf32, #tpu.memory_space<vmem>>, vector<16xf32>,
      tpu.vector_store %arg18[%swap3A_1094], %gather3A_1093 {strides = array<i32>} : memref<640xf32, #tpu.memory_space<vmem>>, vector<16xf32>,
      %add3A_1096 = arith.constant 112 : i32
      %add3A_1097 = vector.broadcast %add3A_1096 : i32 to vector<16xi32>
      %add3A_1098 = arith.addi %add3A_1097, %iota3A : vector<16xi32>
      %gather3A_1099 = tpu.vector_load_idx %arg17[%add3A_1098, %broadcast_in_dim3A_851] : memref<160x8xf32, #tpu.memory_space<vmem>>[vector<16xi32>, vector<16xi32>], vector<16xf32>,
      %swap3A_1100 = arith.constant 592 : index
      %swap3A_1101 = tpu.vector_load %arg18[%swap3A_1100] {strides = array<i32>} : memref<640xf32, #tpu.memory_space<vmem>>, vector<16xf32>,
      tpu.vector_store %arg18[%swap3A_1100], %gather3A_1099 {strides = array<i32>} : memref<640xf32, #tpu.memory_space<vmem>>, vector<16xf32>,
      %add3A_1102 = arith.constant 128 : i32
      %add3A_1103 = vector.broadcast %add3A_1102 : i32 to vector<16xi32>
      %add3A_1104 = arith.addi %add3A_1103, %iota3A : vector<16xi32>
      %gather3A_1105 = tpu.vector_load_idx %arg17[%add3A_1104, %broadcast_in_dim3A_851] : memref<160x8xf32, #tpu.memory_space<vmem>>[vector<16xi32>, vector<16xi32>], vector<16xf32>,
      %swap3A_1106 = arith.constant 608 : index
      %swap3A_1107 = tpu.vector_load %arg18[%swap3A_1106] {strides = array<i32>} : memref<640xf32, #tpu.memory_space<vmem>>, vector<16xf32>,
      tpu.vector_store %arg18[%swap3A_1106], %gather3A_1105 {strides = array<i32>} : memref<640xf32, #tpu.memory_space<vmem>>, vector<16xf32>,
      "tpu.region"() ({
        %run_scoped3A = tpu.sem_alloc : memref<!tpu.dma_semaphore, #tpu.memory_space<semaphore_mem>>
        %dma_start3A_1108 = arith.constant 0 : i32
        %dma_start3A_1109 = tpu.memref_slice %arg18[%dma_start3A_1108] : memref<640xf32, #tpu.memory_space<vmem>> -> memref<624xf32, #tpu.memory_space<vmem>>
        %dma_start3A_1110 = arith.constant 0 : i32
        %dma_start3A_1111 = tpu.memref_slice %arg9[%arg0, %dma_start3A_1110] : memref<2x10000xf32, #tpu.memory_space<hbm>> -> memref<1x10000xf32, #tpu.memory_space<hbm>>
        %dma_start3A_1112 = tpu.memref_squeeze %dma_start3A_1111 : memref<1x10000xf32, #tpu.memory_space<hbm>> -> memref<10000xf32, #tpu.memory_space<hbm>>
        %dma_start3A_1113 = tpu.memref_slice %dma_start3A_1112[%mul3A_867] : memref<10000xf32, #tpu.memory_space<hbm>> -> memref<624xf32, #tpu.memory_space<hbm>>
        %dma_start3A_1114 = arith.constant 0 : i32
        %dma_start3A_1115 = tpu.memref_slice %arg9[%arg0, %dma_start3A_1114] : memref<2x10000xf32, #tpu.memory_space<hbm>> -> memref<1x10000xf32, #tpu.memory_space<hbm>>
        %dma_start3A_1116 = tpu.memref_squeeze %dma_start3A_1115 : memref<1x10000xf32, #tpu.memory_space<hbm>> -> memref<10000xf32, #tpu.memory_space<hbm>>
        %dma_start3A_1117 = tpu.memref_slice %dma_start3A_1116[%mul3A_867] : memref<10000xf32, #tpu.memory_space<hbm>> -> memref<624xf32, #tpu.memory_space<hbm>>
        %dma_start3A_1118 = arith.constant 0 : i32
        %dma_start3A_1119 = tpu.memref_slice %arg18[%dma_start3A_1118] : memref<640xf32, #tpu.memory_space<vmem>> -> memref<624xf32, #tpu.memory_space<vmem>>
        tpu.enqueue_dma source(%dma_start3A_1119 : memref<624xf32, #tpu.memory_space<vmem>>) target(%dma_start3A_1117 : memref<624xf32, #tpu.memory_space<hbm>>) target_semaphore(%run_scoped3A : memref<!tpu.dma_semaphore, #tpu.memory_space<semaphore_mem>>)
        %dma_wait3A_1120 = arith.constant 0 : i32
        %dma_wait3A_1121 = tpu.memref_slice %arg18[%dma_wait3A_1120] : memref<640xf32, #tpu.memory_space<vmem>> -> memref<624xf32, #tpu.memory_space<vmem>>
        %dma_wait3A_1122 = arith.constant 0 : i32
        %dma_wait3A_1123 = tpu.memref_slice %arg9[%arg0, %dma_wait3A_1122] : memref<2x10000xf32, #tpu.memory_space<hbm>> -> memref<1x10000xf32, #tpu.memory_space<hbm>>
        %dma_wait3A_1124 = tpu.memref_squeeze %dma_wait3A_1123 : memref<1x10000xf32, #tpu.memory_space<hbm>> -> memref<10000xf32, #tpu.memory_space<hbm>>
        %dma_wait3A_1125 = tpu.memref_slice %dma_wait3A_1124[%mul3A_867] : memref<10000xf32, #tpu.memory_space<hbm>> -> memref<624xf32, #tpu.memory_space<hbm>>
        %dma_wait3A_1126 = arith.constant 0 : i32
        %dma_wait3A_1127 = tpu.memref_slice %arg9[%arg0, %dma_wait3A_1126] : memref<2x10000xf32, #tpu.memory_space<hbm>> -> memref<1x10000xf32, #tpu.memory_space<hbm>>
        %dma_wait3A_1128 = tpu.memref_squeeze %dma_wait3A_1127 : memref<1x10000xf32, #tpu.memory_space<hbm>> -> memref<10000xf32, #tpu.memory_space<hbm>>
        %dma_wait3A_1129 = tpu.memref_slice %dma_wait3A_1128[%mul3A_867] : memref<10000xf32, #tpu.memory_space<hbm>> -> memref<624xf32, #tpu.memory_space<hbm>>
        %dma_wait3A_1130 = arith.constant 0 : i32
        %dma_wait3A_1131 = tpu.memref_slice %arg18[%dma_wait3A_1130] : memref<640xf32, #tpu.memory_space<vmem>> -> memref<624xf32, #tpu.memory_space<vmem>>
        tpu.wait_dma2 semaphore(%run_scoped3A : memref<!tpu.dma_semaphore, #tpu.memory_space<semaphore_mem>>) src(%dma_wait3A_1131 : memref<624xf32, #tpu.memory_space<vmem>>) dst(%dma_wait3A_1129 : memref<624xf32, #tpu.memory_space<hbm>>)
        tpu.yield
      }) : () -> ()
    } else {
    }
    %eq3A_857 = arith.constant 15 : i32
    %eq3A_858 = arith.cmpi eq, %arg1, %eq3A_857 : i32
    %convert_element_type3A_859 = arith.extui %eq3A_858 : i1 to i32
    %cond3A_860 = arith.constant 0 : i32
    %cond3A_861 = arith.cmpi ne, %convert_element_type3A_859, %cond3A_860 : i32
    scf.if %cond3A_861 {
      "tpu.region"() ({
        %run_scoped3A = tpu.sem_alloc : memref<!tpu.dma_semaphore, #tpu.memory_space<semaphore_mem>>
        %dma_start3A_1100 = arith.constant 0 : i32
        %dma_start3A_1101 = arith.constant 0 : i32
        %dma_start3A_1102 = tpu.memref_slice %arg8[%arg0, %dma_start3A_1100, %dma_start3A_1101] : memref<2x10000x128xf32, #tpu.memory_space<hbm>> -> memref<1x10000x128xf32, #tpu.memory_space<hbm>>
        %dma_start3A_1103 = tpu.memref_squeeze %dma_start3A_1102 : memref<1x10000x128xf32, #tpu.memory_space<hbm>> -> memref<10000x128xf32, #tpu.memory_space<hbm>>
        %dma_start3A_1104 = arith.constant 9360 : i32
        %dma_start3A_1105 = arith.constant 0 : i32
        %dma_start3A_1106 = tpu.memref_slice %dma_start3A_1103[%dma_start3A_1104, %dma_start3A_1105] : memref<10000x128xf32, #tpu.memory_space<hbm>> -> memref<640x128xf32, #tpu.memory_space<hbm>>
        %dma_start3A_1107 = arith.constant 9360 : i32
        %dma_start3A_1108 = arith.constant 0 : i32
        %dma_start3A_1109 = tpu.memref_slice %arg19[%dma_start3A_1107, %dma_start3A_1108] : memref<10000x128xf32, #tpu.memory_space<vmem_shared>> -> memref<640x128xf32, #tpu.memory_space<vmem_shared>>
        tpu.enqueue_dma source(%dma_start3A_1109 : memref<640x128xf32, #tpu.memory_space<vmem_shared>>) target(%dma_start3A_1106 : memref<640x128xf32, #tpu.memory_space<hbm>>) target_semaphore(%run_scoped3A : memref<!tpu.dma_semaphore, #tpu.memory_space<semaphore_mem>>)
        %dma_wait3A_1110 = arith.constant 0 : i32
        %dma_wait3A_1111 = arith.constant 0 : i32
        %dma_wait3A_1112 = tpu.memref_slice %arg8[%arg0, %dma_wait3A_1110, %dma_wait3A_1111] : memref<2x10000x128xf32, #tpu.memory_space<hbm>> -> memref<1x10000x128xf32, #tpu.memory_space<hbm>>
        %dma_wait3A_1113 = tpu.memref_squeeze %dma_wait3A_1112 : memref<1x10000x128xf32, #tpu.memory_space<hbm>> -> memref<10000x128xf32, #tpu.memory_space<hbm>>
        %dma_wait3A_1114 = arith.constant 9360 : i32
        %dma_wait3A_1115 = arith.constant 0 : i32
        %dma_wait3A_1116 = tpu.memref_slice %dma_wait3A_1113[%dma_wait3A_1114, %dma_wait3A_1115] : memref<10000x128xf32, #tpu.memory_space<hbm>> -> memref<640x128xf32, #tpu.memory_space<hbm>>
        %dma_wait3A_1117 = arith.constant 9360 : i32
        %dma_wait3A_1118 = arith.constant 0 : i32
        %dma_wait3A_1119 = tpu.memref_slice %arg19[%dma_wait3A_1117, %dma_wait3A_1118] : memref<10000x128xf32, #tpu.memory_space<vmem_shared>> -> memref<640x128xf32, #tpu.memory_space<vmem_shared>>
        tpu.wait_dma2 semaphore(%run_scoped3A : memref<!tpu.dma_semaphore, #tpu.memory_space<semaphore_mem>>) src(%dma_wait3A_1119 : memref<640x128xf32, #tpu.memory_space<vmem_shared>>) dst(%dma_wait3A_1116 : memref<640x128xf32, #tpu.memory_space<hbm>>)
        tpu.yield
      }) : () -> ()
      "tpu.region"() ({
        %run_scoped3A = tpu.sem_alloc : memref<!tpu.dma_semaphore, #tpu.memory_space<semaphore_mem>>
        %dma_start3A_1100 = arith.constant 0 : i32
        %dma_start3A_1101 = arith.constant 0 : i32
        %dma_start3A_1102 = tpu.memref_slice %arg17[%dma_start3A_1100, %dma_start3A_1101] : memref<160x8xf32, #tpu.memory_space<vmem>> -> memref<160x8xf32, #tpu.memory_space<vmem>>
        %dma_start3A_1103 = arith.constant 9360 : i32
        %dma_start3A_1104 = arith.constant 0 : i32
        %dma_start3A_1105 = tpu.memref_slice %arg20[%dma_start3A_1103, %dma_start3A_1104] : memref<10000x8xf32, #tpu.memory_space<vmem_shared>> -> memref<160x8xf32, #tpu.memory_space<vmem_shared>>
        %dma_start3A_1106 = arith.constant 0 : i32
        %dma_start3A_1107 = arith.constant 0 : i32
        %dma_start3A_1108 = tpu.memref_slice %arg17[%dma_start3A_1106, %dma_start3A_1107] : memref<160x8xf32, #tpu.memory_space<vmem>> -> memref<160x8xf32, #tpu.memory_space<vmem>>
        %dma_start3A_1109 = arith.constant 9360 : i32
        %dma_start3A_1110 = arith.constant 0 : i32
        %dma_start3A_1111 = tpu.memref_slice %arg20[%dma_start3A_1109, %dma_start3A_1110] : memref<10000x8xf32, #tpu.memory_space<vmem_shared>> -> memref<160x8xf32, #tpu.memory_space<vmem_shared>>
        tpu.enqueue_dma source(%dma_start3A_1111 : memref<160x8xf32, #tpu.memory_space<vmem_shared>>) target(%dma_start3A_1108 : memref<160x8xf32, #tpu.memory_space<vmem>>) target_semaphore(%run_scoped3A : memref<!tpu.dma_semaphore, #tpu.memory_space<semaphore_mem>>)
        %dma_wait3A_1112 = arith.constant 0 : i32
        %dma_wait3A_1113 = arith.constant 0 : i32
        %dma_wait3A_1114 = tpu.memref_slice %arg17[%dma_wait3A_1112, %dma_wait3A_1113] : memref<160x8xf32, #tpu.memory_space<vmem>> -> memref<160x8xf32, #tpu.memory_space<vmem>>
        %dma_wait3A_1115 = arith.constant 9360 : i32
        %dma_wait3A_1116 = arith.constant 0 : i32
        %dma_wait3A_1117 = tpu.memref_slice %arg20[%dma_wait3A_1115, %dma_wait3A_1116] : memref<10000x8xf32, #tpu.memory_space<vmem_shared>> -> memref<160x8xf32, #tpu.memory_space<vmem_shared>>
        %dma_wait3A_1118 = arith.constant 0 : i32
        %dma_wait3A_1119 = arith.constant 0 : i32
        %dma_wait3A_1120 = tpu.memref_slice %arg17[%dma_wait3A_1118, %dma_wait3A_1119] : memref<160x8xf32, #tpu.memory_space<vmem>> -> memref<160x8xf32, #tpu.memory_space<vmem>>
        %dma_wait3A_1121 = arith.constant 9360 : i32
        %dma_wait3A_1122 = arith.constant 0 : i32
        %dma_wait3A_1123 = tpu.memref_slice %arg20[%dma_wait3A_1121, %dma_wait3A_1122] : memref<10000x8xf32, #tpu.memory_space<vmem_shared>> -> memref<160x8xf32, #tpu.memory_space<vmem_shared>>
        tpu.wait_dma2 semaphore(%run_scoped3A : memref<!tpu.dma_semaphore, #tpu.memory_space<semaphore_mem>>) src(%dma_wait3A_1123 : memref<160x8xf32, #tpu.memory_space<vmem_shared>>) dst(%dma_wait3A_1120 : memref<160x8xf32, #tpu.memory_space<vmem>>)
        tpu.yield
      }) : () -> ()
      %add3A_862 = arith.constant 0 : i32
      %add3A_863 = vector.broadcast %add3A_862 : i32 to vector<16xi32>
      %add3A_864 = arith.addi %add3A_863, %iota3A : vector<16xi32>
      %gather3A = tpu.vector_load_idx %arg17[%add3A_864, %broadcast_in_dim3A_851] : memref<160x8xf32, #tpu.memory_space<vmem>>[vector<16xi32>, vector<16xi32>], vector<16xf32>,
      %swap3A = arith.constant 0 : index
      %swap3A_865 = tpu.vector_load %arg18[%swap3A] {strides = array<i32>} : memref<640xf32, #tpu.memory_space<vmem>>, vector<16xf32>,
      tpu.vector_store %arg18[%swap3A], %gather3A {strides = array<i32>} : memref<640xf32, #tpu.memory_space<vmem>>, vector<16xf32>,
      %add3A_866 = arith.constant 16 : i32
      %add3A_867 = vector.broadcast %add3A_866 : i32 to vector<16xi32>
      %add3A_868 = arith.addi %add3A_867, %iota3A : vector<16xi32>
      %gather3A_869 = tpu.vector_load_idx %arg17[%add3A_868, %broadcast_in_dim3A_851] : memref<160x8xf32, #tpu.memory_space<vmem>>[vector<16xi32>, vector<16xi32>], vector<16xf32>,
      %swap3A_870 = arith.constant 16 : index
      %swap3A_871 = tpu.vector_load %arg18[%swap3A_870] {strides = array<i32>} : memref<640xf32, #tpu.memory_space<vmem>>, vector<16xf32>,
      tpu.vector_store %arg18[%swap3A_870], %gather3A_869 {strides = array<i32>} : memref<640xf32, #tpu.memory_space<vmem>>, vector<16xf32>,
      %add3A_872 = arith.constant 32 : i32
      %add3A_873 = vector.broadcast %add3A_872 : i32 to vector<16xi32>
      %add3A_874 = arith.addi %add3A_873, %iota3A : vector<16xi32>
      %gather3A_875 = tpu.vector_load_idx %arg17[%add3A_874, %broadcast_in_dim3A_851] : memref<160x8xf32, #tpu.memory_space<vmem>>[vector<16xi32>, vector<16xi32>], vector<16xf32>,
      %swap3A_876 = arith.constant 32 : index
      %swap3A_877 = tpu.vector_load %arg18[%swap3A_876] {strides = array<i32>} : memref<640xf32, #tpu.memory_space<vmem>>, vector<16xf32>,
      tpu.vector_store %arg18[%swap3A_876], %gather3A_875 {strides = array<i32>} : memref<640xf32, #tpu.memory_space<vmem>>, vector<16xf32>,
      %add3A_878 = arith.constant 48 : i32
      %add3A_879 = vector.broadcast %add3A_878 : i32 to vector<16xi32>
      %add3A_880 = arith.addi %add3A_879, %iota3A : vector<16xi32>
      %gather3A_881 = tpu.vector_load_idx %arg17[%add3A_880, %broadcast_in_dim3A_851] : memref<160x8xf32, #tpu.memory_space<vmem>>[vector<16xi32>, vector<16xi32>], vector<16xf32>,
      %swap3A_882 = arith.constant 48 : index
      %swap3A_883 = tpu.vector_load %arg18[%swap3A_882] {strides = array<i32>} : memref<640xf32, #tpu.memory_space<vmem>>, vector<16xf32>,
      tpu.vector_store %arg18[%swap3A_882], %gather3A_881 {strides = array<i32>} : memref<640xf32, #tpu.memory_space<vmem>>, vector<16xf32>,
      %add3A_884 = arith.constant 64 : i32
      %add3A_885 = vector.broadcast %add3A_884 : i32 to vector<16xi32>
      %add3A_886 = arith.addi %add3A_885, %iota3A : vector<16xi32>
      %gather3A_887 = tpu.vector_load_idx %arg17[%add3A_886, %broadcast_in_dim3A_851] : memref<160x8xf32, #tpu.memory_space<vmem>>[vector<16xi32>, vector<16xi32>], vector<16xf32>,
      %swap3A_888 = arith.constant 64 : index
      %swap3A_889 = tpu.vector_load %arg18[%swap3A_888] {strides = array<i32>} : memref<640xf32, #tpu.memory_space<vmem>>, vector<16xf32>,
      tpu.vector_store %arg18[%swap3A_888], %gather3A_887 {strides = array<i32>} : memref<640xf32, #tpu.memory_space<vmem>>, vector<16xf32>,
      %add3A_890 = arith.constant 80 : i32
      %add3A_891 = vector.broadcast %add3A_890 : i32 to vector<16xi32>
      %add3A_892 = arith.addi %add3A_891, %iota3A : vector<16xi32>
      %gather3A_893 = tpu.vector_load_idx %arg17[%add3A_892, %broadcast_in_dim3A_851] : memref<160x8xf32, #tpu.memory_space<vmem>>[vector<16xi32>, vector<16xi32>], vector<16xf32>,
      %swap3A_894 = arith.constant 80 : index
      %swap3A_895 = tpu.vector_load %arg18[%swap3A_894] {strides = array<i32>} : memref<640xf32, #tpu.memory_space<vmem>>, vector<16xf32>,
      tpu.vector_store %arg18[%swap3A_894], %gather3A_893 {strides = array<i32>} : memref<640xf32, #tpu.memory_space<vmem>>, vector<16xf32>,
      %add3A_896 = arith.constant 96 : i32
      %add3A_897 = vector.broadcast %add3A_896 : i32 to vector<16xi32>
      %add3A_898 = arith.addi %add3A_897, %iota3A : vector<16xi32>
      %gather3A_899 = tpu.vector_load_idx %arg17[%add3A_898, %broadcast_in_dim3A_851] : memref<160x8xf32, #tpu.memory_space<vmem>>[vector<16xi32>, vector<16xi32>], vector<16xf32>,
      %swap3A_900 = arith.constant 96 : index
      %swap3A_901 = tpu.vector_load %arg18[%swap3A_900] {strides = array<i32>} : memref<640xf32, #tpu.memory_space<vmem>>, vector<16xf32>,
      tpu.vector_store %arg18[%swap3A_900], %gather3A_899 {strides = array<i32>} : memref<640xf32, #tpu.memory_space<vmem>>, vector<16xf32>,
      %add3A_902 = arith.constant 112 : i32
      %add3A_903 = vector.broadcast %add3A_902 : i32 to vector<16xi32>
      %add3A_904 = arith.addi %add3A_903, %iota3A : vector<16xi32>
      %gather3A_905 = tpu.vector_load_idx %arg17[%add3A_904, %broadcast_in_dim3A_851] : memref<160x8xf32, #tpu.memory_space<vmem>>[vector<16xi32>, vector<16xi32>], vector<16xf32>,
      %swap3A_906 = arith.constant 112 : index
      %swap3A_907 = tpu.vector_load %arg18[%swap3A_906] {strides = array<i32>} : memref<640xf32, #tpu.memory_space<vmem>>, vector<16xf32>,
      tpu.vector_store %arg18[%swap3A_906], %gather3A_905 {strides = array<i32>} : memref<640xf32, #tpu.memory_space<vmem>>, vector<16xf32>,
      %add3A_908 = arith.constant 128 : i32
      %add3A_909 = vector.broadcast %add3A_908 : i32 to vector<16xi32>
      %add3A_910 = arith.addi %add3A_909, %iota3A : vector<16xi32>
      %gather3A_911 = tpu.vector_load_idx %arg17[%add3A_910, %broadcast_in_dim3A_851] : memref<160x8xf32, #tpu.memory_space<vmem>>[vector<16xi32>, vector<16xi32>], vector<16xf32>,
      %swap3A_912 = arith.constant 128 : index
      %swap3A_913 = tpu.vector_load %arg18[%swap3A_912] {strides = array<i32>} : memref<640xf32, #tpu.memory_space<vmem>>, vector<16xf32>,
      tpu.vector_store %arg18[%swap3A_912], %gather3A_911 {strides = array<i32>} : memref<640xf32, #tpu.memory_space<vmem>>, vector<16xf32>,
      %add3A_914 = arith.constant 144 : i32
      %add3A_915 = vector.broadcast %add3A_914 : i32 to vector<16xi32>
      %add3A_916 = arith.addi %add3A_915, %iota3A : vector<16xi32>
      %gather3A_917 = tpu.vector_load_idx %arg17[%add3A_916, %broadcast_in_dim3A_851] : memref<160x8xf32, #tpu.memory_space<vmem>>[vector<16xi32>, vector<16xi32>], vector<16xf32>,
      %swap3A_918 = arith.constant 144 : index
      %swap3A_919 = tpu.vector_load %arg18[%swap3A_918] {strides = array<i32>} : memref<640xf32, #tpu.memory_space<vmem>>, vector<16xf32>,
      tpu.vector_store %arg18[%swap3A_918], %gather3A_917 {strides = array<i32>} : memref<640xf32, #tpu.memory_space<vmem>>, vector<16xf32>,
      "tpu.region"() ({
        %run_scoped3A = tpu.sem_alloc : memref<!tpu.dma_semaphore, #tpu.memory_space<semaphore_mem>>
        %dma_start3A_1100 = arith.constant 0 : i32
        %dma_start3A_1101 = arith.constant 0 : i32
        %dma_start3A_1102 = tpu.memref_slice %arg17[%dma_start3A_1100, %dma_start3A_1101] : memref<160x8xf32, #tpu.memory_space<vmem>> -> memref<160x8xf32, #tpu.memory_space<vmem>>
        %dma_start3A_1103 = arith.constant 9520 : i32
        %dma_start3A_1104 = arith.constant 0 : i32
        %dma_start3A_1105 = tpu.memref_slice %arg20[%dma_start3A_1103, %dma_start3A_1104] : memref<10000x8xf32, #tpu.memory_space<vmem_shared>> -> memref<160x8xf32, #tpu.memory_space<vmem_shared>>
        %dma_start3A_1106 = arith.constant 0 : i32
        %dma_start3A_1107 = arith.constant 0 : i32
        %dma_start3A_1108 = tpu.memref_slice %arg17[%dma_start3A_1106, %dma_start3A_1107] : memref<160x8xf32, #tpu.memory_space<vmem>> -> memref<160x8xf32, #tpu.memory_space<vmem>>
        %dma_start3A_1109 = arith.constant 9520 : i32
        %dma_start3A_1110 = arith.constant 0 : i32
        %dma_start3A_1111 = tpu.memref_slice %arg20[%dma_start3A_1109, %dma_start3A_1110] : memref<10000x8xf32, #tpu.memory_space<vmem_shared>> -> memref<160x8xf32, #tpu.memory_space<vmem_shared>>
        tpu.enqueue_dma source(%dma_start3A_1111 : memref<160x8xf32, #tpu.memory_space<vmem_shared>>) target(%dma_start3A_1108 : memref<160x8xf32, #tpu.memory_space<vmem>>) target_semaphore(%run_scoped3A : memref<!tpu.dma_semaphore, #tpu.memory_space<semaphore_mem>>)
        %dma_wait3A_1112 = arith.constant 0 : i32
        %dma_wait3A_1113 = arith.constant 0 : i32
        %dma_wait3A_1114 = tpu.memref_slice %arg17[%dma_wait3A_1112, %dma_wait3A_1113] : memref<160x8xf32, #tpu.memory_space<vmem>> -> memref<160x8xf32, #tpu.memory_space<vmem>>
        %dma_wait3A_1115 = arith.constant 9520 : i32
        %dma_wait3A_1116 = arith.constant 0 : i32
        %dma_wait3A_1117 = tpu.memref_slice %arg20[%dma_wait3A_1115, %dma_wait3A_1116] : memref<10000x8xf32, #tpu.memory_space<vmem_shared>> -> memref<160x8xf32, #tpu.memory_space<vmem_shared>>
        %dma_wait3A_1118 = arith.constant 0 : i32
        %dma_wait3A_1119 = arith.constant 0 : i32
        %dma_wait3A_1120 = tpu.memref_slice %arg17[%dma_wait3A_1118, %dma_wait3A_1119] : memref<160x8xf32, #tpu.memory_space<vmem>> -> memref<160x8xf32, #tpu.memory_space<vmem>>
        %dma_wait3A_1121 = arith.constant 9520 : i32
        %dma_wait3A_1122 = arith.constant 0 : i32
        %dma_wait3A_1123 = tpu.memref_slice %arg20[%dma_wait3A_1121, %dma_wait3A_1122] : memref<10000x8xf32, #tpu.memory_space<vmem_shared>> -> memref<160x8xf32, #tpu.memory_space<vmem_shared>>
        tpu.wait_dma2 semaphore(%run_scoped3A : memref<!tpu.dma_semaphore, #tpu.memory_space<semaphore_mem>>) src(%dma_wait3A_1123 : memref<160x8xf32, #tpu.memory_space<vmem_shared>>) dst(%dma_wait3A_1120 : memref<160x8xf32, #tpu.memory_space<vmem>>)
        tpu.yield
      }) : () -> ()
      %add3A_920 = arith.constant 0 : i32
      %add3A_921 = vector.broadcast %add3A_920 : i32 to vector<16xi32>
      %add3A_922 = arith.addi %add3A_921, %iota3A : vector<16xi32>
      %gather3A_923 = tpu.vector_load_idx %arg17[%add3A_922, %broadcast_in_dim3A_851] : memref<160x8xf32, #tpu.memory_space<vmem>>[vector<16xi32>, vector<16xi32>], vector<16xf32>,
      %swap3A_924 = arith.constant 160 : index
      %swap3A_925 = tpu.vector_load %arg18[%swap3A_924] {strides = array<i32>} : memref<640xf32, #tpu.memory_space<vmem>>, vector<16xf32>,
      tpu.vector_store %arg18[%swap3A_924], %gather3A_923 {strides = array<i32>} : memref<640xf32, #tpu.memory_space<vmem>>, vector<16xf32>,
      %add3A_926 = arith.constant 16 : i32
      %add3A_927 = vector.broadcast %add3A_926 : i32 to vector<16xi32>
      %add3A_928 = arith.addi %add3A_927, %iota3A : vector<16xi32>
      %gather3A_929 = tpu.vector_load_idx %arg17[%add3A_928, %broadcast_in_dim3A_851] : memref<160x8xf32, #tpu.memory_space<vmem>>[vector<16xi32>, vector<16xi32>], vector<16xf32>,
      %swap3A_930 = arith.constant 176 : index
      %swap3A_931 = tpu.vector_load %arg18[%swap3A_930] {strides = array<i32>} : memref<640xf32, #tpu.memory_space<vmem>>, vector<16xf32>,
      tpu.vector_store %arg18[%swap3A_930], %gather3A_929 {strides = array<i32>} : memref<640xf32, #tpu.memory_space<vmem>>, vector<16xf32>,
      %add3A_932 = arith.constant 32 : i32
      %add3A_933 = vector.broadcast %add3A_932 : i32 to vector<16xi32>
      %add3A_934 = arith.addi %add3A_933, %iota3A : vector<16xi32>
      %gather3A_935 = tpu.vector_load_idx %arg17[%add3A_934, %broadcast_in_dim3A_851] : memref<160x8xf32, #tpu.memory_space<vmem>>[vector<16xi32>, vector<16xi32>], vector<16xf32>,
      %swap3A_936 = arith.constant 192 : index
      %swap3A_937 = tpu.vector_load %arg18[%swap3A_936] {strides = array<i32>} : memref<640xf32, #tpu.memory_space<vmem>>, vector<16xf32>,
      tpu.vector_store %arg18[%swap3A_936], %gather3A_935 {strides = array<i32>} : memref<640xf32, #tpu.memory_space<vmem>>, vector<16xf32>,
      %add3A_938 = arith.constant 48 : i32
      %add3A_939 = vector.broadcast %add3A_938 : i32 to vector<16xi32>
      %add3A_940 = arith.addi %add3A_939, %iota3A : vector<16xi32>
      %gather3A_941 = tpu.vector_load_idx %arg17[%add3A_940, %broadcast_in_dim3A_851] : memref<160x8xf32, #tpu.memory_space<vmem>>[vector<16xi32>, vector<16xi32>], vector<16xf32>,
      %swap3A_942 = arith.constant 208 : index
      %swap3A_943 = tpu.vector_load %arg18[%swap3A_942] {strides = array<i32>} : memref<640xf32, #tpu.memory_space<vmem>>, vector<16xf32>,
      tpu.vector_store %arg18[%swap3A_942], %gather3A_941 {strides = array<i32>} : memref<640xf32, #tpu.memory_space<vmem>>, vector<16xf32>,
      %add3A_944 = arith.constant 64 : i32
      %add3A_945 = vector.broadcast %add3A_944 : i32 to vector<16xi32>
      %add3A_946 = arith.addi %add3A_945, %iota3A : vector<16xi32>
      %gather3A_947 = tpu.vector_load_idx %arg17[%add3A_946, %broadcast_in_dim3A_851] : memref<160x8xf32, #tpu.memory_space<vmem>>[vector<16xi32>, vector<16xi32>], vector<16xf32>,
      %swap3A_948 = arith.constant 224 : index
      %swap3A_949 = tpu.vector_load %arg18[%swap3A_948] {strides = array<i32>} : memref<640xf32, #tpu.memory_space<vmem>>, vector<16xf32>,
      tpu.vector_store %arg18[%swap3A_948], %gather3A_947 {strides = array<i32>} : memref<640xf32, #tpu.memory_space<vmem>>, vector<16xf32>,
      %add3A_950 = arith.constant 80 : i32
      %add3A_951 = vector.broadcast %add3A_950 : i32 to vector<16xi32>
      %add3A_952 = arith.addi %add3A_951, %iota3A : vector<16xi32>
      %gather3A_953 = tpu.vector_load_idx %arg17[%add3A_952, %broadcast_in_dim3A_851] : memref<160x8xf32, #tpu.memory_space<vmem>>[vector<16xi32>, vector<16xi32>], vector<16xf32>,
      %swap3A_954 = arith.constant 240 : index
      %swap3A_955 = tpu.vector_load %arg18[%swap3A_954] {strides = array<i32>} : memref<640xf32, #tpu.memory_space<vmem>>, vector<16xf32>,
      tpu.vector_store %arg18[%swap3A_954], %gather3A_953 {strides = array<i32>} : memref<640xf32, #tpu.memory_space<vmem>>, vector<16xf32>,
      %add3A_956 = arith.constant 96 : i32
      %add3A_957 = vector.broadcast %add3A_956 : i32 to vector<16xi32>
      %add3A_958 = arith.addi %add3A_957, %iota3A : vector<16xi32>
      %gather3A_959 = tpu.vector_load_idx %arg17[%add3A_958, %broadcast_in_dim3A_851] : memref<160x8xf32, #tpu.memory_space<vmem>>[vector<16xi32>, vector<16xi32>], vector<16xf32>,
      %swap3A_960 = arith.constant 256 : index
      %swap3A_961 = tpu.vector_load %arg18[%swap3A_960] {strides = array<i32>} : memref<640xf32, #tpu.memory_space<vmem>>, vector<16xf32>,
      tpu.vector_store %arg18[%swap3A_960], %gather3A_959 {strides = array<i32>} : memref<640xf32, #tpu.memory_space<vmem>>, vector<16xf32>,
      %add3A_962 = arith.constant 112 : i32
      %add3A_963 = vector.broadcast %add3A_962 : i32 to vector<16xi32>
      %add3A_964 = arith.addi %add3A_963, %iota3A : vector<16xi32>
      %gather3A_965 = tpu.vector_load_idx %arg17[%add3A_964, %broadcast_in_dim3A_851] : memref<160x8xf32, #tpu.memory_space<vmem>>[vector<16xi32>, vector<16xi32>], vector<16xf32>,
      %swap3A_966 = arith.constant 272 : index
      %swap3A_967 = tpu.vector_load %arg18[%swap3A_966] {strides = array<i32>} : memref<640xf32, #tpu.memory_space<vmem>>, vector<16xf32>,
      tpu.vector_store %arg18[%swap3A_966], %gather3A_965 {strides = array<i32>} : memref<640xf32, #tpu.memory_space<vmem>>, vector<16xf32>,
      %add3A_968 = arith.constant 128 : i32
      %add3A_969 = vector.broadcast %add3A_968 : i32 to vector<16xi32>
      %add3A_970 = arith.addi %add3A_969, %iota3A : vector<16xi32>
      %gather3A_971 = tpu.vector_load_idx %arg17[%add3A_970, %broadcast_in_dim3A_851] : memref<160x8xf32, #tpu.memory_space<vmem>>[vector<16xi32>, vector<16xi32>], vector<16xf32>,
      %swap3A_972 = arith.constant 288 : index
      %swap3A_973 = tpu.vector_load %arg18[%swap3A_972] {strides = array<i32>} : memref<640xf32, #tpu.memory_space<vmem>>, vector<16xf32>,
      tpu.vector_store %arg18[%swap3A_972], %gather3A_971 {strides = array<i32>} : memref<640xf32, #tpu.memory_space<vmem>>, vector<16xf32>,
      %add3A_974 = arith.constant 144 : i32
      %add3A_975 = vector.broadcast %add3A_974 : i32 to vector<16xi32>
      %add3A_976 = arith.addi %add3A_975, %iota3A : vector<16xi32>
      %gather3A_977 = tpu.vector_load_idx %arg17[%add3A_976, %broadcast_in_dim3A_851] : memref<160x8xf32, #tpu.memory_space<vmem>>[vector<16xi32>, vector<16xi32>], vector<16xf32>,
      %swap3A_978 = arith.constant 304 : index
      %swap3A_979 = tpu.vector_load %arg18[%swap3A_978] {strides = array<i32>} : memref<640xf32, #tpu.memory_space<vmem>>, vector<16xf32>,
      tpu.vector_store %arg18[%swap3A_978], %gather3A_977 {strides = array<i32>} : memref<640xf32, #tpu.memory_space<vmem>>, vector<16xf32>,
      "tpu.region"() ({
        %run_scoped3A = tpu.sem_alloc : memref<!tpu.dma_semaphore, #tpu.memory_space<semaphore_mem>>
        %dma_start3A_1100 = arith.constant 0 : i32
        %dma_start3A_1101 = arith.constant 0 : i32
        %dma_start3A_1102 = tpu.memref_slice %arg17[%dma_start3A_1100, %dma_start3A_1101] : memref<160x8xf32, #tpu.memory_space<vmem>> -> memref<160x8xf32, #tpu.memory_space<vmem>>
        %dma_start3A_1103 = arith.constant 9680 : i32
        %dma_start3A_1104 = arith.constant 0 : i32
        %dma_start3A_1105 = tpu.memref_slice %arg20[%dma_start3A_1103, %dma_start3A_1104] : memref<10000x8xf32, #tpu.memory_space<vmem_shared>> -> memref<160x8xf32, #tpu.memory_space<vmem_shared>>
        %dma_start3A_1106 = arith.constant 0 : i32
        %dma_start3A_1107 = arith.constant 0 : i32
        %dma_start3A_1108 = tpu.memref_slice %arg17[%dma_start3A_1106, %dma_start3A_1107] : memref<160x8xf32, #tpu.memory_space<vmem>> -> memref<160x8xf32, #tpu.memory_space<vmem>>
        %dma_start3A_1109 = arith.constant 9680 : i32
        %dma_start3A_1110 = arith.constant 0 : i32
        %dma_start3A_1111 = tpu.memref_slice %arg20[%dma_start3A_1109, %dma_start3A_1110] : memref<10000x8xf32, #tpu.memory_space<vmem_shared>> -> memref<160x8xf32, #tpu.memory_space<vmem_shared>>
        tpu.enqueue_dma source(%dma_start3A_1111 : memref<160x8xf32, #tpu.memory_space<vmem_shared>>) target(%dma_start3A_1108 : memref<160x8xf32, #tpu.memory_space<vmem>>) target_semaphore(%run_scoped3A : memref<!tpu.dma_semaphore, #tpu.memory_space<semaphore_mem>>)
        %dma_wait3A_1112 = arith.constant 0 : i32
        %dma_wait3A_1113 = arith.constant 0 : i32
        %dma_wait3A_1114 = tpu.memref_slice %arg17[%dma_wait3A_1112, %dma_wait3A_1113] : memref<160x8xf32, #tpu.memory_space<vmem>> -> memref<160x8xf32, #tpu.memory_space<vmem>>
        %dma_wait3A_1115 = arith.constant 9680 : i32
        %dma_wait3A_1116 = arith.constant 0 : i32
        %dma_wait3A_1117 = tpu.memref_slice %arg20[%dma_wait3A_1115, %dma_wait3A_1116] : memref<10000x8xf32, #tpu.memory_space<vmem_shared>> -> memref<160x8xf32, #tpu.memory_space<vmem_shared>>
        %dma_wait3A_1118 = arith.constant 0 : i32
        %dma_wait3A_1119 = arith.constant 0 : i32
        %dma_wait3A_1120 = tpu.memref_slice %arg17[%dma_wait3A_1118, %dma_wait3A_1119] : memref<160x8xf32, #tpu.memory_space<vmem>> -> memref<160x8xf32, #tpu.memory_space<vmem>>
        %dma_wait3A_1121 = arith.constant 9680 : i32
        %dma_wait3A_1122 = arith.constant 0 : i32
        %dma_wait3A_1123 = tpu.memref_slice %arg20[%dma_wait3A_1121, %dma_wait3A_1122] : memref<10000x8xf32, #tpu.memory_space<vmem_shared>> -> memref<160x8xf32, #tpu.memory_space<vmem_shared>>
        tpu.wait_dma2 semaphore(%run_scoped3A : memref<!tpu.dma_semaphore, #tpu.memory_space<semaphore_mem>>) src(%dma_wait3A_1123 : memref<160x8xf32, #tpu.memory_space<vmem_shared>>) dst(%dma_wait3A_1120 : memref<160x8xf32, #tpu.memory_space<vmem>>)
        tpu.yield
      }) : () -> ()
      %add3A_980 = arith.constant 0 : i32
      %add3A_981 = vector.broadcast %add3A_980 : i32 to vector<16xi32>
      %add3A_982 = arith.addi %add3A_981, %iota3A : vector<16xi32>
      %gather3A_983 = tpu.vector_load_idx %arg17[%add3A_982, %broadcast_in_dim3A_851] : memref<160x8xf32, #tpu.memory_space<vmem>>[vector<16xi32>, vector<16xi32>], vector<16xf32>,
      %swap3A_984 = arith.constant 320 : index
      %swap3A_985 = tpu.vector_load %arg18[%swap3A_984] {strides = array<i32>} : memref<640xf32, #tpu.memory_space<vmem>>, vector<16xf32>,
      tpu.vector_store %arg18[%swap3A_984], %gather3A_983 {strides = array<i32>} : memref<640xf32, #tpu.memory_space<vmem>>, vector<16xf32>,
      %add3A_986 = arith.constant 16 : i32
      %add3A_987 = vector.broadcast %add3A_986 : i32 to vector<16xi32>
      %add3A_988 = arith.addi %add3A_987, %iota3A : vector<16xi32>
      %gather3A_989 = tpu.vector_load_idx %arg17[%add3A_988, %broadcast_in_dim3A_851] : memref<160x8xf32, #tpu.memory_space<vmem>>[vector<16xi32>, vector<16xi32>], vector<16xf32>,
      %swap3A_990 = arith.constant 336 : index
      %swap3A_991 = tpu.vector_load %arg18[%swap3A_990] {strides = array<i32>} : memref<640xf32, #tpu.memory_space<vmem>>, vector<16xf32>,
      tpu.vector_store %arg18[%swap3A_990], %gather3A_989 {strides = array<i32>} : memref<640xf32, #tpu.memory_space<vmem>>, vector<16xf32>,
      %add3A_992 = arith.constant 32 : i32
      %add3A_993 = vector.broadcast %add3A_992 : i32 to vector<16xi32>
      %add3A_994 = arith.addi %add3A_993, %iota3A : vector<16xi32>
      %gather3A_995 = tpu.vector_load_idx %arg17[%add3A_994, %broadcast_in_dim3A_851] : memref<160x8xf32, #tpu.memory_space<vmem>>[vector<16xi32>, vector<16xi32>], vector<16xf32>,
      %swap3A_996 = arith.constant 352 : index
      %swap3A_997 = tpu.vector_load %arg18[%swap3A_996] {strides = array<i32>} : memref<640xf32, #tpu.memory_space<vmem>>, vector<16xf32>,
      tpu.vector_store %arg18[%swap3A_996], %gather3A_995 {strides = array<i32>} : memref<640xf32, #tpu.memory_space<vmem>>, vector<16xf32>,
      %add3A_998 = arith.constant 48 : i32
      %add3A_999 = vector.broadcast %add3A_998 : i32 to vector<16xi32>
      %add3A_1000 = arith.addi %add3A_999, %iota3A : vector<16xi32>
      %gather3A_1001 = tpu.vector_load_idx %arg17[%add3A_1000, %broadcast_in_dim3A_851] : memref<160x8xf32, #tpu.memory_space<vmem>>[vector<16xi32>, vector<16xi32>], vector<16xf32>,
      %swap3A_1002 = arith.constant 368 : index
      %swap3A_1003 = tpu.vector_load %arg18[%swap3A_1002] {strides = array<i32>} : memref<640xf32, #tpu.memory_space<vmem>>, vector<16xf32>,
      tpu.vector_store %arg18[%swap3A_1002], %gather3A_1001 {strides = array<i32>} : memref<640xf32, #tpu.memory_space<vmem>>, vector<16xf32>,
      %add3A_1004 = arith.constant 64 : i32
      %add3A_1005 = vector.broadcast %add3A_1004 : i32 to vector<16xi32>
      %add3A_1006 = arith.addi %add3A_1005, %iota3A : vector<16xi32>
      %gather3A_1007 = tpu.vector_load_idx %arg17[%add3A_1006, %broadcast_in_dim3A_851] : memref<160x8xf32, #tpu.memory_space<vmem>>[vector<16xi32>, vector<16xi32>], vector<16xf32>,
      %swap3A_1008 = arith.constant 384 : index
      %swap3A_1009 = tpu.vector_load %arg18[%swap3A_1008] {strides = array<i32>} : memref<640xf32, #tpu.memory_space<vmem>>, vector<16xf32>,
      tpu.vector_store %arg18[%swap3A_1008], %gather3A_1007 {strides = array<i32>} : memref<640xf32, #tpu.memory_space<vmem>>, vector<16xf32>,
      %add3A_1010 = arith.constant 80 : i32
      %add3A_1011 = vector.broadcast %add3A_1010 : i32 to vector<16xi32>
      %add3A_1012 = arith.addi %add3A_1011, %iota3A : vector<16xi32>
      %gather3A_1013 = tpu.vector_load_idx %arg17[%add3A_1012, %broadcast_in_dim3A_851] : memref<160x8xf32, #tpu.memory_space<vmem>>[vector<16xi32>, vector<16xi32>], vector<16xf32>,
      %swap3A_1014 = arith.constant 400 : index
      %swap3A_1015 = tpu.vector_load %arg18[%swap3A_1014] {strides = array<i32>} : memref<640xf32, #tpu.memory_space<vmem>>, vector<16xf32>,
      tpu.vector_store %arg18[%swap3A_1014], %gather3A_1013 {strides = array<i32>} : memref<640xf32, #tpu.memory_space<vmem>>, vector<16xf32>,
      %add3A_1016 = arith.constant 96 : i32
      %add3A_1017 = vector.broadcast %add3A_1016 : i32 to vector<16xi32>
      %add3A_1018 = arith.addi %add3A_1017, %iota3A : vector<16xi32>
      %gather3A_1019 = tpu.vector_load_idx %arg17[%add3A_1018, %broadcast_in_dim3A_851] : memref<160x8xf32, #tpu.memory_space<vmem>>[vector<16xi32>, vector<16xi32>], vector<16xf32>,
      %swap3A_1020 = arith.constant 416 : index
      %swap3A_1021 = tpu.vector_load %arg18[%swap3A_1020] {strides = array<i32>} : memref<640xf32, #tpu.memory_space<vmem>>, vector<16xf32>,
      tpu.vector_store %arg18[%swap3A_1020], %gather3A_1019 {strides = array<i32>} : memref<640xf32, #tpu.memory_space<vmem>>, vector<16xf32>,
      %add3A_1022 = arith.constant 112 : i32
      %add3A_1023 = vector.broadcast %add3A_1022 : i32 to vector<16xi32>
      %add3A_1024 = arith.addi %add3A_1023, %iota3A : vector<16xi32>
      %gather3A_1025 = tpu.vector_load_idx %arg17[%add3A_1024, %broadcast_in_dim3A_851] : memref<160x8xf32, #tpu.memory_space<vmem>>[vector<16xi32>, vector<16xi32>], vector<16xf32>,
      %swap3A_1026 = arith.constant 432 : index
      %swap3A_1027 = tpu.vector_load %arg18[%swap3A_1026] {strides = array<i32>} : memref<640xf32, #tpu.memory_space<vmem>>, vector<16xf32>,
      tpu.vector_store %arg18[%swap3A_1026], %gather3A_1025 {strides = array<i32>} : memref<640xf32, #tpu.memory_space<vmem>>, vector<16xf32>,
      %add3A_1028 = arith.constant 128 : i32
      %add3A_1029 = vector.broadcast %add3A_1028 : i32 to vector<16xi32>
      %add3A_1030 = arith.addi %add3A_1029, %iota3A : vector<16xi32>
      %gather3A_1031 = tpu.vector_load_idx %arg17[%add3A_1030, %broadcast_in_dim3A_851] : memref<160x8xf32, #tpu.memory_space<vmem>>[vector<16xi32>, vector<16xi32>], vector<16xf32>,
      %swap3A_1032 = arith.constant 448 : index
      %swap3A_1033 = tpu.vector_load %arg18[%swap3A_1032] {strides = array<i32>} : memref<640xf32, #tpu.memory_space<vmem>>, vector<16xf32>,
      tpu.vector_store %arg18[%swap3A_1032], %gather3A_1031 {strides = array<i32>} : memref<640xf32, #tpu.memory_space<vmem>>, vector<16xf32>,
      %add3A_1034 = arith.constant 144 : i32
      %add3A_1035 = vector.broadcast %add3A_1034 : i32 to vector<16xi32>
      %add3A_1036 = arith.addi %add3A_1035, %iota3A : vector<16xi32>
      %gather3A_1037 = tpu.vector_load_idx %arg17[%add3A_1036, %broadcast_in_dim3A_851] : memref<160x8xf32, #tpu.memory_space<vmem>>[vector<16xi32>, vector<16xi32>], vector<16xf32>,
      %swap3A_1038 = arith.constant 464 : index
      %swap3A_1039 = tpu.vector_load %arg18[%swap3A_1038] {strides = array<i32>} : memref<640xf32, #tpu.memory_space<vmem>>, vector<16xf32>,
      tpu.vector_store %arg18[%swap3A_1038], %gather3A_1037 {strides = array<i32>} : memref<640xf32, #tpu.memory_space<vmem>>, vector<16xf32>,
      "tpu.region"() ({
        %run_scoped3A = tpu.sem_alloc : memref<!tpu.dma_semaphore, #tpu.memory_space<semaphore_mem>>
        %dma_start3A_1100 = arith.constant 0 : i32
        %dma_start3A_1101 = arith.constant 0 : i32
        %dma_start3A_1102 = tpu.memref_slice %arg17[%dma_start3A_1100, %dma_start3A_1101] : memref<160x8xf32, #tpu.memory_space<vmem>> -> memref<160x8xf32, #tpu.memory_space<vmem>>
        %dma_start3A_1103 = arith.constant 9840 : i32
        %dma_start3A_1104 = arith.constant 0 : i32
        %dma_start3A_1105 = tpu.memref_slice %arg20[%dma_start3A_1103, %dma_start3A_1104] : memref<10000x8xf32, #tpu.memory_space<vmem_shared>> -> memref<160x8xf32, #tpu.memory_space<vmem_shared>>
        %dma_start3A_1106 = arith.constant 0 : i32
        %dma_start3A_1107 = arith.constant 0 : i32
        %dma_start3A_1108 = tpu.memref_slice %arg17[%dma_start3A_1106, %dma_start3A_1107] : memref<160x8xf32, #tpu.memory_space<vmem>> -> memref<160x8xf32, #tpu.memory_space<vmem>>
        %dma_start3A_1109 = arith.constant 9840 : i32
        %dma_start3A_1110 = arith.constant 0 : i32
        %dma_start3A_1111 = tpu.memref_slice %arg20[%dma_start3A_1109, %dma_start3A_1110] : memref<10000x8xf32, #tpu.memory_space<vmem_shared>> -> memref<160x8xf32, #tpu.memory_space<vmem_shared>>
        tpu.enqueue_dma source(%dma_start3A_1111 : memref<160x8xf32, #tpu.memory_space<vmem_shared>>) target(%dma_start3A_1108 : memref<160x8xf32, #tpu.memory_space<vmem>>) target_semaphore(%run_scoped3A : memref<!tpu.dma_semaphore, #tpu.memory_space<semaphore_mem>>)
        %dma_wait3A_1112 = arith.constant 0 : i32
        %dma_wait3A_1113 = arith.constant 0 : i32
        %dma_wait3A_1114 = tpu.memref_slice %arg17[%dma_wait3A_1112, %dma_wait3A_1113] : memref<160x8xf32, #tpu.memory_space<vmem>> -> memref<160x8xf32, #tpu.memory_space<vmem>>
        %dma_wait3A_1115 = arith.constant 9840 : i32
        %dma_wait3A_1116 = arith.constant 0 : i32
        %dma_wait3A_1117 = tpu.memref_slice %arg20[%dma_wait3A_1115, %dma_wait3A_1116] : memref<10000x8xf32, #tpu.memory_space<vmem_shared>> -> memref<160x8xf32, #tpu.memory_space<vmem_shared>>
        %dma_wait3A_1118 = arith.constant 0 : i32
        %dma_wait3A_1119 = arith.constant 0 : i32
        %dma_wait3A_1120 = tpu.memref_slice %arg17[%dma_wait3A_1118, %dma_wait3A_1119] : memref<160x8xf32, #tpu.memory_space<vmem>> -> memref<160x8xf32, #tpu.memory_space<vmem>>
        %dma_wait3A_1121 = arith.constant 9840 : i32
        %dma_wait3A_1122 = arith.constant 0 : i32
        %dma_wait3A_1123 = tpu.memref_slice %arg20[%dma_wait3A_1121, %dma_wait3A_1122] : memref<10000x8xf32, #tpu.memory_space<vmem_shared>> -> memref<160x8xf32, #tpu.memory_space<vmem_shared>>
        tpu.wait_dma2 semaphore(%run_scoped3A : memref<!tpu.dma_semaphore, #tpu.memory_space<semaphore_mem>>) src(%dma_wait3A_1123 : memref<160x8xf32, #tpu.memory_space<vmem_shared>>) dst(%dma_wait3A_1120 : memref<160x8xf32, #tpu.memory_space<vmem>>)
        tpu.yield
      }) : () -> ()
      %add3A_1040 = arith.constant 0 : i32
      %add3A_1041 = vector.broadcast %add3A_1040 : i32 to vector<16xi32>
      %add3A_1042 = arith.addi %add3A_1041, %iota3A : vector<16xi32>
      %gather3A_1043 = tpu.vector_load_idx %arg17[%add3A_1042, %broadcast_in_dim3A_851] : memref<160x8xf32, #tpu.memory_space<vmem>>[vector<16xi32>, vector<16xi32>], vector<16xf32>,
      %swap3A_1044 = arith.constant 480 : index
      %swap3A_1045 = tpu.vector_load %arg18[%swap3A_1044] {strides = array<i32>} : memref<640xf32, #tpu.memory_space<vmem>>, vector<16xf32>,
      tpu.vector_store %arg18[%swap3A_1044], %gather3A_1043 {strides = array<i32>} : memref<640xf32, #tpu.memory_space<vmem>>, vector<16xf32>,
      %add3A_1046 = arith.constant 16 : i32
      %add3A_1047 = vector.broadcast %add3A_1046 : i32 to vector<16xi32>
      %add3A_1048 = arith.addi %add3A_1047, %iota3A : vector<16xi32>
      %gather3A_1049 = tpu.vector_load_idx %arg17[%add3A_1048, %broadcast_in_dim3A_851] : memref<160x8xf32, #tpu.memory_space<vmem>>[vector<16xi32>, vector<16xi32>], vector<16xf32>,
      %swap3A_1050 = arith.constant 496 : index
      %swap3A_1051 = tpu.vector_load %arg18[%swap3A_1050] {strides = array<i32>} : memref<640xf32, #tpu.memory_space<vmem>>, vector<16xf32>,
      tpu.vector_store %arg18[%swap3A_1050], %gather3A_1049 {strides = array<i32>} : memref<640xf32, #tpu.memory_space<vmem>>, vector<16xf32>,
      %add3A_1052 = arith.constant 32 : i32
      %add3A_1053 = vector.broadcast %add3A_1052 : i32 to vector<16xi32>
      %add3A_1054 = arith.addi %add3A_1053, %iota3A : vector<16xi32>
      %gather3A_1055 = tpu.vector_load_idx %arg17[%add3A_1054, %broadcast_in_dim3A_851] : memref<160x8xf32, #tpu.memory_space<vmem>>[vector<16xi32>, vector<16xi32>], vector<16xf32>,
      %swap3A_1056 = arith.constant 512 : index
      %swap3A_1057 = tpu.vector_load %arg18[%swap3A_1056] {strides = array<i32>} : memref<640xf32, #tpu.memory_space<vmem>>, vector<16xf32>,
      tpu.vector_store %arg18[%swap3A_1056], %gather3A_1055 {strides = array<i32>} : memref<640xf32, #tpu.memory_space<vmem>>, vector<16xf32>,
      %add3A_1058 = arith.constant 48 : i32
      %add3A_1059 = vector.broadcast %add3A_1058 : i32 to vector<16xi32>
      %add3A_1060 = arith.addi %add3A_1059, %iota3A : vector<16xi32>
      %gather3A_1061 = tpu.vector_load_idx %arg17[%add3A_1060, %broadcast_in_dim3A_851] : memref<160x8xf32, #tpu.memory_space<vmem>>[vector<16xi32>, vector<16xi32>], vector<16xf32>,
      %swap3A_1062 = arith.constant 528 : index
      %swap3A_1063 = tpu.vector_load %arg18[%swap3A_1062] {strides = array<i32>} : memref<640xf32, #tpu.memory_space<vmem>>, vector<16xf32>,
      tpu.vector_store %arg18[%swap3A_1062], %gather3A_1061 {strides = array<i32>} : memref<640xf32, #tpu.memory_space<vmem>>, vector<16xf32>,
      %add3A_1064 = arith.constant 64 : i32
      %add3A_1065 = vector.broadcast %add3A_1064 : i32 to vector<16xi32>
      %add3A_1066 = arith.addi %add3A_1065, %iota3A : vector<16xi32>
      %gather3A_1067 = tpu.vector_load_idx %arg17[%add3A_1066, %broadcast_in_dim3A_851] : memref<160x8xf32, #tpu.memory_space<vmem>>[vector<16xi32>, vector<16xi32>], vector<16xf32>,
      %swap3A_1068 = arith.constant 544 : index
      %swap3A_1069 = tpu.vector_load %arg18[%swap3A_1068] {strides = array<i32>} : memref<640xf32, #tpu.memory_space<vmem>>, vector<16xf32>,
      tpu.vector_store %arg18[%swap3A_1068], %gather3A_1067 {strides = array<i32>} : memref<640xf32, #tpu.memory_space<vmem>>, vector<16xf32>,
      %add3A_1070 = arith.constant 80 : i32
      %add3A_1071 = vector.broadcast %add3A_1070 : i32 to vector<16xi32>
      %add3A_1072 = arith.addi %add3A_1071, %iota3A : vector<16xi32>
      %gather3A_1073 = tpu.vector_load_idx %arg17[%add3A_1072, %broadcast_in_dim3A_851] : memref<160x8xf32, #tpu.memory_space<vmem>>[vector<16xi32>, vector<16xi32>], vector<16xf32>,
      %swap3A_1074 = arith.constant 560 : index
      %swap3A_1075 = tpu.vector_load %arg18[%swap3A_1074] {strides = array<i32>} : memref<640xf32, #tpu.memory_space<vmem>>, vector<16xf32>,
      tpu.vector_store %arg18[%swap3A_1074], %gather3A_1073 {strides = array<i32>} : memref<640xf32, #tpu.memory_space<vmem>>, vector<16xf32>,
      %add3A_1076 = arith.constant 96 : i32
      %add3A_1077 = vector.broadcast %add3A_1076 : i32 to vector<16xi32>
      %add3A_1078 = arith.addi %add3A_1077, %iota3A : vector<16xi32>
      %gather3A_1079 = tpu.vector_load_idx %arg17[%add3A_1078, %broadcast_in_dim3A_851] : memref<160x8xf32, #tpu.memory_space<vmem>>[vector<16xi32>, vector<16xi32>], vector<16xf32>,
      %swap3A_1080 = arith.constant 576 : index
      %swap3A_1081 = tpu.vector_load %arg18[%swap3A_1080] {strides = array<i32>} : memref<640xf32, #tpu.memory_space<vmem>>, vector<16xf32>,
      tpu.vector_store %arg18[%swap3A_1080], %gather3A_1079 {strides = array<i32>} : memref<640xf32, #tpu.memory_space<vmem>>, vector<16xf32>,
      %add3A_1082 = arith.constant 112 : i32
      %add3A_1083 = vector.broadcast %add3A_1082 : i32 to vector<16xi32>
      %add3A_1084 = arith.addi %add3A_1083, %iota3A : vector<16xi32>
      %gather3A_1085 = tpu.vector_load_idx %arg17[%add3A_1084, %broadcast_in_dim3A_851] : memref<160x8xf32, #tpu.memory_space<vmem>>[vector<16xi32>, vector<16xi32>], vector<16xf32>,
      %swap3A_1086 = arith.constant 592 : index
      %swap3A_1087 = tpu.vector_load %arg18[%swap3A_1086] {strides = array<i32>} : memref<640xf32, #tpu.memory_space<vmem>>, vector<16xf32>,
      tpu.vector_store %arg18[%swap3A_1086], %gather3A_1085 {strides = array<i32>} : memref<640xf32, #tpu.memory_space<vmem>>, vector<16xf32>,
      %add3A_1088 = arith.constant 128 : i32
      %add3A_1089 = vector.broadcast %add3A_1088 : i32 to vector<16xi32>
      %add3A_1090 = arith.addi %add3A_1089, %iota3A : vector<16xi32>
      %gather3A_1091 = tpu.vector_load_idx %arg17[%add3A_1090, %broadcast_in_dim3A_851] : memref<160x8xf32, #tpu.memory_space<vmem>>[vector<16xi32>, vector<16xi32>], vector<16xf32>,
      %swap3A_1092 = arith.constant 608 : index
      %swap3A_1093 = tpu.vector_load %arg18[%swap3A_1092] {strides = array<i32>} : memref<640xf32, #tpu.memory_space<vmem>>, vector<16xf32>,
      tpu.vector_store %arg18[%swap3A_1092], %gather3A_1091 {strides = array<i32>} : memref<640xf32, #tpu.memory_space<vmem>>, vector<16xf32>,
      %add3A_1094 = arith.constant 144 : i32
      %add3A_1095 = vector.broadcast %add3A_1094 : i32 to vector<16xi32>
      %add3A_1096 = arith.addi %add3A_1095, %iota3A : vector<16xi32>
      %gather3A_1097 = tpu.vector_load_idx %arg17[%add3A_1096, %broadcast_in_dim3A_851] : memref<160x8xf32, #tpu.memory_space<vmem>>[vector<16xi32>, vector<16xi32>], vector<16xf32>,
      %swap3A_1098 = arith.constant 624 : index
      %swap3A_1099 = tpu.vector_load %arg18[%swap3A_1098] {strides = array<i32>} : memref<640xf32, #tpu.memory_space<vmem>>, vector<16xf32>,
      tpu.vector_store %arg18[%swap3A_1098], %gather3A_1097 {strides = array<i32>} : memref<640xf32, #tpu.memory_space<vmem>>, vector<16xf32>,
      "tpu.region"() ({
        %run_scoped3A = tpu.sem_alloc : memref<!tpu.dma_semaphore, #tpu.memory_space<semaphore_mem>>
        %dma_start3A_1100 = arith.constant 0 : i32
        %dma_start3A_1101 = tpu.memref_slice %arg18[%dma_start3A_1100] : memref<640xf32, #tpu.memory_space<vmem>> -> memref<640xf32, #tpu.memory_space<vmem>>
        %dma_start3A_1102 = arith.constant 0 : i32
        %dma_start3A_1103 = tpu.memref_slice %arg9[%arg0, %dma_start3A_1102] : memref<2x10000xf32, #tpu.memory_space<hbm>> -> memref<1x10000xf32, #tpu.memory_space<hbm>>
        %dma_start3A_1104 = tpu.memref_squeeze %dma_start3A_1103 : memref<1x10000xf32, #tpu.memory_space<hbm>> -> memref<10000xf32, #tpu.memory_space<hbm>>
        %dma_start3A_1105 = arith.constant 9360 : i32
        %dma_start3A_1106 = tpu.memref_slice %dma_start3A_1104[%dma_start3A_1105] : memref<10000xf32, #tpu.memory_space<hbm>> -> memref<640xf32, #tpu.memory_space<hbm>>
        %dma_start3A_1107 = arith.constant 0 : i32
        %dma_start3A_1108 = tpu.memref_slice %arg9[%arg0, %dma_start3A_1107] : memref<2x10000xf32, #tpu.memory_space<hbm>> -> memref<1x10000xf32, #tpu.memory_space<hbm>>
        %dma_start3A_1109 = tpu.memref_squeeze %dma_start3A_1108 : memref<1x10000xf32, #tpu.memory_space<hbm>> -> memref<10000xf32, #tpu.memory_space<hbm>>
        %dma_start3A_1110 = arith.constant 9360 : i32
        %dma_start3A_1111 = tpu.memref_slice %dma_start3A_1109[%dma_start3A_1110] : memref<10000xf32, #tpu.memory_space<hbm>> -> memref<640xf32, #tpu.memory_space<hbm>>
        %dma_start3A_1112 = arith.constant 0 : i32
        %dma_start3A_1113 = tpu.memref_slice %arg18[%dma_start3A_1112] : memref<640xf32, #tpu.memory_space<vmem>> -> memref<640xf32, #tpu.memory_space<vmem>>
        tpu.enqueue_dma source(%dma_start3A_1113 : memref<640xf32, #tpu.memory_space<vmem>>) target(%dma_start3A_1111 : memref<640xf32, #tpu.memory_space<hbm>>) target_semaphore(%run_scoped3A : memref<!tpu.dma_semaphore, #tpu.memory_space<semaphore_mem>>)
        %dma_wait3A_1114 = arith.constant 0 : i32
        %dma_wait3A_1115 = tpu.memref_slice %arg18[%dma_wait3A_1114] : memref<640xf32, #tpu.memory_space<vmem>> -> memref<640xf32, #tpu.memory_space<vmem>>
        %dma_wait3A_1116 = arith.constant 0 : i32
        %dma_wait3A_1117 = tpu.memref_slice %arg9[%arg0, %dma_wait3A_1116] : memref<2x10000xf32, #tpu.memory_space<hbm>> -> memref<1x10000xf32, #tpu.memory_space<hbm>>
        %dma_wait3A_1118 = tpu.memref_squeeze %dma_wait3A_1117 : memref<1x10000xf32, #tpu.memory_space<hbm>> -> memref<10000xf32, #tpu.memory_space<hbm>>
        %dma_wait3A_1119 = arith.constant 9360 : i32
        %dma_wait3A_1120 = tpu.memref_slice %dma_wait3A_1118[%dma_wait3A_1119] : memref<10000xf32, #tpu.memory_space<hbm>> -> memref<640xf32, #tpu.memory_space<hbm>>
        %dma_wait3A_1121 = arith.constant 0 : i32
        %dma_wait3A_1122 = tpu.memref_slice %arg9[%arg0, %dma_wait3A_1121] : memref<2x10000xf32, #tpu.memory_space<hbm>> -> memref<1x10000xf32, #tpu.memory_space<hbm>>
        %dma_wait3A_1123 = tpu.memref_squeeze %dma_wait3A_1122 : memref<1x10000xf32, #tpu.memory_space<hbm>> -> memref<10000xf32, #tpu.memory_space<hbm>>
        %dma_wait3A_1124 = arith.constant 9360 : i32
        %dma_wait3A_1125 = tpu.memref_slice %dma_wait3A_1123[%dma_wait3A_1124] : memref<10000xf32, #tpu.memory_space<hbm>> -> memref<640xf32, #tpu.memory_space<hbm>>
        %dma_wait3A_1126 = arith.constant 0 : i32
        %dma_wait3A_1127 = tpu.memref_slice %arg18[%dma_wait3A_1126] : memref<640xf32, #tpu.memory_space<vmem>> -> memref<640xf32, #tpu.memory_space<vmem>>
        tpu.wait_dma2 semaphore(%run_scoped3A : memref<!tpu.dma_semaphore, #tpu.memory_space<semaphore_mem>>) src(%dma_wait3A_1127 : memref<640xf32, #tpu.memory_space<vmem>>) dst(%dma_wait3A_1125 : memref<640xf32, #tpu.memory_space<hbm>>)
        tpu.yield
      }) : () -> ()
    } else {
    }
    return
  }
}

module attributes {stable_mosaic.version = 14 : i64} {
  func.func @mlp_mixer(%arg0: i32, %arg1: memref<5000x128xf32, #tpu.memory_space<vmem>>, %arg2: memref<2x5000x128xf32, #tpu.memory_space<vmem>>, %arg3: memref<1x1x5000xf32, #tpu.memory_space<vmem>>, %arg4: memref<128x64xf32, #tpu.memory_space<vmem>>, %arg5: memref<128x64xf32, #tpu.memory_space<vmem>>, %arg6: memref<1x64xf32, #tpu.memory_space<vmem>>, %arg7: memref<64x128xf32, #tpu.memory_space<vmem>>, %arg8: memref<1x128xf32, #tpu.memory_space<vmem>>, %arg9: memref<5000x128xf32, #tpu.memory_space<vmem>>) attributes {dimension_semantics = [#tpu.dimension_semantics<arbitrary>], iteration_bounds = array<i64: 2>, scalar_prefetch = 0 : i64, scratch_operands = 0 : i64, tpu.core_type = #tpu.core_type<tc>, window_params = [{transform_indices = @transform_0, window_bounds = array<i64: 5000, 128>}, {transform_indices = @transform_1, window_bounds = array<i64: 2, 5000, 128>}, {transform_indices = @transform_2, window_bounds = array<i64: 1, 1, 5000>}, {pipeline_mode = #tpu.pipeline_mode<synchronous>, transform_indices = @transform_3, window_bounds = array<i64: 128, 64>}, {pipeline_mode = #tpu.pipeline_mode<synchronous>, transform_indices = @transform_4, window_bounds = array<i64: 128, 64>}, {pipeline_mode = #tpu.pipeline_mode<synchronous>, transform_indices = @transform_5, window_bounds = array<i64: 1, 64>}, {pipeline_mode = #tpu.pipeline_mode<synchronous>, transform_indices = @transform_6, window_bounds = array<i64: 64, 128>}, {pipeline_mode = #tpu.pipeline_mode<synchronous>, transform_indices = @transform_7, window_bounds = array<i64: 1, 128>}, {transform_indices = @transform_8, window_bounds = array<i64: 5000, 128>}]} {
    %get3A = arith.constant 0 : index
    %get3A_0 = arith.constant 0 : index
    %get3A_1 = vector.load %arg1[%get3A, %get3A_0] : memref<5000x128xf32, #tpu.memory_space<vmem>>, vector<5000x128xf32>
    %get3A_2 = arith.constant 0 : index
    %get3A_3 = arith.constant 0 : index
    %get3A_4 = arith.constant 0 : index
    %get3A_5 = vector.load %arg2[%get3A_2, %get3A_3, %get3A_4] : memref<2x5000x128xf32, #tpu.memory_space<vmem>>, vector<1x5000x128xf32>
    %get3A_6 = vector.shape_cast %get3A_5 : vector<1x5000x128xf32> to vector<5000x128xf32>
    %get3A_7 = arith.constant 1 : index
    %get3A_8 = arith.constant 0 : index
    %get3A_9 = arith.constant 0 : index
    %get3A_10 = vector.load %arg2[%get3A_7, %get3A_8, %get3A_9] : memref<2x5000x128xf32, #tpu.memory_space<vmem>>, vector<1x5000x128xf32>
    %get3A_11 = vector.shape_cast %get3A_10 : vector<1x5000x128xf32> to vector<5000x128xf32>
    %add3A = arith.addf %get3A_6, %get3A_11 : vector<5000x128xf32>
    %get3A_12 = arith.constant 0 : index
    %get3A_13 = arith.constant 0 : index
    %get3A_14 = arith.constant 0 : index
    %get3A_15 = vector.load %arg3[%get3A_12, %get3A_13, %get3A_14] : memref<1x1x5000xf32, #tpu.memory_space<vmem>>, vector<1x1x5000xf32>
    %get3A_16 = vector.shape_cast %get3A_15 : vector<1x1x5000xf32> to vector<5000xf32>
    %reshape3A = vector.shape_cast %get3A_16 : vector<5000xf32> to vector<5000x1xf32>
    %gt3A = arith.constant 0.000000e+00 : f32
    %gt3A_17 = vector.broadcast %gt3A : f32 to vector<5000x1xf32>
    %gt3A_18 = arith.cmpf ogt, %reshape3A, %gt3A_17 : vector<5000x1xf32>
    %max3A = arith.constant 1.000000e+00 : f32
    %max3A_19 = vector.broadcast %max3A : f32 to vector<5000x1xf32>
    %max3A_20 = arith.maximumf %reshape3A, %max3A_19 : vector<5000x1xf32>
    %div3A = vector.broadcast %max3A_20 : vector<5000x1xf32> to vector<5000x128xf32>
    %div3A_21 = arith.divf %add3A, %div3A : vector<5000x128xf32>
    %broadcast_in_dim3A = vector.shape_cast %gt3A_18 : vector<5000x1xi1> to vector<5000x1xi1>
    %broadcast_in_dim3A_22 = vector.broadcast %broadcast_in_dim3A : vector<5000x1xi1> to vector<5000x128xi1>
    %select_n3A = arith.select %broadcast_in_dim3A_22, %div3A_21, %get3A_1 : vector<5000x128xi1>, vector<5000x128xf32>
    %get3A_23 = arith.constant 0 : index
    %get3A_24 = arith.constant 0 : index
    %get3A_25 = vector.load %arg4[%get3A_23, %get3A_24] : memref<128x64xf32, #tpu.memory_space<vmem>>, vector<128x64xf32>
    %dot_general3A = arith.constant dense<0.000000e+00> : vector<5000x64xf32>
    %dot_general3A_26 = tpu.matmul %get3A_1, %get3A_25, %dot_general3A {dimension_numbers = #tpu.dot_dimension_numbers<[1], [0], [0], [1], [0, 0, 1, 1], [], []>, transpose_lhs_hint = false} : vector<5000x128xf32>, vector<128x64xf32>, vector<5000x64xf32> -> vector<5000x64xf32>
    %get3A_27 = arith.constant 0 : index
    %get3A_28 = arith.constant 0 : index
    %get3A_29 = vector.load %arg5[%get3A_27, %get3A_28] : memref<128x64xf32, #tpu.memory_space<vmem>>, vector<128x64xf32>
    %dot_general3A_30 = arith.constant dense<0.000000e+00> : vector<5000x64xf32>
    %dot_general3A_31 = tpu.matmul %select_n3A, %get3A_29, %dot_general3A_30 {dimension_numbers = #tpu.dot_dimension_numbers<[1], [0], [0], [1], [0, 0, 1, 1], [], []>, transpose_lhs_hint = false} : vector<5000x128xf32>, vector<128x64xf32>, vector<5000x64xf32> -> vector<5000x64xf32>
    %add3A_32 = arith.addf %dot_general3A_26, %dot_general3A_31 : vector<5000x64xf32>
    %get3A_33 = arith.constant 0 : index
    %get3A_34 = arith.constant 0 : index
    %get3A_35 = vector.load %arg6[%get3A_33, %get3A_34] : memref<1x64xf32, #tpu.memory_space<vmem>>, vector<1x64xf32>
    %add3A_36 = vector.broadcast %get3A_35 : vector<1x64xf32> to vector<5000x64xf32>
    %add3A_37 = arith.addf %add3A_32, %add3A_36 : vector<5000x64xf32>
    %max3A_38 = arith.constant 0.000000e+00 : f32
    %max3A_39 = vector.broadcast %max3A_38 : f32 to vector<5000x64xf32>
    %max3A_40 = arith.maximumf %add3A_37, %max3A_39 : vector<5000x64xf32>
    %get3A_41 = arith.constant 0 : index
    %get3A_42 = arith.constant 0 : index
    %get3A_43 = vector.load %arg7[%get3A_41, %get3A_42] : memref<64x128xf32, #tpu.memory_space<vmem>>, vector<64x128xf32>
    %dot_general3A_44 = arith.constant dense<0.000000e+00> : vector<5000x128xf32>
    %dot_general3A_45 = tpu.matmul %max3A_40, %get3A_43, %dot_general3A_44 {dimension_numbers = #tpu.dot_dimension_numbers<[1], [0], [0], [1], [0, 0, 1, 1], [], []>, transpose_lhs_hint = false} : vector<5000x64xf32>, vector<64x128xf32>, vector<5000x128xf32> -> vector<5000x128xf32>
    %get3A_46 = arith.constant 0 : index
    %get3A_47 = arith.constant 0 : index
    %get3A_48 = vector.load %arg8[%get3A_46, %get3A_47] : memref<1x128xf32, #tpu.memory_space<vmem>>, vector<1x128xf32>
    %add3A_49 = vector.broadcast %get3A_48 : vector<1x128xf32> to vector<5000x128xf32>
    %add3A_50 = arith.addf %dot_general3A_45, %add3A_49 : vector<5000x128xf32>
    %swap3A = arith.constant 0 : index
    %swap3A_51 = arith.constant 0 : index
    %swap3A_52 = vector.load %arg9[%swap3A, %swap3A_51] : memref<5000x128xf32, #tpu.memory_space<vmem>>, vector<5000x128xf32>
    tpu.vector_store %arg9[%swap3A, %swap3A_51], %add3A_50 {strides = array<i32>} : memref<5000x128xf32, #tpu.memory_space<vmem>>, vector<5000x128xf32>,
    return
  }
  func.func @transform_0(%arg0: i32) -> (i32, i32) {
    %c0_i32 = arith.constant 0 : i32
    %c0_i32_0 = arith.constant 0 : i32
    return %arg0, %c0_i32 : i32, i32
  }
  func.func @transform_1(%arg0: i32) -> (i32, i32, i32) {
    %c0_i32 = arith.constant 0 : i32
    %c0_i32_0 = arith.constant 0 : i32
    %c0_i32_1 = arith.constant 0 : i32
    return %c0_i32, %arg0, %c0_i32_0 : i32, i32, i32
  }
  func.func @transform_2(%arg0: i32) -> (i32, i32, i32) {
    %c0_i32 = arith.constant 0 : i32
    %c0_i32_0 = arith.constant 0 : i32
    %c0_i32_1 = arith.constant 0 : i32
    return %arg0, %c0_i32, %c0_i32_0 : i32, i32, i32
  }
  func.func @transform_3(%arg0: i32) -> (i32, i32) {
    %c0_i32 = arith.constant 0 : i32
    %c0_i32_0 = arith.constant 0 : i32
    %c0_i32_1 = arith.constant 0 : i32
    return %c0_i32, %c0_i32_0 : i32, i32
  }
  func.func @transform_4(%arg0: i32) -> (i32, i32) {
    %c0_i32 = arith.constant 0 : i32
    %c0_i32_0 = arith.constant 0 : i32
    %c0_i32_1 = arith.constant 0 : i32
    return %c0_i32, %c0_i32_0 : i32, i32
  }
  func.func @transform_5(%arg0: i32) -> (i32, i32) {
    %c0_i32 = arith.constant 0 : i32
    %c0_i32_0 = arith.constant 0 : i32
    %c0_i32_1 = arith.constant 0 : i32
    return %c0_i32, %c0_i32_0 : i32, i32
  }
  func.func @transform_6(%arg0: i32) -> (i32, i32) {
    %c0_i32 = arith.constant 0 : i32
    %c0_i32_0 = arith.constant 0 : i32
    %c0_i32_1 = arith.constant 0 : i32
    return %c0_i32, %c0_i32_0 : i32, i32
  }
  func.func @transform_7(%arg0: i32) -> (i32, i32) {
    %c0_i32 = arith.constant 0 : i32
    %c0_i32_0 = arith.constant 0 : i32
    %c0_i32_1 = arith.constant 0 : i32
    return %c0_i32, %c0_i32_0 : i32, i32
  }
  func.func @transform_8(%arg0: i32) -> (i32, i32) {
    %c0_i32 = arith.constant 0 : i32
    %c0_i32_0 = arith.constant 0 : i32
    return %arg0, %c0_i32 : i32, i32
  }
}

</mosaic_0001>

<sc_bundles>
// kernel: sc_segment_sum.3.cloned.1.call-start
scs
__scs_entry_jumppad:
0x0: {  	(pc) =	sbr.rel $0x88, $3  }
0x1: {  	(tag) =	ssettag $0x0;
	lr =	simm.s32 $0x1  }
0x2: {  	[smem:$0x3F9B] =	sst lr;
	_ =	strace $0xD0000000  }
0x3: {  	_ = 	snop  }
0x4: {  	_ = 	snop  }
0x5: {  	_ = 	snop  }
0x6: {  	_ = 	snop  }
0x7: {  	_ = 	snop  }
__scs_overlays_trampoline_lowered:
0x8: {  	[smem:$0x3FAA] =	sst s0  }
0x9: {  	[smem:$0x3FAB] =	sst s1  }
0xa: {  	[smem:$0x3FAC] =	sst s2  }
0xb: {  	[smem:$0x3FAD] =	sst s3  }
0xc: {  	[smem:$0x3FAE] =	sst s4  }
0xd: {  	[smem:$0x3FAF] =	sst s5  }
0xe: {  	[smem:$0x3FB0] =	sst s6  }
0xf: {  	[smem:$0x3FB1] =	sst s7  }
0x10: {  	[smem:$0x3FB2] =	sst s8  }
0x11: {  	[smem:$0x3FB3] =	sst s9;
	s0 =	simm.s32 @!p0 $0x0  }
0x12: {  	s1 =	sld [smem:$0x3F99];
	s0 =	simm.s32 @p0 $0x1  }
0x13: {  	[smem:$0x3FB4] =	sst s0;
	s0 =	simm.s32 @!p1 $0x0  }
0x14: {  	s2 =	sld [smem:$0x3F98];
	s0 =	simm.s32 @p1 $0x1  }
0x15: {  	[smem:$0x3FB5] =	sst s0;
	s0 =	simm.s32 @!p2 $0x0  }
0x16: {  	s3 =	sld [smem:$0x3FDB];
	s0 =	simm.s32 @p2 $0x1  }
0x17: {  	s4 =	simm.s32 $0x1BF5;
	[smem:$0x3FB7] =	sst s0  }
0x18: {  	s0 =	sld [smem:$0x3F9A];
	_ =	swait.ge [sflag:s4], $0x0  }
0x19: {  	s7 =	sld [smem:$0x3F9B]  }
0x1a: {  	s8 =	sadd.s32 $0xFFFFE003, lr  }
0x1b: {  	s9 =	sadd.s32 $0xFFFFFEF7, lr;
	s5 =	simm.s32 $0xFFFFFFFF;
	p2 =	slt.u32 s8, $0xFFFFF086  }
0x1c: {  	p1 =	slt.u32 s9, $0xF7A;
	s5 =	simm.s32 @!p2 $0x0  }
0x1d: {  	s5 =	simm.s32 @p1 $0x1;
	p0 =	seq.s32 s7, s2  }
0x1e: {  	s7 =	smul.u32 @!p0 $0xF7A, s2;
	p2 =	seq.s32 @!p0 s5, $0x0  }
0x1f: {  	s9 =	smul.u32 $0xF7A, s1;
	s8 =	simm.s32 @!p0 $0x1BF5;
	p2 =	por !p2, p0  }
0x20: {  	[sflag:s8] =	ssyncset.s32 @!p0 $0xFFFFF086;
	s6 =	sadd.s32 @!p0 s3, s7;
	s7 =	simm.s32 @!p0 $0x108  }
0x21: {  	s3 =	sadd.s32 s3, s9;
	s6 =	sadd.s32 @!p0 $0x88, s6;
	s7 =	simm.s32 @p2 $0x1082  }
0x22: {  	[simem:s7], [sflag:s8] =	dma.local @!p0 [hbm:s6], $0xF7A  }
0x23: {  	s9 =	sor.u32 $0xD0000000, s2;
	s6 =	simm.s32 $0x108;
	_ =	swait.ge @!p0 [sflag:s8], $0x0  }
0x24: {  	s3 =	sadd.s32 $0x88, s3;
	s6 =	simm.s32 @!p1 $0x1082;
	[sflag:s4] =	ssyncset.s32 $0xFFFFF086  }
0x25: {  	[simem:s6], [sflag:s4] =	dma.local [hbm:s3], $0xF7A  }
0x26: {  	[smem:$0x3F9B] =	sst s1;
	(tag) =	ssettag s2;
	_ =	strace s9  }
0x27: {  	s1 =	sld [smem:$0x3FAB]  }
0x28: {  	s2 =	sld [smem:$0x3FAC]  }
0x29: {  	s4 =	sld [smem:$0x3FAE]  }
0x2a: {  	p0 =	seq.s32 s5, $0x0;
	s5 =	sld [smem:$0x3FAF]  }
0x2b: {  	s6 =	sld [smem:$0x3FB0]  }
0x2c: {  	s7 =	sld [smem:$0x3FB1]  }
0x2d: {  	s3 =	simm.s32 $0x108;
	s8 =	sld [smem:$0x3FB2]  }
0x2e: {  	s3 =	simm.s32 @!p0 $0x1082;
	s9 =	sld [smem:$0x3FB3]  }
0x2f: {  	lr =	sadd.s32 s0, s3;
	s0 =	sld [smem:$0x3FAA]  }
0x30: {  	s3 =	sld [smem:$0x3FAD]  }
0x31: {  	[smem:$0x3FB6] =	sst s10  }
0x32: {  	s10 =	sld [smem:$0x3FB4];
	_ =	sdelay $0x3  }
0x33: {  	p0 =	seq.s32 s10, $0x1;
	s10 =	sld [smem:$0x3FB6];
	_ =	sdelay $0x3  }
0x34: {  	[smem:$0x3FB6] =	sst s10  }
0x35: {  	s10 =	sld [smem:$0x3FB5];
	_ =	sdelay $0x3  }
0x36: {  	p1 =	seq.s32 s10, $0x1;
	s10 =	sld [smem:$0x3FB6];
	_ =	sdelay $0x3  }
0x37: {  	[smem:$0x3FB6] =	sst s10  }
0x38: {  	s10 =	sld [smem:$0x3FB7]  }
0x39: {  	_ = 	snop;
	(pc) =	sbr.ind lr, $3  }
0x3a: {  	_ = 	snop  }
0x3b: {  	_ = 	snop  }
0x3c: {  	p2 =	seq.s32 s10, $0x1;
	s10 =	sld [smem:$0x3FB6]  }
0x3d: {  	_ =	shalt  }
0x3e: {  	_ =	shalt  }
0x3f: {  	_ =	shalt  }
0x40: {  	_ =	shalt  }
0x41: {  	_ =	shalt  }
0x42: {  	_ =	shalt  }
0x43: {  	_ =	shalt  }
0x44: {  	_ =	shalt  }
0x45: {  	_ =	shalt  }
0x46: {  	_ =	shalt  }
0x47: {  	_ =	shalt  }
0x48: {  	_ =	shalt  }
0x49: {  	_ =	shalt  }
0x4a: {  	_ =	shalt  }
0x4b: {  	_ =	shalt  }
0x4c: {  	_ =	shalt  }
0x4d: {  	_ =	shalt  }
0x4e: {  	_ =	shalt  }
0x4f: {  	_ =	shalt  }
0x50: {  	_ =	shalt  }
0x51: {  	_ =	shalt  }
0x52: {  	_ =	shalt  }
0x53: {  	_ =	shalt  }
0x54: {  	_ =	shalt  }
0x55: {  	_ =	shalt  }
0x56: {  	_ =	shalt  }
0x57: {  	_ =	shalt  }
0x58: {  	_ =	shalt  }
0x59: {  	_ =	shalt  }
0x5a: {  	_ =	shalt  }
0x5b: {  	_ =	shalt  }
0x5c: {  	_ =	shalt  }
0x5d: {  	_ =	shalt  }
0x5e: {  	_ =	shalt  }
0x5f: {  	_ =	shalt  }
0x60: {  	_ =	shalt  }
0x61: {  	_ =	shalt  }
0x62: {  	_ =	shalt  }
0x63: {  	_ =	shalt  }
0x64: {  	_ =	shalt  }
0x65: {  	_ =	shalt  }
0x66: {  	_ =	shalt  }
0x67: {  	_ =	shalt  }
0x68: {  	_ =	shalt  }
0x69: {  	_ =	shalt  }
0x6a: {  	_ =	shalt  }
0x6b: {  	_ =	shalt  }
0x6c: {  	_ =	shalt  }
0x6d: {  	_ =	shalt  }
0x6e: {  	_ =	shalt  }
0x6f: {  	_ =	shalt  }
0x70: {  	_ =	shalt  }
0x71: {  	_ =	shalt  }
0x72: {  	_ =	shalt  }
0x73: {  	_ =	shalt  }
0x74: {  	_ =	shalt  }
0x75: {  	_ =	shalt  }
0x76: {  	_ =	shalt  }
0x77: {  	_ =	shalt  }
0x78: {  	_ =	shalt  }
0x79: {  	_ =	shalt  }
0x7a: {  	_ =	shalt  }
0x7b: {  	_ =	shalt  }
0x7c: {  	_ =	shalt  }
0x7d: {  	_ =	shalt  }
0x7e: {  	_ =	shalt  }
0x7f: {  	_ =	shalt  }
0x80: {  	_ =	shalt  }
0x81: {  	_ =	shalt  }
0x82: {  	_ =	shalt  }
0x83: {  	_ =	shalt  }
0x84: {  	_ =	shalt  }
0x85: {  	_ =	shalt  }
0x86: {  	_ =	shalt  }
0x87: {  	_ =	shalt  }
.Lfunc_end0:
.L_simem_size_0:
called_computation_lowered:
.L_overlay_start_0:
0x88: {  	s2 =	sld [smem:$0x3FD9]  }
0x89: {  	s3 =	sld [smem:$0x3FFE];
	_ =	sdelay $0x1  }
0x8a: {  	s1 =	srdreg.scid  }
0x8b: {  	s0 =	sand.u32 $0x1, s1  }
0x8c: {  	s17 =	sshll.u32 s0, $0xA;
	s2 =	sadd.s32 s3, s2  }
0x8d: {  	s2 =	sadd.s32 s2, s17  }
0x8e: {  	[smem:$0x3FC2] =	sst s2  }
0x8f: {  	_ = 	snop  }
0x90: {  	s2 =	sld [smem:$0x3FC9]  }
0x91: {  	s18 =	sld [smem:$0x3FD0];
	(tm) =	ssettm $0x1  }
0x92: {  	s4 =	sld [smem:$0x3FFB];
	_ =	sdelay $0x3  }
0x93: {  	_ =	strace s4  }
0x94: {  	s4 =	sld [smem:$0x3FFC];
	_ =	sdelay $0x3  }
0x95: {  	_ =	strace s4  }
0x96: {  	s4 =	sld [smem:$0x3FFD];
	_ =	sdelay $0x3  }
0x97: {  	_ =	strace s4  }
0x98: {  	_ =	strace $0x8FFFFFFF  }
0x99: {  	s19 =	sld [smem:$0x3FDB];
	_ =	sdelay $0x1  }
0x9a: {  	s5 =	simm.s32 $_scs_section_size  }
0x9b: {  	s6 =	simm.s32 $_size__tile_overlayer_lowered;
	s7 =	simm.s32 $_tile_overlayer_lowered  }
0x9c: {  	s22 =	simm.s32 $0x1BFF;
	s21 =	sshll.u32 s7, $0x1;
	s4 =	sadd.s32 s5, s19  }
0x9d: {  	s8 =	simm.s32 $0x0;
	s20 =	sshll.u32 s6, $0x1;
	s6 =	sadd.s32 s21, s4  }
0x9e: {  	[timem:s8], [sflag:s22] =	dma.local [hbm:s6], s20  }
0x9f: {  	_ =	swait.ge [sflag:s22], s20  }
0xa0: {  	s5 =	ssub.s32 $0x0, s20;
	[sflag:s22] =	ssyncset.done $0x0  }
0xa1: {  	[sflag:s22] =	ssyncadd.s32 s5;
	_ =	sdelay $0x1  }
0xa2: {  	s23 =	simm.s32 $0x1B8B  }
0xa3: {  	_ =	swait.ge [sflag:s23], $0x1  }
0xa4: {  	[sflag:s23] =	ssyncset.done $0x0  }
0xa5: {  	s25 =	simm.s32 $0x1B8E;
	s24 =	sld [smem:$0x3FFE];
	[sflag:s23] =	ssyncadd.s32 $0xFFFFFFFF  }
0xa6: {  	s26 =	simm.s32 $execute0_lowered;
	[smem:$0x3FD2] =	sst s25  }
0xa7: {  	s6 =	sshll.u32 s26, $0x1;
	_ =	strace $0x80000046;
	[dreg:$0x1] =	wrdreg $0xFFFFFFFF  }
0xa8: {  	s28 =	simm.s32 $_size_execute0_lowered;
	s4 =	sadd.s32 s4, s6;
	[dreg:$0x0] =	wrdreg $0x0  }
0xa9: {  	s6 =	sshll.u32 s28, $0x1;
	[dreg:$0x2] =	wrdreg s4  }
0xaa: {  	[dreg:$0x3] =	wrdreg s6  }
0xab: {  	[dreg:$0x4] =	wrdreg $0xC0  }
0xac: {  	_ =	task [dreg:s8], $0x5FFFF  }
0xad: {  	[dreg:$0x1] =	wrdreg $0xFFFFFFFF  }
0xae: {  	[dreg:$0x0] =	wrdreg $0x60  }
0xaf: {  	[dreg:$0x2] =	wrdreg s2  }
0xb0: {  	[dreg:$0x3] =	wrdreg s24  }
0xb1: {  	[dreg:$0x4] =	wrdreg s18  }
0xb2: {  	[dreg:$0x5] =	wrdreg $0xAF000  }
0xb3: {  	[dreg:$0x6] =	wrdreg $0x1E7800  }
0xb4: {  	[dreg:$0x7] =	wrdreg $0x9  }
0xb5: {  	_ =	task.clear_ibuf [dreg:s8], $0x8FFFF;
	_ =	strace $0x90000046  }
0xb6: {  	s29 =	simm.s32 $0x9;
	_ =	strace $0x80000048  }
0xb7: {  	_ =	swait.ge [sflag:s29], $0x1  }
0xb8: {  	[sflag:s29] =	ssyncadd.s32 $0xFFFFFFFF  }
0xb9: {  	_ =	strace $0x90000048  }
0xba: {  	_ =	sfence  }
0xbb: {  	s30 =	sld [smem:$0x0];
	_ =	sdelay $0x2  }
0xbc: {  	s31 =	sshll.u32 s1, $0xD;
	s1 =	sshrl.u32 s1, $0x2  }
0xbd: {  	s3 =	sand.u32 $0x4000, s31;
	s1 =	sadd.s32 s1, s30  }
0xbe: {  	s0 =	sor.u32 s3, s0;
	s1 =	sshll.u32 s1, $0x11  }
0xbf: {  	s0 =	sor.u32 s1, s0  }
0xc0: {  	s0 =	sadd.s32 $0x8F2B, s0  }
0xc1: {  	[sflag:s0] =	ssyncadd.remote.s32 $0x1  }
0xc2: {  	_ =	sfence.sel $0xFFFF  }
0xc3: {  	[dreg:$0x0] =	wrdreg $0xFFFFFFFF;
	(pc) =	sbr.abs _section_cstart, $3  }
0xc4: {  	[dreg:$0x1] =	wrdreg $0xFFFFFFFF  }
0xc5: {  	_ =	task.clear_ibuf [dreg:s8], $0x2FFFF;
	_ =	strace $0x9FFFFFFF  }
0xc6: {  	(tm) =	ssettm $0x7FFFFFFF  }
0xc7: {  	_ =	shalt  }
tec
execute0_lowered:
.L_overlay_start_1:
0x0: {  	(tag) =	ssettag $0x1  }
0x1: {  	s0 =	rddreg [dreg:$0x0]  }
0x2: {  	s1 =	rddreg [dreg:$0x1]  }
0x3: {  	s6 =	rddreg [dreg:$0x2]  }
0x4: {  	s2 =	srdreg.scid;
	s4 =	rddreg [dreg:$0x3]  }
0x5: {  	s14 =	stileid.u32;
	s28 =	rddreg [dreg:$0x4];
	s24 =	simm.s32 $0x0  }
0x6: {  	s2 =	sand.u32 $0x1, s2;
	[smem:$0x7FF] =	sst s24;
	s11 =	sadd.s32 $0xB200, s1  }
0x7: {  	s21 =	sadd.s32 $0xAE00, s1;
	s22 =	smul.u32 $0x4E000, s14;
	s12 =	sadd.s32 $0xAC00, s1  }
0x8: {  	s23 =	smul.u32 $0x4E00, s14;
	_ =	strace $0x80000047;
	[dreg:$0x8] =	wrdreg s11  }
0x9: {  	s30 =	smul.u32 $0x13800, s14;
	s3 =	sadd.s32 $0x124800, s4;
	[dreg:$0x9] =	wrdreg s21  }
0xa: {  	s5 =	sshll.u32 s2, $0x4;
	s8 =	smul.u32 $0x27100, s2;
	[dreg:$0xa] =	wrdreg s12  }
0xb: {  	s10 =	smul.u32 $0x4E2, s2;
	s2 =	ssub.s32 $0x2, s2;
	[dreg:$0xc] =	wrdreg s3  }
0xc: {  	s7 =	sor.u32 s14, s5;
	s29 =	sshrl.u32 s23, $0x2;
	s5 =	sadd.s32 $0x12480, s28  }
0xd: {  	s12 =	sshrl.u32 s30, $0x3;
	s23 =	sadd.s32 $0x12980, s28;
	[dreg:$0xd] =	wrdreg s5  }
0xe: {  	s16 =	sadd.s32 s30, s4;
	s30 =	sadd.s32 $0x13380, s28;
	[dreg:$0x13] =	wrdreg s23  }
0xf: {  	s25 =	sshrl.u32 s2, $0x1;
	s15 =	sadd.s32 s29, s28;
	[dreg:$0x1a] =	wrdreg s30  }
0x10: {  	s2 =	ssub.s32 s2, s25;
	s25 =	sadd.s32 $0x12E80, s28;
	[dreg:$0xb] =	wrdreg s15  }
0x11: {  	s31 =	simm.s32 $0x50;
	s29 =	sshrl.u32 s16, $0x3;
	[dreg:$0x14] =	wrdreg s25  }
0x12: {  	s26 =	sshrl.u32 s22, $0x2;
	s17 =	sadd.s32 $0x500, s15;
	[dreg:$0x18] =	wrdreg s29  }
0x13: {  	s7 =	smul.u32 $0x4E2, s7;
	s18 =	sadd.s32 $0xA00, s15;
	[dreg:$0xf] =	wrdreg s17  }
0x14: {  	s8 =	sadd.s32 s8, s1;
	s19 =	sadd.s32 $0xF00, s15;
	[dreg:$0x10] =	wrdreg s18  }
0x15: {  	s8 =	sadd.s32 $0xE400, s8;
	s2 =	smax.u32 s2, $0x1;
	[dreg:$0x11] =	wrdreg s19  }
0x16: {  	s9 =	sadd.s32 s7, s1;
	s1 =	sadd.s32 s10, s1;
	[dreg:$0x15] =	wrdreg s2  }
0x17: {  	s10 =	sadd.s32 s26, s4;
	[dreg:$0xe] =	wrdreg s8;
	s26 =	sadd.s32 s12, s8  }
0x18: {  	v0 =	vlaneseq.u32;
	p0 =	seq.s32 s14, $0xF;
	s13 =	sadd.s32 s6, s7;
	[dreg:$0x17] =	wrdreg s26  }
.Ltmp0:
0x19: {  	v0 =	vmul.u32 $0x8, v0;
	s2 =	sshrl.u32 @!p0 s10, $0x3;
	[dreg:$0x7] =	wrdreg s13;
	(pc) =	sbr.rel .LBB2_1-.Ltmp0, $4  }
0x1a: {  	s21 =	smul.u32 $0x4E, s14;
	s20 =	sadd.s32 $0xDA00, s1;
	[dreg:$0x16] =	wrdreg s2  }
0x1b: {  	v1 =	vor.u32 $0x80, v0;
	v2 =	vor.u32 $0x100, v0;
	v3 =	vor.u32 $0x180, v0;
	s23 =	simm.s32 $0x12;
	s22 =	sadd.s32 $0xE00, s9;
	[dreg:$0x12] =	wrdreg s20  }
0x1c: {  	v4 =	vor.u32 $0x200, v0;
	v5 =	vor.u32 $0x280, v0;
	v6 =	vor.u32 $0x300, v0;
	s7 =	simm.s32 $0xA500;
	s1 =	sadd.s32 s21, s20;
	[dreg:$0x6] =	wrdreg s22  }
0x1d: {  	v7 =	vor.u32 $0x380, v0;
	v8 =	vor.u32 $0x400, v0;
	v9 =	vor.u32 $0x480, v0;
	s20 =	simm.s32 $0x9;
	[dreg:$0x19] =	wrdreg s1;
	s1 =	simm.s32 $0x0  }
.LBB2_5:
0x1e: {  	s1 =	rddreg [dreg:$0xe]  }
0x1f: {  	s6 =	rddreg [dreg:$0xc];
	s2 =	simm.s32 $0x1FD2  }
0x20: {  	s23 =	simm.s32 $0x12;
	s1 =	sadd.s32 $0x24900, s1;
	s6 =	sshrl.u32 s6, $0x3  }
0x21: {  	[hbm:s1], [sflag:s2] =	dma.local [spmem:s6], $0x2800  }
0x22: {  	_ =	swait.ge [sflag:s23], $0x2800  }
0x23: {  	[sflag:s23] =	ssyncset.done $0x0  }
0x24: {  	s19 =	simm.s32 $0xA780;
	s18 =	rddreg [dreg:$0xd];
	[sflag:s23] =	ssyncadd.s32 $0xFFFFD800  }
0x25: {  	[tilespmem:s19], [sflag:$0x12] =	stream.linear.gather [spmem:s18], $0x500, $0x38;
	[tilespmem:$0x1FB08] =	vst v63  }
0x26: {  	_ =	swait.ge [sflag:s23], $0x500  }
0x27: {  	[sflag:s23] =	ssyncset.done $0x0  }
0x28: {  	[sflag:s23] =	ssyncadd.s32 $0xFFFFFB00  }
0x29: {  	v10 =	vld.idx.msk [tilespmem:v0+s19+$0x0], $0xffff;
	_ =	sdelay $0x4  }
0x2a: {  	[tilespmem:$0xAC80] =	vst v10  }
0x2b: {  	v10 =	vld.idx.msk [tilespmem:v1+s19+$0x0], $0xffff;
	_ =	sdelay $0x4  }
0x2c: {  	[tilespmem:$0xAC90] =	vst v10  }
0x2d: {  	v10 =	vld.idx.msk [tilespmem:v2+s19+$0x0], $0xffff;
	_ =	sdelay $0x4  }
0x2e: {  	[tilespmem:$0xACA0] =	vst v10  }
0x2f: {  	v10 =	vld.idx.msk [tilespmem:v3+s19+$0x0], $0xffff;
	_ =	sdelay $0x4  }
0x30: {  	[tilespmem:$0xACB0] =	vst v10  }
0x31: {  	v10 =	vld.idx.msk [tilespmem:v4+s19+$0x0], $0xffff;
	_ =	sdelay $0x4  }
0x32: {  	[tilespmem:$0xACC0] =	vst v10  }
0x33: {  	v10 =	vld.idx.msk [tilespmem:v5+s19+$0x0], $0xffff;
	_ =	sdelay $0x4  }
0x34: {  	[tilespmem:$0xACD0] =	vst v10  }
0x35: {  	v10 =	vld.idx.msk [tilespmem:v6+s19+$0x0], $0xffff;
	_ =	sdelay $0x4  }
0x36: {  	[tilespmem:$0xACE0] =	vst v10  }
0x37: {  	v10 =	vld.idx.msk [tilespmem:v7+s19+$0x0], $0xffff;
	_ =	sdelay $0x4  }
0x38: {  	[tilespmem:$0xACF0] =	vst v10  }
0x39: {  	v10 =	vld.idx.msk [tilespmem:v8+s19+$0x0], $0xffff;
	_ =	sdelay $0x4  }
0x3a: {  	[tilespmem:$0xAD00] =	vst v10  }
0x3b: {  	v10 =	vld.idx.msk [tilespmem:v9+s19+$0x0], $0xffff;
	_ =	sdelay $0x4  }
0x3c: {  	s21 =	rddreg [dreg:$0x13];
	[tilespmem:$0xAD10] =	vst v10  }
0x3d: {  	[tilespmem:s19], [sflag:$0x12] =	stream.linear.gather [spmem:s21], $0x500, $0x38;
	[tilespmem:$0x1FB08] =	vst v63  }
0x3e: {  	_ =	swait.ge [sflag:s23], $0x500  }
0x3f: {  	[sflag:s23] =	ssyncset.done $0x0  }
0x40: {  	[sflag:s23] =	ssyncadd.s32 $0xFFFFFB00  }
0x41: {  	v10 =	vld.idx.msk [tilespmem:v0+s19+$0x0], $0xffff;
	_ =	sdelay $0x4  }
0x42: {  	[tilespmem:$0xAD20] =	vst v10  }
0x43: {  	v10 =	vld.idx.msk [tilespmem:v1+s19+$0x0], $0xffff;
	_ =	sdelay $0x4  }
0x44: {  	[tilespmem:$0xAD30] =	vst v10  }
0x45: {  	v10 =	vld.idx.msk [tilespmem:v2+s19+$0x0], $0xffff;
	_ =	sdelay $0x4  }
0x46: {  	[tilespmem:$0xAD40] =	vst v10  }
0x47: {  	v10 =	vld.idx.msk [tilespmem:v3+s19+$0x0], $0xffff;
	_ =	sdelay $0x4  }
0x48: {  	[tilespmem:$0xAD50] =	vst v10  }
0x49: {  	v10 =	vld.idx.msk [tilespmem:v4+s19+$0x0], $0xffff;
	_ =	sdelay $0x4  }
0x4a: {  	[tilespmem:$0xAD60] =	vst v10  }
0x4b: {  	v10 =	vld.idx.msk [tilespmem:v5+s19+$0x0], $0xffff;
	_ =	sdelay $0x4  }
0x4c: {  	[tilespmem:$0xAD70] =	vst v10  }
0x4d: {  	v10 =	vld.idx.msk [tilespmem:v6+s19+$0x0], $0xffff;
	_ =	sdelay $0x4  }
0x4e: {  	[tilespmem:$0xAD80] =	vst v10  }
0x4f: {  	v10 =	vld.idx.msk [tilespmem:v7+s19+$0x0], $0xffff;
	_ =	sdelay $0x4  }
0x50: {  	[tilespmem:$0xAD90] =	vst v10  }
0x51: {  	v10 =	vld.idx.msk [tilespmem:v8+s19+$0x0], $0xffff;
	_ =	sdelay $0x4  }
0x52: {  	[tilespmem:$0xADA0] =	vst v10  }
0x53: {  	v10 =	vld.idx.msk [tilespmem:v9+s19+$0x0], $0xffff;
	_ =	sdelay $0x4  }
0x54: {  	s25 =	rddreg [dreg:$0x14];
	[tilespmem:$0xADB0] =	vst v10  }
0x55: {  	[tilespmem:s19], [sflag:$0x12] =	stream.linear.gather [spmem:s25], $0x500, $0x38;
	[tilespmem:$0x1FB08] =	vst v63  }
0x56: {  	_ =	swait.ge [sflag:s23], $0x500  }
0x57: {  	[sflag:s23] =	ssyncset.done $0x0  }
0x58: {  	[sflag:s23] =	ssyncadd.s32 $0xFFFFFB00  }
0x59: {  	v10 =	vld.idx.msk [tilespmem:v0+s19+$0x0], $0xffff;
	_ =	sdelay $0x4  }
0x5a: {  	[tilespmem:$0xADC0] =	vst v10  }
0x5b: {  	v10 =	vld.idx.msk [tilespmem:v1+s19+$0x0], $0xffff;
	_ =	sdelay $0x4  }
0x5c: {  	[tilespmem:$0xADD0] =	vst v10  }
0x5d: {  	v10 =	vld.idx.msk [tilespmem:v2+s19+$0x0], $0xffff;
	_ =	sdelay $0x4  }
0x5e: {  	[tilespmem:$0xADE0] =	vst v10  }
0x5f: {  	v10 =	vld.idx.msk [tilespmem:v3+s19+$0x0], $0xffff;
	_ =	sdelay $0x4  }
0x60: {  	[tilespmem:$0xADF0] =	vst v10  }
0x61: {  	v10 =	vld.idx.msk [tilespmem:v4+s19+$0x0], $0xffff;
	_ =	sdelay $0x4  }
0x62: {  	[tilespmem:$0xAE00] =	vst v10  }
0x63: {  	v10 =	vld.idx.msk [tilespmem:v5+s19+$0x0], $0xffff;
	_ =	sdelay $0x4  }
0x64: {  	[tilespmem:$0xAE10] =	vst v10  }
0x65: {  	v10 =	vld.idx.msk [tilespmem:v6+s19+$0x0], $0xffff;
	_ =	sdelay $0x4  }
0x66: {  	[tilespmem:$0xAE20] =	vst v10  }
0x67: {  	v10 =	vld.idx.msk [tilespmem:v7+s19+$0x0], $0xffff;
	_ =	sdelay $0x4  }
0x68: {  	[tilespmem:$0xAE30] =	vst v10  }
0x69: {  	v10 =	vld.idx.msk [tilespmem:v8+s19+$0x0], $0xffff;
	_ =	sdelay $0x4  }
0x6a: {  	[tilespmem:$0xAE40] =	vst v10  }
0x6b: {  	v10 =	vld.idx.msk [tilespmem:v9+s19+$0x0], $0xffff;
	_ =	sdelay $0x4  }
0x6c: {  	s26 =	rddreg [dreg:$0x1a];
	[tilespmem:$0xAE50] =	vst v10  }
0x6d: {  	[tilespmem:s19], [sflag:$0x12] =	stream.linear.gather [spmem:s26], $0x500, $0x38;
	[tilespmem:$0x1FB08] =	vst v63  }
0x6e: {  	_ =	swait.ge [sflag:s23], $0x500  }
0x6f: {  	[sflag:s23] =	ssyncset.done $0x0  }
0x70: {  	[sflag:s23] =	ssyncadd.s32 $0xFFFFFB00  }
0x71: {  	v10 =	vld.idx.msk [tilespmem:v0+s19+$0x0], $0xffff;
	_ =	sdelay $0x4  }
0x72: {  	[tilespmem:$0xAE60] =	vst v10  }
0x73: {  	v10 =	vld.idx.msk [tilespmem:v1+s19+$0x0], $0xffff;
	_ =	sdelay $0x4  }
0x74: {  	[tilespmem:$0xAE70] =	vst v10  }
0x75: {  	v10 =	vld.idx.msk [tilespmem:v2+s19+$0x0], $0xffff;
	_ =	sdelay $0x4  }
0x76: {  	[tilespmem:$0xAE80] =	vst v10  }
0x77: {  	v10 =	vld.idx.msk [tilespmem:v3+s19+$0x0], $0xffff;
	_ =	sdelay $0x4  }
0x78: {  	[tilespmem:$0xAE90] =	vst v10  }
0x79: {  	v10 =	vld.idx.msk [tilespmem:v4+s19+$0x0], $0xffff;
	_ =	sdelay $0x4  }
0x7a: {  	[tilespmem:$0xAEA0] =	vst v10  }
0x7b: {  	v10 =	vld.idx.msk [tilespmem:v5+s19+$0x0], $0xffff;
	_ =	sdelay $0x4  }
0x7c: {  	[tilespmem:$0xAEB0] =	vst v10  }
0x7d: {  	v10 =	vld.idx.msk [tilespmem:v6+s19+$0x0], $0xffff;
	_ =	sdelay $0x4  }
0x7e: {  	[tilespmem:$0xAEC0] =	vst v10  }
0x7f: {  	v10 =	vld.idx.msk [tilespmem:v7+s19+$0x0], $0xffff;
	_ =	sdelay $0x4  }
0x80: {  	[tilespmem:$0xAED0] =	vst v10  }
0x81: {  	v10 =	vld.idx.msk [tilespmem:v8+s19+$0x0], $0xffff;
	_ =	sdelay $0x4  }
0x82: {  	[tilespmem:$0xAEE0] =	vst v10  }
0x83: {  	v10 =	vld.idx.msk [tilespmem:v9+s19+$0x0], $0xffff;
	_ =	sdelay $0x3  }
0x84: {  	s29 =	rddreg [dreg:$0x12]  }
0x85: {  	s30 =	simm.s32 $0xAC80;
	s1 =	sadd.s32 $0x492, s29;
	[tilespmem:$0xAEF0] =	vst v10  }
0x86: {  	[hbm4b:s1+s24] =	stream.linear.scatter [tilespmem:s30], [sflag:$0x12], $0x280, $0x38;
	[tilespmem:$0x1FB08] =	vst v63  }
0x87: {  	_ =	swait.ge [sflag:s23], $0x280  }
0x88: {  	[sflag:s23] =	ssyncset.done $0x0  }
0x89: {  	s2 =	rddreg [dreg:$0x1b];
	[sflag:s23] =	ssyncadd.s32 $0xFFFFFD80  }
.LBB2_6:
0x8a: {  	s2 =	sadd.s32 $0x1, s2;
	s1 =	rddreg [dreg:$0x15]  }
0x8b: {  	p1 =	sne.s32 s2, s1  }
.Ltmp1:
0x8c: {  	_ = 	snop;
	(pc) =	sbr.rel @!p1 .LBB2_7-.Ltmp1, $2  }
0x8d: {  	_ =	sdelay $0x2  }
0x8e: {  	s0 =	smov.u32 s9;
	s1 =	smov.u32 s2  }
.LBB2_1:
0x8f: {  	[dreg:$0x1b] =	wrdreg s1  }
0x90: {  	s1 =	rddreg [dreg:$0xc]  }
0x91: {  	s6 =	simm.s32 @p0 $0x1FD2;
	s10 =	rddreg [dreg:$0x8];
	s1 =	sshrl.u32 @p0 s1, $0x3  }
0x92: {  	[spmem:s1], [sflag:s6] =	dma.local @p0 [hbm:s10], $0x2800  }
0x93: {  	s1 =	simm.s32 @p0 $0x12  }
0x94: {  	_ =	swait.ge @p0 [sflag:s1], $0x2800  }
0x95: {  	[sflag:s1] =	ssyncset.done @p0 $0x0;
	s14 =	rddreg [dreg:$0xd]  }
0x96: {  	s21 =	rddreg [dreg:$0x9];
	[sflag:s1] =	ssyncadd.s32 @p0 $0xFFFFD800;
	s14 =	sshrl.u32 @p0 s14, $0x3  }
0x97: {  	[spmem:s14], [sflag:s6] =	dma.local @p0 [hbm:s21], $0x280  }
0x98: {  	s6 =	stileid.u32;
	_ =	swait.ge @p0 [sflag:s1], $0x280  }
0x99: {  	s6 =	sshll.u32 @!p0 s6, $0x6;
	[sflag:s1] =	ssyncset.done @p0 $0x0  }
0x9a: {  	[sflag:s1] =	ssyncadd.s32 @p0 $0xFFFFFD80;
	s1 =	sor.u32 @!p0 $0x1C12, s6;
	s6 =	rddreg [dreg:$0x16]  }
0x9b: {  	[spmem:s6], [sflag:s1] =	dma.local @!p0 [hbm:s10], $0x2700  }
0x9c: {  	s6 =	simm.s32 @!p0 $0x12  }
0x9d: {  	_ =	swait.ge @!p0 [sflag:s6], $0x2700  }
0x9e: {  	[sflag:s6] =	ssyncset.done @!p0 $0x0;
	s10 =	rddreg [dreg:$0xb]  }
0x9f: {  	[sflag:s6] =	ssyncadd.s32 @!p0 $0xFFFFD900;
	s14 =	sshrl.u32 @!p0 s10, $0x3  }
0xa0: {  	[spmem:s14], [sflag:s1] =	dma.local @!p0 [hbm:s21], $0x270  }
0xa1: {  	_ =	swait.ge @!p0 [sflag:s6], $0x270  }
0xa2: {  	[sflag:s6] =	ssyncset.done @!p0 $0x0  }
0xa3: {  	s15 =	rddreg [dreg:$0xa];
	[sflag:s6] =	ssyncadd.s32 @!p0 $0xFFFFFD90  }
0xa4: {  	[tilespmem:s7], [sflag:$0x12] =	stream.linear.gather [hbm4b:s15+s24], $0x280, $0x38;
	[tilespmem:$0x1FB08] =	vst v63  }
0xa5: {  	_ =	swait.ge [sflag:s23], $0x280  }
0xa6: {  	[sflag:s23] =	ssyncset.done $0x0  }
0xa7: {  	[sflag:s23] =	ssyncadd.s32 $0xFFFFFD80  }
0xa8: {  	[tilespmem:s24], [sflag:$0xA] =	stream.linear.gather [hbm4b:s22+s24], $0x50, $0x38;
	[tilespmem:$0x1FB08] =	vst v63  }
0xa9: {  	s25 =	simm.s32 $0x280  }
0xaa: {  	[tilespmem:s25], [sflag:$0xA] =	stream.linear.gather [hbm4b:s13+s24], $0x50, $0x38;
	[tilespmem:$0x1FB08] =	vst v63  }
0xab: {  	s16 =	sadd.s32 $0xA, s22  }
0xac: {  	[tilespmem:s31], [sflag:$0xB] =	stream.linear.gather [hbm4b:s16+s24], $0x50, $0x38;
	[tilespmem:$0x1FB08] =	vst v63  }
0xad: {  	s26 =	simm.s32 $0x2D0;
	s17 =	sadd.s32 $0xA, s13  }
0xae: {  	[tilespmem:s26], [sflag:$0xB] =	stream.linear.gather [hbm4b:s17+s24], $0x50, $0x38;
	[tilespmem:$0x1FB08] =	vst v63  }
0xaf: {  	s18 =	sadd.s32 $0x14, s22;
	s6 =	simm.s32 $0xA0  }
0xb0: {  	[tilespmem:s6], [sflag:$0xC] =	stream.linear.gather [hbm4b:s18+s24], $0x50, $0x38;
	[tilespmem:$0x1FB08] =	vst v63  }
0xb1: {  	s12 =	simm.s32 $0x320;
	s19 =	sadd.s32 $0x14, s13  }
0xb2: {  	[tilespmem:s12], [sflag:$0xC] =	stream.linear.gather [hbm4b:s19+s24], $0x50, $0x38;
	[tilespmem:$0x1FB08] =	vst v63  }
0xb3: {  	s11 =	simm.s32 $0xF0;
	s21 =	sadd.s32 $0x1E, s22  }
0xb4: {  	[tilespmem:s11], [sflag:$0xD] =	stream.linear.gather [hbm4b:s21+s24], $0x50, $0x38;
	[tilespmem:$0x1FB08] =	vst v63  }
0xb5: {  	s9 =	simm.s32 $0x370;
	s23 =	sadd.s32 $0x1E, s13  }
0xb6: {  	[tilespmem:s9], [sflag:$0xD] =	stream.linear.gather [hbm4b:s23+s24], $0x50, $0x38;
	[tilespmem:$0x1FB08] =	vst v63  }
0xb7: {  	s8 =	simm.s32 $0x140;
	s29 =	sadd.s32 $0x28, s22  }
0xb8: {  	[tilespmem:s8], [sflag:$0xE] =	stream.linear.gather [hbm4b:s29+s24], $0x50, $0x38;
	[tilespmem:$0x1FB08] =	vst v63  }
0xb9: {  	s5 =	simm.s32 $0x3C0;
	s30 =	sadd.s32 $0x28, s13  }
0xba: {  	[tilespmem:s5], [sflag:$0xE] =	stream.linear.gather [hbm4b:s30+s24], $0x50, $0x38;
	[tilespmem:$0x1FB08] =	vst v63  }
0xbb: {  	s3 =	simm.s32 $0x190;
	s7 =	sadd.s32 $0x32, s22  }
0xbc: {  	[tilespmem:s3], [sflag:$0xF] =	stream.linear.gather [hbm4b:s7+s24], $0x50, $0x38;
	[tilespmem:$0x1FB08] =	vst v63  }
0xbd: {  	s9 =	simm.s32 $0x410;
	s8 =	sadd.s32 $0x32, s13  }
0xbe: {  	[tilespmem:s9], [sflag:$0xF] =	stream.linear.gather [hbm4b:s8+s24], $0x50, $0x38;
	[tilespmem:$0x1FB08] =	vst v63  }
0xbf: {  	s2 =	simm.s32 $0x1E0;
	s10 =	sadd.s32 $0x3C, s22  }
0xc0: {  	[tilespmem:s2], [sflag:$0x10] =	stream.linear.gather [hbm4b:s10+s24], $0x50, $0x38;
	[tilespmem:$0x1FB08] =	vst v63  }
0xc1: {  	s12 =	simm.s32 $0x460;
	s11 =	sadd.s32 $0x3C, s13;
	s3 =	simm.s32 $0xA  }
0xc2: {  	[tilespmem:s12], [sflag:$0x10] =	stream.linear.gather [hbm4b:s11+s24], $0x50, $0x38;
	[tilespmem:$0x1FB08] =	vst v63  }
0xc3: {  	_ =	swait.ge [sflag:s3], $0x50  }
0xc4: {  	[sflag:s3] =	ssyncset.done $0x0  }
0xc5: {  	[sflag:s3] =	ssyncadd.s32 $0xFFFFFFB0  }
0xc6: {  	_ =	swait.ge [sflag:s3], $0x50  }
0xc7: {  	s18 =	simm.s32 $0x0;
	[sflag:s3] =	ssyncset.done $0x0  }
0xc8: {  	s5 =	simm.s32 $0xB;
	s24 =	simm.s32 $0x500;
	[sflag:s3] =	ssyncadd.s32 $0xFFFFFFB0  }
0xc9: {  	[tilespmem:s24], [sflag:$0x1] =	stream.indirect.gather [hbm4b:s0+s31], $0x80, s18, s31, $0xb8;
	[tilespmem:$0x1FB08] =	vst v63  }
0xca: {  	_ =	swait.ge [sflag:s5], $0x50  }
0xcb: {  	[sflag:s5] =	ssyncset.done $0x0  }
0xcc: {  	[sflag:s5] =	ssyncadd.s32 $0xFFFFFFB0  }
0xcd: {  	_ =	swait.ge [sflag:s5], $0x50  }
0xce: {  	[sflag:s5] =	ssyncset.done $0x0  }
0xcf: {  	s14 =	simm.s32 $0x2D00;
	s23 =	simm.s32 $0xC;
	[sflag:s5] =	ssyncadd.s32 $0xFFFFFFB0  }
0xd0: {  	[tilespmem:s14], [sflag:$0x2] =	stream.indirect.gather [hbm4b:s0+s31], $0x80, s31, s31, $0xb8;
	[tilespmem:$0x1FB08] =	vst v63  }
0xd1: {  	_ =	swait.ge [sflag:s23], $0x50  }
0xd2: {  	[sflag:s23] =	ssyncset.done $0x0  }
0xd3: {  	[sflag:s23] =	ssyncadd.s32 $0xFFFFFFB0  }
0xd4: {  	_ =	swait.ge [sflag:s23], $0x50  }
0xd5: {  	[sflag:s23] =	ssyncset.done $0x0  }
0xd6: {  	s17 =	simm.s32 $0x5500;
	[sflag:s23] =	ssyncadd.s32 $0xFFFFFFB0  }
0xd7: {  	[tilespmem:s17], [sflag:$0x3] =	stream.indirect.gather [hbm4b:s0+s31], $0x80, s6, s31, $0xb8;
	[tilespmem:$0x1FB08] =	vst v63  }
0xd8: {  	s7 =	simm.s32 $0x1;
	[bflag:$0x0] =	sbarrier.arrive $0xFFFF  }
0xd9: {  	_ =	swait.ge [sflag:s7], $0x2800  }
0xda: {  	p1 =	por $0x1, $0x1;
	[sflag:s7] =	ssyncset.done $0x0  }
0xdb: {  	s1 =	simm.s32 @!p1 $0x8;
	[sflag:s7] =	ssyncadd.s32 $0xFFFFD800  }
0xdc: {  	[spmem:s4] =	stream.indirect.scatter.add.f32 [tilespmem:s24], [sflag:$0x5], $0x80, s25, s31, $0xb8;
	[tilespmem:$0x1FB08] =	vst v63  }
0xdd: {  	_ =	swait.ge @!p1 [sflag:s1], $0x2800  }
0xde: {  	[sflag:s1] =	ssyncset.done @!p1 $0x0  }
0xdf: {  	s6 =	simm.s32 @!p1 $0x9;
	[sflag:s1] =	ssyncadd.s32 @!p1 $0xFFFFD800  }
0xe0: {  	_ =	swait.ge @!p1 [sflag:s6], $0x280  }
0xe1: {  	[sflag:s6] =	ssyncset.done @!p1 $0x0  }
0xe2: {  	s11 =	simm.s32 $0xA500;
	s1 =	sadd.s32 $0x0, s22;
	[sflag:s6] =	ssyncadd.s32 @!p1 $0xFFFFFD80  }
0xe3: {  	[spmem:s28] =	stream.indirect.scatter.add.f32 [tilespmem:s11], [sflag:$0x9], $0x8, s25, s31, $0xb8;
	[tilespmem:$0x1FB08] =	vst v63  }
0xe4: {  	s17 =	simm.s32 $0x230;
	s8 =	sadd.s32 $0x46, s1;
	s6 =	sadd.s32 $0x0, s13  }
0xe5: {  	[tilespmem:s17], [sflag:$0x11] =	stream.linear.gather [hbm4b:s8+s18], $0x50, $0x38;
	[tilespmem:$0x1FB08] =	vst v63  }
0xe6: {  	s8 =	sadd.s32 $0x46, s6;
	s17 =	simm.s32 $0x4B0  }
0xe7: {  	[tilespmem:s17], [sflag:$0x11] =	stream.linear.gather [hbm4b:s8+s18], $0x50, $0x38;
	[tilespmem:$0x1FB08] =	vst v63  }
0xe8: {  	s17 =	simm.s32 $0xD  }
0xe9: {  	_ =	swait.ge [sflag:s17], $0x50  }
0xea: {  	[sflag:s17] =	ssyncset.done $0x0  }
0xeb: {  	[sflag:s17] =	ssyncadd.s32 $0xFFFFFFB0  }
0xec: {  	_ =	swait.ge [sflag:s17], $0x50  }
0xed: {  	s10 =	simm.s32 $0x2;
	[sflag:s17] =	ssyncset.done $0x0  }
0xee: {  	s14 =	simm.s32 $0x7D00;
	s8 =	simm.s32 $0xF0;
	[sflag:s17] =	ssyncadd.s32 $0xFFFFFFB0  }
0xef: {  	[tilespmem:s14], [sflag:$0x4] =	stream.indirect.gather [hbm4b:s0+s31], $0x80, s8, s31, $0xb8;
	[tilespmem:$0x1FB08] =	vst v63  }
0xf0: {  	_ =	swait.ge [sflag:s10], $0x2800  }
0xf1: {  	[sflag:s10] =	ssyncset.done $0x0  }
0xf2: {  	s15 =	simm.s32 $0x5;
	s12 =	simm.s32 $0x2D00;
	[sflag:s10] =	ssyncadd.s32 $0xFFFFD800  }
0xf3: {  	[spmem:s4] =	stream.indirect.scatter.add.f32 [tilespmem:s12], [sflag:$0x6], $0x80, s26, s31, $0xb8;
	[tilespmem:$0x1FB08] =	vst v63  }
0xf4: {  	_ =	swait.ge [sflag:s15], $0x2800  }
0xf5: {  	[sflag:s15] =	ssyncset.done $0x0  }
0xf6: {  	[sflag:s15] =	ssyncadd.s32 $0xFFFFD800  }
0xf7: {  	_ =	swait.ge [sflag:s20], $0x280  }
0xf8: {  	[sflag:s20] =	ssyncset.done $0x0  }
0xf9: {  	[sflag:s20] =	ssyncadd.s32 $0xFFFFFD80  }
0xfa: {  	[spmem:s28] =	stream.indirect.scatter.add.f32 [tilespmem:s11], [sflag:$0x9], $0x8, s26, s31, $0xb8;
	[tilespmem:$0x1FB08] =	vst v63  }
0xfb: {  	s12 =	sadd.s32 $0x50, s1  }
0xfc: {  	[tilespmem:s18], [sflag:$0xA] =	stream.linear.gather [hbm4b:s12+s18], $0x50, $0x38;
	[tilespmem:$0x1FB08] =	vst v63  }
0xfd: {  	s2 =	simm.s32 $0xE;
	s8 =	sadd.s32 $0x50, s6  }
0xfe: {  	[tilespmem:s25], [sflag:$0xA] =	stream.linear.gather [hbm4b:s8+s18], $0x50, $0x38;
	[tilespmem:$0x1FB08] =	vst v63  }
0xff: {  	_ =	swait.ge [sflag:s2], $0x50  }
0x100: {  	[sflag:s2] =	ssyncset.done $0x0  }
0x101: {  	[sflag:s2] =	ssyncadd.s32 $0xFFFFFFB0  }
0x102: {  	_ =	swait.ge [sflag:s2], $0x50  }
0x103: {  	[sflag:s2] =	ssyncset.done $0x0  }
0x104: {  	s19 =	simm.s32 $0x3;
	s12 =	simm.s32 $0x140;
	[sflag:s2] =	ssyncadd.s32 $0xFFFFFFB0  }
0x105: {  	[tilespmem:s24], [sflag:$0x1] =	stream.indirect.gather [hbm4b:s0+s31], $0x80, s12, s31, $0xb8;
	[tilespmem:$0x1FB08] =	vst v63  }
0x106: {  	_ =	swait.ge [sflag:s19], $0x2800  }
0x107: {  	s21 =	simm.s32 $0x6;
	[sflag:s19] =	ssyncset.done $0x0  }
0x108: {  	s14 =	simm.s32 $0x320;
	s8 =	simm.s32 $0x5500;
	[sflag:s19] =	ssyncadd.s32 $0xFFFFD800  }
0x109: {  	[spmem:s4] =	stream.indirect.scatter.add.f32 [tilespmem:s8], [sflag:$0x7], $0x80, s14, s31, $0xb8;
	[tilespmem:$0x1FB08] =	vst v63  }
0x10a: {  	_ =	swait.ge [sflag:s21], $0x2800  }
0x10b: {  	[sflag:s21] =	ssyncset.done $0x0  }
0x10c: {  	[sflag:s21] =	ssyncadd.s32 $0xFFFFD800  }
0x10d: {  	_ =	swait.ge [sflag:s20], $0x280  }
0x10e: {  	[sflag:s20] =	ssyncset.done $0x0  }
0x10f: {  	[sflag:s20] =	ssyncadd.s32 $0xFFFFFD80  }
0x110: {  	[spmem:s28] =	stream.indirect.scatter.add.f32 [tilespmem:s11], [sflag:$0x9], $0x8, s14, s31, $0xb8;
	[tilespmem:$0x1FB08] =	vst v63  }
0x111: {  	s25 =	sadd.s32 $0x5A, s1  }
0x112: {  	[tilespmem:s31], [sflag:$0xB] =	stream.linear.gather [hbm4b:s25+s18], $0x50, $0x38;
	[tilespmem:$0x1FB08] =	vst v63  }
0x113: {  	s9 =	simm.s32 $0xF;
	s2 =	sadd.s32 $0x5A, s6  }
0x114: {  	[tilespmem:s26], [sflag:$0xB] =	stream.linear.gather [hbm4b:s2+s18], $0x50, $0x38;
	[tilespmem:$0x1FB08] =	vst v63  }
0x115: {  	_ =	swait.ge [sflag:s9], $0x50  }
0x116: {  	[sflag:s9] =	ssyncset.done $0x0  }
0x117: {  	[sflag:s9] =	ssyncadd.s32 $0xFFFFFFB0  }
0x118: {  	_ =	swait.ge [sflag:s9], $0x50  }
0x119: {  	s29 =	simm.s32 $0x4;
	[sflag:s9] =	ssyncset.done $0x0  }
0x11a: {  	s14 =	simm.s32 $0x2D00;
	s25 =	simm.s32 $0x190;
	[sflag:s9] =	ssyncadd.s32 $0xFFFFFFB0  }
0x11b: {  	[tilespmem:s14], [sflag:$0x2] =	stream.indirect.gather [hbm4b:s0+s31], $0x80, s25, s31, $0xb8;
	[tilespmem:$0x1FB08] =	vst v63  }
0x11c: {  	_ =	swait.ge [sflag:s29], $0x2800  }
0x11d: {  	s30 =	simm.s32 $0x7;
	[sflag:s29] =	ssyncset.done $0x0  }
0x11e: {  	s2 =	simm.s32 $0x370;
	s26 =	simm.s32 $0x7D00;
	[sflag:s29] =	ssyncadd.s32 $0xFFFFD800  }
0x11f: {  	[spmem:s4] =	stream.indirect.scatter.add.f32 [tilespmem:s26], [sflag:$0x8], $0x80, s2, s31, $0xb8;
	[tilespmem:$0x1FB08] =	vst v63  }
0x120: {  	_ =	swait.ge [sflag:s30], $0x2800  }
0x121: {  	[sflag:s30] =	ssyncset.done $0x0  }
0x122: {  	[sflag:s30] =	ssyncadd.s32 $0xFFFFD800  }
0x123: {  	_ =	swait.ge [sflag:s20], $0x280  }
0x124: {  	[sflag:s20] =	ssyncset.done $0x0  }
0x125: {  	[sflag:s20] =	ssyncadd.s32 $0xFFFFFD80  }
0x126: {  	[spmem:s28] =	stream.indirect.scatter.add.f32 [tilespmem:s11], [sflag:$0x9], $0x8, s2, s31, $0xb8;
	[tilespmem:$0x1FB08] =	vst v63  }
0x127: {  	s14 =	sadd.s32 $0x64, s1;
	s2 =	simm.s32 $0xA0  }
0x128: {  	[tilespmem:s2], [sflag:$0xC] =	stream.linear.gather [hbm4b:s14+s18], $0x50, $0x38;
	[tilespmem:$0x1FB08] =	vst v63  }
0x129: {  	s16 =	simm.s32 $0x10;
	s12 =	simm.s32 $0x320;
	s2 =	sadd.s32 $0x64, s6  }
0x12a: {  	[tilespmem:s12], [sflag:$0xC] =	stream.linear.gather [hbm4b:s2+s18], $0x50, $0x38;
	[tilespmem:$0x1FB08] =	vst v63  }
0x12b: {  	_ =	swait.ge [sflag:s16], $0x50  }
0x12c: {  	[sflag:s16] =	ssyncset.done $0x0  }
0x12d: {  	[sflag:s16] =	ssyncadd.s32 $0xFFFFFFB0  }
0x12e: {  	_ =	swait.ge [sflag:s16], $0x50  }
0x12f: {  	[sflag:s16] =	ssyncset.done $0x0  }
0x130: {  	[sflag:s16] =	ssyncadd.s32 $0xFFFFFFB0;
	s16 =	simm.s32 $0x1E0  }
0x131: {  	[tilespmem:s8], [sflag:$0x3] =	stream.indirect.gather [hbm4b:s0+s31], $0x80, s16, s31, $0xb8;
	[tilespmem:$0x1FB08] =	vst v63  }
0x132: {  	_ =	swait.ge [sflag:s7], $0x2800  }
0x133: {  	[sflag:s7] =	ssyncset.done $0x0  }
0x134: {  	s14 =	simm.s32 $0x8;
	s8 =	simm.s32 $0x3C0;
	[sflag:s7] =	ssyncadd.s32 $0xFFFFD800  }
0x135: {  	[spmem:s4] =	stream.indirect.scatter.add.f32 [tilespmem:s24], [sflag:$0x5], $0x80, s8, s31, $0xb8;
	[tilespmem:$0x1FB08] =	vst v63  }
0x136: {  	_ =	swait.ge [sflag:s14], $0x2800  }
0x137: {  	[sflag:s14] =	ssyncset.done $0x0  }
0x138: {  	[sflag:s14] =	ssyncadd.s32 $0xFFFFD800  }
0x139: {  	_ =	swait.ge [sflag:s20], $0x280  }
0x13a: {  	[sflag:s20] =	ssyncset.done $0x0  }
0x13b: {  	[sflag:s20] =	ssyncadd.s32 $0xFFFFFD80  }
0x13c: {  	[spmem:s28] =	stream.indirect.scatter.add.f32 [tilespmem:s11], [sflag:$0x9], $0x8, s8, s31, $0xb8;
	[tilespmem:$0x1FB08] =	vst v63  }
0x13d: {  	s2 =	sadd.s32 $0x6E, s1;
	s8 =	simm.s32 $0xF0  }
0x13e: {  	[tilespmem:s8], [sflag:$0xD] =	stream.linear.gather [hbm4b:s2+s18], $0x50, $0x38;
	[tilespmem:$0x1FB08] =	vst v63  }
0x13f: {  	s26 =	simm.s32 $0x370;
	s14 =	simm.s32 $0x11;
	s8 =	sadd.s32 $0x6E, s6  }
0x140: {  	[tilespmem:s26], [sflag:$0xD] =	stream.linear.gather [hbm4b:s8+s18], $0x50, $0x38;
	[tilespmem:$0x1FB08] =	vst v63  }
0x141: {  	_ =	swait.ge [sflag:s14], $0x50  }
0x142: {  	[sflag:s14] =	ssyncset.done $0x0  }
0x143: {  	[sflag:s14] =	ssyncadd.s32 $0xFFFFFFB0  }
0x144: {  	_ =	swait.ge [sflag:s14], $0x50  }
0x145: {  	[sflag:s14] =	ssyncset.done $0x0  }
0x146: {  	s26 =	simm.s32 $0x230;
	[sflag:s14] =	ssyncadd.s32 $0xFFFFFFB0;
	s14 =	simm.s32 $0x7D00  }
0x147: {  	[tilespmem:s14], [sflag:$0x4] =	stream.indirect.gather [hbm4b:s0+s31], $0x80, s26, s31, $0xb8;
	[tilespmem:$0x1FB08] =	vst v63  }
0x148: {  	_ =	swait.ge [sflag:s10], $0x2800  }
0x149: {  	[sflag:s10] =	ssyncset.done $0x0  }
0x14a: {  	s9 =	simm.s32 $0x2D00;
	s8 =	simm.s32 $0x410;
	[sflag:s10] =	ssyncadd.s32 $0xFFFFD800  }
0x14b: {  	[spmem:s4] =	stream.indirect.scatter.add.f32 [tilespmem:s9], [sflag:$0x6], $0x80, s8, s31, $0xb8;
	[tilespmem:$0x1FB08] =	vst v63  }
0x14c: {  	_ =	swait.ge [sflag:s15], $0x2800  }
0x14d: {  	[sflag:s15] =	ssyncset.done $0x0  }
0x14e: {  	[sflag:s15] =	ssyncadd.s32 $0xFFFFD800  }
0x14f: {  	_ =	swait.ge [sflag:s20], $0x280  }
0x150: {  	[sflag:s20] =	ssyncset.done $0x0  }
0x151: {  	[sflag:s20] =	ssyncadd.s32 $0xFFFFFD80  }
0x152: {  	[spmem:s28] =	stream.indirect.scatter.add.f32 [tilespmem:s11], [sflag:$0x9], $0x8, s8, s31, $0xb8;
	[tilespmem:$0x1FB08] =	vst v63  }
0x153: {  	s1 =	sadd.s32 $0x78, s1;
	s10 =	simm.s32 $0x140  }
0x154: {  	[tilespmem:s10], [sflag:$0xE] =	stream.linear.gather [hbm4b:s1+s18], $0x50, $0x38;
	[tilespmem:$0x1FB08] =	vst v63  }
0x155: {  	s7 =	simm.s32 $0x3C0;
	s15 =	sadd.s32 $0x78, s6  }
0x156: {  	[tilespmem:s7], [sflag:$0xE] =	stream.linear.gather [hbm4b:s15+s18], $0x50, $0x38;
	[tilespmem:$0x1FB08] =	vst v63  }
0x157: {  	_ =	swait.ge [sflag:s3], $0x50  }
0x158: {  	[sflag:s3] =	ssyncset.done $0x0  }
0x159: {  	[sflag:s3] =	ssyncadd.s32 $0xFFFFFFB0  }
0x15a: {  	_ =	swait.ge [sflag:s3], $0x50  }
0x15b: {  	[sflag:s3] =	ssyncset.done $0x0  }
0x15c: {  	[sflag:s3] =	ssyncadd.s32 $0xFFFFFFB0  }
0x15d: {  	[tilespmem:s24], [sflag:$0x1] =	stream.indirect.gather [hbm4b:s0+s31], $0x80, s18, s31, $0xb8;
	[tilespmem:$0x1FB08] =	vst v63  }
0x15e: {  	_ =	swait.ge [sflag:s19], $0x2800  }
0x15f: {  	[sflag:s19] =	ssyncset.done $0x0  }
0x160: {  	s12 =	simm.s32 $0x5500;
	s18 =	simm.s32 $0x460;
	[sflag:s19] =	ssyncadd.s32 $0xFFFFD800  }
0x161: {  	[spmem:s4] =	stream.indirect.scatter.add.f32 [tilespmem:s12], [sflag:$0x7], $0x80, s18, s31, $0xb8;
	[tilespmem:$0x1FB08] =	vst v63  }
0x162: {  	s24 =	simm.s32 $0x0;
	_ =	swait.ge [sflag:s21], $0x2800  }
0x163: {  	s19 =	smin.u32 s24, $0x6F;
	[sflag:s21] =	ssyncset.done $0x0  }
0x164: {  	s1 =	smul.u32 $0x50, s19;
	[sflag:s21] =	ssyncadd.s32 $0xFFFFD800  }
0x165: {  	_ =	swait.ge [sflag:s20], $0x280  }
0x166: {  	s1 =	sshrl.u32 s1, $0x3;
	[sflag:s20] =	ssyncset.done $0x0  }
0x167: {  	s1 =	sadd.s32 $0x82, s1;
	[sflag:s20] =	ssyncadd.s32 $0xFFFFFD80  }
0x168: {  	[spmem:s28] =	stream.indirect.scatter.add.f32 [tilespmem:s11], [sflag:$0x9], $0x8, s18, s31, $0xb8;
	[tilespmem:$0x1FB08] =	vst v63  }
0x169: {  	s26 =	sadd.s32 s22, s1  }
0x16a: {  	[tilespmem:s25], [sflag:$0xF] =	stream.linear.gather [hbm4b:s26+s24], $0x50, $0x38;
	[tilespmem:$0x1FB08] =	vst v63  }
0x16b: {  	s8 =	simm.s32 $0x410;
	s1 =	sadd.s32 s13, s1  }
0x16c: {  	[tilespmem:s8], [sflag:$0xF] =	stream.linear.gather [hbm4b:s1+s24], $0x50, $0x38;
	[tilespmem:$0x1FB08] =	vst v63  }
0x16d: {  	_ =	swait.ge [sflag:s5], $0x50  }
0x16e: {  	[sflag:s5] =	ssyncset.done $0x0  }
0x16f: {  	[sflag:s5] =	ssyncadd.s32 $0xFFFFFFB0  }
0x170: {  	_ =	swait.ge [sflag:s5], $0x50  }
0x171: {  	[sflag:s5] =	ssyncset.done $0x0  }
0x172: {  	s9 =	simm.s32 $0x2D00;
	[sflag:s5] =	ssyncadd.s32 $0xFFFFFFB0  }
0x173: {  	[tilespmem:s9], [sflag:$0x2] =	stream.indirect.gather [hbm4b:s0+s31], $0x80, s31, s31, $0xb8;
	[tilespmem:$0x1FB08] =	vst v63  }
0x174: {  	_ =	swait.ge [sflag:s29], $0x2800  }
0x175: {  	[sflag:s29] =	ssyncset.done $0x0  }
0x176: {  	s10 =	simm.s32 $0x4B0;
	[sflag:s29] =	ssyncadd.s32 $0xFFFFD800  }
0x177: {  	[spmem:s4] =	stream.indirect.scatter.add.f32 [tilespmem:s14], [sflag:$0x8], $0x80, s10, s31, $0xb8;
	[tilespmem:$0x1FB08] =	vst v63  }
0x178: {  	_ =	swait.ge [sflag:s30], $0x2800  }
0x179: {  	s29 =	smin.u32 s24, $0x6E;
	[sflag:s30] =	ssyncset.done $0x0  }
0x17a: {  	s1 =	smul.u32 $0x50, s29;
	[sflag:s30] =	ssyncadd.s32 $0xFFFFD800  }
0x17b: {  	_ =	swait.ge [sflag:s20], $0x280  }
0x17c: {  	s1 =	sshrl.u32 s1, $0x3;
	[sflag:s20] =	ssyncset.done $0x0  }
0x17d: {  	s1 =	sadd.s32 $0x8C, s1;
	[sflag:s20] =	ssyncadd.s32 $0xFFFFFD80  }
0x17e: {  	[spmem:s28] =	stream.indirect.scatter.add.f32 [tilespmem:s11], [sflag:$0x9], $0x8, s10, s31, $0xb8;
	[tilespmem:$0x1FB08] =	vst v63  }
0x17f: {  	s30 =	sadd.s32 s22, s1  }
0x180: {  	[tilespmem:s16], [sflag:$0x10] =	stream.linear.gather [hbm4b:s30+s24], $0x50, $0x38;
	[tilespmem:$0x1FB08] =	vst v63  }
0x181: {  	s21 =	simm.s32 $0x460;
	s1 =	sadd.s32 s13, s1  }
0x182: {  	[tilespmem:s21], [sflag:$0x10] =	stream.linear.gather [hbm4b:s1+s24], $0x50, $0x38;
	[tilespmem:$0x1FB08] =	vst v63  }
0x183: {  	_ =	swait.ge [sflag:s23], $0x50  }
0x184: {  	[sflag:s23] =	ssyncset.done $0x0  }
0x185: {  	[sflag:s23] =	ssyncadd.s32 $0xFFFFFFB0  }
0x186: {  	_ =	swait.ge [sflag:s23], $0x50  }
0x187: {  	s6 =	simm.s32 $0x0;
	s14 =	simm.s32 $0x50;
	[sflag:s23] =	ssyncset.done $0x0  }
.LBB2_2:
0x188: {  	[sflag:s23] =	ssyncadd.s32 $0xFFFFFFB0  }
0x189: {  	s12 =	simm.s32 $0xA0;
	s19 =	simm.s32 $0x5500;
	s25 =	simm.s32 $0x1  }
0x18a: {  	[tilespmem:s19], [sflag:$0x3] =	stream.indirect.gather [hbm4b:s0+s31], $0x80, s12, s31, $0xb8;
	[tilespmem:$0x1FB08] =	vst v63  }
0x18b: {  	s1 =	smov.u32 s14;
	_ =	swait.ge [sflag:s25], $0x2800  }
0x18c: {  	s2 =	simm.s32 $0x500;
	p2 =	seq.s32 s1, $0x0;
	[sflag:s25] =	ssyncset.done $0x0  }
0x18d: {  	s9 =	simm.s32 $0x280;
	s23 =	simm.s32 @!p2 $0x8;
	[sflag:s25] =	ssyncadd.s32 $0xFFFFD800  }
0x18e: {  	[spmem:s4] =	stream.indirect.scatter.add.f32 [tilespmem:s2], [sflag:$0x5], $0x80, s9, s31, $0xb8;
	[tilespmem:$0x1FB08] =	vst v63  }
0x18f: {  	_ =	swait.ge @!p2 [sflag:s23], $0x2800  }
0x190: {  	[sflag:s23] =	ssyncset.done @!p2 $0x0  }
0x191: {  	s21 =	simm.s32 @!p2 $0x9;
	[sflag:s23] =	ssyncadd.s32 @!p2 $0xFFFFD800  }
0x192: {  	_ =	swait.ge @!p2 [sflag:s21], $0x280  }
0x193: {  	s11 =	simm.s32 $0xA500;
	[sflag:s21] =	ssyncset.done @!p2 $0x0;
	s18 =	rddreg [dreg:$0x6]  }
0x194: {  	s8 =	rddreg [dreg:$0x7];
	[sflag:s21] =	ssyncadd.s32 @!p2 $0xFFFFFD80;
	s23 =	sadd.s32 s1, s18  }
0x195: {  	[spmem:s28] =	stream.indirect.scatter.add.f32 [tilespmem:s11], [sflag:$0x9], $0x8, s9, s31, $0xb8;
	[tilespmem:$0x1FB08] =	vst v63  }
0x196: {  	s3 =	simm.s32 $0x230;
	s1 =	sadd.s32 s1, s8;
	s7 =	sadd.s32 $0x46, s23  }
0x197: {  	[tilespmem:s3], [sflag:$0x11] =	stream.linear.gather [hbm4b:s7+s24], $0x50, $0x38;
	[tilespmem:$0x1FB08] =	vst v63  }
0x198: {  	s13 =	sadd.s32 $0x46, s1  }
0x199: {  	[tilespmem:s10], [sflag:$0x11] =	stream.linear.gather [hbm4b:s13+s24], $0x50, $0x38;
	[tilespmem:$0x1FB08] =	vst v63  }
0x19a: {  	_ =	swait.ge [sflag:s17], $0x50  }
0x19b: {  	[sflag:s17] =	ssyncset.done $0x0  }
0x19c: {  	[sflag:s17] =	ssyncadd.s32 $0xFFFFFFB0  }
0x19d: {  	_ =	swait.ge [sflag:s17], $0x50  }
0x19e: {  	s15 =	simm.s32 $0xF0;
	[sflag:s17] =	ssyncset.done $0x0  }
0x19f: {  	s30 =	simm.s32 $0x7D00;
	s13 =	simm.s32 $0x2;
	[sflag:s17] =	ssyncadd.s32 $0xFFFFFFB0  }
0x1a0: {  	[tilespmem:s30], [sflag:$0x4] =	stream.indirect.gather [hbm4b:s0+s31], $0x80, s15, s31, $0xb8;
	[tilespmem:$0x1FB08] =	vst v63  }
0x1a1: {  	_ =	swait.ge [sflag:s13], $0x2800  }
0x1a2: {  	s22 =	simm.s32 $0x2D00;
	[sflag:s13] =	ssyncset.done $0x0  }
0x1a3: {  	s3 =	simm.s32 $0x2D0;
	s15 =	simm.s32 $0x5;
	[sflag:s13] =	ssyncadd.s32 $0xFFFFD800  }
0x1a4: {  	[spmem:s4] =	stream.indirect.scatter.add.f32 [tilespmem:s22], [sflag:$0x6], $0x80, s3, s31, $0xb8;
	[tilespmem:$0x1FB08] =	vst v63  }
0x1a5: {  	_ =	swait.ge [sflag:s15], $0x2800  }
0x1a6: {  	[sflag:s15] =	ssyncset.done $0x0  }
0x1a7: {  	[sflag:s15] =	ssyncadd.s32 $0xFFFFD800  }
0x1a8: {  	_ =	swait.ge [sflag:s20], $0x280  }
0x1a9: {  	[sflag:s20] =	ssyncset.done $0x0  }
0x1aa: {  	[sflag:s20] =	ssyncadd.s32 $0xFFFFFD80  }
0x1ab: {  	[spmem:s28] =	stream.indirect.scatter.add.f32 [tilespmem:s11], [sflag:$0x9], $0x8, s3, s31, $0xb8;
	[tilespmem:$0x1FB08] =	vst v63  }
0x1ac: {  	s16 =	sadd.s32 $0x50, s23  }
0x1ad: {  	[tilespmem:s24], [sflag:$0xA] =	stream.linear.gather [hbm4b:s16+s24], $0x50, $0x38;
	[tilespmem:$0x1FB08] =	vst v63  }
0x1ae: {  	s7 =	simm.s32 $0xE;
	s17 =	sadd.s32 $0x50, s1  }
0x1af: {  	[tilespmem:s9], [sflag:$0xA] =	stream.linear.gather [hbm4b:s17+s24], $0x50, $0x38;
	[tilespmem:$0x1FB08] =	vst v63  }
0x1b0: {  	_ =	swait.ge [sflag:s7], $0x50  }
0x1b1: {  	[sflag:s7] =	ssyncset.done $0x0  }
0x1b2: {  	[sflag:s7] =	ssyncadd.s32 $0xFFFFFFB0  }
0x1b3: {  	_ =	swait.ge [sflag:s7], $0x50  }
0x1b4: {  	[sflag:s7] =	ssyncset.done $0x0  }
0x1b5: {  	s29 =	simm.s32 $0x3;
	s17 =	simm.s32 $0x140;
	[sflag:s7] =	ssyncadd.s32 $0xFFFFFFB0  }
0x1b6: {  	[tilespmem:s2], [sflag:$0x1] =	stream.indirect.gather [hbm4b:s0+s31], $0x80, s17, s31, $0xb8;
	[tilespmem:$0x1FB08] =	vst v63  }
0x1b7: {  	_ =	swait.ge [sflag:s29], $0x2800  }
0x1b8: {  	[sflag:s29] =	ssyncset.done $0x0  }
0x1b9: {  	s16 =	simm.s32 $0x320;
	s7 =	simm.s32 $0x6;
	[sflag:s29] =	ssyncadd.s32 $0xFFFFD800  }
0x1ba: {  	[spmem:s4] =	stream.indirect.scatter.add.f32 [tilespmem:s19], [sflag:$0x7], $0x80, s16, s31, $0xb8;
	[tilespmem:$0x1FB08] =	vst v63  }
0x1bb: {  	_ =	swait.ge [sflag:s7], $0x2800  }
0x1bc: {  	[sflag:s7] =	ssyncset.done $0x0  }
0x1bd: {  	[sflag:s7] =	ssyncadd.s32 $0xFFFFD800  }
0x1be: {  	_ =	swait.ge [sflag:s20], $0x280  }
0x1bf: {  	[sflag:s20] =	ssyncset.done $0x0  }
0x1c0: {  	[sflag:s20] =	ssyncadd.s32 $0xFFFFFD80  }
0x1c1: {  	[spmem:s28] =	stream.indirect.scatter.add.f32 [tilespmem:s11], [sflag:$0x9], $0x8, s16, s31, $0xb8;
	[tilespmem:$0x1FB08] =	vst v63  }
0x1c2: {  	s26 =	sadd.s32 $0x5A, s23  }
0x1c3: {  	[tilespmem:s31], [sflag:$0xB] =	stream.linear.gather [hbm4b:s26+s24], $0x50, $0x38;
	[tilespmem:$0x1FB08] =	vst v63  }
0x1c4: {  	s10 =	simm.s32 $0xF;
	s9 =	sadd.s32 $0x5A, s1  }
0x1c5: {  	[tilespmem:s3], [sflag:$0xB] =	stream.linear.gather [hbm4b:s9+s24], $0x50, $0x38;
	[tilespmem:$0x1FB08] =	vst v63  }
0x1c6: {  	_ =	swait.ge [sflag:s10], $0x50  }
0x1c7: {  	[sflag:s10] =	ssyncset.done $0x0  }
0x1c8: {  	[sflag:s10] =	ssyncadd.s32 $0xFFFFFFB0  }
0x1c9: {  	_ =	swait.ge [sflag:s10], $0x50  }
0x1ca: {  	[sflag:s10] =	ssyncset.done $0x0  }
0x1cb: {  	s5 =	simm.s32 $0x190;
	s26 =	simm.s32 $0x4;
	[sflag:s10] =	ssyncadd.s32 $0xFFFFFFB0  }
0x1cc: {  	[tilespmem:s22], [sflag:$0x2] =	stream.indirect.gather [hbm4b:s0+s31], $0x80, s5, s31, $0xb8;
	[tilespmem:$0x1FB08] =	vst v63  }
0x1cd: {  	_ =	swait.ge [sflag:s26], $0x2800  }
0x1ce: {  	s9 =	smov.u32 s0;
	[sflag:s26] =	ssyncset.done $0x0  }
0x1cf: {  	s24 =	simm.s32 $0x7;
	s0 =	simm.s32 $0x370;
	[sflag:s26] =	ssyncadd.s32 $0xFFFFD800  }
0x1d0: {  	[spmem:s4] =	stream.indirect.scatter.add.f32 [tilespmem:s30], [sflag:$0x8], $0x80, s0, s31, $0xb8;
	[tilespmem:$0x1FB08] =	vst v63  }
0x1d1: {  	_ =	swait.ge [sflag:s24], $0x2800  }
0x1d2: {  	[sflag:s24] =	ssyncset.done $0x0  }
0x1d3: {  	[sflag:s24] =	ssyncadd.s32 $0xFFFFD800  }
0x1d4: {  	_ =	swait.ge [sflag:s20], $0x280  }
0x1d5: {  	[sflag:s20] =	ssyncset.done $0x0  }
0x1d6: {  	[sflag:s20] =	ssyncadd.s32 $0xFFFFFD80  }
0x1d7: {  	[spmem:s28] =	stream.indirect.scatter.add.f32 [tilespmem:s11], [sflag:$0x9], $0x8, s0, s31, $0xb8;
	[tilespmem:$0x1FB08] =	vst v63  }
0x1d8: {  	s3 =	simm.s32 $0x0;
	s10 =	sadd.s32 $0x64, s23  }
0x1d9: {  	[tilespmem:s12], [sflag:$0xC] =	stream.linear.gather [hbm4b:s10+s3], $0x50, $0x38;
	[tilespmem:$0x1FB08] =	vst v63  }
0x1da: {  	s21 =	sadd.s32 $0x64, s1  }
0x1db: {  	[tilespmem:s16], [sflag:$0xC] =	stream.linear.gather [hbm4b:s21+s3], $0x50, $0x38;
	[tilespmem:$0x1FB08] =	vst v63  }
0x1dc: {  	s16 =	simm.s32 $0x10  }
0x1dd: {  	_ =	swait.ge [sflag:s16], $0x50  }
0x1de: {  	[sflag:s16] =	ssyncset.done $0x0  }
0x1df: {  	[sflag:s16] =	ssyncadd.s32 $0xFFFFFFB0  }
0x1e0: {  	_ =	swait.ge [sflag:s16], $0x50  }
0x1e1: {  	[sflag:s16] =	ssyncset.done $0x0  }
0x1e2: {  	s21 =	simm.s32 $0x1E0;
	[sflag:s16] =	ssyncadd.s32 $0xFFFFFFB0  }
0x1e3: {  	[tilespmem:s19], [sflag:$0x3] =	stream.indirect.gather [hbm4b:s9+s31], $0x80, s21, s31, $0xb8;
	[tilespmem:$0x1FB08] =	vst v63  }
0x1e4: {  	_ =	swait.ge [sflag:s25], $0x2800  }
0x1e5: {  	[sflag:s25] =	ssyncset.done $0x0  }
0x1e6: {  	s12 =	simm.s32 $0x3C0;
	[sflag:s25] =	ssyncadd.s32 $0xFFFFD800;
	s25 =	simm.s32 $0x8  }
0x1e7: {  	[spmem:s4] =	stream.indirect.scatter.add.f32 [tilespmem:s2], [sflag:$0x5], $0x80, s12, s31, $0xb8;
	[tilespmem:$0x1FB08] =	vst v63  }
0x1e8: {  	_ =	swait.ge [sflag:s25], $0x2800  }
0x1e9: {  	[sflag:s25] =	ssyncset.done $0x0  }
0x1ea: {  	[sflag:s25] =	ssyncadd.s32 $0xFFFFD800  }
0x1eb: {  	_ =	swait.ge [sflag:s20], $0x280  }
0x1ec: {  	[sflag:s20] =	ssyncset.done $0x0  }
0x1ed: {  	[sflag:s20] =	ssyncadd.s32 $0xFFFFFD80  }
0x1ee: {  	[spmem:s28] =	stream.indirect.scatter.add.f32 [tilespmem:s11], [sflag:$0x9], $0x8, s12, s31, $0xb8;
	[tilespmem:$0x1FB08] =	vst v63  }
0x1ef: {  	s10 =	sadd.s32 $0x6E, s23;
	s16 =	simm.s32 $0xF0  }
0x1f0: {  	[tilespmem:s16], [sflag:$0xD] =	stream.linear.gather [hbm4b:s10+s3], $0x50, $0x38;
	[tilespmem:$0x1FB08] =	vst v63  }
0x1f1: {  	s21 =	sadd.s32 $0x6E, s1;
	s16 =	simm.s32 $0x11  }
0x1f2: {  	[tilespmem:s0], [sflag:$0xD] =	stream.linear.gather [hbm4b:s21+s3], $0x50, $0x38;
	[tilespmem:$0x1FB08] =	vst v63  }
0x1f3: {  	_ =	swait.ge [sflag:s16], $0x50  }
0x1f4: {  	[sflag:s16] =	ssyncset.done $0x0  }
0x1f5: {  	[sflag:s16] =	ssyncadd.s32 $0xFFFFFFB0  }
0x1f6: {  	_ =	swait.ge [sflag:s16], $0x50  }
0x1f7: {  	[sflag:s16] =	ssyncset.done $0x0  }
0x1f8: {  	[sflag:s16] =	ssyncadd.s32 $0xFFFFFFB0;
	s16 =	simm.s32 $0x230  }
0x1f9: {  	[tilespmem:s30], [sflag:$0x4] =	stream.indirect.gather [hbm4b:s9+s31], $0x80, s16, s31, $0xb8;
	[tilespmem:$0x1FB08] =	vst v63  }
0x1fa: {  	_ =	swait.ge [sflag:s13], $0x2800  }
0x1fb: {  	[sflag:s13] =	ssyncset.done $0x0  }
0x1fc: {  	s5 =	simm.s32 $0x410;
	[sflag:s13] =	ssyncadd.s32 $0xFFFFD800  }
0x1fd: {  	[spmem:s4] =	stream.indirect.scatter.add.f32 [tilespmem:s22], [sflag:$0x6], $0x80, s5, s31, $0xb8;
	[tilespmem:$0x1FB08] =	vst v63  }
0x1fe: {  	_ =	swait.ge [sflag:s15], $0x2800  }
0x1ff: {  	[sflag:s15] =	ssyncset.done $0x0  }
0x200: {  	[sflag:s15] =	ssyncadd.s32 $0xFFFFD800  }
0x201: {  	_ =	swait.ge [sflag:s20], $0x280  }
0x202: {  	[sflag:s20] =	ssyncset.done $0x0  }
0x203: {  	[sflag:s20] =	ssyncadd.s32 $0xFFFFFD80  }
0x204: {  	[spmem:s28] =	stream.indirect.scatter.add.f32 [tilespmem:s11], [sflag:$0x9], $0x8, s5, s31, $0xb8;
	[tilespmem:$0x1FB08] =	vst v63  }
0x205: {  	s15 =	sadd.s32 $0x78, s23  }
0x206: {  	[tilespmem:s17], [sflag:$0xE] =	stream.linear.gather [hbm4b:s15+s3], $0x50, $0x38;
	[tilespmem:$0x1FB08] =	vst v63  }
0x207: {  	s1 =	sadd.s32 $0x78, s1;
	s13 =	simm.s32 $0xA  }
0x208: {  	[tilespmem:s12], [sflag:$0xE] =	stream.linear.gather [hbm4b:s1+s3], $0x50, $0x38;
	[tilespmem:$0x1FB08] =	vst v63  }
0x209: {  	_ =	swait.ge [sflag:s13], $0x50  }
0x20a: {  	[sflag:s13] =	ssyncset.done $0x0  }
0x20b: {  	[sflag:s13] =	ssyncadd.s32 $0xFFFFFFB0  }
0x20c: {  	_ =	swait.ge [sflag:s13], $0x50  }
0x20d: {  	[sflag:s13] =	ssyncset.done $0x0  }
0x20e: {  	[sflag:s13] =	ssyncadd.s32 $0xFFFFFFB0  }
0x20f: {  	[tilespmem:s2], [sflag:$0x1] =	stream.indirect.gather [hbm4b:s9+s31], $0x80, s3, s31, $0xb8;
	[tilespmem:$0x1FB08] =	vst v63  }
0x210: {  	_ =	swait.ge [sflag:s29], $0x2800  }
0x211: {  	[sflag:s29] =	ssyncset.done $0x0  }
0x212: {  	s23 =	simm.s32 $0x460;
	[sflag:s29] =	ssyncadd.s32 $0xFFFFD800  }
0x213: {  	[spmem:s4] =	stream.indirect.scatter.add.f32 [tilespmem:s19], [sflag:$0x7], $0x80, s23, s31, $0xb8;
	[tilespmem:$0x1FB08] =	vst v63  }
0x214: {  	s6 =	sadd.s32 $0x8, s6;
	_ =	swait.ge [sflag:s7], $0x2800  }
0x215: {  	s15 =	smin.u32 s6, $0x6F;
	[sflag:s7] =	ssyncset.done $0x0  }
0x216: {  	s1 =	smul.u32 $0x50, s15;
	[sflag:s7] =	ssyncadd.s32 $0xFFFFD800  }
0x217: {  	_ =	swait.ge [sflag:s20], $0x280  }
0x218: {  	s1 =	sshrl.u32 s1, $0x3;
	[sflag:s20] =	ssyncset.done $0x0  }
0x219: {  	s1 =	sadd.s32 $0x82, s1;
	[sflag:s20] =	ssyncadd.s32 $0xFFFFFD80  }
0x21a: {  	[spmem:s28] =	stream.indirect.scatter.add.f32 [tilespmem:s11], [sflag:$0x9], $0x8, s23, s31, $0xb8;
	[tilespmem:$0x1FB08] =	vst v63  }
0x21b: {  	s21 =	simm.s32 $0x190;
	s17 =	sadd.s32 s18, s1  }
0x21c: {  	[tilespmem:s21], [sflag:$0xF] =	stream.linear.gather [hbm4b:s17+s3], $0x50, $0x38;
	[tilespmem:$0x1FB08] =	vst v63  }
0x21d: {  	s1 =	sadd.s32 s8, s1;
	s21 =	simm.s32 $0xB  }
0x21e: {  	[tilespmem:s5], [sflag:$0xF] =	stream.linear.gather [hbm4b:s1+s3], $0x50, $0x38;
	[tilespmem:$0x1FB08] =	vst v63  }
0x21f: {  	_ =	swait.ge [sflag:s21], $0x50  }
0x220: {  	[sflag:s21] =	ssyncset.done $0x0  }
0x221: {  	[sflag:s21] =	ssyncadd.s32 $0xFFFFFFB0  }
0x222: {  	_ =	swait.ge [sflag:s21], $0x50  }
0x223: {  	[sflag:s21] =	ssyncset.done $0x0  }
0x224: {  	[sflag:s21] =	ssyncadd.s32 $0xFFFFFFB0  }
0x225: {  	[tilespmem:s22], [sflag:$0x2] =	stream.indirect.gather [hbm4b:s9+s31], $0x80, s31, s31, $0xb8;
	[tilespmem:$0x1FB08] =	vst v63  }
0x226: {  	_ =	swait.ge [sflag:s26], $0x2800  }
0x227: {  	[sflag:s26] =	ssyncset.done $0x0  }
0x228: {  	s22 =	simm.s32 $0x4B0;
	[sflag:s26] =	ssyncadd.s32 $0xFFFFD800  }
0x229: {  	[spmem:s4] =	stream.indirect.scatter.add.f32 [tilespmem:s30], [sflag:$0x8], $0x80, s22, s31, $0xb8;
	[tilespmem:$0x1FB08] =	vst v63  }
0x22a: {  	_ =	swait.ge [sflag:s24], $0x2800  }
0x22b: {  	s26 =	smin.u32 s6, $0x6E;
	[sflag:s24] =	ssyncset.done $0x0  }
0x22c: {  	s1 =	smul.u32 $0x50, s26;
	[sflag:s24] =	ssyncadd.s32 $0xFFFFD800  }
0x22d: {  	_ =	swait.ge [sflag:s20], $0x280  }
0x22e: {  	s1 =	sshrl.u32 s1, $0x3;
	[sflag:s20] =	ssyncset.done $0x0  }
0x22f: {  	s29 =	simm.s32 $0x4B0;
	s1 =	sadd.s32 $0x8C, s1;
	[sflag:s20] =	ssyncadd.s32 $0xFFFFFD80  }
0x230: {  	[spmem:s28] =	stream.indirect.scatter.add.f32 [tilespmem:s11], [sflag:$0x9], $0x8, s29, s31, $0xb8;
	[tilespmem:$0x1FB08] =	vst v63  }
0x231: {  	s19 =	simm.s32 $0x1E0;
	s24 =	simm.s32 $0x0;
	s30 =	sadd.s32 s18, s1  }
0x232: {  	[tilespmem:s19], [sflag:$0x10] =	stream.linear.gather [hbm4b:s30+s24], $0x50, $0x38;
	[tilespmem:$0x1FB08] =	vst v63  }
0x233: {  	s14 =	sadd.s32 $0x50, s14;
	s1 =	sadd.s32 s8, s1  }
0x234: {  	[tilespmem:s23], [sflag:$0x10] =	stream.linear.gather [hbm4b:s1+s24], $0x50, $0x38;
	[tilespmem:$0x1FB08] =	vst v63  }
0x235: {  	p1 =	sne.s32 s14, $0x4B0;
	s23 =	simm.s32 $0xC  }
.Ltmp2:
0x236: {  	_ =	swait.ge [sflag:s23], $0x50;
	(pc) =	sbr.rel @p1 .LBB2_2-.Ltmp2, $4  }
0x237: {  	[sflag:s23] =	ssyncset.done $0x0  }
0x238: {  	s25 =	simm.s32 $0xF0;
	s10 =	simm.s32 $0x4B0;
	[sflag:s23] =	ssyncadd.s32 $0xFFFFFFB0  }
0x239: {  	s0 =	smov.u32 s9;
	s16 =	simm.s32 $0x140;
	_ =	swait.ge [sflag:s23], $0x50  }
0x23a: {  	s17 =	simm.s32 $0xD;
	s5 =	simm.s32 $0x2D00;
	[sflag:s23] =	ssyncset.done $0x0  }
0x23b: {  	s13 =	rddreg [dreg:$0x7];
	[sflag:s23] =	ssyncadd.s32 $0xFFFFFFB0  }
0x23c: {  	s11 =	simm.s32 $0x5500;
	s1 =	simm.s32 $0xA0;
	s3 =	simm.s32 $0x1  }
0x23d: {  	[tilespmem:s11], [sflag:$0x3] =	stream.indirect.gather [hbm4b:s0+s31], $0x80, s1, s31, $0xb8;
	[tilespmem:$0x1FB08] =	vst v63  }
0x23e: {  	s22 =	rddreg [dreg:$0x6];
	_ =	swait.ge [sflag:s3], $0x2800  }
0x23f: {  	s2 =	simm.s32 $0x500;
	[sflag:s3] =	ssyncset.done $0x0  }
0x240: {  	s10 =	simm.s32 $0x280;
	s8 =	simm.s32 $0x8;
	[sflag:s3] =	ssyncadd.s32 $0xFFFFD800  }
0x241: {  	[spmem:s4] =	stream.indirect.scatter.add.f32 [tilespmem:s2], [sflag:$0x5], $0x80, s10, s31, $0xb8;
	[tilespmem:$0x1FB08] =	vst v63  }
0x242: {  	_ =	swait.ge [sflag:s8], $0x2800  }
0x243: {  	[sflag:s8] =	ssyncset.done $0x0  }
0x244: {  	[sflag:s8] =	ssyncadd.s32 $0xFFFFD800  }
0x245: {  	_ =	swait.ge [sflag:s20], $0x280  }
0x246: {  	[sflag:s20] =	ssyncset.done $0x0  }
0x247: {  	s7 =	simm.s32 $0xA500;
	[sflag:s20] =	ssyncadd.s32 $0xFFFFFD80  }
0x248: {  	[spmem:s28] =	stream.indirect.scatter.add.f32 [tilespmem:s7], [sflag:$0x9], $0x8, s10, s31, $0xb8;
	[tilespmem:$0x1FB08] =	vst v63  }
0x249: {  	_ =	swait.ge [sflag:s17], $0x50  }
0x24a: {  	[sflag:s17] =	ssyncset.done $0x0  }
0x24b: {  	[sflag:s17] =	ssyncadd.s32 $0xFFFFFFB0  }
0x24c: {  	_ =	swait.ge [sflag:s17], $0x50  }
0x24d: {  	[sflag:s17] =	ssyncset.done $0x0  }
0x24e: {  	s12 =	simm.s32 $0x2;
	s10 =	simm.s32 $0x7D00;
	[sflag:s17] =	ssyncadd.s32 $0xFFFFFFB0  }
0x24f: {  	[tilespmem:s10], [sflag:$0x4] =	stream.indirect.gather [hbm4b:s0+s31], $0x80, s25, s31, $0xb8;
	[tilespmem:$0x1FB08] =	vst v63  }
0x250: {  	_ =	swait.ge [sflag:s12], $0x2800  }
0x251: {  	[sflag:s12] =	ssyncset.done $0x0  }
0x252: {  	s14 =	simm.s32 $0x2D0;
	s6 =	simm.s32 $0x5;
	[sflag:s12] =	ssyncadd.s32 $0xFFFFD800  }
0x253: {  	[spmem:s4] =	stream.indirect.scatter.add.f32 [tilespmem:s5], [sflag:$0x6], $0x80, s14, s31, $0xb8;
	[tilespmem:$0x1FB08] =	vst v63  }
0x254: {  	_ =	swait.ge [sflag:s6], $0x2800  }
0x255: {  	[sflag:s6] =	ssyncset.done $0x0  }
0x256: {  	[sflag:s6] =	ssyncadd.s32 $0xFFFFD800  }
0x257: {  	_ =	swait.ge [sflag:s20], $0x280  }
0x258: {  	[sflag:s20] =	ssyncset.done $0x0  }
0x259: {  	s15 =	simm.s32 $0xE;
	[sflag:s20] =	ssyncadd.s32 $0xFFFFFD80  }
0x25a: {  	[spmem:s28] =	stream.indirect.scatter.add.f32 [tilespmem:s7], [sflag:$0x9], $0x8, s14, s31, $0xb8;
	[tilespmem:$0x1FB08] =	vst v63  }
0x25b: {  	_ =	swait.ge [sflag:s15], $0x50  }
0x25c: {  	[sflag:s15] =	ssyncset.done $0x0  }
0x25d: {  	[sflag:s15] =	ssyncadd.s32 $0xFFFFFFB0  }
0x25e: {  	_ =	swait.ge [sflag:s15], $0x50  }
0x25f: {  	[sflag:s15] =	ssyncset.done $0x0  }
0x260: {  	s17 =	simm.s32 $0x3;
	[sflag:s15] =	ssyncadd.s32 $0xFFFFFFB0  }
0x261: {  	[tilespmem:s2], [sflag:$0x1] =	stream.indirect.gather [hbm4b:s0+s31], $0x80, s16, s31, $0xb8;
	[tilespmem:$0x1FB08] =	vst v63  }
0x262: {  	_ =	swait.ge [sflag:s17], $0x2800  }
0x263: {  	[sflag:s17] =	ssyncset.done $0x0  }
0x264: {  	s18 =	simm.s32 $0x320;
	s19 =	simm.s32 $0x6;
	[sflag:s17] =	ssyncadd.s32 $0xFFFFD800  }
0x265: {  	[spmem:s4] =	stream.indirect.scatter.add.f32 [tilespmem:s11], [sflag:$0x7], $0x80, s18, s31, $0xb8;
	[tilespmem:$0x1FB08] =	vst v63  }
0x266: {  	_ =	swait.ge [sflag:s19], $0x2800  }
0x267: {  	[sflag:s19] =	ssyncset.done $0x0  }
0x268: {  	[sflag:s19] =	ssyncadd.s32 $0xFFFFD800  }
0x269: {  	_ =	swait.ge [sflag:s20], $0x280  }
0x26a: {  	[sflag:s20] =	ssyncset.done $0x0  }
0x26b: {  	s21 =	simm.s32 $0x4;
	[sflag:s20] =	ssyncadd.s32 $0xFFFFFD80  }
0x26c: {  	[spmem:s28] =	stream.indirect.scatter.add.f32 [tilespmem:s7], [sflag:$0x9], $0x8, s18, s31, $0xb8;
	[tilespmem:$0x1FB08] =	vst v63  }
0x26d: {  	_ =	swait.ge [sflag:s21], $0x2800  }
0x26e: {  	[sflag:s21] =	ssyncset.done $0x0  }
0x26f: {  	s23 =	simm.s32 $0x370;
	s25 =	simm.s32 $0x7;
	[sflag:s21] =	ssyncadd.s32 $0xFFFFD800  }
0x270: {  	[spmem:s4] =	stream.indirect.scatter.add.f32 [tilespmem:s10], [sflag:$0x8], $0x80, s23, s31, $0xb8;
	[tilespmem:$0x1FB08] =	vst v63  }
0x271: {  	_ =	swait.ge [sflag:s25], $0x2800  }
0x272: {  	[sflag:s25] =	ssyncset.done $0x0  }
0x273: {  	[sflag:s25] =	ssyncadd.s32 $0xFFFFD800  }
0x274: {  	_ =	swait.ge [sflag:s20], $0x280  }
0x275: {  	[sflag:s20] =	ssyncset.done $0x0  }
0x276: {  	[sflag:s20] =	ssyncadd.s32 $0xFFFFFD80  }
0x277: {  	[spmem:s28] =	stream.indirect.scatter.add.f32 [tilespmem:s7], [sflag:$0x9], $0x8, s23, s31, $0xb8;
	[tilespmem:$0x1FB08] =	vst v63  }
0x278: {  	_ =	swait.ge [sflag:s3], $0x2800  }
0x279: {  	[sflag:s3] =	ssyncset.done $0x0  }
0x27a: {  	s26 =	simm.s32 $0x3C0;
	[sflag:s3] =	ssyncadd.s32 $0xFFFFD800  }
0x27b: {  	[spmem:s4] =	stream.indirect.scatter.add.f32 [tilespmem:s2], [sflag:$0x5], $0x80, s26, s31, $0xb8;
	[tilespmem:$0x1FB08] =	vst v63  }
0x27c: {  	_ =	swait.ge [sflag:s8], $0x2800  }
0x27d: {  	[sflag:s8] =	ssyncset.done $0x0  }
0x27e: {  	[sflag:s8] =	ssyncadd.s32 $0xFFFFD800  }
0x27f: {  	_ =	swait.ge [sflag:s20], $0x280  }
0x280: {  	[sflag:s20] =	ssyncset.done $0x0  }
0x281: {  	[sflag:s20] =	ssyncadd.s32 $0xFFFFFD80  }
0x282: {  	[spmem:s28] =	stream.indirect.scatter.add.f32 [tilespmem:s7], [sflag:$0x9], $0x8, s26, s31, $0xb8;
	[tilespmem:$0x1FB08] =	vst v63  }
0x283: {  	_ =	swait.ge [sflag:s6], $0x2800  }
0x284: {  	[sflag:s6] =	ssyncset.done $0x0  }
0x285: {  	[sflag:s6] =	ssyncadd.s32 $0xFFFFD800  }
0x286: {  	_ =	swait.ge [sflag:s20], $0x280  }
0x287: {  	[sflag:s20] =	ssyncset.done $0x0  }
0x288: {  	s29 =	simm.s32 $0xF;
	[sflag:s20] =	ssyncadd.s32 $0xFFFFFD80  }
0x289: {  	_ =	swait.ge [sflag:s29], $0x50  }
0x28a: {  	[sflag:s29] =	ssyncset.done $0x0  }
0x28b: {  	[sflag:s29] =	ssyncadd.s32 $0xFFFFFFB0  }
0x28c: {  	_ =	swait.ge [sflag:s29], $0x50  }
0x28d: {  	[sflag:s29] =	ssyncset.done $0x0  }
0x28e: {  	s30 =	simm.s32 $0x10;
	[sflag:s29] =	ssyncadd.s32 $0xFFFFFFB0  }
0x28f: {  	_ =	swait.ge [sflag:s30], $0x50  }
0x290: {  	[sflag:s30] =	ssyncset.done $0x0  }
0x291: {  	[sflag:s30] =	ssyncadd.s32 $0xFFFFFFB0  }
.Ltmp3:
0x292: {  	_ =	swait.ge [sflag:s30], $0x50;
	(pc) =	sbr.rel @p0 .LBB2_5-.Ltmp3, $4  }
0x293: {  	[sflag:s30] =	ssyncset.done $0x0  }
0x294: {  	[sflag:s30] =	ssyncadd.s32 $0xFFFFFFB0  }
0x295: {  	[bflag:$0x0] =	sbarrier.arrive $0xFFFF  }
0x296: {  	s7 =	simm.s32 $0xA500  }
0x297: {  	s1 =	stileid.u32  }
0x298: {  	s6 =	rddreg [dreg:$0x17];
	s1 =	sshll.u32 s1, $0x6  }
0x299: {  	s10 =	rddreg [dreg:$0x18];
	s23 =	simm.s32 $0x12;
	s1 =	sor.u32 $0x1C12, s1  }
0x29a: {  	[hbm:s6], [sflag:s1] =	dma.local [spmem:s10], $0x2700  }
0x29b: {  	_ =	swait.ge [sflag:s23], $0x2700  }
0x29c: {  	[sflag:s23] =	ssyncset.done $0x0  }
0x29d: {  	s2 =	simm.s32 $0xA780;
	s19 =	rddreg [dreg:$0xb];
	[sflag:s23] =	ssyncadd.s32 $0xFFFFD900  }
0x29e: {  	[tilespmem:s2], [sflag:$0x12] =	stream.linear.gather [spmem:s19], $0x500, $0x38;
	[tilespmem:$0x1FB08] =	vst v63  }
0x29f: {  	_ =	swait.ge [sflag:s23], $0x500  }
0x2a0: {  	[sflag:s23] =	ssyncset.done $0x0  }
0x2a1: {  	[sflag:s23] =	ssyncadd.s32 $0xFFFFFB00  }
0x2a2: {  	v10 =	vld.idx.msk [tilespmem:v0+s2+$0x0], $0xffff;
	_ =	sdelay $0x4  }
0x2a3: {  	[tilespmem:$0xAC80] =	vst v10  }
0x2a4: {  	v10 =	vld.idx.msk [tilespmem:v1+s2+$0x0], $0xffff;
	_ =	sdelay $0x4  }
0x2a5: {  	[tilespmem:$0xAC90] =	vst v10  }
0x2a6: {  	v10 =	vld.idx.msk [tilespmem:v2+s2+$0x0], $0xffff;
	_ =	sdelay $0x4  }
0x2a7: {  	[tilespmem:$0xACA0] =	vst v10  }
0x2a8: {  	v10 =	vld.idx.msk [tilespmem:v3+s2+$0x0], $0xffff;
	_ =	sdelay $0x4  }
0x2a9: {  	[tilespmem:$0xACB0] =	vst v10  }
0x2aa: {  	v10 =	vld.idx.msk [tilespmem:v4+s2+$0x0], $0xffff;
	_ =	sdelay $0x4  }
0x2ab: {  	[tilespmem:$0xACC0] =	vst v10  }
0x2ac: {  	v10 =	vld.idx.msk [tilespmem:v5+s2+$0x0], $0xffff;
	_ =	sdelay $0x4  }
0x2ad: {  	[tilespmem:$0xACD0] =	vst v10  }
0x2ae: {  	v10 =	vld.idx.msk [tilespmem:v6+s2+$0x0], $0xffff;
	_ =	sdelay $0x4  }
0x2af: {  	[tilespmem:$0xACE0] =	vst v10  }
0x2b0: {  	v10 =	vld.idx.msk [tilespmem:v7+s2+$0x0], $0xffff;
	_ =	sdelay $0x4  }
0x2b1: {  	[tilespmem:$0xACF0] =	vst v10  }
0x2b2: {  	v10 =	vld.idx.msk [tilespmem:v8+s2+$0x0], $0xffff;
	_ =	sdelay $0x4  }
0x2b3: {  	[tilespmem:$0xAD00] =	vst v10  }
0x2b4: {  	v10 =	vld.idx.msk [tilespmem:v9+s2+$0x0], $0xffff;
	_ =	sdelay $0x4  }
0x2b5: {  	s21 =	rddreg [dreg:$0xf];
	[tilespmem:$0xAD10] =	vst v10  }
0x2b6: {  	[tilespmem:s2], [sflag:$0x12] =	stream.linear.gather [spmem:s21], $0x500, $0x38;
	[tilespmem:$0x1FB08] =	vst v63  }
0x2b7: {  	_ =	swait.ge [sflag:s23], $0x500  }
0x2b8: {  	[sflag:s23] =	ssyncset.done $0x0  }
0x2b9: {  	[sflag:s23] =	ssyncadd.s32 $0xFFFFFB00  }
0x2ba: {  	v10 =	vld.idx.msk [tilespmem:v0+s2+$0x0], $0xffff;
	_ =	sdelay $0x4  }
0x2bb: {  	[tilespmem:$0xAD20] =	vst v10  }
0x2bc: {  	v10 =	vld.idx.msk [tilespmem:v1+s2+$0x0], $0xffff;
	_ =	sdelay $0x4  }
0x2bd: {  	[tilespmem:$0xAD30] =	vst v10  }
0x2be: {  	v10 =	vld.idx.msk [tilespmem:v2+s2+$0x0], $0xffff;
	_ =	sdelay $0x4  }
0x2bf: {  	[tilespmem:$0xAD40] =	vst v10  }
0x2c0: {  	v10 =	vld.idx.msk [tilespmem:v3+s2+$0x0], $0xffff;
	_ =	sdelay $0x4  }
0x2c1: {  	[tilespmem:$0xAD50] =	vst v10  }
0x2c2: {  	v10 =	vld.idx.msk [tilespmem:v4+s2+$0x0], $0xffff;
	_ =	sdelay $0x4  }
0x2c3: {  	[tilespmem:$0xAD60] =	vst v10  }
0x2c4: {  	v10 =	vld.idx.msk [tilespmem:v5+s2+$0x0], $0xffff;
	_ =	sdelay $0x4  }
0x2c5: {  	[tilespmem:$0xAD70] =	vst v10  }
0x2c6: {  	v10 =	vld.idx.msk [tilespmem:v6+s2+$0x0], $0xffff;
	_ =	sdelay $0x4  }
0x2c7: {  	[tilespmem:$0xAD80] =	vst v10  }
0x2c8: {  	v10 =	vld.idx.msk [tilespmem:v7+s2+$0x0], $0xffff;
	_ =	sdelay $0x4  }
0x2c9: {  	[tilespmem:$0xAD90] =	vst v10  }
0x2ca: {  	v10 =	vld.idx.msk [tilespmem:v8+s2+$0x0], $0xffff;
	_ =	sdelay $0x4  }
0x2cb: {  	[tilespmem:$0xADA0] =	vst v10  }
0x2cc: {  	v10 =	vld.idx.msk [tilespmem:v9+s2+$0x0], $0xffff;
	_ =	sdelay $0x4  }
0x2cd: {  	s25 =	rddreg [dreg:$0x10];
	[tilespmem:$0xADB0] =	vst v10  }
0x2ce: {  	[tilespmem:s2], [sflag:$0x12] =	stream.linear.gather [spmem:s25], $0x500, $0x38;
	[tilespmem:$0x1FB08] =	vst v63  }
0x2cf: {  	_ =	swait.ge [sflag:s23], $0x500  }
0x2d0: {  	[sflag:s23] =	ssyncset.done $0x0  }
0x2d1: {  	[sflag:s23] =	ssyncadd.s32 $0xFFFFFB00  }
0x2d2: {  	v10 =	vld.idx.msk [tilespmem:v0+s2+$0x0], $0xffff;
	_ =	sdelay $0x4  }
0x2d3: {  	[tilespmem:$0xADC0] =	vst v10  }
0x2d4: {  	v10 =	vld.idx.msk [tilespmem:v1+s2+$0x0], $0xffff;
	_ =	sdelay $0x4  }
0x2d5: {  	[tilespmem:$0xADD0] =	vst v10  }
0x2d6: {  	v10 =	vld.idx.msk [tilespmem:v2+s2+$0x0], $0xffff;
	_ =	sdelay $0x4  }
0x2d7: {  	[tilespmem:$0xADE0] =	vst v10  }
0x2d8: {  	v10 =	vld.idx.msk [tilespmem:v3+s2+$0x0], $0xffff;
	_ =	sdelay $0x4  }
0x2d9: {  	[tilespmem:$0xADF0] =	vst v10  }
0x2da: {  	v10 =	vld.idx.msk [tilespmem:v4+s2+$0x0], $0xffff;
	_ =	sdelay $0x4  }
0x2db: {  	[tilespmem:$0xAE00] =	vst v10  }
0x2dc: {  	v10 =	vld.idx.msk [tilespmem:v5+s2+$0x0], $0xffff;
	_ =	sdelay $0x4  }
0x2dd: {  	[tilespmem:$0xAE10] =	vst v10  }
0x2de: {  	v10 =	vld.idx.msk [tilespmem:v6+s2+$0x0], $0xffff;
	_ =	sdelay $0x4  }
0x2df: {  	[tilespmem:$0xAE20] =	vst v10  }
0x2e0: {  	v10 =	vld.idx.msk [tilespmem:v7+s2+$0x0], $0xffff;
	_ =	sdelay $0x4  }
0x2e1: {  	[tilespmem:$0xAE30] =	vst v10  }
0x2e2: {  	v10 =	vld.idx.msk [tilespmem:v8+s2+$0x0], $0xffff;
	_ =	sdelay $0x4  }
0x2e3: {  	[tilespmem:$0xAE40] =	vst v10  }
0x2e4: {  	v10 =	vld.idx.msk [tilespmem:v9+s2+$0x0], $0xffff;
	_ =	sdelay $0x4  }
0x2e5: {  	s26 =	rddreg [dreg:$0x11];
	[tilespmem:$0xAE50] =	vst v10  }
0x2e6: {  	[tilespmem:s2], [sflag:$0x12] =	stream.linear.gather [spmem:s26], $0x480, $0x38;
	[tilespmem:$0x1FB08] =	vst v63  }
0x2e7: {  	_ =	swait.ge [sflag:s23], $0x480  }
0x2e8: {  	[sflag:s23] =	ssyncset.done $0x0  }
0x2e9: {  	[sflag:s23] =	ssyncadd.s32 $0xFFFFFB80  }
0x2ea: {  	v10 =	vld.idx.msk [tilespmem:v0+s2+$0x0], $0xffff;
	_ =	sdelay $0x4  }
0x2eb: {  	[tilespmem:$0xAE60] =	vst v10  }
0x2ec: {  	v10 =	vld.idx.msk [tilespmem:v1+s2+$0x0], $0xffff;
	_ =	sdelay $0x4  }
0x2ed: {  	[tilespmem:$0xAE70] =	vst v10  }
0x2ee: {  	v10 =	vld.idx.msk [tilespmem:v2+s2+$0x0], $0xffff;
	_ =	sdelay $0x4  }
0x2ef: {  	[tilespmem:$0xAE80] =	vst v10  }
0x2f0: {  	v10 =	vld.idx.msk [tilespmem:v3+s2+$0x0], $0xffff;
	_ =	sdelay $0x4  }
0x2f1: {  	[tilespmem:$0xAE90] =	vst v10  }
0x2f2: {  	v10 =	vld.idx.msk [tilespmem:v4+s2+$0x0], $0xffff;
	_ =	sdelay $0x4  }
0x2f3: {  	[tilespmem:$0xAEA0] =	vst v10  }
0x2f4: {  	v10 =	vld.idx.msk [tilespmem:v5+s2+$0x0], $0xffff;
	_ =	sdelay $0x4  }
0x2f5: {  	[tilespmem:$0xAEB0] =	vst v10  }
0x2f6: {  	v10 =	vld.idx.msk [tilespmem:v6+s2+$0x0], $0xffff;
	_ =	sdelay $0x4  }
0x2f7: {  	[tilespmem:$0xAEC0] =	vst v10  }
0x2f8: {  	v10 =	vld.idx.msk [tilespmem:v7+s2+$0x0], $0xffff;
	_ =	sdelay $0x4  }
0x2f9: {  	[tilespmem:$0xAED0] =	vst v10  }
0x2fa: {  	v10 =	vld.idx.msk [tilespmem:v8+s2+$0x0], $0xffff;
	_ =	sdelay $0x4  }
.Ltmp4:
0x2fb: {  	s30 =	simm.s32 $0xAC80;
	s29 =	rddreg [dreg:$0x19];
	[tilespmem:$0xAEE0] =	vst v10;
	(pc) =	sbr.rel .LBB2_6-.Ltmp4, $4  }
0x2fc: {  	[hbm4b:s29+s24] =	stream.linear.scatter [tilespmem:s30], [sflag:$0x12], $0x270, $0x38;
	[tilespmem:$0x1FB08] =	vst v63  }
0x2fd: {  	_ =	swait.ge [sflag:s23], $0x270  }
0x2fe: {  	[sflag:s23] =	ssyncset.done $0x0  }
0x2ff: {  	s2 =	rddreg [dreg:$0x1b];
	[sflag:s23] =	ssyncadd.s32 $0xFFFFFD90  }
.LBB2_7:
0x300: {  	_ =	sfence.sel $0x180000  }
0x301: {  	[bflag:$0x0] =	sbarrier.arrive $0xFFFF  }
0x302: {  	_ =	strace $0x90000047  }
0x303: {  	s0 =	stileid.u32;
	[bflag:$0x2] =	sbarrier.arrive $0xFFFF  }
0x304: {  	p0 =	sne.s32 s0, $0x0;
	s0 =	rddreg [dreg:$0x5]  }
0x305: {  	s0 =	sadd.s32 @!p0 $0x100000, s0  }
0x306: {  	[sflag:s0] =	ssyncadd.tile.s32 @!p0 $0x1;
	_ =	shalt  }
.Lfunc_end2:
_tile_overlayer_lowered:
.L_overlay_start_2:
0x307: {  	(tag) =	ssettag $0x2  }
0x308: {  	s0 =	rddreg [dreg:$0x0];
	s2 =	stileid.u32  }
0x309: {  	s1 =	rddreg [dreg:$0x1];
	p0 =	sne.s32 s2, $0x0  }
0x30a: {  	s3 =	rddreg [dreg:$0x2];
	[bflag:$0x3] =	sbarrier.arrive $0xFFFF;
	s2 =	simm.s32 @!p0 $0x1C12  }
0x30b: {  	[timem:s3], [sflag:s2] =	dma.local @!p0 [hbm:s0], s1  }
0x30c: {  	s0 =	simm.s32 @!p0 $0x12  }
0x30d: {  	_ =	swait.ge @!p0 [sflag:s0], s1  }
0x30e: {  	s1 =	ssub.s32 @!p0 $0x0, s1;
	[sflag:s0] =	ssyncset.done @!p0 $0x0  }
0x30f: {  	[sflag:s0] =	ssyncadd.s32 @!p0 s1  }
0x310: {  	[bflag:$0x3] =	sbarrier.arrive $0xFFFF  }
0x311: {  	_ =	shalt  }

</sc_bundles>
